<compile_context>
chip_gen: v7x
topology: tpu7x:2x2x1
jax: 0.10.2.dev20260603
libtpu: 0.0.44.dev20260713+nightly
codegen_flags: <defaults>
</compile_context>

<pallas_src>
import functools

import jax
import jax.numpy as jnp
from jax import lax
from jax.experimental import pallas as pl
from jax.experimental.pallas import tpu as pltpu
from jax.experimental.pallas import tpu_sc as plsc

K = 8
L = 16
NUM_CORES = 2
NUM_SUBCORES = 16
NW = NUM_CORES * NUM_SUBCORES


_SORT8 = ((0, 1), (2, 3), (4, 5), (6, 7),
          (0, 2), (1, 3), (4, 6), (5, 7),
          (1, 2), (5, 6),
          (0, 4), (1, 5), (2, 6), (3, 7),
          (2, 4), (3, 5),
          (1, 2), (3, 4), (5, 6))
_BITONIC8 = ((0, 4), (1, 5), (2, 6), (3, 7),
             (0, 2), (1, 3), (4, 6), (5, 7),
             (0, 1), (2, 3), (4, 5), (6, 7))


def _apply_net(net, v):
    v = list(v)
    for a, b in net:
        lo = jnp.minimum(v[a], v[b])
        hi = jnp.maximum(v[a], v[b])
        v[a], v[b] = lo, hi
    return v


def _merge_bottom8(S, C):
    t = [jnp.minimum(S[i], C[K - 1 - i]) for i in range(K)]
    return _apply_net(_BITONIC8, t)


def _bcast_lane(v, j):
    idx = jnp.full((L,), j, dtype=jnp.int32)
    return v.at[idx].get(mode="promise_in_bounds")


def _sc_kernel(num_b, num_i, inp_hbm, w_hbm, out_hbm,
               inp_v, w_v, out_v, pw_v, mw_v, pi_v, mi_v):
    wid = lax.axis_index("s") * NUM_CORES + lax.axis_index("c")
    chunk_w = num_i * L
    chunk_o = num_b * L
    pltpu.sync_copy(inp_hbm, inp_v)
    pltpu.sync_copy(w_hbm.at[pl.ds(wid * chunk_w, chunk_w)], w_v)

    inf = jnp.full((L,), jnp.inf, dtype=jnp.float32)

    def w_body(i, carry):
        w = w_v[pl.ds(i * L, L)]
        pw = jnp.maximum(w, 0.0)
        pw_v[pl.ds(i * L, L)] = pw
        mw_v[pl.ds(i * L, L)] = pw - w
        return carry

    lax.fori_loop(0, num_i, w_body, 0)

    def b_body(b, carry):
        base = b * num_i

        def x_body(k, carry2):
            xv = inp_v[pl.ds(base + k * L, L)]
            pi_v[pl.ds(k * L, L)] = jnp.maximum(xv + 4.0, 0.0)
            mi_v[pl.ds(k * L, L)] = jnp.maximum(4.0 - xv, 0.0)
            return carry2

        lax.fori_loop(0, num_i // L, x_body, 0)

        def blk_body(k, S):
            piv = pi_v[pl.ds(k * L, L)]
            miv = mi_v[pl.ds(k * L, L)]
            Tp, Tm = [], []
            for q in range(L // 4):
                Cp, Cm = [], []
                for j in range(4 * q, 4 * q + 4):
                    pi = _bcast_lane(piv, j)
                    mi = _bcast_lane(miv, j)
                    pw = pw_v[pl.ds((k * L + j) * L, L)]
                    mw = mw_v[pl.ds((k * L + j) * L, L)]
                    Cp += [pi + pw, mi + mw]
                    Cm += [pi + mw, mi + pw]
                Tp.append(_apply_net(_SORT8, Cp))
                Tm.append(_apply_net(_SORT8, Cm))
            Tp1 = _merge_bottom8(Tp[0], Tp[1])
            Tp2 = _merge_bottom8(Tp[2], Tp[3])
            Tm1 = _merge_bottom8(Tm[0], Tm[1])
            Tm2 = _merge_bottom8(Tm[2], Tm[3])
            Sp = _merge_bottom8(list(S[:K]), _merge_bottom8(Tp1, Tp2))
            Sm = _merge_bottom8(list(S[K:]), _merge_bottom8(Tm1, Tm2))
            return tuple(Sp) + tuple(Sm)

        S = lax.fori_loop(0, num_i // L, blk_body, (inf,) * (2 * K))
        SP, SM = S[:K], S[K:]
        resP = SP[0]
        for j in range(1, K):
            resP = resP + SP[j]
        resM = SM[0]
        for j in range(1, K):
            resM = resM + SM[j]
        out_v[pl.ds(b * L, L)] = (resP - resM) * (1.0 / K)
        return carry

    lax.fori_loop(0, num_b, b_body, 0)
    pltpu.sync_copy(out_v, out_hbm.at[pl.ds(wid * chunk_o, chunk_o)])


def _tc_body(x_ref, w_ref, out_ref, pw_s, mw_s, pib_s, mib_s):
    num_i = x_ref.shape[1]
    oj = pl.program_id(1)

    @pl.when(oj == 0)
    def _():
        x = x_ref[...]
        pi_full = jnp.maximum(x + 4.0, 0.0)
        mi_full = jnp.maximum(4.0 - x, 0.0)
        lane = lax.broadcasted_iota(jnp.int32, (8, num_i), 1)

        def build(i, c):
            bp = jnp.max(jnp.where(lane == i, pi_full, -jnp.inf),
                         axis=1, keepdims=True)
            bm = jnp.max(jnp.where(lane == i, mi_full, -jnp.inf),
                         axis=1, keepdims=True)
            pib_s[i] = jnp.broadcast_to(bp, (8, 128))
            mib_s[i] = jnp.broadcast_to(bm, (8, 128))
            return c

        lax.fori_loop(0, num_i, build, 0)

    w = w_ref[...]
    pw_full = jnp.maximum(w, 0.0)
    pw_s[...] = pw_full
    mw_s[...] = pw_full - w
    inf = jnp.full((8, 128), jnp.inf, dtype=jnp.float32)

    def half(k, q0):
        T = []
        for q in (q0, q0 + 1):
            Cp, Cm = [], []
            for j in range(4 * q, 4 * q + 4):
                i = k * L + j
                pi = pib_s[i]
                mi = mib_s[i]
                pw = jnp.broadcast_to(pw_s[pl.ds(i, 1), :], (8, 128))
                mw = jnp.broadcast_to(mw_s[pl.ds(i, 1), :], (8, 128))
                Cp += [pi + pw, mi + mw]
                Cm += [pi + mw, mi + pw]
            T.append((_apply_net(_SORT8, Cp), _apply_net(_SORT8, Cm)))
        return (_merge_bottom8(T[0][0], T[1][0]),
                _merge_bottom8(T[0][1], T[1][1]))

    def tree16(k):
        Tp1, Tm1 = half(k, 0)
        Tp2, Tm2 = half(k, 2)
        return _merge_bottom8(Tp1, Tp2), _merge_bottom8(Tm1, Tm2)

    def blk_body(k2, S):
        Hp1, Hm1 = tree16(2 * k2)
        Hp2, Hm2 = tree16(2 * k2 + 1)
        Sp = _merge_bottom8(list(S[:K]), _merge_bottom8(Hp1, Hp2))
        Sm = _merge_bottom8(list(S[K:]), _merge_bottom8(Hm1, Hm2))
        return tuple(Sp) + tuple(Sm)

    S = lax.fori_loop(0, num_i // (2 * L), blk_body, (inf,) * (2 * K))
    resP = S[0]
    for j in range(1, K):
        resP = resP + S[j]
    resM = S[K]
    for j in range(1, K):
        resM = resM + S[K + j]
    out_ref[...] = (resP - resM) * (1.0 / K)


def _tc_part(x_tc, weight):
    b_tc, num_i = x_tc.shape
    _, num_o = weight.shape
    return pl.pallas_call(
        _tc_body,
        grid=(b_tc // 8, num_o // 128),
        in_specs=[
            pl.BlockSpec((8, num_i), lambda bi, oj: (bi, 0)),
            pl.BlockSpec((num_i, 128), lambda bi, oj: (0, oj)),
        ],
        out_specs=pl.BlockSpec((8, 128), lambda bi, oj: (bi, oj)),
        out_shape=jax.ShapeDtypeStruct((b_tc, num_o), jnp.float32),
        scratch_shapes=[
            pltpu.VMEM((num_i, 128), jnp.float32),
            pltpu.VMEM((num_i, 128), jnp.float32),
            pltpu.VMEM((num_i, 8, 128), jnp.float32),
            pltpu.VMEM((num_i, 8, 128), jnp.float32),
        ],
    )(x_tc, weight)


B_SC = 72


def kernel(inputp, weight):
    num_b, num_i = inputp.shape
    _, num_o = weight.shape
    b_sc = B_SC if num_b > B_SC else num_b
    if b_sc < num_b:
        out_tc = _tc_part(inputp[b_sc:], weight)
        out_sc = _sc_part(inputp[:b_sc], weight)
        return jnp.concatenate([out_sc, out_tc], axis=0)
    return _sc_part(inputp, weight)


def _sc_part(inputp, weight):
    num_b, num_i = inputp.shape
    _, num_o = weight.shape
    w_chunks = weight.reshape(num_i, NW, L).transpose(1, 0, 2).reshape(-1)
    inp_flat = inputp.reshape(-1)
    mesh = plsc.VectorSubcoreMesh(
        core_axis_name="c", subcore_axis_name="s",
        num_cores=NUM_CORES, num_subcores=NUM_SUBCORES)
    f = pl.kernel(
        functools.partial(_sc_kernel, num_b, num_i),
        out_type=jax.ShapeDtypeStruct((NW * num_b * L,), jnp.float32),
        mesh=mesh,
        scratch_types=[
            pltpu.VMEM((num_b * num_i,), jnp.float32),
            pltpu.VMEM((num_i * L,), jnp.float32),
            pltpu.VMEM((num_b * L,), jnp.float32),
            pltpu.VMEM((num_i * L,), jnp.float32),
            pltpu.VMEM((num_i * L,), jnp.float32),
            pltpu.VMEM((num_i,), jnp.float32),
            pltpu.VMEM((num_i,), jnp.float32),
        ],
    )
    out = f(inp_flat, w_chunks)
    return out.reshape(NW, num_b, L).transpose(1, 0, 2).reshape(num_b, num_o)

# --- scband reference (transcript-rebuilt; emitter-appended) ---
"""Pipeline reference for scband-mplayer-in-k-81217831567405 (READ-ONLY COPY).

The authoritative reference and input builder live on the scoring server;
editing this copy changes nothing except your own understanding.
"""

import jax, jax.numpy as jnp
import numpy as np

GAMMA = 8


def setup_inputs(seed: int = 0) -> dict:
    key = jax.random.key(seed)
    k1, k2 = jax.random.split(key)
    inp_node, out_node = 512, 512
    B = 128
    inputp = jax.random.normal(k1, (B, inp_node), dtype=jnp.float32)
    # xavier-normal initialized weight [inp_node, out_node]
    std = float(np.sqrt(2.0 / (inp_node + out_node)))
    weight = jax.random.normal(k2, (inp_node, out_node), dtype=jnp.float32) * std
    weight = jnp.clip(weight, -3.0, 3.0)
    return {"inputp": inputp, "weight": weight}


def _spike_k(z, gamma):
    # z: [B, 2*inp_node, out_node]; take mean of the `gamma` SMALLEST values along axis 1
    if gamma == 0 or gamma == 1:
        return jnp.min(z, axis=1)
    zt = jnp.swapaxes(z, 1, 2)  # [B, out_node, 2*inp_node]
    neg_vals, _ = jax.lax.top_k(-zt, gamma)  # largest of -z == smallest of z
    vals = -neg_vals  # [B, out_node, gamma]
    return vals.sum(axis=-1) / gamma  # [B, out_node]


def reference(inputp, weight):
    inp = inputp[..., None]  # [B, inp_node, 1]
    plusIn = jax.nn.relu(4.0 + inp)
    minusIn = jax.nn.relu(4.0 - inp)
    plusW = jax.nn.relu(weight)   # [inp_node, out_node]
    minusW = jax.nn.relu(-weight)
    zPlus = jnp.concatenate([plusIn + plusW, minusIn + minusW], axis=1)   # [B, 2*inp_node, out_node]
    zMinus = jnp.concatenate([plusIn + minusW, minusIn + plusW], axis=1)
    zP = _spike_k(zPlus, GAMMA)
    zM = _spike_k(zMinus, GAMMA)
    return zP - zM

if __name__ == "__main__":
    import jax
    _d = setup_inputs()
    print(jax.jit(kernel)(*tuple(_d.values())))

</pallas_src>

<mosaic_0001>
#map = affine_map<(d0, d1) -> (0)>
module attributes {stable_mosaic.version = 14 : i64} {
  func.func @_sc_kernel(%arg0: i32, %arg1: i32, %arg2: memref<36864xf32, #tpu.memory_space<hbm>>, %arg3: memref<262144xf32, #tpu.memory_space<hbm>>, %arg4: memref<36864xf32, #tpu.memory_space<hbm>>, %arg5: memref<36864xf32, #tpu.memory_space<vmem>>, %arg6: memref<8192xf32, #tpu.memory_space<vmem>>, %arg7: memref<1152xf32, #tpu.memory_space<vmem>>, %arg8: memref<8192xf32, #tpu.memory_space<vmem>>, %arg9: memref<8192xf32, #tpu.memory_space<vmem>>, %arg10: memref<512xf32, #tpu.memory_space<vmem>>, %arg11: memref<512xf32, #tpu.memory_space<vmem>>) attributes {dimension_semantics = [#tpu.dimension_semantics<core_parallel>, #tpu.dimension_semantics<subcore_parallel>], iteration_bounds = array<i64: 2, 16>, scalar_prefetch = 0 : i64, scratch_operands = 7 : i64, tpu.core_type = #tpu.core_type<sc_vector_subcore>, window_params = [{transform_indices = #map}, {transform_indices = #map}, {transform_indices = #map}]} {
    %mul3A = arith.constant 2 : i32
    %mul3A_0 = arith.muli %arg1, %mul3A : i32
    %add3A = arith.addi %mul3A_0, %arg0 : i32
    "tpu.region"() ({
      %run_scoped3A = tpu.sem_alloc : memref<!tpu.dma_semaphore, #tpu.memory_space<semaphore_mem>>
      tpu.enqueue_dma source(%arg2 : memref<36864xf32, #tpu.memory_space<hbm>>) target(%arg5 : memref<36864xf32, #tpu.memory_space<vmem>>) target_semaphore(%run_scoped3A : memref<!tpu.dma_semaphore, #tpu.memory_space<semaphore_mem>>)
      tpu.wait_dma2 semaphore(%run_scoped3A : memref<!tpu.dma_semaphore, #tpu.memory_space<semaphore_mem>>) src(%arg2 : memref<36864xf32, #tpu.memory_space<hbm>>) dst(%arg5 : memref<36864xf32, #tpu.memory_space<vmem>>)
      tpu.yield
    }) : () -> ()
    %mul3A_1 = arith.constant 8192 : i32
    %mul3A_2 = arith.muli %add3A, %mul3A_1 : i32
    "tpu.region"() ({
      %run_scoped3A = tpu.sem_alloc : memref<!tpu.dma_semaphore, #tpu.memory_space<semaphore_mem>>
      %dma_start3A = tpu.memref_slice %arg3[%mul3A_2] : memref<262144xf32, #tpu.memory_space<hbm>> -> memref<8192xf32, #tpu.memory_space<hbm>>
      %dma_start3A_17 = tpu.memref_slice %arg3[%mul3A_2] : memref<262144xf32, #tpu.memory_space<hbm>> -> memref<8192xf32, #tpu.memory_space<hbm>>
      tpu.enqueue_dma source(%dma_start3A_17 : memref<8192xf32, #tpu.memory_space<hbm>>) target(%arg6 : memref<8192xf32, #tpu.memory_space<vmem>>) target_semaphore(%run_scoped3A : memref<!tpu.dma_semaphore, #tpu.memory_space<semaphore_mem>>)
      %dma_wait3A = tpu.memref_slice %arg3[%mul3A_2] : memref<262144xf32, #tpu.memory_space<hbm>> -> memref<8192xf32, #tpu.memory_space<hbm>>
      %dma_wait3A_18 = tpu.memref_slice %arg3[%mul3A_2] : memref<262144xf32, #tpu.memory_space<hbm>> -> memref<8192xf32, #tpu.memory_space<hbm>>
      tpu.wait_dma2 semaphore(%run_scoped3A : memref<!tpu.dma_semaphore, #tpu.memory_space<semaphore_mem>>) src(%dma_wait3A_18 : memref<8192xf32, #tpu.memory_space<hbm>>) dst(%arg6 : memref<8192xf32, #tpu.memory_space<vmem>>)
      tpu.yield
    }) : () -> ()
    %broadcast_in_dim3A = arith.constant 0x7F800000 : f32
    %broadcast_in_dim3A_3 = vector.broadcast %broadcast_in_dim3A : f32 to vector<16xf32>
    %scan3A = arith.constant 0 : i32
    %scan3A_4 = arith.constant 0 : i32
    %scan3A_5 = arith.constant 512 : i32
    %scan3A_6 = arith.addi %scan3A_4, %scan3A_5 : i32
    %scan3A_7 = arith.constant 1 : i32
    scf.for %scan3A_17 = %scan3A_4 to %scan3A_6 step %scan3A_7  : i32 {
      %mul3A_18 = arith.constant 16 : i32
      %mul3A_19 = arith.muli %scan3A_17, %mul3A_18 : i32
      %get3A = arith.index_cast %mul3A_19 : i32 to index
      %get3A_20 = tpu.vector_load %arg6[%get3A] {strides = array<i32>} : memref<8192xf32, #tpu.memory_space<vmem>>, vector<16xf32>,
      %get3A_21 = vector.shape_cast %get3A_20 : vector<16xf32> to vector<16xf32>
      %max3A = arith.constant 0.000000e+00 : f32
      %max3A_22 = vector.broadcast %max3A : f32 to vector<16xf32>
      %max3A_23 = arith.maximumf %get3A_21, %max3A_22 : vector<16xf32>
      %mul3A_24 = arith.constant 16 : i32
      %mul3A_25 = arith.muli %scan3A_17, %mul3A_24 : i32
      %swap3A = arith.index_cast %mul3A_25 : i32 to index
      %swap3A_26 = tpu.vector_load %arg8[%swap3A] {strides = array<i32>} : memref<8192xf32, #tpu.memory_space<vmem>>, vector<16xf32>,
      %swap3A_27 = vector.shape_cast %swap3A_26 : vector<16xf32> to vector<16xf32>
      %swap3A_28 = vector.shape_cast %max3A_23 : vector<16xf32> to vector<16xf32>
      tpu.vector_store %arg8[%swap3A], %swap3A_28 {strides = array<i32>} : memref<8192xf32, #tpu.memory_space<vmem>>, vector<16xf32>,
      %sub3A = arith.subf %max3A_23, %get3A_21 : vector<16xf32>
      %mul3A_29 = arith.constant 16 : i32
      %mul3A_30 = arith.muli %scan3A_17, %mul3A_29 : i32
      %swap3A_31 = arith.index_cast %mul3A_30 : i32 to index
      %swap3A_32 = tpu.vector_load %arg9[%swap3A_31] {strides = array<i32>} : memref<8192xf32, #tpu.memory_space<vmem>>, vector<16xf32>,
      %swap3A_33 = vector.shape_cast %swap3A_32 : vector<16xf32> to vector<16xf32>
      %swap3A_34 = vector.shape_cast %sub3A : vector<16xf32> to vector<16xf32>
      tpu.vector_store %arg9[%swap3A_31], %swap3A_34 {strides = array<i32>} : memref<8192xf32, #tpu.memory_space<vmem>>, vector<16xf32>,
    }
    %scan3A_8 = arith.constant 512 : i32
    %scan3A_9 = arith.constant 0 : i32
    %scan3A_10 = arith.constant 0 : i32
    %scan3A_11 = arith.constant 72 : i32
    %scan3A_12 = arith.addi %scan3A_10, %scan3A_11 : i32
    %scan3A_13 = arith.constant 1 : i32
    scf.for %scan3A_17 = %scan3A_10 to %scan3A_12 step %scan3A_13  : i32 {
      %mul3A_18 = arith.constant 512 : i32
      %mul3A_19 = arith.muli %scan3A_17, %mul3A_18 : i32
      %scan3A_20 = arith.constant 0 : i32
      %scan3A_21 = arith.constant 0 : i32
      %scan3A_22 = arith.constant 32 : i32
      %scan3A_23 = arith.addi %scan3A_21, %scan3A_22 : i32
      %scan3A_24 = arith.constant 1 : i32
      scf.for %scan3A_54 = %scan3A_21 to %scan3A_23 step %scan3A_24  : i32 {
        %mul3A_55 = arith.constant 16 : i32
        %mul3A_56 = arith.muli %scan3A_54, %mul3A_55 : i32
        %add3A_57 = arith.addi %mul3A_19, %mul3A_56 : i32
        %get3A = arith.index_cast %add3A_57 : i32 to index
        %get3A_58 = tpu.vector_load %arg5[%get3A] {strides = array<i32>} : memref<36864xf32, #tpu.memory_space<vmem>>, vector<16xf32>,
        %get3A_59 = vector.shape_cast %get3A_58 : vector<16xf32> to vector<16xf32>
        %add3A_60 = arith.constant 4.000000e+00 : f32
        %add3A_61 = vector.broadcast %add3A_60 : f32 to vector<16xf32>
        %add3A_62 = arith.addf %get3A_59, %add3A_61 : vector<16xf32>
        %max3A = arith.constant 0.000000e+00 : f32
        %max3A_63 = vector.broadcast %max3A : f32 to vector<16xf32>
        %max3A_64 = arith.maximumf %add3A_62, %max3A_63 : vector<16xf32>
        %mul3A_65 = arith.constant 16 : i32
        %mul3A_66 = arith.muli %scan3A_54, %mul3A_65 : i32
        %swap3A_67 = arith.index_cast %mul3A_66 : i32 to index
        %swap3A_68 = tpu.vector_load %arg10[%swap3A_67] {strides = array<i32>} : memref<512xf32, #tpu.memory_space<vmem>>, vector<16xf32>,
        %swap3A_69 = vector.shape_cast %swap3A_68 : vector<16xf32> to vector<16xf32>
        %swap3A_70 = vector.shape_cast %max3A_64 : vector<16xf32> to vector<16xf32>
        tpu.vector_store %arg10[%swap3A_67], %swap3A_70 {strides = array<i32>} : memref<512xf32, #tpu.memory_space<vmem>>, vector<16xf32>,
        %sub3A_71 = arith.constant 4.000000e+00 : f32
        %sub3A_72 = vector.broadcast %sub3A_71 : f32 to vector<16xf32>
        %sub3A_73 = arith.subf %sub3A_72, %get3A_59 : vector<16xf32>
        %max3A_74 = arith.constant 0.000000e+00 : f32
        %max3A_75 = vector.broadcast %max3A_74 : f32 to vector<16xf32>
        %max3A_76 = arith.maximumf %sub3A_73, %max3A_75 : vector<16xf32>
        %mul3A_77 = arith.constant 16 : i32
        %mul3A_78 = arith.muli %scan3A_54, %mul3A_77 : i32
        %swap3A_79 = arith.index_cast %mul3A_78 : i32 to index
        %swap3A_80 = tpu.vector_load %arg11[%swap3A_79] {strides = array<i32>} : memref<512xf32, #tpu.memory_space<vmem>>, vector<16xf32>,
        %swap3A_81 = vector.shape_cast %swap3A_80 : vector<16xf32> to vector<16xf32>
        %swap3A_82 = vector.shape_cast %max3A_76 : vector<16xf32> to vector<16xf32>
        tpu.vector_store %arg11[%swap3A_79], %swap3A_82 {strides = array<i32>} : memref<512xf32, #tpu.memory_space<vmem>>, vector<16xf32>,
      }
      %scan3A_25 = arith.constant 32 : i32
      %scan3A_26 = arith.constant 0 : i32
      %scan3A_27 = arith.constant 32 : i32
      %scan3A_28 = arith.addi %scan3A_26, %scan3A_27 : i32
      %scan3A_29 = arith.constant 1 : i32
      %scan3A_30:16 = scf.for %scan3A_54 = %scan3A_26 to %scan3A_28 step %scan3A_29 iter_args(%scan3A_55 = %broadcast_in_dim3A_3, %scan3A_56 = %broadcast_in_dim3A_3, %scan3A_57 = %broadcast_in_dim3A_3, %scan3A_58 = %broadcast_in_dim3A_3, %scan3A_59 = %broadcast_in_dim3A_3, %scan3A_60 = %broadcast_in_dim3A_3, %scan3A_61 = %broadcast_in_dim3A_3, %scan3A_62 = %broadcast_in_dim3A_3, %scan3A_63 = %broadcast_in_dim3A_3, %scan3A_64 = %broadcast_in_dim3A_3, %scan3A_65 = %broadcast_in_dim3A_3, %scan3A_66 = %broadcast_in_dim3A_3, %scan3A_67 = %broadcast_in_dim3A_3, %scan3A_68 = %broadcast_in_dim3A_3, %scan3A_69 = %broadcast_in_dim3A_3, %scan3A_70 = %broadcast_in_dim3A_3) -> (vector<16xf32>, vector<16xf32>, vector<16xf32>, vector<16xf32>, vector<16xf32>, vector<16xf32>, vector<16xf32>, vector<16xf32>, vector<16xf32>, vector<16xf32>, vector<16xf32>, vector<16xf32>, vector<16xf32>, vector<16xf32>, vector<16xf32>, vector<16xf32>)  : i32 {
        %mul3A_71 = arith.constant 16 : i32
        %mul3A_72 = arith.muli %scan3A_54, %mul3A_71 : i32
        %get3A = arith.index_cast %mul3A_72 : i32 to index
        %get3A_73 = tpu.vector_load %arg10[%get3A] {strides = array<i32>} : memref<512xf32, #tpu.memory_space<vmem>>, vector<16xf32>,
        %get3A_74 = vector.shape_cast %get3A_73 : vector<16xf32> to vector<16xf32>
        %mul3A_75 = arith.constant 16 : i32
        %mul3A_76 = arith.muli %scan3A_54, %mul3A_75 : i32
        %get3A_77 = arith.index_cast %mul3A_76 : i32 to index
        %get3A_78 = tpu.vector_load %arg11[%get3A_77] {strides = array<i32>} : memref<512xf32, #tpu.memory_space<vmem>>, vector<16xf32>,
        %get3A_79 = vector.shape_cast %get3A_78 : vector<16xf32> to vector<16xf32>
        %broadcast_in_dim3A_80 = arith.constant 0 : i32
        %broadcast_in_dim3A_81 = vector.broadcast %broadcast_in_dim3A_80 : i32 to vector<16xi32>
        %lt3A = arith.constant 0 : i32
        %lt3A_82 = vector.broadcast %lt3A : i32 to vector<16xi32>
        %lt3A_83 = arith.cmpi slt, %broadcast_in_dim3A_81, %lt3A_82 : vector<16xi32>
        %add3A_84 = arith.constant 16 : i32
        %add3A_85 = vector.broadcast %add3A_84 : i32 to vector<16xi32>
        %add3A_86 = arith.addi %broadcast_in_dim3A_81, %add3A_85 : vector<16xi32>
        %select_n3A = arith.select %lt3A_83, %add3A_86, %broadcast_in_dim3A_81 : vector<16xi1>, vector<16xi32>
        %broadcast_in_dim3A_87 = vector.shape_cast %select_n3A : vector<16xi32> to vector<16x1xi32>
        %gather3A = vector.shape_cast %broadcast_in_dim3A_87 : vector<16x1xi32> to vector<16xi32>
        %gather3A_88 = tpu.dynamic_gather %get3A_74[%gather3A] in [0] : vector<16xf32>, vector<16xi32> -> vector<16xf32>
        %broadcast_in_dim3A_89 = arith.constant 0 : i32
        %broadcast_in_dim3A_90 = vector.broadcast %broadcast_in_dim3A_89 : i32 to vector<16xi32>
        %lt3A_91 = arith.constant 0 : i32
        %lt3A_92 = vector.broadcast %lt3A_91 : i32 to vector<16xi32>
        %lt3A_93 = arith.cmpi slt, %broadcast_in_dim3A_90, %lt3A_92 : vector<16xi32>
        %add3A_94 = arith.constant 16 : i32
        %add3A_95 = vector.broadcast %add3A_94 : i32 to vector<16xi32>
        %add3A_96 = arith.addi %broadcast_in_dim3A_90, %add3A_95 : vector<16xi32>
        %select_n3A_97 = arith.select %lt3A_93, %add3A_96, %broadcast_in_dim3A_90 : vector<16xi1>, vector<16xi32>
        %broadcast_in_dim3A_98 = vector.shape_cast %select_n3A_97 : vector<16xi32> to vector<16x1xi32>
        %gather3A_99 = vector.shape_cast %broadcast_in_dim3A_98 : vector<16x1xi32> to vector<16xi32>
        %gather3A_100 = tpu.dynamic_gather %get3A_79[%gather3A_99] in [0] : vector<16xf32>, vector<16xi32> -> vector<16xf32>
        %mul3A_101 = arith.constant 16 : i32
        %mul3A_102 = arith.muli %scan3A_54, %mul3A_101 : i32
        %add3A_103 = arith.constant 0 : i32
        %add3A_104 = arith.addi %mul3A_102, %add3A_103 : i32
        %mul3A_105 = arith.constant 16 : i32
        %mul3A_106 = arith.muli %add3A_104, %mul3A_105 : i32
        %get3A_107 = arith.index_cast %mul3A_106 : i32 to index
        %get3A_108 = tpu.vector_load %arg8[%get3A_107] {strides = array<i32>} : memref<8192xf32, #tpu.memory_space<vmem>>, vector<16xf32>,
        %get3A_109 = vector.shape_cast %get3A_108 : vector<16xf32> to vector<16xf32>
        %mul3A_110 = arith.constant 16 : i32
        %mul3A_111 = arith.muli %scan3A_54, %mul3A_110 : i32
        %add3A_112 = arith.constant 0 : i32
        %add3A_113 = arith.addi %mul3A_111, %add3A_112 : i32
        %mul3A_114 = arith.constant 16 : i32
        %mul3A_115 = arith.muli %add3A_113, %mul3A_114 : i32
        %get3A_116 = arith.index_cast %mul3A_115 : i32 to index
        %get3A_117 = tpu.vector_load %arg9[%get3A_116] {strides = array<i32>} : memref<8192xf32, #tpu.memory_space<vmem>>, vector<16xf32>,
        %get3A_118 = vector.shape_cast %get3A_117 : vector<16xf32> to vector<16xf32>
        %add3A_119 = arith.addf %gather3A_88, %get3A_109 : vector<16xf32>
        %add3A_120 = arith.addf %gather3A_100, %get3A_118 : vector<16xf32>
        %add3A_121 = arith.addf %gather3A_88, %get3A_118 : vector<16xf32>
        %add3A_122 = arith.addf %gather3A_100, %get3A_109 : vector<16xf32>
        %broadcast_in_dim3A_123 = arith.constant 1 : i32
        %broadcast_in_dim3A_124 = vector.broadcast %broadcast_in_dim3A_123 : i32 to vector<16xi32>
        %lt3A_125 = arith.constant 0 : i32
        %lt3A_126 = vector.broadcast %lt3A_125 : i32 to vector<16xi32>
        %lt3A_127 = arith.cmpi slt, %broadcast_in_dim3A_124, %lt3A_126 : vector<16xi32>
        %add3A_128 = arith.constant 16 : i32
        %add3A_129 = vector.broadcast %add3A_128 : i32 to vector<16xi32>
        %add3A_130 = arith.addi %broadcast_in_dim3A_124, %add3A_129 : vector<16xi32>
        %select_n3A_131 = arith.select %lt3A_127, %add3A_130, %broadcast_in_dim3A_124 : vector<16xi1>, vector<16xi32>
        %broadcast_in_dim3A_132 = vector.shape_cast %select_n3A_131 : vector<16xi32> to vector<16x1xi32>
        %gather3A_133 = vector.shape_cast %broadcast_in_dim3A_132 : vector<16x1xi32> to vector<16xi32>
        %gather3A_134 = tpu.dynamic_gather %get3A_74[%gather3A_133] in [0] : vector<16xf32>, vector<16xi32> -> vector<16xf32>
        %broadcast_in_dim3A_135 = arith.constant 1 : i32
        %broadcast_in_dim3A_136 = vector.broadcast %broadcast_in_dim3A_135 : i32 to vector<16xi32>
        %lt3A_137 = arith.constant 0 : i32
        %lt3A_138 = vector.broadcast %lt3A_137 : i32 to vector<16xi32>
        %lt3A_139 = arith.cmpi slt, %broadcast_in_dim3A_136, %lt3A_138 : vector<16xi32>
        %add3A_140 = arith.constant 16 : i32
        %add3A_141 = vector.broadcast %add3A_140 : i32 to vector<16xi32>
        %add3A_142 = arith.addi %broadcast_in_dim3A_136, %add3A_141 : vector<16xi32>
        %select_n3A_143 = arith.select %lt3A_139, %add3A_142, %broadcast_in_dim3A_136 : vector<16xi1>, vector<16xi32>
        %broadcast_in_dim3A_144 = vector.shape_cast %select_n3A_143 : vector<16xi32> to vector<16x1xi32>
        %gather3A_145 = vector.shape_cast %broadcast_in_dim3A_144 : vector<16x1xi32> to vector<16xi32>
        %gather3A_146 = tpu.dynamic_gather %get3A_79[%gather3A_145] in [0] : vector<16xf32>, vector<16xi32> -> vector<16xf32>
        %mul3A_147 = arith.constant 16 : i32
        %mul3A_148 = arith.muli %scan3A_54, %mul3A_147 : i32
        %add3A_149 = arith.constant 1 : i32
        %add3A_150 = arith.addi %mul3A_148, %add3A_149 : i32
        %mul3A_151 = arith.constant 16 : i32
        %mul3A_152 = arith.muli %add3A_150, %mul3A_151 : i32
        %get3A_153 = arith.index_cast %mul3A_152 : i32 to index
        %get3A_154 = tpu.vector_load %arg8[%get3A_153] {strides = array<i32>} : memref<8192xf32, #tpu.memory_space<vmem>>, vector<16xf32>,
        %get3A_155 = vector.shape_cast %get3A_154 : vector<16xf32> to vector<16xf32>
        %mul3A_156 = arith.constant 16 : i32
        %mul3A_157 = arith.muli %scan3A_54, %mul3A_156 : i32
        %add3A_158 = arith.constant 1 : i32
        %add3A_159 = arith.addi %mul3A_157, %add3A_158 : i32
        %mul3A_160 = arith.constant 16 : i32
        %mul3A_161 = arith.muli %add3A_159, %mul3A_160 : i32
        %get3A_162 = arith.index_cast %mul3A_161 : i32 to index
        %get3A_163 = tpu.vector_load %arg9[%get3A_162] {strides = array<i32>} : memref<8192xf32, #tpu.memory_space<vmem>>, vector<16xf32>,
        %get3A_164 = vector.shape_cast %get3A_163 : vector<16xf32> to vector<16xf32>
        %add3A_165 = arith.addf %gather3A_134, %get3A_155 : vector<16xf32>
        %add3A_166 = arith.addf %gather3A_146, %get3A_164 : vector<16xf32>
        %add3A_167 = arith.addf %gather3A_134, %get3A_164 : vector<16xf32>
        %add3A_168 = arith.addf %gather3A_146, %get3A_155 : vector<16xf32>
        %broadcast_in_dim3A_169 = arith.constant 2 : i32
        %broadcast_in_dim3A_170 = vector.broadcast %broadcast_in_dim3A_169 : i32 to vector<16xi32>
        %lt3A_171 = arith.constant 0 : i32
        %lt3A_172 = vector.broadcast %lt3A_171 : i32 to vector<16xi32>
        %lt3A_173 = arith.cmpi slt, %broadcast_in_dim3A_170, %lt3A_172 : vector<16xi32>
        %add3A_174 = arith.constant 16 : i32
        %add3A_175 = vector.broadcast %add3A_174 : i32 to vector<16xi32>
        %add3A_176 = arith.addi %broadcast_in_dim3A_170, %add3A_175 : vector<16xi32>
        %select_n3A_177 = arith.select %lt3A_173, %add3A_176, %broadcast_in_dim3A_170 : vector<16xi1>, vector<16xi32>
        %broadcast_in_dim3A_178 = vector.shape_cast %select_n3A_177 : vector<16xi32> to vector<16x1xi32>
        %gather3A_179 = vector.shape_cast %broadcast_in_dim3A_178 : vector<16x1xi32> to vector<16xi32>
        %gather3A_180 = tpu.dynamic_gather %get3A_74[%gather3A_179] in [0] : vector<16xf32>, vector<16xi32> -> vector<16xf32>
        %broadcast_in_dim3A_181 = arith.constant 2 : i32
        %broadcast_in_dim3A_182 = vector.broadcast %broadcast_in_dim3A_181 : i32 to vector<16xi32>
        %lt3A_183 = arith.constant 0 : i32
        %lt3A_184 = vector.broadcast %lt3A_183 : i32 to vector<16xi32>
        %lt3A_185 = arith.cmpi slt, %broadcast_in_dim3A_182, %lt3A_184 : vector<16xi32>
        %add3A_186 = arith.constant 16 : i32
        %add3A_187 = vector.broadcast %add3A_186 : i32 to vector<16xi32>
        %add3A_188 = arith.addi %broadcast_in_dim3A_182, %add3A_187 : vector<16xi32>
        %select_n3A_189 = arith.select %lt3A_185, %add3A_188, %broadcast_in_dim3A_182 : vector<16xi1>, vector<16xi32>
        %broadcast_in_dim3A_190 = vector.shape_cast %select_n3A_189 : vector<16xi32> to vector<16x1xi32>
        %gather3A_191 = vector.shape_cast %broadcast_in_dim3A_190 : vector<16x1xi32> to vector<16xi32>
        %gather3A_192 = tpu.dynamic_gather %get3A_79[%gather3A_191] in [0] : vector<16xf32>, vector<16xi32> -> vector<16xf32>
        %mul3A_193 = arith.constant 16 : i32
        %mul3A_194 = arith.muli %scan3A_54, %mul3A_193 : i32
        %add3A_195 = arith.constant 2 : i32
        %add3A_196 = arith.addi %mul3A_194, %add3A_195 : i32
        %mul3A_197 = arith.constant 16 : i32
        %mul3A_198 = arith.muli %add3A_196, %mul3A_197 : i32
        %get3A_199 = arith.index_cast %mul3A_198 : i32 to index
        %get3A_200 = tpu.vector_load %arg8[%get3A_199] {strides = array<i32>} : memref<8192xf32, #tpu.memory_space<vmem>>, vector<16xf32>,
        %get3A_201 = vector.shape_cast %get3A_200 : vector<16xf32> to vector<16xf32>
        %mul3A_202 = arith.constant 16 : i32
        %mul3A_203 = arith.muli %scan3A_54, %mul3A_202 : i32
        %add3A_204 = arith.constant 2 : i32
        %add3A_205 = arith.addi %mul3A_203, %add3A_204 : i32
        %mul3A_206 = arith.constant 16 : i32
        %mul3A_207 = arith.muli %add3A_205, %mul3A_206 : i32
        %get3A_208 = arith.index_cast %mul3A_207 : i32 to index
        %get3A_209 = tpu.vector_load %arg9[%get3A_208] {strides = array<i32>} : memref<8192xf32, #tpu.memory_space<vmem>>, vector<16xf32>,
        %get3A_210 = vector.shape_cast %get3A_209 : vector<16xf32> to vector<16xf32>
        %add3A_211 = arith.addf %gather3A_180, %get3A_201 : vector<16xf32>
        %add3A_212 = arith.addf %gather3A_192, %get3A_210 : vector<16xf32>
        %add3A_213 = arith.addf %gather3A_180, %get3A_210 : vector<16xf32>
        %add3A_214 = arith.addf %gather3A_192, %get3A_201 : vector<16xf32>
        %broadcast_in_dim3A_215 = arith.constant 3 : i32
        %broadcast_in_dim3A_216 = vector.broadcast %broadcast_in_dim3A_215 : i32 to vector<16xi32>
        %lt3A_217 = arith.constant 0 : i32
        %lt3A_218 = vector.broadcast %lt3A_217 : i32 to vector<16xi32>
        %lt3A_219 = arith.cmpi slt, %broadcast_in_dim3A_216, %lt3A_218 : vector<16xi32>
        %add3A_220 = arith.constant 16 : i32
        %add3A_221 = vector.broadcast %add3A_220 : i32 to vector<16xi32>
        %add3A_222 = arith.addi %broadcast_in_dim3A_216, %add3A_221 : vector<16xi32>
        %select_n3A_223 = arith.select %lt3A_219, %add3A_222, %broadcast_in_dim3A_216 : vector<16xi1>, vector<16xi32>
        %broadcast_in_dim3A_224 = vector.shape_cast %select_n3A_223 : vector<16xi32> to vector<16x1xi32>
        %gather3A_225 = vector.shape_cast %broadcast_in_dim3A_224 : vector<16x1xi32> to vector<16xi32>
        %gather3A_226 = tpu.dynamic_gather %get3A_74[%gather3A_225] in [0] : vector<16xf32>, vector<16xi32> -> vector<16xf32>
        %broadcast_in_dim3A_227 = arith.constant 3 : i32
        %broadcast_in_dim3A_228 = vector.broadcast %broadcast_in_dim3A_227 : i32 to vector<16xi32>
        %lt3A_229 = arith.constant 0 : i32
        %lt3A_230 = vector.broadcast %lt3A_229 : i32 to vector<16xi32>
        %lt3A_231 = arith.cmpi slt, %broadcast_in_dim3A_228, %lt3A_230 : vector<16xi32>
        %add3A_232 = arith.constant 16 : i32
        %add3A_233 = vector.broadcast %add3A_232 : i32 to vector<16xi32>
        %add3A_234 = arith.addi %broadcast_in_dim3A_228, %add3A_233 : vector<16xi32>
        %select_n3A_235 = arith.select %lt3A_231, %add3A_234, %broadcast_in_dim3A_228 : vector<16xi1>, vector<16xi32>
        %broadcast_in_dim3A_236 = vector.shape_cast %select_n3A_235 : vector<16xi32> to vector<16x1xi32>
        %gather3A_237 = vector.shape_cast %broadcast_in_dim3A_236 : vector<16x1xi32> to vector<16xi32>
        %gather3A_238 = tpu.dynamic_gather %get3A_79[%gather3A_237] in [0] : vector<16xf32>, vector<16xi32> -> vector<16xf32>
        %mul3A_239 = arith.constant 16 : i32
        %mul3A_240 = arith.muli %scan3A_54, %mul3A_239 : i32
        %add3A_241 = arith.constant 3 : i32
        %add3A_242 = arith.addi %mul3A_240, %add3A_241 : i32
        %mul3A_243 = arith.constant 16 : i32
        %mul3A_244 = arith.muli %add3A_242, %mul3A_243 : i32
        %get3A_245 = arith.index_cast %mul3A_244 : i32 to index
        %get3A_246 = tpu.vector_load %arg8[%get3A_245] {strides = array<i32>} : memref<8192xf32, #tpu.memory_space<vmem>>, vector<16xf32>,
        %get3A_247 = vector.shape_cast %get3A_246 : vector<16xf32> to vector<16xf32>
        %mul3A_248 = arith.constant 16 : i32
        %mul3A_249 = arith.muli %scan3A_54, %mul3A_248 : i32
        %add3A_250 = arith.constant 3 : i32
        %add3A_251 = arith.addi %mul3A_249, %add3A_250 : i32
        %mul3A_252 = arith.constant 16 : i32
        %mul3A_253 = arith.muli %add3A_251, %mul3A_252 : i32
        %get3A_254 = arith.index_cast %mul3A_253 : i32 to index
        %get3A_255 = tpu.vector_load %arg9[%get3A_254] {strides = array<i32>} : memref<8192xf32, #tpu.memory_space<vmem>>, vector<16xf32>,
        %get3A_256 = vector.shape_cast %get3A_255 : vector<16xf32> to vector<16xf32>
        %add3A_257 = arith.addf %gather3A_226, %get3A_247 : vector<16xf32>
        %add3A_258 = arith.addf %gather3A_238, %get3A_256 : vector<16xf32>
        %add3A_259 = arith.addf %gather3A_226, %get3A_256 : vector<16xf32>
        %add3A_260 = arith.addf %gather3A_238, %get3A_247 : vector<16xf32>
        %min3A = arith.minimumf %add3A_119, %add3A_120 : vector<16xf32>
        %max3A = arith.maximumf %add3A_119, %add3A_120 : vector<16xf32>
        %min3A_261 = arith.minimumf %add3A_165, %add3A_166 : vector<16xf32>
        %max3A_262 = arith.maximumf %add3A_165, %add3A_166 : vector<16xf32>
        %min3A_263 = arith.minimumf %add3A_211, %add3A_212 : vector<16xf32>
        %max3A_264 = arith.maximumf %add3A_211, %add3A_212 : vector<16xf32>
        %min3A_265 = arith.minimumf %add3A_257, %add3A_258 : vector<16xf32>
        %max3A_266 = arith.maximumf %add3A_257, %add3A_258 : vector<16xf32>
        %min3A_267 = arith.minimumf %min3A, %min3A_261 : vector<16xf32>
        %max3A_268 = arith.maximumf %min3A, %min3A_261 : vector<16xf32>
        %min3A_269 = arith.minimumf %max3A, %max3A_262 : vector<16xf32>
        %max3A_270 = arith.maximumf %max3A, %max3A_262 : vector<16xf32>
        %min3A_271 = arith.minimumf %min3A_263, %min3A_265 : vector<16xf32>
        %max3A_272 = arith.maximumf %min3A_263, %min3A_265 : vector<16xf32>
        %min3A_273 = arith.minimumf %max3A_264, %max3A_266 : vector<16xf32>
        %max3A_274 = arith.maximumf %max3A_264, %max3A_266 : vector<16xf32>
        %min3A_275 = arith.minimumf %min3A_269, %max3A_268 : vector<16xf32>
        %max3A_276 = arith.maximumf %min3A_269, %max3A_268 : vector<16xf32>
        %min3A_277 = arith.minimumf %min3A_273, %max3A_272 : vector<16xf32>
        %max3A_278 = arith.maximumf %min3A_273, %max3A_272 : vector<16xf32>
        %min3A_279 = arith.minimumf %min3A_267, %min3A_271 : vector<16xf32>
        %max3A_280 = arith.maximumf %min3A_267, %min3A_271 : vector<16xf32>
        %min3A_281 = arith.minimumf %min3A_275, %min3A_277 : vector<16xf32>
        %max3A_282 = arith.maximumf %min3A_275, %min3A_277 : vector<16xf32>
        %min3A_283 = arith.minimumf %max3A_276, %max3A_278 : vector<16xf32>
        %max3A_284 = arith.maximumf %max3A_276, %max3A_278 : vector<16xf32>
        %min3A_285 = arith.minimumf %max3A_270, %max3A_274 : vector<16xf32>
        %max3A_286 = arith.maximumf %max3A_270, %max3A_274 : vector<16xf32>
        %min3A_287 = arith.minimumf %min3A_283, %max3A_280 : vector<16xf32>
        %max3A_288 = arith.maximumf %min3A_283, %max3A_280 : vector<16xf32>
        %min3A_289 = arith.minimumf %min3A_285, %max3A_282 : vector<16xf32>
        %max3A_290 = arith.maximumf %min3A_285, %max3A_282 : vector<16xf32>
        %min3A_291 = arith.minimumf %min3A_281, %min3A_287 : vector<16xf32>
        %max3A_292 = arith.maximumf %min3A_281, %min3A_287 : vector<16xf32>
        %min3A_293 = arith.minimumf %min3A_289, %max3A_288 : vector<16xf32>
        %max3A_294 = arith.maximumf %min3A_289, %max3A_288 : vector<16xf32>
        %min3A_295 = arith.minimumf %max3A_290, %max3A_284 : vector<16xf32>
        %max3A_296 = arith.maximumf %max3A_290, %max3A_284 : vector<16xf32>
        %min3A_297 = arith.minimumf %add3A_121, %add3A_122 : vector<16xf32>
        %max3A_298 = arith.maximumf %add3A_121, %add3A_122 : vector<16xf32>
        %min3A_299 = arith.minimumf %add3A_167, %add3A_168 : vector<16xf32>
        %max3A_300 = arith.maximumf %add3A_167, %add3A_168 : vector<16xf32>
        %min3A_301 = arith.minimumf %add3A_213, %add3A_214 : vector<16xf32>
        %max3A_302 = arith.maximumf %add3A_213, %add3A_214 : vector<16xf32>
        %min3A_303 = arith.minimumf %add3A_259, %add3A_260 : vector<16xf32>
        %max3A_304 = arith.maximumf %add3A_259, %add3A_260 : vector<16xf32>
        %min3A_305 = arith.minimumf %min3A_297, %min3A_299 : vector<16xf32>
        %max3A_306 = arith.maximumf %min3A_297, %min3A_299 : vector<16xf32>
        %min3A_307 = arith.minimumf %max3A_298, %max3A_300 : vector<16xf32>
        %max3A_308 = arith.maximumf %max3A_298, %max3A_300 : vector<16xf32>
        %min3A_309 = arith.minimumf %min3A_301, %min3A_303 : vector<16xf32>
        %max3A_310 = arith.maximumf %min3A_301, %min3A_303 : vector<16xf32>
        %min3A_311 = arith.minimumf %max3A_302, %max3A_304 : vector<16xf32>
        %max3A_312 = arith.maximumf %max3A_302, %max3A_304 : vector<16xf32>
        %min3A_313 = arith.minimumf %min3A_307, %max3A_306 : vector<16xf32>
        %max3A_314 = arith.maximumf %min3A_307, %max3A_306 : vector<16xf32>
        %min3A_315 = arith.minimumf %min3A_311, %max3A_310 : vector<16xf32>
        %max3A_316 = arith.maximumf %min3A_311, %max3A_310 : vector<16xf32>
        %min3A_317 = arith.minimumf %min3A_305, %min3A_309 : vector<16xf32>
        %max3A_318 = arith.maximumf %min3A_305, %min3A_309 : vector<16xf32>
        %min3A_319 = arith.minimumf %min3A_313, %min3A_315 : vector<16xf32>
        %max3A_320 = arith.maximumf %min3A_313, %min3A_315 : vector<16xf32>
        %min3A_321 = arith.minimumf %max3A_314, %max3A_316 : vector<16xf32>
        %max3A_322 = arith.maximumf %max3A_314, %max3A_316 : vector<16xf32>
        %min3A_323 = arith.minimumf %max3A_308, %max3A_312 : vector<16xf32>
        %max3A_324 = arith.maximumf %max3A_308, %max3A_312 : vector<16xf32>
        %min3A_325 = arith.minimumf %min3A_321, %max3A_318 : vector<16xf32>
        %max3A_326 = arith.maximumf %min3A_321, %max3A_318 : vector<16xf32>
        %min3A_327 = arith.minimumf %min3A_323, %max3A_320 : vector<16xf32>
        %max3A_328 = arith.maximumf %min3A_323, %max3A_320 : vector<16xf32>
        %min3A_329 = arith.minimumf %min3A_319, %min3A_325 : vector<16xf32>
        %max3A_330 = arith.maximumf %min3A_319, %min3A_325 : vector<16xf32>
        %min3A_331 = arith.minimumf %min3A_327, %max3A_326 : vector<16xf32>
        %max3A_332 = arith.maximumf %min3A_327, %max3A_326 : vector<16xf32>
        %min3A_333 = arith.minimumf %max3A_328, %max3A_322 : vector<16xf32>
        %max3A_334 = arith.maximumf %max3A_328, %max3A_322 : vector<16xf32>
        %broadcast_in_dim3A_335 = arith.constant 4 : i32
        %broadcast_in_dim3A_336 = vector.broadcast %broadcast_in_dim3A_335 : i32 to vector<16xi32>
        %lt3A_337 = arith.constant 0 : i32
        %lt3A_338 = vector.broadcast %lt3A_337 : i32 to vector<16xi32>
        %lt3A_339 = arith.cmpi slt, %broadcast_in_dim3A_336, %lt3A_338 : vector<16xi32>
        %add3A_340 = arith.constant 16 : i32
        %add3A_341 = vector.broadcast %add3A_340 : i32 to vector<16xi32>
        %add3A_342 = arith.addi %broadcast_in_dim3A_336, %add3A_341 : vector<16xi32>
        %select_n3A_343 = arith.select %lt3A_339, %add3A_342, %broadcast_in_dim3A_336 : vector<16xi1>, vector<16xi32>
        %broadcast_in_dim3A_344 = vector.shape_cast %select_n3A_343 : vector<16xi32> to vector<16x1xi32>
        %gather3A_345 = vector.shape_cast %broadcast_in_dim3A_344 : vector<16x1xi32> to vector<16xi32>
        %gather3A_346 = tpu.dynamic_gather %get3A_74[%gather3A_345] in [0] : vector<16xf32>, vector<16xi32> -> vector<16xf32>
        %broadcast_in_dim3A_347 = arith.constant 4 : i32
        %broadcast_in_dim3A_348 = vector.broadcast %broadcast_in_dim3A_347 : i32 to vector<16xi32>
        %lt3A_349 = arith.constant 0 : i32
        %lt3A_350 = vector.broadcast %lt3A_349 : i32 to vector<16xi32>
        %lt3A_351 = arith.cmpi slt, %broadcast_in_dim3A_348, %lt3A_350 : vector<16xi32>
        %add3A_352 = arith.constant 16 : i32
        %add3A_353 = vector.broadcast %add3A_352 : i32 to vector<16xi32>
        %add3A_354 = arith.addi %broadcast_in_dim3A_348, %add3A_353 : vector<16xi32>
        %select_n3A_355 = arith.select %lt3A_351, %add3A_354, %broadcast_in_dim3A_348 : vector<16xi1>, vector<16xi32>
        %broadcast_in_dim3A_356 = vector.shape_cast %select_n3A_355 : vector<16xi32> to vector<16x1xi32>
        %gather3A_357 = vector.shape_cast %broadcast_in_dim3A_356 : vector<16x1xi32> to vector<16xi32>
        %gather3A_358 = tpu.dynamic_gather %get3A_79[%gather3A_357] in [0] : vector<16xf32>, vector<16xi32> -> vector<16xf32>
        %mul3A_359 = arith.constant 16 : i32
        %mul3A_360 = arith.muli %scan3A_54, %mul3A_359 : i32
        %add3A_361 = arith.constant 4 : i32
        %add3A_362 = arith.addi %mul3A_360, %add3A_361 : i32
        %mul3A_363 = arith.constant 16 : i32
        %mul3A_364 = arith.muli %add3A_362, %mul3A_363 : i32
        %get3A_365 = arith.index_cast %mul3A_364 : i32 to index
        %get3A_366 = tpu.vector_load %arg8[%get3A_365] {strides = array<i32>} : memref<8192xf32, #tpu.memory_space<vmem>>, vector<16xf32>,
        %get3A_367 = vector.shape_cast %get3A_366 : vector<16xf32> to vector<16xf32>
        %mul3A_368 = arith.constant 16 : i32
        %mul3A_369 = arith.muli %scan3A_54, %mul3A_368 : i32
        %add3A_370 = arith.constant 4 : i32
        %add3A_371 = arith.addi %mul3A_369, %add3A_370 : i32
        %mul3A_372 = arith.constant 16 : i32
        %mul3A_373 = arith.muli %add3A_371, %mul3A_372 : i32
        %get3A_374 = arith.index_cast %mul3A_373 : i32 to index
        %get3A_375 = tpu.vector_load %arg9[%get3A_374] {strides = array<i32>} : memref<8192xf32, #tpu.memory_space<vmem>>, vector<16xf32>,
        %get3A_376 = vector.shape_cast %get3A_375 : vector<16xf32> to vector<16xf32>
        %add3A_377 = arith.addf %gather3A_346, %get3A_367 : vector<16xf32>
        %add3A_378 = arith.addf %gather3A_358, %get3A_376 : vector<16xf32>
        %add3A_379 = arith.addf %gather3A_346, %get3A_376 : vector<16xf32>
        %add3A_380 = arith.addf %gather3A_358, %get3A_367 : vector<16xf32>
        %broadcast_in_dim3A_381 = arith.constant 5 : i32
        %broadcast_in_dim3A_382 = vector.broadcast %broadcast_in_dim3A_381 : i32 to vector<16xi32>
        %lt3A_383 = arith.constant 0 : i32
        %lt3A_384 = vector.broadcast %lt3A_383 : i32 to vector<16xi32>
        %lt3A_385 = arith.cmpi slt, %broadcast_in_dim3A_382, %lt3A_384 : vector<16xi32>
        %add3A_386 = arith.constant 16 : i32
        %add3A_387 = vector.broadcast %add3A_386 : i32 to vector<16xi32>
        %add3A_388 = arith.addi %broadcast_in_dim3A_382, %add3A_387 : vector<16xi32>
        %select_n3A_389 = arith.select %lt3A_385, %add3A_388, %broadcast_in_dim3A_382 : vector<16xi1>, vector<16xi32>
        %broadcast_in_dim3A_390 = vector.shape_cast %select_n3A_389 : vector<16xi32> to vector<16x1xi32>
        %gather3A_391 = vector.shape_cast %broadcast_in_dim3A_390 : vector<16x1xi32> to vector<16xi32>
        %gather3A_392 = tpu.dynamic_gather %get3A_74[%gather3A_391] in [0] : vector<16xf32>, vector<16xi32> -> vector<16xf32>
        %broadcast_in_dim3A_393 = arith.constant 5 : i32
        %broadcast_in_dim3A_394 = vector.broadcast %broadcast_in_dim3A_393 : i32 to vector<16xi32>
        %lt3A_395 = arith.constant 0 : i32
        %lt3A_396 = vector.broadcast %lt3A_395 : i32 to vector<16xi32>
        %lt3A_397 = arith.cmpi slt, %broadcast_in_dim3A_394, %lt3A_396 : vector<16xi32>
        %add3A_398 = arith.constant 16 : i32
        %add3A_399 = vector.broadcast %add3A_398 : i32 to vector<16xi32>
        %add3A_400 = arith.addi %broadcast_in_dim3A_394, %add3A_399 : vector<16xi32>
        %select_n3A_401 = arith.select %lt3A_397, %add3A_400, %broadcast_in_dim3A_394 : vector<16xi1>, vector<16xi32>
        %broadcast_in_dim3A_402 = vector.shape_cast %select_n3A_401 : vector<16xi32> to vector<16x1xi32>
        %gather3A_403 = vector.shape_cast %broadcast_in_dim3A_402 : vector<16x1xi32> to vector<16xi32>
        %gather3A_404 = tpu.dynamic_gather %get3A_79[%gather3A_403] in [0] : vector<16xf32>, vector<16xi32> -> vector<16xf32>
        %mul3A_405 = arith.constant 16 : i32
        %mul3A_406 = arith.muli %scan3A_54, %mul3A_405 : i32
        %add3A_407 = arith.constant 5 : i32
        %add3A_408 = arith.addi %mul3A_406, %add3A_407 : i32
        %mul3A_409 = arith.constant 16 : i32
        %mul3A_410 = arith.muli %add3A_408, %mul3A_409 : i32
        %get3A_411 = arith.index_cast %mul3A_410 : i32 to index
        %get3A_412 = tpu.vector_load %arg8[%get3A_411] {strides = array<i32>} : memref<8192xf32, #tpu.memory_space<vmem>>, vector<16xf32>,
        %get3A_413 = vector.shape_cast %get3A_412 : vector<16xf32> to vector<16xf32>
        %mul3A_414 = arith.constant 16 : i32
        %mul3A_415 = arith.muli %scan3A_54, %mul3A_414 : i32
        %add3A_416 = arith.constant 5 : i32
        %add3A_417 = arith.addi %mul3A_415, %add3A_416 : i32
        %mul3A_418 = arith.constant 16 : i32
        %mul3A_419 = arith.muli %add3A_417, %mul3A_418 : i32
        %get3A_420 = arith.index_cast %mul3A_419 : i32 to index
        %get3A_421 = tpu.vector_load %arg9[%get3A_420] {strides = array<i32>} : memref<8192xf32, #tpu.memory_space<vmem>>, vector<16xf32>,
        %get3A_422 = vector.shape_cast %get3A_421 : vector<16xf32> to vector<16xf32>
        %add3A_423 = arith.addf %gather3A_392, %get3A_413 : vector<16xf32>
        %add3A_424 = arith.addf %gather3A_404, %get3A_422 : vector<16xf32>
        %add3A_425 = arith.addf %gather3A_392, %get3A_422 : vector<16xf32>
        %add3A_426 = arith.addf %gather3A_404, %get3A_413 : vector<16xf32>
        %broadcast_in_dim3A_427 = arith.constant 6 : i32
        %broadcast_in_dim3A_428 = vector.broadcast %broadcast_in_dim3A_427 : i32 to vector<16xi32>
        %lt3A_429 = arith.constant 0 : i32
        %lt3A_430 = vector.broadcast %lt3A_429 : i32 to vector<16xi32>
        %lt3A_431 = arith.cmpi slt, %broadcast_in_dim3A_428, %lt3A_430 : vector<16xi32>
        %add3A_432 = arith.constant 16 : i32
        %add3A_433 = vector.broadcast %add3A_432 : i32 to vector<16xi32>
        %add3A_434 = arith.addi %broadcast_in_dim3A_428, %add3A_433 : vector<16xi32>
        %select_n3A_435 = arith.select %lt3A_431, %add3A_434, %broadcast_in_dim3A_428 : vector<16xi1>, vector<16xi32>
        %broadcast_in_dim3A_436 = vector.shape_cast %select_n3A_435 : vector<16xi32> to vector<16x1xi32>
        %gather3A_437 = vector.shape_cast %broadcast_in_dim3A_436 : vector<16x1xi32> to vector<16xi32>
        %gather3A_438 = tpu.dynamic_gather %get3A_74[%gather3A_437] in [0] : vector<16xf32>, vector<16xi32> -> vector<16xf32>
        %broadcast_in_dim3A_439 = arith.constant 6 : i32
        %broadcast_in_dim3A_440 = vector.broadcast %broadcast_in_dim3A_439 : i32 to vector<16xi32>
        %lt3A_441 = arith.constant 0 : i32
        %lt3A_442 = vector.broadcast %lt3A_441 : i32 to vector<16xi32>
        %lt3A_443 = arith.cmpi slt, %broadcast_in_dim3A_440, %lt3A_442 : vector<16xi32>
        %add3A_444 = arith.constant 16 : i32
        %add3A_445 = vector.broadcast %add3A_444 : i32 to vector<16xi32>
        %add3A_446 = arith.addi %broadcast_in_dim3A_440, %add3A_445 : vector<16xi32>
        %select_n3A_447 = arith.select %lt3A_443, %add3A_446, %broadcast_in_dim3A_440 : vector<16xi1>, vector<16xi32>
        %broadcast_in_dim3A_448 = vector.shape_cast %select_n3A_447 : vector<16xi32> to vector<16x1xi32>
        %gather3A_449 = vector.shape_cast %broadcast_in_dim3A_448 : vector<16x1xi32> to vector<16xi32>
        %gather3A_450 = tpu.dynamic_gather %get3A_79[%gather3A_449] in [0] : vector<16xf32>, vector<16xi32> -> vector<16xf32>
        %mul3A_451 = arith.constant 16 : i32
        %mul3A_452 = arith.muli %scan3A_54, %mul3A_451 : i32
        %add3A_453 = arith.constant 6 : i32
        %add3A_454 = arith.addi %mul3A_452, %add3A_453 : i32
        %mul3A_455 = arith.constant 16 : i32
        %mul3A_456 = arith.muli %add3A_454, %mul3A_455 : i32
        %get3A_457 = arith.index_cast %mul3A_456 : i32 to index
        %get3A_458 = tpu.vector_load %arg8[%get3A_457] {strides = array<i32>} : memref<8192xf32, #tpu.memory_space<vmem>>, vector<16xf32>,
        %get3A_459 = vector.shape_cast %get3A_458 : vector<16xf32> to vector<16xf32>
        %mul3A_460 = arith.constant 16 : i32
        %mul3A_461 = arith.muli %scan3A_54, %mul3A_460 : i32
        %add3A_462 = arith.constant 6 : i32
        %add3A_463 = arith.addi %mul3A_461, %add3A_462 : i32
        %mul3A_464 = arith.constant 16 : i32
        %mul3A_465 = arith.muli %add3A_463, %mul3A_464 : i32
        %get3A_466 = arith.index_cast %mul3A_465 : i32 to index
        %get3A_467 = tpu.vector_load %arg9[%get3A_466] {strides = array<i32>} : memref<8192xf32, #tpu.memory_space<vmem>>, vector<16xf32>,
        %get3A_468 = vector.shape_cast %get3A_467 : vector<16xf32> to vector<16xf32>
        %add3A_469 = arith.addf %gather3A_438, %get3A_459 : vector<16xf32>
        %add3A_470 = arith.addf %gather3A_450, %get3A_468 : vector<16xf32>
        %add3A_471 = arith.addf %gather3A_438, %get3A_468 : vector<16xf32>
        %add3A_472 = arith.addf %gather3A_450, %get3A_459 : vector<16xf32>
        %broadcast_in_dim3A_473 = arith.constant 7 : i32
        %broadcast_in_dim3A_474 = vector.broadcast %broadcast_in_dim3A_473 : i32 to vector<16xi32>
        %lt3A_475 = arith.constant 0 : i32
        %lt3A_476 = vector.broadcast %lt3A_475 : i32 to vector<16xi32>
        %lt3A_477 = arith.cmpi slt, %broadcast_in_dim3A_474, %lt3A_476 : vector<16xi32>
        %add3A_478 = arith.constant 16 : i32
        %add3A_479 = vector.broadcast %add3A_478 : i32 to vector<16xi32>
        %add3A_480 = arith.addi %broadcast_in_dim3A_474, %add3A_479 : vector<16xi32>
        %select_n3A_481 = arith.select %lt3A_477, %add3A_480, %broadcast_in_dim3A_474 : vector<16xi1>, vector<16xi32>
        %broadcast_in_dim3A_482 = vector.shape_cast %select_n3A_481 : vector<16xi32> to vector<16x1xi32>
        %gather3A_483 = vector.shape_cast %broadcast_in_dim3A_482 : vector<16x1xi32> to vector<16xi32>
        %gather3A_484 = tpu.dynamic_gather %get3A_74[%gather3A_483] in [0] : vector<16xf32>, vector<16xi32> -> vector<16xf32>
        %broadcast_in_dim3A_485 = arith.constant 7 : i32
        %broadcast_in_dim3A_486 = vector.broadcast %broadcast_in_dim3A_485 : i32 to vector<16xi32>
        %lt3A_487 = arith.constant 0 : i32
        %lt3A_488 = vector.broadcast %lt3A_487 : i32 to vector<16xi32>
        %lt3A_489 = arith.cmpi slt, %broadcast_in_dim3A_486, %lt3A_488 : vector<16xi32>
        %add3A_490 = arith.constant 16 : i32
        %add3A_491 = vector.broadcast %add3A_490 : i32 to vector<16xi32>
        %add3A_492 = arith.addi %broadcast_in_dim3A_486, %add3A_491 : vector<16xi32>
        %select_n3A_493 = arith.select %lt3A_489, %add3A_492, %broadcast_in_dim3A_486 : vector<16xi1>, vector<16xi32>
        %broadcast_in_dim3A_494 = vector.shape_cast %select_n3A_493 : vector<16xi32> to vector<16x1xi32>
        %gather3A_495 = vector.shape_cast %broadcast_in_dim3A_494 : vector<16x1xi32> to vector<16xi32>
        %gather3A_496 = tpu.dynamic_gather %get3A_79[%gather3A_495] in [0] : vector<16xf32>, vector<16xi32> -> vector<16xf32>
        %mul3A_497 = arith.constant 16 : i32
        %mul3A_498 = arith.muli %scan3A_54, %mul3A_497 : i32
        %add3A_499 = arith.constant 7 : i32
        %add3A_500 = arith.addi %mul3A_498, %add3A_499 : i32
        %mul3A_501 = arith.constant 16 : i32
        %mul3A_502 = arith.muli %add3A_500, %mul3A_501 : i32
        %get3A_503 = arith.index_cast %mul3A_502 : i32 to index
        %get3A_504 = tpu.vector_load %arg8[%get3A_503] {strides = array<i32>} : memref<8192xf32, #tpu.memory_space<vmem>>, vector<16xf32>,
        %get3A_505 = vector.shape_cast %get3A_504 : vector<16xf32> to vector<16xf32>
        %mul3A_506 = arith.constant 16 : i32
        %mul3A_507 = arith.muli %scan3A_54, %mul3A_506 : i32
        %add3A_508 = arith.constant 7 : i32
        %add3A_509 = arith.addi %mul3A_507, %add3A_508 : i32
        %mul3A_510 = arith.constant 16 : i32
        %mul3A_511 = arith.muli %add3A_509, %mul3A_510 : i32
        %get3A_512 = arith.index_cast %mul3A_511 : i32 to index
        %get3A_513 = tpu.vector_load %arg9[%get3A_512] {strides = array<i32>} : memref<8192xf32, #tpu.memory_space<vmem>>, vector<16xf32>,
        %get3A_514 = vector.shape_cast %get3A_513 : vector<16xf32> to vector<16xf32>
        %add3A_515 = arith.addf %gather3A_484, %get3A_505 : vector<16xf32>
        %add3A_516 = arith.addf %gather3A_496, %get3A_514 : vector<16xf32>
        %add3A_517 = arith.addf %gather3A_484, %get3A_514 : vector<16xf32>
        %add3A_518 = arith.addf %gather3A_496, %get3A_505 : vector<16xf32>
        %min3A_519 = arith.minimumf %add3A_377, %add3A_378 : vector<16xf32>
        %max3A_520 = arith.maximumf %add3A_377, %add3A_378 : vector<16xf32>
        %min3A_521 = arith.minimumf %add3A_423, %add3A_424 : vector<16xf32>
        %max3A_522 = arith.maximumf %add3A_423, %add3A_424 : vector<16xf32>
        %min3A_523 = arith.minimumf %add3A_469, %add3A_470 : vector<16xf32>
        %max3A_524 = arith.maximumf %add3A_469, %add3A_470 : vector<16xf32>
        %min3A_525 = arith.minimumf %add3A_515, %add3A_516 : vector<16xf32>
        %max3A_526 = arith.maximumf %add3A_515, %add3A_516 : vector<16xf32>
        %min3A_527 = arith.minimumf %min3A_519, %min3A_521 : vector<16xf32>
        %max3A_528 = arith.maximumf %min3A_519, %min3A_521 : vector<16xf32>
        %min3A_529 = arith.minimumf %max3A_520, %max3A_522 : vector<16xf32>
        %max3A_530 = arith.maximumf %max3A_520, %max3A_522 : vector<16xf32>
        %min3A_531 = arith.minimumf %min3A_523, %min3A_525 : vector<16xf32>
        %max3A_532 = arith.maximumf %min3A_523, %min3A_525 : vector<16xf32>
        %min3A_533 = arith.minimumf %max3A_524, %max3A_526 : vector<16xf32>
        %max3A_534 = arith.maximumf %max3A_524, %max3A_526 : vector<16xf32>
        %min3A_535 = arith.minimumf %min3A_529, %max3A_528 : vector<16xf32>
        %max3A_536 = arith.maximumf %min3A_529, %max3A_528 : vector<16xf32>
        %min3A_537 = arith.minimumf %min3A_533, %max3A_532 : vector<16xf32>
        %max3A_538 = arith.maximumf %min3A_533, %max3A_532 : vector<16xf32>
        %min3A_539 = arith.minimumf %min3A_527, %min3A_531 : vector<16xf32>
        %max3A_540 = arith.maximumf %min3A_527, %min3A_531 : vector<16xf32>
        %min3A_541 = arith.minimumf %min3A_535, %min3A_537 : vector<16xf32>
        %max3A_542 = arith.maximumf %min3A_535, %min3A_537 : vector<16xf32>
        %min3A_543 = arith.minimumf %max3A_536, %max3A_538 : vector<16xf32>
        %max3A_544 = arith.maximumf %max3A_536, %max3A_538 : vector<16xf32>
        %min3A_545 = arith.minimumf %max3A_530, %max3A_534 : vector<16xf32>
        %max3A_546 = arith.maximumf %max3A_530, %max3A_534 : vector<16xf32>
        %min3A_547 = arith.minimumf %min3A_543, %max3A_540 : vector<16xf32>
        %max3A_548 = arith.maximumf %min3A_543, %max3A_540 : vector<16xf32>
        %min3A_549 = arith.minimumf %min3A_545, %max3A_542 : vector<16xf32>
        %max3A_550 = arith.maximumf %min3A_545, %max3A_542 : vector<16xf32>
        %min3A_551 = arith.minimumf %min3A_541, %min3A_547 : vector<16xf32>
        %max3A_552 = arith.maximumf %min3A_541, %min3A_547 : vector<16xf32>
        %min3A_553 = arith.minimumf %min3A_549, %max3A_548 : vector<16xf32>
        %max3A_554 = arith.maximumf %min3A_549, %max3A_548 : vector<16xf32>
        %min3A_555 = arith.minimumf %max3A_550, %max3A_544 : vector<16xf32>
        %max3A_556 = arith.maximumf %max3A_550, %max3A_544 : vector<16xf32>
        %min3A_557 = arith.minimumf %add3A_379, %add3A_380 : vector<16xf32>
        %max3A_558 = arith.maximumf %add3A_379, %add3A_380 : vector<16xf32>
        %min3A_559 = arith.minimumf %add3A_425, %add3A_426 : vector<16xf32>
        %max3A_560 = arith.maximumf %add3A_425, %add3A_426 : vector<16xf32>
        %min3A_561 = arith.minimumf %add3A_471, %add3A_472 : vector<16xf32>
        %max3A_562 = arith.maximumf %add3A_471, %add3A_472 : vector<16xf32>
        %min3A_563 = arith.minimumf %add3A_517, %add3A_518 : vector<16xf32>
        %max3A_564 = arith.maximumf %add3A_517, %add3A_518 : vector<16xf32>
        %min3A_565 = arith.minimumf %min3A_557, %min3A_559 : vector<16xf32>
        %max3A_566 = arith.maximumf %min3A_557, %min3A_559 : vector<16xf32>
        %min3A_567 = arith.minimumf %max3A_558, %max3A_560 : vector<16xf32>
        %max3A_568 = arith.maximumf %max3A_558, %max3A_560 : vector<16xf32>
        %min3A_569 = arith.minimumf %min3A_561, %min3A_563 : vector<16xf32>
        %max3A_570 = arith.maximumf %min3A_561, %min3A_563 : vector<16xf32>
        %min3A_571 = arith.minimumf %max3A_562, %max3A_564 : vector<16xf32>
        %max3A_572 = arith.maximumf %max3A_562, %max3A_564 : vector<16xf32>
        %min3A_573 = arith.minimumf %min3A_567, %max3A_566 : vector<16xf32>
        %max3A_574 = arith.maximumf %min3A_567, %max3A_566 : vector<16xf32>
        %min3A_575 = arith.minimumf %min3A_571, %max3A_570 : vector<16xf32>
        %max3A_576 = arith.maximumf %min3A_571, %max3A_570 : vector<16xf32>
        %min3A_577 = arith.minimumf %min3A_565, %min3A_569 : vector<16xf32>
        %max3A_578 = arith.maximumf %min3A_565, %min3A_569 : vector<16xf32>
        %min3A_579 = arith.minimumf %min3A_573, %min3A_575 : vector<16xf32>
        %max3A_580 = arith.maximumf %min3A_573, %min3A_575 : vector<16xf32>
        %min3A_581 = arith.minimumf %max3A_574, %max3A_576 : vector<16xf32>
        %max3A_582 = arith.maximumf %max3A_574, %max3A_576 : vector<16xf32>
        %min3A_583 = arith.minimumf %max3A_568, %max3A_572 : vector<16xf32>
        %max3A_584 = arith.maximumf %max3A_568, %max3A_572 : vector<16xf32>
        %min3A_585 = arith.minimumf %min3A_581, %max3A_578 : vector<16xf32>
        %max3A_586 = arith.maximumf %min3A_581, %max3A_578 : vector<16xf32>
        %min3A_587 = arith.minimumf %min3A_583, %max3A_580 : vector<16xf32>
        %max3A_588 = arith.maximumf %min3A_583, %max3A_580 : vector<16xf32>
        %min3A_589 = arith.minimumf %min3A_579, %min3A_585 : vector<16xf32>
        %max3A_590 = arith.maximumf %min3A_579, %min3A_585 : vector<16xf32>
        %min3A_591 = arith.minimumf %min3A_587, %max3A_586 : vector<16xf32>
        %max3A_592 = arith.maximumf %min3A_587, %max3A_586 : vector<16xf32>
        %min3A_593 = arith.minimumf %max3A_588, %max3A_582 : vector<16xf32>
        %max3A_594 = arith.maximumf %max3A_588, %max3A_582 : vector<16xf32>
        %broadcast_in_dim3A_595 = arith.constant 8 : i32
        %broadcast_in_dim3A_596 = vector.broadcast %broadcast_in_dim3A_595 : i32 to vector<16xi32>
        %lt3A_597 = arith.constant 0 : i32
        %lt3A_598 = vector.broadcast %lt3A_597 : i32 to vector<16xi32>
        %lt3A_599 = arith.cmpi slt, %broadcast_in_dim3A_596, %lt3A_598 : vector<16xi32>
        %add3A_600 = arith.constant 16 : i32
        %add3A_601 = vector.broadcast %add3A_600 : i32 to vector<16xi32>
        %add3A_602 = arith.addi %broadcast_in_dim3A_596, %add3A_601 : vector<16xi32>
        %select_n3A_603 = arith.select %lt3A_599, %add3A_602, %broadcast_in_dim3A_596 : vector<16xi1>, vector<16xi32>
        %broadcast_in_dim3A_604 = vector.shape_cast %select_n3A_603 : vector<16xi32> to vector<16x1xi32>
        %gather3A_605 = vector.shape_cast %broadcast_in_dim3A_604 : vector<16x1xi32> to vector<16xi32>
        %gather3A_606 = tpu.dynamic_gather %get3A_74[%gather3A_605] in [0] : vector<16xf32>, vector<16xi32> -> vector<16xf32>
        %broadcast_in_dim3A_607 = arith.constant 8 : i32
        %broadcast_in_dim3A_608 = vector.broadcast %broadcast_in_dim3A_607 : i32 to vector<16xi32>
        %lt3A_609 = arith.constant 0 : i32
        %lt3A_610 = vector.broadcast %lt3A_609 : i32 to vector<16xi32>
        %lt3A_611 = arith.cmpi slt, %broadcast_in_dim3A_608, %lt3A_610 : vector<16xi32>
        %add3A_612 = arith.constant 16 : i32
        %add3A_613 = vector.broadcast %add3A_612 : i32 to vector<16xi32>
        %add3A_614 = arith.addi %broadcast_in_dim3A_608, %add3A_613 : vector<16xi32>
        %select_n3A_615 = arith.select %lt3A_611, %add3A_614, %broadcast_in_dim3A_608 : vector<16xi1>, vector<16xi32>
        %broadcast_in_dim3A_616 = vector.shape_cast %select_n3A_615 : vector<16xi32> to vector<16x1xi32>
        %gather3A_617 = vector.shape_cast %broadcast_in_dim3A_616 : vector<16x1xi32> to vector<16xi32>
        %gather3A_618 = tpu.dynamic_gather %get3A_79[%gather3A_617] in [0] : vector<16xf32>, vector<16xi32> -> vector<16xf32>
        %mul3A_619 = arith.constant 16 : i32
        %mul3A_620 = arith.muli %scan3A_54, %mul3A_619 : i32
        %add3A_621 = arith.constant 8 : i32
        %add3A_622 = arith.addi %mul3A_620, %add3A_621 : i32
        %mul3A_623 = arith.constant 16 : i32
        %mul3A_624 = arith.muli %add3A_622, %mul3A_623 : i32
        %get3A_625 = arith.index_cast %mul3A_624 : i32 to index
        %get3A_626 = tpu.vector_load %arg8[%get3A_625] {strides = array<i32>} : memref<8192xf32, #tpu.memory_space<vmem>>, vector<16xf32>,
        %get3A_627 = vector.shape_cast %get3A_626 : vector<16xf32> to vector<16xf32>
        %mul3A_628 = arith.constant 16 : i32
        %mul3A_629 = arith.muli %scan3A_54, %mul3A_628 : i32
        %add3A_630 = arith.constant 8 : i32
        %add3A_631 = arith.addi %mul3A_629, %add3A_630 : i32
        %mul3A_632 = arith.constant 16 : i32
        %mul3A_633 = arith.muli %add3A_631, %mul3A_632 : i32
        %get3A_634 = arith.index_cast %mul3A_633 : i32 to index
        %get3A_635 = tpu.vector_load %arg9[%get3A_634] {strides = array<i32>} : memref<8192xf32, #tpu.memory_space<vmem>>, vector<16xf32>,
        %get3A_636 = vector.shape_cast %get3A_635 : vector<16xf32> to vector<16xf32>
        %add3A_637 = arith.addf %gather3A_606, %get3A_627 : vector<16xf32>
        %add3A_638 = arith.addf %gather3A_618, %get3A_636 : vector<16xf32>
        %add3A_639 = arith.addf %gather3A_606, %get3A_636 : vector<16xf32>
        %add3A_640 = arith.addf %gather3A_618, %get3A_627 : vector<16xf32>
        %broadcast_in_dim3A_641 = arith.constant 9 : i32
        %broadcast_in_dim3A_642 = vector.broadcast %broadcast_in_dim3A_641 : i32 to vector<16xi32>
        %lt3A_643 = arith.constant 0 : i32
        %lt3A_644 = vector.broadcast %lt3A_643 : i32 to vector<16xi32>
        %lt3A_645 = arith.cmpi slt, %broadcast_in_dim3A_642, %lt3A_644 : vector<16xi32>
        %add3A_646 = arith.constant 16 : i32
        %add3A_647 = vector.broadcast %add3A_646 : i32 to vector<16xi32>
        %add3A_648 = arith.addi %broadcast_in_dim3A_642, %add3A_647 : vector<16xi32>
        %select_n3A_649 = arith.select %lt3A_645, %add3A_648, %broadcast_in_dim3A_642 : vector<16xi1>, vector<16xi32>
        %broadcast_in_dim3A_650 = vector.shape_cast %select_n3A_649 : vector<16xi32> to vector<16x1xi32>
        %gather3A_651 = vector.shape_cast %broadcast_in_dim3A_650 : vector<16x1xi32> to vector<16xi32>
        %gather3A_652 = tpu.dynamic_gather %get3A_74[%gather3A_651] in [0] : vector<16xf32>, vector<16xi32> -> vector<16xf32>
        %broadcast_in_dim3A_653 = arith.constant 9 : i32
        %broadcast_in_dim3A_654 = vector.broadcast %broadcast_in_dim3A_653 : i32 to vector<16xi32>
        %lt3A_655 = arith.constant 0 : i32
        %lt3A_656 = vector.broadcast %lt3A_655 : i32 to vector<16xi32>
        %lt3A_657 = arith.cmpi slt, %broadcast_in_dim3A_654, %lt3A_656 : vector<16xi32>
        %add3A_658 = arith.constant 16 : i32
        %add3A_659 = vector.broadcast %add3A_658 : i32 to vector<16xi32>
        %add3A_660 = arith.addi %broadcast_in_dim3A_654, %add3A_659 : vector<16xi32>
        %select_n3A_661 = arith.select %lt3A_657, %add3A_660, %broadcast_in_dim3A_654 : vector<16xi1>, vector<16xi32>
        %broadcast_in_dim3A_662 = vector.shape_cast %select_n3A_661 : vector<16xi32> to vector<16x1xi32>
        %gather3A_663 = vector.shape_cast %broadcast_in_dim3A_662 : vector<16x1xi32> to vector<16xi32>
        %gather3A_664 = tpu.dynamic_gather %get3A_79[%gather3A_663] in [0] : vector<16xf32>, vector<16xi32> -> vector<16xf32>
        %mul3A_665 = arith.constant 16 : i32
        %mul3A_666 = arith.muli %scan3A_54, %mul3A_665 : i32
        %add3A_667 = arith.constant 9 : i32
        %add3A_668 = arith.addi %mul3A_666, %add3A_667 : i32
        %mul3A_669 = arith.constant 16 : i32
        %mul3A_670 = arith.muli %add3A_668, %mul3A_669 : i32
        %get3A_671 = arith.index_cast %mul3A_670 : i32 to index
        %get3A_672 = tpu.vector_load %arg8[%get3A_671] {strides = array<i32>} : memref<8192xf32, #tpu.memory_space<vmem>>, vector<16xf32>,
        %get3A_673 = vector.shape_cast %get3A_672 : vector<16xf32> to vector<16xf32>
        %mul3A_674 = arith.constant 16 : i32
        %mul3A_675 = arith.muli %scan3A_54, %mul3A_674 : i32
        %add3A_676 = arith.constant 9 : i32
        %add3A_677 = arith.addi %mul3A_675, %add3A_676 : i32
        %mul3A_678 = arith.constant 16 : i32
        %mul3A_679 = arith.muli %add3A_677, %mul3A_678 : i32
        %get3A_680 = arith.index_cast %mul3A_679 : i32 to index
        %get3A_681 = tpu.vector_load %arg9[%get3A_680] {strides = array<i32>} : memref<8192xf32, #tpu.memory_space<vmem>>, vector<16xf32>,
        %get3A_682 = vector.shape_cast %get3A_681 : vector<16xf32> to vector<16xf32>
        %add3A_683 = arith.addf %gather3A_652, %get3A_673 : vector<16xf32>
        %add3A_684 = arith.addf %gather3A_664, %get3A_682 : vector<16xf32>
        %add3A_685 = arith.addf %gather3A_652, %get3A_682 : vector<16xf32>
        %add3A_686 = arith.addf %gather3A_664, %get3A_673 : vector<16xf32>
        %broadcast_in_dim3A_687 = arith.constant 10 : i32
        %broadcast_in_dim3A_688 = vector.broadcast %broadcast_in_dim3A_687 : i32 to vector<16xi32>
        %lt3A_689 = arith.constant 0 : i32
        %lt3A_690 = vector.broadcast %lt3A_689 : i32 to vector<16xi32>
        %lt3A_691 = arith.cmpi slt, %broadcast_in_dim3A_688, %lt3A_690 : vector<16xi32>
        %add3A_692 = arith.constant 16 : i32
        %add3A_693 = vector.broadcast %add3A_692 : i32 to vector<16xi32>
        %add3A_694 = arith.addi %broadcast_in_dim3A_688, %add3A_693 : vector<16xi32>
        %select_n3A_695 = arith.select %lt3A_691, %add3A_694, %broadcast_in_dim3A_688 : vector<16xi1>, vector<16xi32>
        %broadcast_in_dim3A_696 = vector.shape_cast %select_n3A_695 : vector<16xi32> to vector<16x1xi32>
        %gather3A_697 = vector.shape_cast %broadcast_in_dim3A_696 : vector<16x1xi32> to vector<16xi32>
        %gather3A_698 = tpu.dynamic_gather %get3A_74[%gather3A_697] in [0] : vector<16xf32>, vector<16xi32> -> vector<16xf32>
        %broadcast_in_dim3A_699 = arith.constant 10 : i32
        %broadcast_in_dim3A_700 = vector.broadcast %broadcast_in_dim3A_699 : i32 to vector<16xi32>
        %lt3A_701 = arith.constant 0 : i32
        %lt3A_702 = vector.broadcast %lt3A_701 : i32 to vector<16xi32>
        %lt3A_703 = arith.cmpi slt, %broadcast_in_dim3A_700, %lt3A_702 : vector<16xi32>
        %add3A_704 = arith.constant 16 : i32
        %add3A_705 = vector.broadcast %add3A_704 : i32 to vector<16xi32>
        %add3A_706 = arith.addi %broadcast_in_dim3A_700, %add3A_705 : vector<16xi32>
        %select_n3A_707 = arith.select %lt3A_703, %add3A_706, %broadcast_in_dim3A_700 : vector<16xi1>, vector<16xi32>
        %broadcast_in_dim3A_708 = vector.shape_cast %select_n3A_707 : vector<16xi32> to vector<16x1xi32>
        %gather3A_709 = vector.shape_cast %broadcast_in_dim3A_708 : vector<16x1xi32> to vector<16xi32>
        %gather3A_710 = tpu.dynamic_gather %get3A_79[%gather3A_709] in [0] : vector<16xf32>, vector<16xi32> -> vector<16xf32>
        %mul3A_711 = arith.constant 16 : i32
        %mul3A_712 = arith.muli %scan3A_54, %mul3A_711 : i32
        %add3A_713 = arith.constant 10 : i32
        %add3A_714 = arith.addi %mul3A_712, %add3A_713 : i32
        %mul3A_715 = arith.constant 16 : i32
        %mul3A_716 = arith.muli %add3A_714, %mul3A_715 : i32
        %get3A_717 = arith.index_cast %mul3A_716 : i32 to index
        %get3A_718 = tpu.vector_load %arg8[%get3A_717] {strides = array<i32>} : memref<8192xf32, #tpu.memory_space<vmem>>, vector<16xf32>,
        %get3A_719 = vector.shape_cast %get3A_718 : vector<16xf32> to vector<16xf32>
        %mul3A_720 = arith.constant 16 : i32
        %mul3A_721 = arith.muli %scan3A_54, %mul3A_720 : i32
        %add3A_722 = arith.constant 10 : i32
        %add3A_723 = arith.addi %mul3A_721, %add3A_722 : i32
        %mul3A_724 = arith.constant 16 : i32
        %mul3A_725 = arith.muli %add3A_723, %mul3A_724 : i32
        %get3A_726 = arith.index_cast %mul3A_725 : i32 to index
        %get3A_727 = tpu.vector_load %arg9[%get3A_726] {strides = array<i32>} : memref<8192xf32, #tpu.memory_space<vmem>>, vector<16xf32>,
        %get3A_728 = vector.shape_cast %get3A_727 : vector<16xf32> to vector<16xf32>
        %add3A_729 = arith.addf %gather3A_698, %get3A_719 : vector<16xf32>
        %add3A_730 = arith.addf %gather3A_710, %get3A_728 : vector<16xf32>
        %add3A_731 = arith.addf %gather3A_698, %get3A_728 : vector<16xf32>
        %add3A_732 = arith.addf %gather3A_710, %get3A_719 : vector<16xf32>
        %broadcast_in_dim3A_733 = arith.constant 11 : i32
        %broadcast_in_dim3A_734 = vector.broadcast %broadcast_in_dim3A_733 : i32 to vector<16xi32>
        %lt3A_735 = arith.constant 0 : i32
        %lt3A_736 = vector.broadcast %lt3A_735 : i32 to vector<16xi32>
        %lt3A_737 = arith.cmpi slt, %broadcast_in_dim3A_734, %lt3A_736 : vector<16xi32>
        %add3A_738 = arith.constant 16 : i32
        %add3A_739 = vector.broadcast %add3A_738 : i32 to vector<16xi32>
        %add3A_740 = arith.addi %broadcast_in_dim3A_734, %add3A_739 : vector<16xi32>
        %select_n3A_741 = arith.select %lt3A_737, %add3A_740, %broadcast_in_dim3A_734 : vector<16xi1>, vector<16xi32>
        %broadcast_in_dim3A_742 = vector.shape_cast %select_n3A_741 : vector<16xi32> to vector<16x1xi32>
        %gather3A_743 = vector.shape_cast %broadcast_in_dim3A_742 : vector<16x1xi32> to vector<16xi32>
        %gather3A_744 = tpu.dynamic_gather %get3A_74[%gather3A_743] in [0] : vector<16xf32>, vector<16xi32> -> vector<16xf32>
        %broadcast_in_dim3A_745 = arith.constant 11 : i32
        %broadcast_in_dim3A_746 = vector.broadcast %broadcast_in_dim3A_745 : i32 to vector<16xi32>
        %lt3A_747 = arith.constant 0 : i32
        %lt3A_748 = vector.broadcast %lt3A_747 : i32 to vector<16xi32>
        %lt3A_749 = arith.cmpi slt, %broadcast_in_dim3A_746, %lt3A_748 : vector<16xi32>
        %add3A_750 = arith.constant 16 : i32
        %add3A_751 = vector.broadcast %add3A_750 : i32 to vector<16xi32>
        %add3A_752 = arith.addi %broadcast_in_dim3A_746, %add3A_751 : vector<16xi32>
        %select_n3A_753 = arith.select %lt3A_749, %add3A_752, %broadcast_in_dim3A_746 : vector<16xi1>, vector<16xi32>
        %broadcast_in_dim3A_754 = vector.shape_cast %select_n3A_753 : vector<16xi32> to vector<16x1xi32>
        %gather3A_755 = vector.shape_cast %broadcast_in_dim3A_754 : vector<16x1xi32> to vector<16xi32>
        %gather3A_756 = tpu.dynamic_gather %get3A_79[%gather3A_755] in [0] : vector<16xf32>, vector<16xi32> -> vector<16xf32>
        %mul3A_757 = arith.constant 16 : i32
        %mul3A_758 = arith.muli %scan3A_54, %mul3A_757 : i32
        %add3A_759 = arith.constant 11 : i32
        %add3A_760 = arith.addi %mul3A_758, %add3A_759 : i32
        %mul3A_761 = arith.constant 16 : i32
        %mul3A_762 = arith.muli %add3A_760, %mul3A_761 : i32
        %get3A_763 = arith.index_cast %mul3A_762 : i32 to index
        %get3A_764 = tpu.vector_load %arg8[%get3A_763] {strides = array<i32>} : memref<8192xf32, #tpu.memory_space<vmem>>, vector<16xf32>,
        %get3A_765 = vector.shape_cast %get3A_764 : vector<16xf32> to vector<16xf32>
        %mul3A_766 = arith.constant 16 : i32
        %mul3A_767 = arith.muli %scan3A_54, %mul3A_766 : i32
        %add3A_768 = arith.constant 11 : i32
        %add3A_769 = arith.addi %mul3A_767, %add3A_768 : i32
        %mul3A_770 = arith.constant 16 : i32
        %mul3A_771 = arith.muli %add3A_769, %mul3A_770 : i32
        %get3A_772 = arith.index_cast %mul3A_771 : i32 to index
        %get3A_773 = tpu.vector_load %arg9[%get3A_772] {strides = array<i32>} : memref<8192xf32, #tpu.memory_space<vmem>>, vector<16xf32>,
        %get3A_774 = vector.shape_cast %get3A_773 : vector<16xf32> to vector<16xf32>
        %add3A_775 = arith.addf %gather3A_744, %get3A_765 : vector<16xf32>
        %add3A_776 = arith.addf %gather3A_756, %get3A_774 : vector<16xf32>
        %add3A_777 = arith.addf %gather3A_744, %get3A_774 : vector<16xf32>
        %add3A_778 = arith.addf %gather3A_756, %get3A_765 : vector<16xf32>
        %min3A_779 = arith.minimumf %add3A_637, %add3A_638 : vector<16xf32>
        %max3A_780 = arith.maximumf %add3A_637, %add3A_638 : vector<16xf32>
        %min3A_781 = arith.minimumf %add3A_683, %add3A_684 : vector<16xf32>
        %max3A_782 = arith.maximumf %add3A_683, %add3A_684 : vector<16xf32>
        %min3A_783 = arith.minimumf %add3A_729, %add3A_730 : vector<16xf32>
        %max3A_784 = arith.maximumf %add3A_729, %add3A_730 : vector<16xf32>
        %min3A_785 = arith.minimumf %add3A_775, %add3A_776 : vector<16xf32>
        %max3A_786 = arith.maximumf %add3A_775, %add3A_776 : vector<16xf32>
        %min3A_787 = arith.minimumf %min3A_779, %min3A_781 : vector<16xf32>
        %max3A_788 = arith.maximumf %min3A_779, %min3A_781 : vector<16xf32>
        %min3A_789 = arith.minimumf %max3A_780, %max3A_782 : vector<16xf32>
        %max3A_790 = arith.maximumf %max3A_780, %max3A_782 : vector<16xf32>
        %min3A_791 = arith.minimumf %min3A_783, %min3A_785 : vector<16xf32>
        %max3A_792 = arith.maximumf %min3A_783, %min3A_785 : vector<16xf32>
        %min3A_793 = arith.minimumf %max3A_784, %max3A_786 : vector<16xf32>
        %max3A_794 = arith.maximumf %max3A_784, %max3A_786 : vector<16xf32>
        %min3A_795 = arith.minimumf %min3A_789, %max3A_788 : vector<16xf32>
        %max3A_796 = arith.maximumf %min3A_789, %max3A_788 : vector<16xf32>
        %min3A_797 = arith.minimumf %min3A_793, %max3A_792 : vector<16xf32>
        %max3A_798 = arith.maximumf %min3A_793, %max3A_792 : vector<16xf32>
        %min3A_799 = arith.minimumf %min3A_787, %min3A_791 : vector<16xf32>
        %max3A_800 = arith.maximumf %min3A_787, %min3A_791 : vector<16xf32>
        %min3A_801 = arith.minimumf %min3A_795, %min3A_797 : vector<16xf32>
        %max3A_802 = arith.maximumf %min3A_795, %min3A_797 : vector<16xf32>
        %min3A_803 = arith.minimumf %max3A_796, %max3A_798 : vector<16xf32>
        %max3A_804 = arith.maximumf %max3A_796, %max3A_798 : vector<16xf32>
        %min3A_805 = arith.minimumf %max3A_790, %max3A_794 : vector<16xf32>
        %max3A_806 = arith.maximumf %max3A_790, %max3A_794 : vector<16xf32>
        %min3A_807 = arith.minimumf %min3A_803, %max3A_800 : vector<16xf32>
        %max3A_808 = arith.maximumf %min3A_803, %max3A_800 : vector<16xf32>
        %min3A_809 = arith.minimumf %min3A_805, %max3A_802 : vector<16xf32>
        %max3A_810 = arith.maximumf %min3A_805, %max3A_802 : vector<16xf32>
        %min3A_811 = arith.minimumf %min3A_801, %min3A_807 : vector<16xf32>
        %max3A_812 = arith.maximumf %min3A_801, %min3A_807 : vector<16xf32>
        %min3A_813 = arith.minimumf %min3A_809, %max3A_808 : vector<16xf32>
        %max3A_814 = arith.maximumf %min3A_809, %max3A_808 : vector<16xf32>
        %min3A_815 = arith.minimumf %max3A_810, %max3A_804 : vector<16xf32>
        %max3A_816 = arith.maximumf %max3A_810, %max3A_804 : vector<16xf32>
        %min3A_817 = arith.minimumf %add3A_639, %add3A_640 : vector<16xf32>
        %max3A_818 = arith.maximumf %add3A_639, %add3A_640 : vector<16xf32>
        %min3A_819 = arith.minimumf %add3A_685, %add3A_686 : vector<16xf32>
        %max3A_820 = arith.maximumf %add3A_685, %add3A_686 : vector<16xf32>
        %min3A_821 = arith.minimumf %add3A_731, %add3A_732 : vector<16xf32>
        %max3A_822 = arith.maximumf %add3A_731, %add3A_732 : vector<16xf32>
        %min3A_823 = arith.minimumf %add3A_777, %add3A_778 : vector<16xf32>
        %max3A_824 = arith.maximumf %add3A_777, %add3A_778 : vector<16xf32>
        %min3A_825 = arith.minimumf %min3A_817, %min3A_819 : vector<16xf32>
        %max3A_826 = arith.maximumf %min3A_817, %min3A_819 : vector<16xf32>
        %min3A_827 = arith.minimumf %max3A_818, %max3A_820 : vector<16xf32>
        %max3A_828 = arith.maximumf %max3A_818, %max3A_820 : vector<16xf32>
        %min3A_829 = arith.minimumf %min3A_821, %min3A_823 : vector<16xf32>
        %max3A_830 = arith.maximumf %min3A_821, %min3A_823 : vector<16xf32>
        %min3A_831 = arith.minimumf %max3A_822, %max3A_824 : vector<16xf32>
        %max3A_832 = arith.maximumf %max3A_822, %max3A_824 : vector<16xf32>
        %min3A_833 = arith.minimumf %min3A_827, %max3A_826 : vector<16xf32>
        %max3A_834 = arith.maximumf %min3A_827, %max3A_826 : vector<16xf32>
        %min3A_835 = arith.minimumf %min3A_831, %max3A_830 : vector<16xf32>
        %max3A_836 = arith.maximumf %min3A_831, %max3A_830 : vector<16xf32>
        %min3A_837 = arith.minimumf %min3A_825, %min3A_829 : vector<16xf32>
        %max3A_838 = arith.maximumf %min3A_825, %min3A_829 : vector<16xf32>
        %min3A_839 = arith.minimumf %min3A_833, %min3A_835 : vector<16xf32>
        %max3A_840 = arith.maximumf %min3A_833, %min3A_835 : vector<16xf32>
        %min3A_841 = arith.minimumf %max3A_834, %max3A_836 : vector<16xf32>
        %max3A_842 = arith.maximumf %max3A_834, %max3A_836 : vector<16xf32>
        %min3A_843 = arith.minimumf %max3A_828, %max3A_832 : vector<16xf32>
        %max3A_844 = arith.maximumf %max3A_828, %max3A_832 : vector<16xf32>
        %min3A_845 = arith.minimumf %min3A_841, %max3A_838 : vector<16xf32>
        %max3A_846 = arith.maximumf %min3A_841, %max3A_838 : vector<16xf32>
        %min3A_847 = arith.minimumf %min3A_843, %max3A_840 : vector<16xf32>
        %max3A_848 = arith.maximumf %min3A_843, %max3A_840 : vector<16xf32>
        %min3A_849 = arith.minimumf %min3A_839, %min3A_845 : vector<16xf32>
        %max3A_850 = arith.maximumf %min3A_839, %min3A_845 : vector<16xf32>
        %min3A_851 = arith.minimumf %min3A_847, %max3A_846 : vector<16xf32>
        %max3A_852 = arith.maximumf %min3A_847, %max3A_846 : vector<16xf32>
        %min3A_853 = arith.minimumf %max3A_848, %max3A_842 : vector<16xf32>
        %max3A_854 = arith.maximumf %max3A_848, %max3A_842 : vector<16xf32>
        %broadcast_in_dim3A_855 = arith.constant 12 : i32
        %broadcast_in_dim3A_856 = vector.broadcast %broadcast_in_dim3A_855 : i32 to vector<16xi32>
        %lt3A_857 = arith.constant 0 : i32
        %lt3A_858 = vector.broadcast %lt3A_857 : i32 to vector<16xi32>
        %lt3A_859 = arith.cmpi slt, %broadcast_in_dim3A_856, %lt3A_858 : vector<16xi32>
        %add3A_860 = arith.constant 16 : i32
        %add3A_861 = vector.broadcast %add3A_860 : i32 to vector<16xi32>
        %add3A_862 = arith.addi %broadcast_in_dim3A_856, %add3A_861 : vector<16xi32>
        %select_n3A_863 = arith.select %lt3A_859, %add3A_862, %broadcast_in_dim3A_856 : vector<16xi1>, vector<16xi32>
        %broadcast_in_dim3A_864 = vector.shape_cast %select_n3A_863 : vector<16xi32> to vector<16x1xi32>
        %gather3A_865 = vector.shape_cast %broadcast_in_dim3A_864 : vector<16x1xi32> to vector<16xi32>
        %gather3A_866 = tpu.dynamic_gather %get3A_74[%gather3A_865] in [0] : vector<16xf32>, vector<16xi32> -> vector<16xf32>
        %broadcast_in_dim3A_867 = arith.constant 12 : i32
        %broadcast_in_dim3A_868 = vector.broadcast %broadcast_in_dim3A_867 : i32 to vector<16xi32>
        %lt3A_869 = arith.constant 0 : i32
        %lt3A_870 = vector.broadcast %lt3A_869 : i32 to vector<16xi32>
        %lt3A_871 = arith.cmpi slt, %broadcast_in_dim3A_868, %lt3A_870 : vector<16xi32>
        %add3A_872 = arith.constant 16 : i32
        %add3A_873 = vector.broadcast %add3A_872 : i32 to vector<16xi32>
        %add3A_874 = arith.addi %broadcast_in_dim3A_868, %add3A_873 : vector<16xi32>
        %select_n3A_875 = arith.select %lt3A_871, %add3A_874, %broadcast_in_dim3A_868 : vector<16xi1>, vector<16xi32>
        %broadcast_in_dim3A_876 = vector.shape_cast %select_n3A_875 : vector<16xi32> to vector<16x1xi32>
        %gather3A_877 = vector.shape_cast %broadcast_in_dim3A_876 : vector<16x1xi32> to vector<16xi32>
        %gather3A_878 = tpu.dynamic_gather %get3A_79[%gather3A_877] in [0] : vector<16xf32>, vector<16xi32> -> vector<16xf32>
        %mul3A_879 = arith.constant 16 : i32
        %mul3A_880 = arith.muli %scan3A_54, %mul3A_879 : i32
        %add3A_881 = arith.constant 12 : i32
        %add3A_882 = arith.addi %mul3A_880, %add3A_881 : i32
        %mul3A_883 = arith.constant 16 : i32
        %mul3A_884 = arith.muli %add3A_882, %mul3A_883 : i32
        %get3A_885 = arith.index_cast %mul3A_884 : i32 to index
        %get3A_886 = tpu.vector_load %arg8[%get3A_885] {strides = array<i32>} : memref<8192xf32, #tpu.memory_space<vmem>>, vector<16xf32>,
        %get3A_887 = vector.shape_cast %get3A_886 : vector<16xf32> to vector<16xf32>
        %mul3A_888 = arith.constant 16 : i32
        %mul3A_889 = arith.muli %scan3A_54, %mul3A_888 : i32
        %add3A_890 = arith.constant 12 : i32
        %add3A_891 = arith.addi %mul3A_889, %add3A_890 : i32
        %mul3A_892 = arith.constant 16 : i32
        %mul3A_893 = arith.muli %add3A_891, %mul3A_892 : i32
        %get3A_894 = arith.index_cast %mul3A_893 : i32 to index
        %get3A_895 = tpu.vector_load %arg9[%get3A_894] {strides = array<i32>} : memref<8192xf32, #tpu.memory_space<vmem>>, vector<16xf32>,
        %get3A_896 = vector.shape_cast %get3A_895 : vector<16xf32> to vector<16xf32>
        %add3A_897 = arith.addf %gather3A_866, %get3A_887 : vector<16xf32>
        %add3A_898 = arith.addf %gather3A_878, %get3A_896 : vector<16xf32>
        %add3A_899 = arith.addf %gather3A_866, %get3A_896 : vector<16xf32>
        %add3A_900 = arith.addf %gather3A_878, %get3A_887 : vector<16xf32>
        %broadcast_in_dim3A_901 = arith.constant 13 : i32
        %broadcast_in_dim3A_902 = vector.broadcast %broadcast_in_dim3A_901 : i32 to vector<16xi32>
        %lt3A_903 = arith.constant 0 : i32
        %lt3A_904 = vector.broadcast %lt3A_903 : i32 to vector<16xi32>
        %lt3A_905 = arith.cmpi slt, %broadcast_in_dim3A_902, %lt3A_904 : vector<16xi32>
        %add3A_906 = arith.constant 16 : i32
        %add3A_907 = vector.broadcast %add3A_906 : i32 to vector<16xi32>
        %add3A_908 = arith.addi %broadcast_in_dim3A_902, %add3A_907 : vector<16xi32>
        %select_n3A_909 = arith.select %lt3A_905, %add3A_908, %broadcast_in_dim3A_902 : vector<16xi1>, vector<16xi32>
        %broadcast_in_dim3A_910 = vector.shape_cast %select_n3A_909 : vector<16xi32> to vector<16x1xi32>
        %gather3A_911 = vector.shape_cast %broadcast_in_dim3A_910 : vector<16x1xi32> to vector<16xi32>
        %gather3A_912 = tpu.dynamic_gather %get3A_74[%gather3A_911] in [0] : vector<16xf32>, vector<16xi32> -> vector<16xf32>
        %broadcast_in_dim3A_913 = arith.constant 13 : i32
        %broadcast_in_dim3A_914 = vector.broadcast %broadcast_in_dim3A_913 : i32 to vector<16xi32>
        %lt3A_915 = arith.constant 0 : i32
        %lt3A_916 = vector.broadcast %lt3A_915 : i32 to vector<16xi32>
        %lt3A_917 = arith.cmpi slt, %broadcast_in_dim3A_914, %lt3A_916 : vector<16xi32>
        %add3A_918 = arith.constant 16 : i32
        %add3A_919 = vector.broadcast %add3A_918 : i32 to vector<16xi32>
        %add3A_920 = arith.addi %broadcast_in_dim3A_914, %add3A_919 : vector<16xi32>
        %select_n3A_921 = arith.select %lt3A_917, %add3A_920, %broadcast_in_dim3A_914 : vector<16xi1>, vector<16xi32>
        %broadcast_in_dim3A_922 = vector.shape_cast %select_n3A_921 : vector<16xi32> to vector<16x1xi32>
        %gather3A_923 = vector.shape_cast %broadcast_in_dim3A_922 : vector<16x1xi32> to vector<16xi32>
        %gather3A_924 = tpu.dynamic_gather %get3A_79[%gather3A_923] in [0] : vector<16xf32>, vector<16xi32> -> vector<16xf32>
        %mul3A_925 = arith.constant 16 : i32
        %mul3A_926 = arith.muli %scan3A_54, %mul3A_925 : i32
        %add3A_927 = arith.constant 13 : i32
        %add3A_928 = arith.addi %mul3A_926, %add3A_927 : i32
        %mul3A_929 = arith.constant 16 : i32
        %mul3A_930 = arith.muli %add3A_928, %mul3A_929 : i32
        %get3A_931 = arith.index_cast %mul3A_930 : i32 to index
        %get3A_932 = tpu.vector_load %arg8[%get3A_931] {strides = array<i32>} : memref<8192xf32, #tpu.memory_space<vmem>>, vector<16xf32>,
        %get3A_933 = vector.shape_cast %get3A_932 : vector<16xf32> to vector<16xf32>
        %mul3A_934 = arith.constant 16 : i32
        %mul3A_935 = arith.muli %scan3A_54, %mul3A_934 : i32
        %add3A_936 = arith.constant 13 : i32
        %add3A_937 = arith.addi %mul3A_935, %add3A_936 : i32
        %mul3A_938 = arith.constant 16 : i32
        %mul3A_939 = arith.muli %add3A_937, %mul3A_938 : i32
        %get3A_940 = arith.index_cast %mul3A_939 : i32 to index
        %get3A_941 = tpu.vector_load %arg9[%get3A_940] {strides = array<i32>} : memref<8192xf32, #tpu.memory_space<vmem>>, vector<16xf32>,
        %get3A_942 = vector.shape_cast %get3A_941 : vector<16xf32> to vector<16xf32>
        %add3A_943 = arith.addf %gather3A_912, %get3A_933 : vector<16xf32>
        %add3A_944 = arith.addf %gather3A_924, %get3A_942 : vector<16xf32>
        %add3A_945 = arith.addf %gather3A_912, %get3A_942 : vector<16xf32>
        %add3A_946 = arith.addf %gather3A_924, %get3A_933 : vector<16xf32>
        %broadcast_in_dim3A_947 = arith.constant 14 : i32
        %broadcast_in_dim3A_948 = vector.broadcast %broadcast_in_dim3A_947 : i32 to vector<16xi32>
        %lt3A_949 = arith.constant 0 : i32
        %lt3A_950 = vector.broadcast %lt3A_949 : i32 to vector<16xi32>
        %lt3A_951 = arith.cmpi slt, %broadcast_in_dim3A_948, %lt3A_950 : vector<16xi32>
        %add3A_952 = arith.constant 16 : i32
        %add3A_953 = vector.broadcast %add3A_952 : i32 to vector<16xi32>
        %add3A_954 = arith.addi %broadcast_in_dim3A_948, %add3A_953 : vector<16xi32>
        %select_n3A_955 = arith.select %lt3A_951, %add3A_954, %broadcast_in_dim3A_948 : vector<16xi1>, vector<16xi32>
        %broadcast_in_dim3A_956 = vector.shape_cast %select_n3A_955 : vector<16xi32> to vector<16x1xi32>
        %gather3A_957 = vector.shape_cast %broadcast_in_dim3A_956 : vector<16x1xi32> to vector<16xi32>
        %gather3A_958 = tpu.dynamic_gather %get3A_74[%gather3A_957] in [0] : vector<16xf32>, vector<16xi32> -> vector<16xf32>
        %broadcast_in_dim3A_959 = arith.constant 14 : i32
        %broadcast_in_dim3A_960 = vector.broadcast %broadcast_in_dim3A_959 : i32 to vector<16xi32>
        %lt3A_961 = arith.constant 0 : i32
        %lt3A_962 = vector.broadcast %lt3A_961 : i32 to vector<16xi32>
        %lt3A_963 = arith.cmpi slt, %broadcast_in_dim3A_960, %lt3A_962 : vector<16xi32>
        %add3A_964 = arith.constant 16 : i32
        %add3A_965 = vector.broadcast %add3A_964 : i32 to vector<16xi32>
        %add3A_966 = arith.addi %broadcast_in_dim3A_960, %add3A_965 : vector<16xi32>
        %select_n3A_967 = arith.select %lt3A_963, %add3A_966, %broadcast_in_dim3A_960 : vector<16xi1>, vector<16xi32>
        %broadcast_in_dim3A_968 = vector.shape_cast %select_n3A_967 : vector<16xi32> to vector<16x1xi32>
        %gather3A_969 = vector.shape_cast %broadcast_in_dim3A_968 : vector<16x1xi32> to vector<16xi32>
        %gather3A_970 = tpu.dynamic_gather %get3A_79[%gather3A_969] in [0] : vector<16xf32>, vector<16xi32> -> vector<16xf32>
        %mul3A_971 = arith.constant 16 : i32
        %mul3A_972 = arith.muli %scan3A_54, %mul3A_971 : i32
        %add3A_973 = arith.constant 14 : i32
        %add3A_974 = arith.addi %mul3A_972, %add3A_973 : i32
        %mul3A_975 = arith.constant 16 : i32
        %mul3A_976 = arith.muli %add3A_974, %mul3A_975 : i32
        %get3A_977 = arith.index_cast %mul3A_976 : i32 to index
        %get3A_978 = tpu.vector_load %arg8[%get3A_977] {strides = array<i32>} : memref<8192xf32, #tpu.memory_space<vmem>>, vector<16xf32>,
        %get3A_979 = vector.shape_cast %get3A_978 : vector<16xf32> to vector<16xf32>
        %mul3A_980 = arith.constant 16 : i32
        %mul3A_981 = arith.muli %scan3A_54, %mul3A_980 : i32
        %add3A_982 = arith.constant 14 : i32
        %add3A_983 = arith.addi %mul3A_981, %add3A_982 : i32
        %mul3A_984 = arith.constant 16 : i32
        %mul3A_985 = arith.muli %add3A_983, %mul3A_984 : i32
        %get3A_986 = arith.index_cast %mul3A_985 : i32 to index
        %get3A_987 = tpu.vector_load %arg9[%get3A_986] {strides = array<i32>} : memref<8192xf32, #tpu.memory_space<vmem>>, vector<16xf32>,
        %get3A_988 = vector.shape_cast %get3A_987 : vector<16xf32> to vector<16xf32>
        %add3A_989 = arith.addf %gather3A_958, %get3A_979 : vector<16xf32>
        %add3A_990 = arith.addf %gather3A_970, %get3A_988 : vector<16xf32>
        %add3A_991 = arith.addf %gather3A_958, %get3A_988 : vector<16xf32>
        %add3A_992 = arith.addf %gather3A_970, %get3A_979 : vector<16xf32>
        %broadcast_in_dim3A_993 = arith.constant 15 : i32
        %broadcast_in_dim3A_994 = vector.broadcast %broadcast_in_dim3A_993 : i32 to vector<16xi32>
        %lt3A_995 = arith.constant 0 : i32
        %lt3A_996 = vector.broadcast %lt3A_995 : i32 to vector<16xi32>
        %lt3A_997 = arith.cmpi slt, %broadcast_in_dim3A_994, %lt3A_996 : vector<16xi32>
        %add3A_998 = arith.constant 16 : i32
        %add3A_999 = vector.broadcast %add3A_998 : i32 to vector<16xi32>
        %add3A_1000 = arith.addi %broadcast_in_dim3A_994, %add3A_999 : vector<16xi32>
        %select_n3A_1001 = arith.select %lt3A_997, %add3A_1000, %broadcast_in_dim3A_994 : vector<16xi1>, vector<16xi32>
        %broadcast_in_dim3A_1002 = vector.shape_cast %select_n3A_1001 : vector<16xi32> to vector<16x1xi32>
        %gather3A_1003 = vector.shape_cast %broadcast_in_dim3A_1002 : vector<16x1xi32> to vector<16xi32>
        %gather3A_1004 = tpu.dynamic_gather %get3A_74[%gather3A_1003] in [0] : vector<16xf32>, vector<16xi32> -> vector<16xf32>
        %broadcast_in_dim3A_1005 = arith.constant 15 : i32
        %broadcast_in_dim3A_1006 = vector.broadcast %broadcast_in_dim3A_1005 : i32 to vector<16xi32>
        %lt3A_1007 = arith.constant 0 : i32
        %lt3A_1008 = vector.broadcast %lt3A_1007 : i32 to vector<16xi32>
        %lt3A_1009 = arith.cmpi slt, %broadcast_in_dim3A_1006, %lt3A_1008 : vector<16xi32>
        %add3A_1010 = arith.constant 16 : i32
        %add3A_1011 = vector.broadcast %add3A_1010 : i32 to vector<16xi32>
        %add3A_1012 = arith.addi %broadcast_in_dim3A_1006, %add3A_1011 : vector<16xi32>
        %select_n3A_1013 = arith.select %lt3A_1009, %add3A_1012, %broadcast_in_dim3A_1006 : vector<16xi1>, vector<16xi32>
        %broadcast_in_dim3A_1014 = vector.shape_cast %select_n3A_1013 : vector<16xi32> to vector<16x1xi32>
        %gather3A_1015 = vector.shape_cast %broadcast_in_dim3A_1014 : vector<16x1xi32> to vector<16xi32>
        %gather3A_1016 = tpu.dynamic_gather %get3A_79[%gather3A_1015] in [0] : vector<16xf32>, vector<16xi32> -> vector<16xf32>
        %mul3A_1017 = arith.constant 16 : i32
        %mul3A_1018 = arith.muli %scan3A_54, %mul3A_1017 : i32
        %add3A_1019 = arith.constant 15 : i32
        %add3A_1020 = arith.addi %mul3A_1018, %add3A_1019 : i32
        %mul3A_1021 = arith.constant 16 : i32
        %mul3A_1022 = arith.muli %add3A_1020, %mul3A_1021 : i32
        %get3A_1023 = arith.index_cast %mul3A_1022 : i32 to index
        %get3A_1024 = tpu.vector_load %arg8[%get3A_1023] {strides = array<i32>} : memref<8192xf32, #tpu.memory_space<vmem>>, vector<16xf32>,
        %get3A_1025 = vector.shape_cast %get3A_1024 : vector<16xf32> to vector<16xf32>
        %mul3A_1026 = arith.constant 16 : i32
        %mul3A_1027 = arith.muli %scan3A_54, %mul3A_1026 : i32
        %add3A_1028 = arith.constant 15 : i32
        %add3A_1029 = arith.addi %mul3A_1027, %add3A_1028 : i32
        %mul3A_1030 = arith.constant 16 : i32
        %mul3A_1031 = arith.muli %add3A_1029, %mul3A_1030 : i32
        %get3A_1032 = arith.index_cast %mul3A_1031 : i32 to index
        %get3A_1033 = tpu.vector_load %arg9[%get3A_1032] {strides = array<i32>} : memref<8192xf32, #tpu.memory_space<vmem>>, vector<16xf32>,
        %get3A_1034 = vector.shape_cast %get3A_1033 : vector<16xf32> to vector<16xf32>
        %add3A_1035 = arith.addf %gather3A_1004, %get3A_1025 : vector<16xf32>
        %add3A_1036 = arith.addf %gather3A_1016, %get3A_1034 : vector<16xf32>
        %add3A_1037 = arith.addf %gather3A_1004, %get3A_1034 : vector<16xf32>
        %add3A_1038 = arith.addf %gather3A_1016, %get3A_1025 : vector<16xf32>
        %min3A_1039 = arith.minimumf %add3A_897, %add3A_898 : vector<16xf32>
        %max3A_1040 = arith.maximumf %add3A_897, %add3A_898 : vector<16xf32>
        %min3A_1041 = arith.minimumf %add3A_943, %add3A_944 : vector<16xf32>
        %max3A_1042 = arith.maximumf %add3A_943, %add3A_944 : vector<16xf32>
        %min3A_1043 = arith.minimumf %add3A_989, %add3A_990 : vector<16xf32>
        %max3A_1044 = arith.maximumf %add3A_989, %add3A_990 : vector<16xf32>
        %min3A_1045 = arith.minimumf %add3A_1035, %add3A_1036 : vector<16xf32>
        %max3A_1046 = arith.maximumf %add3A_1035, %add3A_1036 : vector<16xf32>
        %min3A_1047 = arith.minimumf %min3A_1039, %min3A_1041 : vector<16xf32>
        %max3A_1048 = arith.maximumf %min3A_1039, %min3A_1041 : vector<16xf32>
        %min3A_1049 = arith.minimumf %max3A_1040, %max3A_1042 : vector<16xf32>
        %max3A_1050 = arith.maximumf %max3A_1040, %max3A_1042 : vector<16xf32>
        %min3A_1051 = arith.minimumf %min3A_1043, %min3A_1045 : vector<16xf32>
        %max3A_1052 = arith.maximumf %min3A_1043, %min3A_1045 : vector<16xf32>
        %min3A_1053 = arith.minimumf %max3A_1044, %max3A_1046 : vector<16xf32>
        %max3A_1054 = arith.maximumf %max3A_1044, %max3A_1046 : vector<16xf32>
        %min3A_1055 = arith.minimumf %min3A_1049, %max3A_1048 : vector<16xf32>
        %max3A_1056 = arith.maximumf %min3A_1049, %max3A_1048 : vector<16xf32>
        %min3A_1057 = arith.minimumf %min3A_1053, %max3A_1052 : vector<16xf32>
        %max3A_1058 = arith.maximumf %min3A_1053, %max3A_1052 : vector<16xf32>
        %min3A_1059 = arith.minimumf %min3A_1047, %min3A_1051 : vector<16xf32>
        %max3A_1060 = arith.maximumf %min3A_1047, %min3A_1051 : vector<16xf32>
        %min3A_1061 = arith.minimumf %min3A_1055, %min3A_1057 : vector<16xf32>
        %max3A_1062 = arith.maximumf %min3A_1055, %min3A_1057 : vector<16xf32>
        %min3A_1063 = arith.minimumf %max3A_1056, %max3A_1058 : vector<16xf32>
        %max3A_1064 = arith.maximumf %max3A_1056, %max3A_1058 : vector<16xf32>
        %min3A_1065 = arith.minimumf %max3A_1050, %max3A_1054 : vector<16xf32>
        %max3A_1066 = arith.maximumf %max3A_1050, %max3A_1054 : vector<16xf32>
        %min3A_1067 = arith.minimumf %min3A_1063, %max3A_1060 : vector<16xf32>
        %max3A_1068 = arith.maximumf %min3A_1063, %max3A_1060 : vector<16xf32>
        %min3A_1069 = arith.minimumf %min3A_1065, %max3A_1062 : vector<16xf32>
        %max3A_1070 = arith.maximumf %min3A_1065, %max3A_1062 : vector<16xf32>
        %min3A_1071 = arith.minimumf %min3A_1061, %min3A_1067 : vector<16xf32>
        %max3A_1072 = arith.maximumf %min3A_1061, %min3A_1067 : vector<16xf32>
        %min3A_1073 = arith.minimumf %min3A_1069, %max3A_1068 : vector<16xf32>
        %max3A_1074 = arith.maximumf %min3A_1069, %max3A_1068 : vector<16xf32>
        %min3A_1075 = arith.minimumf %max3A_1070, %max3A_1064 : vector<16xf32>
        %max3A_1076 = arith.maximumf %max3A_1070, %max3A_1064 : vector<16xf32>
        %min3A_1077 = arith.minimumf %add3A_899, %add3A_900 : vector<16xf32>
        %max3A_1078 = arith.maximumf %add3A_899, %add3A_900 : vector<16xf32>
        %min3A_1079 = arith.minimumf %add3A_945, %add3A_946 : vector<16xf32>
        %max3A_1080 = arith.maximumf %add3A_945, %add3A_946 : vector<16xf32>
        %min3A_1081 = arith.minimumf %add3A_991, %add3A_992 : vector<16xf32>
        %max3A_1082 = arith.maximumf %add3A_991, %add3A_992 : vector<16xf32>
        %min3A_1083 = arith.minimumf %add3A_1037, %add3A_1038 : vector<16xf32>
        %max3A_1084 = arith.maximumf %add3A_1037, %add3A_1038 : vector<16xf32>
        %min3A_1085 = arith.minimumf %min3A_1077, %min3A_1079 : vector<16xf32>
        %max3A_1086 = arith.maximumf %min3A_1077, %min3A_1079 : vector<16xf32>
        %min3A_1087 = arith.minimumf %max3A_1078, %max3A_1080 : vector<16xf32>
        %max3A_1088 = arith.maximumf %max3A_1078, %max3A_1080 : vector<16xf32>
        %min3A_1089 = arith.minimumf %min3A_1081, %min3A_1083 : vector<16xf32>
        %max3A_1090 = arith.maximumf %min3A_1081, %min3A_1083 : vector<16xf32>
        %min3A_1091 = arith.minimumf %max3A_1082, %max3A_1084 : vector<16xf32>
        %max3A_1092 = arith.maximumf %max3A_1082, %max3A_1084 : vector<16xf32>
        %min3A_1093 = arith.minimumf %min3A_1087, %max3A_1086 : vector<16xf32>
        %max3A_1094 = arith.maximumf %min3A_1087, %max3A_1086 : vector<16xf32>
        %min3A_1095 = arith.minimumf %min3A_1091, %max3A_1090 : vector<16xf32>
        %max3A_1096 = arith.maximumf %min3A_1091, %max3A_1090 : vector<16xf32>
        %min3A_1097 = arith.minimumf %min3A_1085, %min3A_1089 : vector<16xf32>
        %max3A_1098 = arith.maximumf %min3A_1085, %min3A_1089 : vector<16xf32>
        %min3A_1099 = arith.minimumf %min3A_1093, %min3A_1095 : vector<16xf32>
        %max3A_1100 = arith.maximumf %min3A_1093, %min3A_1095 : vector<16xf32>
        %min3A_1101 = arith.minimumf %max3A_1094, %max3A_1096 : vector<16xf32>
        %max3A_1102 = arith.maximumf %max3A_1094, %max3A_1096 : vector<16xf32>
        %min3A_1103 = arith.minimumf %max3A_1088, %max3A_1092 : vector<16xf32>
        %max3A_1104 = arith.maximumf %max3A_1088, %max3A_1092 : vector<16xf32>
        %min3A_1105 = arith.minimumf %min3A_1101, %max3A_1098 : vector<16xf32>
        %max3A_1106 = arith.maximumf %min3A_1101, %max3A_1098 : vector<16xf32>
        %min3A_1107 = arith.minimumf %min3A_1103, %max3A_1100 : vector<16xf32>
        %max3A_1108 = arith.maximumf %min3A_1103, %max3A_1100 : vector<16xf32>
        %min3A_1109 = arith.minimumf %min3A_1099, %min3A_1105 : vector<16xf32>
        %max3A_1110 = arith.maximumf %min3A_1099, %min3A_1105 : vector<16xf32>
        %min3A_1111 = arith.minimumf %min3A_1107, %max3A_1106 : vector<16xf32>
        %max3A_1112 = arith.maximumf %min3A_1107, %max3A_1106 : vector<16xf32>
        %min3A_1113 = arith.minimumf %max3A_1108, %max3A_1102 : vector<16xf32>
        %max3A_1114 = arith.maximumf %max3A_1108, %max3A_1102 : vector<16xf32>
        %min3A_1115 = arith.minimumf %min3A_279, %max3A_546 : vector<16xf32>
        %min3A_1116 = arith.minimumf %min3A_291, %max3A_556 : vector<16xf32>
        %min3A_1117 = arith.minimumf %max3A_292, %min3A_555 : vector<16xf32>
        %min3A_1118 = arith.minimumf %min3A_293, %max3A_554 : vector<16xf32>
        %min3A_1119 = arith.minimumf %max3A_294, %min3A_553 : vector<16xf32>
        %min3A_1120 = arith.minimumf %min3A_295, %max3A_552 : vector<16xf32>
        %min3A_1121 = arith.minimumf %max3A_296, %min3A_551 : vector<16xf32>
        %min3A_1122 = arith.minimumf %max3A_286, %min3A_539 : vector<16xf32>
        %min3A_1123 = arith.minimumf %min3A_1115, %min3A_1119 : vector<16xf32>
        %max3A_1124 = arith.maximumf %min3A_1115, %min3A_1119 : vector<16xf32>
        %min3A_1125 = arith.minimumf %min3A_1116, %min3A_1120 : vector<16xf32>
        %max3A_1126 = arith.maximumf %min3A_1116, %min3A_1120 : vector<16xf32>
        %min3A_1127 = arith.minimumf %min3A_1117, %min3A_1121 : vector<16xf32>
        %max3A_1128 = arith.maximumf %min3A_1117, %min3A_1121 : vector<16xf32>
        %min3A_1129 = arith.minimumf %min3A_1118, %min3A_1122 : vector<16xf32>
        %max3A_1130 = arith.maximumf %min3A_1118, %min3A_1122 : vector<16xf32>
        %min3A_1131 = arith.minimumf %min3A_1123, %min3A_1127 : vector<16xf32>
        %max3A_1132 = arith.maximumf %min3A_1123, %min3A_1127 : vector<16xf32>
        %min3A_1133 = arith.minimumf %min3A_1125, %min3A_1129 : vector<16xf32>
        %max3A_1134 = arith.maximumf %min3A_1125, %min3A_1129 : vector<16xf32>
        %min3A_1135 = arith.minimumf %max3A_1124, %max3A_1128 : vector<16xf32>
        %max3A_1136 = arith.maximumf %max3A_1124, %max3A_1128 : vector<16xf32>
        %min3A_1137 = arith.minimumf %max3A_1126, %max3A_1130 : vector<16xf32>
        %max3A_1138 = arith.maximumf %max3A_1126, %max3A_1130 : vector<16xf32>
        %min3A_1139 = arith.minimumf %min3A_1131, %min3A_1133 : vector<16xf32>
        %max3A_1140 = arith.maximumf %min3A_1131, %min3A_1133 : vector<16xf32>
        %min3A_1141 = arith.minimumf %max3A_1132, %max3A_1134 : vector<16xf32>
        %max3A_1142 = arith.maximumf %max3A_1132, %max3A_1134 : vector<16xf32>
        %min3A_1143 = arith.minimumf %min3A_1135, %min3A_1137 : vector<16xf32>
        %max3A_1144 = arith.maximumf %min3A_1135, %min3A_1137 : vector<16xf32>
        %min3A_1145 = arith.minimumf %max3A_1136, %max3A_1138 : vector<16xf32>
        %max3A_1146 = arith.maximumf %max3A_1136, %max3A_1138 : vector<16xf32>
        %min3A_1147 = arith.minimumf %min3A_799, %max3A_1066 : vector<16xf32>
        %min3A_1148 = arith.minimumf %min3A_811, %max3A_1076 : vector<16xf32>
        %min3A_1149 = arith.minimumf %max3A_812, %min3A_1075 : vector<16xf32>
        %min3A_1150 = arith.minimumf %min3A_813, %max3A_1074 : vector<16xf32>
        %min3A_1151 = arith.minimumf %max3A_814, %min3A_1073 : vector<16xf32>
        %min3A_1152 = arith.minimumf %min3A_815, %max3A_1072 : vector<16xf32>
        %min3A_1153 = arith.minimumf %max3A_816, %min3A_1071 : vector<16xf32>
        %min3A_1154 = arith.minimumf %max3A_806, %min3A_1059 : vector<16xf32>
        %min3A_1155 = arith.minimumf %min3A_1147, %min3A_1151 : vector<16xf32>
        %max3A_1156 = arith.maximumf %min3A_1147, %min3A_1151 : vector<16xf32>
        %min3A_1157 = arith.minimumf %min3A_1148, %min3A_1152 : vector<16xf32>
        %max3A_1158 = arith.maximumf %min3A_1148, %min3A_1152 : vector<16xf32>
        %min3A_1159 = arith.minimumf %min3A_1149, %min3A_1153 : vector<16xf32>
        %max3A_1160 = arith.maximumf %min3A_1149, %min3A_1153 : vector<16xf32>
        %min3A_1161 = arith.minimumf %min3A_1150, %min3A_1154 : vector<16xf32>
        %max3A_1162 = arith.maximumf %min3A_1150, %min3A_1154 : vector<16xf32>
        %min3A_1163 = arith.minimumf %min3A_1155, %min3A_1159 : vector<16xf32>
        %max3A_1164 = arith.maximumf %min3A_1155, %min3A_1159 : vector<16xf32>
        %min3A_1165 = arith.minimumf %min3A_1157, %min3A_1161 : vector<16xf32>
        %max3A_1166 = arith.maximumf %min3A_1157, %min3A_1161 : vector<16xf32>
        %min3A_1167 = arith.minimumf %max3A_1156, %max3A_1160 : vector<16xf32>
        %max3A_1168 = arith.maximumf %max3A_1156, %max3A_1160 : vector<16xf32>
        %min3A_1169 = arith.minimumf %max3A_1158, %max3A_1162 : vector<16xf32>
        %max3A_1170 = arith.maximumf %max3A_1158, %max3A_1162 : vector<16xf32>
        %min3A_1171 = arith.minimumf %min3A_1163, %min3A_1165 : vector<16xf32>
        %max3A_1172 = arith.maximumf %min3A_1163, %min3A_1165 : vector<16xf32>
        %min3A_1173 = arith.minimumf %max3A_1164, %max3A_1166 : vector<16xf32>
        %max3A_1174 = arith.maximumf %max3A_1164, %max3A_1166 : vector<16xf32>
        %min3A_1175 = arith.minimumf %min3A_1167, %min3A_1169 : vector<16xf32>
        %max3A_1176 = arith.maximumf %min3A_1167, %min3A_1169 : vector<16xf32>
        %min3A_1177 = arith.minimumf %max3A_1168, %max3A_1170 : vector<16xf32>
        %max3A_1178 = arith.maximumf %max3A_1168, %max3A_1170 : vector<16xf32>
        %min3A_1179 = arith.minimumf %min3A_317, %max3A_584 : vector<16xf32>
        %min3A_1180 = arith.minimumf %min3A_329, %max3A_594 : vector<16xf32>
        %min3A_1181 = arith.minimumf %max3A_330, %min3A_593 : vector<16xf32>
        %min3A_1182 = arith.minimumf %min3A_331, %max3A_592 : vector<16xf32>
        %min3A_1183 = arith.minimumf %max3A_332, %min3A_591 : vector<16xf32>
        %min3A_1184 = arith.minimumf %min3A_333, %max3A_590 : vector<16xf32>
        %min3A_1185 = arith.minimumf %max3A_334, %min3A_589 : vector<16xf32>
        %min3A_1186 = arith.minimumf %max3A_324, %min3A_577 : vector<16xf32>
        %min3A_1187 = arith.minimumf %min3A_1179, %min3A_1183 : vector<16xf32>
        %max3A_1188 = arith.maximumf %min3A_1179, %min3A_1183 : vector<16xf32>
        %min3A_1189 = arith.minimumf %min3A_1180, %min3A_1184 : vector<16xf32>
        %max3A_1190 = arith.maximumf %min3A_1180, %min3A_1184 : vector<16xf32>
        %min3A_1191 = arith.minimumf %min3A_1181, %min3A_1185 : vector<16xf32>
        %max3A_1192 = arith.maximumf %min3A_1181, %min3A_1185 : vector<16xf32>
        %min3A_1193 = arith.minimumf %min3A_1182, %min3A_1186 : vector<16xf32>
        %max3A_1194 = arith.maximumf %min3A_1182, %min3A_1186 : vector<16xf32>
        %min3A_1195 = arith.minimumf %min3A_1187, %min3A_1191 : vector<16xf32>
        %max3A_1196 = arith.maximumf %min3A_1187, %min3A_1191 : vector<16xf32>
        %min3A_1197 = arith.minimumf %min3A_1189, %min3A_1193 : vector<16xf32>
        %max3A_1198 = arith.maximumf %min3A_1189, %min3A_1193 : vector<16xf32>
        %min3A_1199 = arith.minimumf %max3A_1188, %max3A_1192 : vector<16xf32>
        %max3A_1200 = arith.maximumf %max3A_1188, %max3A_1192 : vector<16xf32>
        %min3A_1201 = arith.minimumf %max3A_1190, %max3A_1194 : vector<16xf32>
        %max3A_1202 = arith.maximumf %max3A_1190, %max3A_1194 : vector<16xf32>
        %min3A_1203 = arith.minimumf %min3A_1195, %min3A_1197 : vector<16xf32>
        %max3A_1204 = arith.maximumf %min3A_1195, %min3A_1197 : vector<16xf32>
        %min3A_1205 = arith.minimumf %max3A_1196, %max3A_1198 : vector<16xf32>
        %max3A_1206 = arith.maximumf %max3A_1196, %max3A_1198 : vector<16xf32>
        %min3A_1207 = arith.minimumf %min3A_1199, %min3A_1201 : vector<16xf32>
        %max3A_1208 = arith.maximumf %min3A_1199, %min3A_1201 : vector<16xf32>
        %min3A_1209 = arith.minimumf %max3A_1200, %max3A_1202 : vector<16xf32>
        %max3A_1210 = arith.maximumf %max3A_1200, %max3A_1202 : vector<16xf32>
        %min3A_1211 = arith.minimumf %min3A_837, %max3A_1104 : vector<16xf32>
        %min3A_1212 = arith.minimumf %min3A_849, %max3A_1114 : vector<16xf32>
        %min3A_1213 = arith.minimumf %max3A_850, %min3A_1113 : vector<16xf32>
        %min3A_1214 = arith.minimumf %min3A_851, %max3A_1112 : vector<16xf32>
        %min3A_1215 = arith.minimumf %max3A_852, %min3A_1111 : vector<16xf32>
        %min3A_1216 = arith.minimumf %min3A_853, %max3A_1110 : vector<16xf32>
        %min3A_1217 = arith.minimumf %max3A_854, %min3A_1109 : vector<16xf32>
        %min3A_1218 = arith.minimumf %max3A_844, %min3A_1097 : vector<16xf32>
        %min3A_1219 = arith.minimumf %min3A_1211, %min3A_1215 : vector<16xf32>
        %max3A_1220 = arith.maximumf %min3A_1211, %min3A_1215 : vector<16xf32>
        %min3A_1221 = arith.minimumf %min3A_1212, %min3A_1216 : vector<16xf32>
        %max3A_1222 = arith.maximumf %min3A_1212, %min3A_1216 : vector<16xf32>
        %min3A_1223 = arith.minimumf %min3A_1213, %min3A_1217 : vector<16xf32>
        %max3A_1224 = arith.maximumf %min3A_1213, %min3A_1217 : vector<16xf32>
        %min3A_1225 = arith.minimumf %min3A_1214, %min3A_1218 : vector<16xf32>
        %max3A_1226 = arith.maximumf %min3A_1214, %min3A_1218 : vector<16xf32>
        %min3A_1227 = arith.minimumf %min3A_1219, %min3A_1223 : vector<16xf32>
        %max3A_1228 = arith.maximumf %min3A_1219, %min3A_1223 : vector<16xf32>
        %min3A_1229 = arith.minimumf %min3A_1221, %min3A_1225 : vector<16xf32>
        %max3A_1230 = arith.maximumf %min3A_1221, %min3A_1225 : vector<16xf32>
        %min3A_1231 = arith.minimumf %max3A_1220, %max3A_1224 : vector<16xf32>
        %max3A_1232 = arith.maximumf %max3A_1220, %max3A_1224 : vector<16xf32>
        %min3A_1233 = arith.minimumf %max3A_1222, %max3A_1226 : vector<16xf32>
        %max3A_1234 = arith.maximumf %max3A_1222, %max3A_1226 : vector<16xf32>
        %min3A_1235 = arith.minimumf %min3A_1227, %min3A_1229 : vector<16xf32>
        %max3A_1236 = arith.maximumf %min3A_1227, %min3A_1229 : vector<16xf32>
        %min3A_1237 = arith.minimumf %max3A_1228, %max3A_1230 : vector<16xf32>
        %max3A_1238 = arith.maximumf %max3A_1228, %max3A_1230 : vector<16xf32>
        %min3A_1239 = arith.minimumf %min3A_1231, %min3A_1233 : vector<16xf32>
        %max3A_1240 = arith.maximumf %min3A_1231, %min3A_1233 : vector<16xf32>
        %min3A_1241 = arith.minimumf %max3A_1232, %max3A_1234 : vector<16xf32>
        %max3A_1242 = arith.maximumf %max3A_1232, %max3A_1234 : vector<16xf32>
        %min3A_1243 = arith.minimumf %min3A_1139, %max3A_1178 : vector<16xf32>
        %min3A_1244 = arith.minimumf %max3A_1140, %min3A_1177 : vector<16xf32>
        %min3A_1245 = arith.minimumf %min3A_1141, %max3A_1176 : vector<16xf32>
        %min3A_1246 = arith.minimumf %max3A_1142, %min3A_1175 : vector<16xf32>
        %min3A_1247 = arith.minimumf %min3A_1143, %max3A_1174 : vector<16xf32>
        %min3A_1248 = arith.minimumf %max3A_1144, %min3A_1173 : vector<16xf32>
        %min3A_1249 = arith.minimumf %min3A_1145, %max3A_1172 : vector<16xf32>
        %min3A_1250 = arith.minimumf %max3A_1146, %min3A_1171 : vector<16xf32>
        %min3A_1251 = arith.minimumf %min3A_1243, %min3A_1247 : vector<16xf32>
        %max3A_1252 = arith.maximumf %min3A_1243, %min3A_1247 : vector<16xf32>
        %min3A_1253 = arith.minimumf %min3A_1244, %min3A_1248 : vector<16xf32>
        %max3A_1254 = arith.maximumf %min3A_1244, %min3A_1248 : vector<16xf32>
        %min3A_1255 = arith.minimumf %min3A_1245, %min3A_1249 : vector<16xf32>
        %max3A_1256 = arith.maximumf %min3A_1245, %min3A_1249 : vector<16xf32>
        %min3A_1257 = arith.minimumf %min3A_1246, %min3A_1250 : vector<16xf32>
        %max3A_1258 = arith.maximumf %min3A_1246, %min3A_1250 : vector<16xf32>
        %min3A_1259 = arith.minimumf %min3A_1251, %min3A_1255 : vector<16xf32>
        %max3A_1260 = arith.maximumf %min3A_1251, %min3A_1255 : vector<16xf32>
        %min3A_1261 = arith.minimumf %min3A_1253, %min3A_1257 : vector<16xf32>
        %max3A_1262 = arith.maximumf %min3A_1253, %min3A_1257 : vector<16xf32>
        %min3A_1263 = arith.minimumf %max3A_1252, %max3A_1256 : vector<16xf32>
        %max3A_1264 = arith.maximumf %max3A_1252, %max3A_1256 : vector<16xf32>
        %min3A_1265 = arith.minimumf %max3A_1254, %max3A_1258 : vector<16xf32>
        %max3A_1266 = arith.maximumf %max3A_1254, %max3A_1258 : vector<16xf32>
        %min3A_1267 = arith.minimumf %min3A_1259, %min3A_1261 : vector<16xf32>
        %max3A_1268 = arith.maximumf %min3A_1259, %min3A_1261 : vector<16xf32>
        %min3A_1269 = arith.minimumf %max3A_1260, %max3A_1262 : vector<16xf32>
        %max3A_1270 = arith.maximumf %max3A_1260, %max3A_1262 : vector<16xf32>
        %min3A_1271 = arith.minimumf %min3A_1263, %min3A_1265 : vector<16xf32>
        %max3A_1272 = arith.maximumf %min3A_1263, %min3A_1265 : vector<16xf32>
        %min3A_1273 = arith.minimumf %max3A_1264, %max3A_1266 : vector<16xf32>
        %max3A_1274 = arith.maximumf %max3A_1264, %max3A_1266 : vector<16xf32>
        %min3A_1275 = arith.minimumf %scan3A_55, %max3A_1274 : vector<16xf32>
        %min3A_1276 = arith.minimumf %scan3A_56, %min3A_1273 : vector<16xf32>
        %min3A_1277 = arith.minimumf %scan3A_57, %max3A_1272 : vector<16xf32>
        %min3A_1278 = arith.minimumf %scan3A_58, %min3A_1271 : vector<16xf32>
        %min3A_1279 = arith.minimumf %scan3A_59, %max3A_1270 : vector<16xf32>
        %min3A_1280 = arith.minimumf %scan3A_60, %min3A_1269 : vector<16xf32>
        %min3A_1281 = arith.minimumf %scan3A_61, %max3A_1268 : vector<16xf32>
        %min3A_1282 = arith.minimumf %scan3A_62, %min3A_1267 : vector<16xf32>
        %min3A_1283 = arith.minimumf %min3A_1275, %min3A_1279 : vector<16xf32>
        %max3A_1284 = arith.maximumf %min3A_1275, %min3A_1279 : vector<16xf32>
        %min3A_1285 = arith.minimumf %min3A_1276, %min3A_1280 : vector<16xf32>
        %max3A_1286 = arith.maximumf %min3A_1276, %min3A_1280 : vector<16xf32>
        %min3A_1287 = arith.minimumf %min3A_1277, %min3A_1281 : vector<16xf32>
        %max3A_1288 = arith.maximumf %min3A_1277, %min3A_1281 : vector<16xf32>
        %min3A_1289 = arith.minimumf %min3A_1278, %min3A_1282 : vector<16xf32>
        %max3A_1290 = arith.maximumf %min3A_1278, %min3A_1282 : vector<16xf32>
        %min3A_1291 = arith.minimumf %min3A_1283, %min3A_1287 : vector<16xf32>
        %max3A_1292 = arith.maximumf %min3A_1283, %min3A_1287 : vector<16xf32>
        %min3A_1293 = arith.minimumf %min3A_1285, %min3A_1289 : vector<16xf32>
        %max3A_1294 = arith.maximumf %min3A_1285, %min3A_1289 : vector<16xf32>
        %min3A_1295 = arith.minimumf %max3A_1284, %max3A_1288 : vector<16xf32>
        %max3A_1296 = arith.maximumf %max3A_1284, %max3A_1288 : vector<16xf32>
        %min3A_1297 = arith.minimumf %max3A_1286, %max3A_1290 : vector<16xf32>
        %max3A_1298 = arith.maximumf %max3A_1286, %max3A_1290 : vector<16xf32>
        %min3A_1299 = arith.minimumf %min3A_1291, %min3A_1293 : vector<16xf32>
        %max3A_1300 = arith.maximumf %min3A_1291, %min3A_1293 : vector<16xf32>
        %min3A_1301 = arith.minimumf %max3A_1292, %max3A_1294 : vector<16xf32>
        %max3A_1302 = arith.maximumf %max3A_1292, %max3A_1294 : vector<16xf32>
        %min3A_1303 = arith.minimumf %min3A_1295, %min3A_1297 : vector<16xf32>
        %max3A_1304 = arith.maximumf %min3A_1295, %min3A_1297 : vector<16xf32>
        %min3A_1305 = arith.minimumf %max3A_1296, %max3A_1298 : vector<16xf32>
        %max3A_1306 = arith.maximumf %max3A_1296, %max3A_1298 : vector<16xf32>
        %min3A_1307 = arith.minimumf %min3A_1203, %max3A_1242 : vector<16xf32>
        %min3A_1308 = arith.minimumf %max3A_1204, %min3A_1241 : vector<16xf32>
        %min3A_1309 = arith.minimumf %min3A_1205, %max3A_1240 : vector<16xf32>
        %min3A_1310 = arith.minimumf %max3A_1206, %min3A_1239 : vector<16xf32>
        %min3A_1311 = arith.minimumf %min3A_1207, %max3A_1238 : vector<16xf32>
        %min3A_1312 = arith.minimumf %max3A_1208, %min3A_1237 : vector<16xf32>
        %min3A_1313 = arith.minimumf %min3A_1209, %max3A_1236 : vector<16xf32>
        %min3A_1314 = arith.minimumf %max3A_1210, %min3A_1235 : vector<16xf32>
        %min3A_1315 = arith.minimumf %min3A_1307, %min3A_1311 : vector<16xf32>
        %max3A_1316 = arith.maximumf %min3A_1307, %min3A_1311 : vector<16xf32>
        %min3A_1317 = arith.minimumf %min3A_1308, %min3A_1312 : vector<16xf32>
        %max3A_1318 = arith.maximumf %min3A_1308, %min3A_1312 : vector<16xf32>
        %min3A_1319 = arith.minimumf %min3A_1309, %min3A_1313 : vector<16xf32>
        %max3A_1320 = arith.maximumf %min3A_1309, %min3A_1313 : vector<16xf32>
        %min3A_1321 = arith.minimumf %min3A_1310, %min3A_1314 : vector<16xf32>
        %max3A_1322 = arith.maximumf %min3A_1310, %min3A_1314 : vector<16xf32>
        %min3A_1323 = arith.minimumf %min3A_1315, %min3A_1319 : vector<16xf32>
        %max3A_1324 = arith.maximumf %min3A_1315, %min3A_1319 : vector<16xf32>
        %min3A_1325 = arith.minimumf %min3A_1317, %min3A_1321 : vector<16xf32>
        %max3A_1326 = arith.maximumf %min3A_1317, %min3A_1321 : vector<16xf32>
        %min3A_1327 = arith.minimumf %max3A_1316, %max3A_1320 : vector<16xf32>
        %max3A_1328 = arith.maximumf %max3A_1316, %max3A_1320 : vector<16xf32>
        %min3A_1329 = arith.minimumf %max3A_1318, %max3A_1322 : vector<16xf32>
        %max3A_1330 = arith.maximumf %max3A_1318, %max3A_1322 : vector<16xf32>
        %min3A_1331 = arith.minimumf %min3A_1323, %min3A_1325 : vector<16xf32>
        %max3A_1332 = arith.maximumf %min3A_1323, %min3A_1325 : vector<16xf32>
        %min3A_1333 = arith.minimumf %max3A_1324, %max3A_1326 : vector<16xf32>
        %max3A_1334 = arith.maximumf %max3A_1324, %max3A_1326 : vector<16xf32>
        %min3A_1335 = arith.minimumf %min3A_1327, %min3A_1329 : vector<16xf32>
        %max3A_1336 = arith.maximumf %min3A_1327, %min3A_1329 : vector<16xf32>
        %min3A_1337 = arith.minimumf %max3A_1328, %max3A_1330 : vector<16xf32>
        %max3A_1338 = arith.maximumf %max3A_1328, %max3A_1330 : vector<16xf32>
        %min3A_1339 = arith.minimumf %scan3A_63, %max3A_1338 : vector<16xf32>
        %min3A_1340 = arith.minimumf %scan3A_64, %min3A_1337 : vector<16xf32>
        %min3A_1341 = arith.minimumf %scan3A_65, %max3A_1336 : vector<16xf32>
        %min3A_1342 = arith.minimumf %scan3A_66, %min3A_1335 : vector<16xf32>
        %min3A_1343 = arith.minimumf %scan3A_67, %max3A_1334 : vector<16xf32>
        %min3A_1344 = arith.minimumf %scan3A_68, %min3A_1333 : vector<16xf32>
        %min3A_1345 = arith.minimumf %scan3A_69, %max3A_1332 : vector<16xf32>
        %min3A_1346 = arith.minimumf %scan3A_70, %min3A_1331 : vector<16xf32>
        %min3A_1347 = arith.minimumf %min3A_1339, %min3A_1343 : vector<16xf32>
        %max3A_1348 = arith.maximumf %min3A_1339, %min3A_1343 : vector<16xf32>
        %min3A_1349 = arith.minimumf %min3A_1340, %min3A_1344 : vector<16xf32>
        %max3A_1350 = arith.maximumf %min3A_1340, %min3A_1344 : vector<16xf32>
        %min3A_1351 = arith.minimumf %min3A_1341, %min3A_1345 : vector<16xf32>
        %max3A_1352 = arith.maximumf %min3A_1341, %min3A_1345 : vector<16xf32>
        %min3A_1353 = arith.minimumf %min3A_1342, %min3A_1346 : vector<16xf32>
        %max3A_1354 = arith.maximumf %min3A_1342, %min3A_1346 : vector<16xf32>
        %min3A_1355 = arith.minimumf %min3A_1347, %min3A_1351 : vector<16xf32>
        %max3A_1356 = arith.maximumf %min3A_1347, %min3A_1351 : vector<16xf32>
        %min3A_1357 = arith.minimumf %min3A_1349, %min3A_1353 : vector<16xf32>
        %max3A_1358 = arith.maximumf %min3A_1349, %min3A_1353 : vector<16xf32>
        %min3A_1359 = arith.minimumf %max3A_1348, %max3A_1352 : vector<16xf32>
        %max3A_1360 = arith.maximumf %max3A_1348, %max3A_1352 : vector<16xf32>
        %min3A_1361 = arith.minimumf %max3A_1350, %max3A_1354 : vector<16xf32>
        %max3A_1362 = arith.maximumf %max3A_1350, %max3A_1354 : vector<16xf32>
        %min3A_1363 = arith.minimumf %min3A_1355, %min3A_1357 : vector<16xf32>
        %max3A_1364 = arith.maximumf %min3A_1355, %min3A_1357 : vector<16xf32>
        %min3A_1365 = arith.minimumf %max3A_1356, %max3A_1358 : vector<16xf32>
        %max3A_1366 = arith.maximumf %max3A_1356, %max3A_1358 : vector<16xf32>
        %min3A_1367 = arith.minimumf %min3A_1359, %min3A_1361 : vector<16xf32>
        %max3A_1368 = arith.maximumf %min3A_1359, %min3A_1361 : vector<16xf32>
        %min3A_1369 = arith.minimumf %max3A_1360, %max3A_1362 : vector<16xf32>
        %max3A_1370 = arith.maximumf %max3A_1360, %max3A_1362 : vector<16xf32>
        scf.yield %min3A_1299, %max3A_1300, %min3A_1301, %max3A_1302, %min3A_1303, %max3A_1304, %min3A_1305, %max3A_1306, %min3A_1363, %max3A_1364, %min3A_1365, %max3A_1366, %min3A_1367, %max3A_1368, %min3A_1369, %max3A_1370 : vector<16xf32>, vector<16xf32>, vector<16xf32>, vector<16xf32>, vector<16xf32>, vector<16xf32>, vector<16xf32>, vector<16xf32>, vector<16xf32>, vector<16xf32>, vector<16xf32>, vector<16xf32>, vector<16xf32>, vector<16xf32>, vector<16xf32>, vector<16xf32>
      }
      %scan3A_31 = arith.constant 32 : i32
      %add3A_32 = arith.addf %scan3A_30#0, %scan3A_30#1 : vector<16xf32>
      %add3A_33 = arith.addf %add3A_32, %scan3A_30#2 : vector<16xf32>
      %add3A_34 = arith.addf %add3A_33, %scan3A_30#3 : vector<16xf32>
      %add3A_35 = arith.addf %add3A_34, %scan3A_30#4 : vector<16xf32>
      %add3A_36 = arith.addf %add3A_35, %scan3A_30#5 : vector<16xf32>
      %add3A_37 = arith.addf %add3A_36, %scan3A_30#6 : vector<16xf32>
      %add3A_38 = arith.addf %add3A_37, %scan3A_30#7 : vector<16xf32>
      %add3A_39 = arith.addf %scan3A_30#8, %scan3A_30#9 : vector<16xf32>
      %add3A_40 = arith.addf %add3A_39, %scan3A_30#10 : vector<16xf32>
      %add3A_41 = arith.addf %add3A_40, %scan3A_30#11 : vector<16xf32>
      %add3A_42 = arith.addf %add3A_41, %scan3A_30#12 : vector<16xf32>
      %add3A_43 = arith.addf %add3A_42, %scan3A_30#13 : vector<16xf32>
      %add3A_44 = arith.addf %add3A_43, %scan3A_30#14 : vector<16xf32>
      %add3A_45 = arith.addf %add3A_44, %scan3A_30#15 : vector<16xf32>
      %sub3A = arith.subf %add3A_38, %add3A_45 : vector<16xf32>
      %mul3A_46 = arith.constant 1.250000e-01 : f32
      %mul3A_47 = vector.broadcast %mul3A_46 : f32 to vector<16xf32>
      %mul3A_48 = arith.mulf %sub3A, %mul3A_47 : vector<16xf32>
      %mul3A_49 = arith.constant 16 : i32
      %mul3A_50 = arith.muli %scan3A_17, %mul3A_49 : i32
      %swap3A = arith.index_cast %mul3A_50 : i32 to index
      %swap3A_51 = tpu.vector_load %arg7[%swap3A] {strides = array<i32>} : memref<1152xf32, #tpu.memory_space<vmem>>, vector<16xf32>,
      %swap3A_52 = vector.shape_cast %swap3A_51 : vector<16xf32> to vector<16xf32>
      %swap3A_53 = vector.shape_cast %mul3A_48 : vector<16xf32> to vector<16xf32>
      tpu.vector_store %arg7[%swap3A], %swap3A_53 {strides = array<i32>} : memref<1152xf32, #tpu.memory_space<vmem>>, vector<16xf32>,
    }
    %scan3A_14 = arith.constant 72 : i32
    %mul3A_15 = arith.constant 1152 : i32
    %mul3A_16 = arith.muli %add3A, %mul3A_15 : i32
    "tpu.region"() ({
      %run_scoped3A = tpu.sem_alloc : memref<!tpu.dma_semaphore, #tpu.memory_space<semaphore_mem>>
      %dma_start3A = tpu.memref_slice %arg4[%mul3A_16] : memref<36864xf32, #tpu.memory_space<hbm>> -> memref<1152xf32, #tpu.memory_space<hbm>>
      %dma_start3A_17 = tpu.memref_slice %arg4[%mul3A_16] : memref<36864xf32, #tpu.memory_space<hbm>> -> memref<1152xf32, #tpu.memory_space<hbm>>
      tpu.enqueue_dma source(%arg7 : memref<1152xf32, #tpu.memory_space<vmem>>) target(%dma_start3A_17 : memref<1152xf32, #tpu.memory_space<hbm>>) target_semaphore(%run_scoped3A : memref<!tpu.dma_semaphore, #tpu.memory_space<semaphore_mem>>)
      %dma_wait3A = tpu.memref_slice %arg4[%mul3A_16] : memref<36864xf32, #tpu.memory_space<hbm>> -> memref<1152xf32, #tpu.memory_space<hbm>>
      %dma_wait3A_18 = tpu.memref_slice %arg4[%mul3A_16] : memref<36864xf32, #tpu.memory_space<hbm>> -> memref<1152xf32, #tpu.memory_space<hbm>>
      tpu.wait_dma2 semaphore(%run_scoped3A : memref<!tpu.dma_semaphore, #tpu.memory_space<semaphore_mem>>) src(%arg7 : memref<1152xf32, #tpu.memory_space<vmem>>) dst(%dma_wait3A_18 : memref<1152xf32, #tpu.memory_space<hbm>>)
      tpu.yield
    }) : () -> ()
    return
  }
}

module attributes {stable_mosaic.version = 14 : i64} {
  func.func @_tc_body(%arg0: i32, %arg1: i32, %arg2: memref<8x512xf32, #tpu.memory_space<vmem>>, %arg3: memref<512x128xf32, #tpu.memory_space<vmem>>, %arg4: memref<8x128xf32, #tpu.memory_space<vmem>>, %arg5: memref<512x128xf32, #tpu.memory_space<vmem>>, %arg6: memref<512x128xf32, #tpu.memory_space<vmem>>, %arg7: memref<512x8x128xf32, #tpu.memory_space<vmem>>, %arg8: memref<512x8x128xf32, #tpu.memory_space<vmem>>) attributes {dimension_semantics = [#tpu.dimension_semantics<arbitrary>, #tpu.dimension_semantics<arbitrary>], iteration_bounds = array<i64: 7, 4>, scalar_prefetch = 0 : i64, scratch_operands = 4 : i64, tpu.core_type = #tpu.core_type<tc>, window_params = [{transform_indices = @transform_0, window_bounds = array<i64: 8, 512>}, {transform_indices = @transform_1, window_bounds = array<i64: 512, 128>}, {transform_indices = @transform_2, window_bounds = array<i64: 8, 128>}]} {
    %eq3A = arith.constant 0 : i32
    %eq3A_0 = arith.cmpi eq, %arg1, %eq3A : i32
    %convert_element_type3A = arith.extui %eq3A_0 : i1 to i32
    %cond3A = arith.constant 0 : i32
    %cond3A_1 = arith.cmpi ne, %convert_element_type3A, %cond3A : i32
    scf.if %cond3A_1 {
      %get3A_36 = arith.constant 0 : index
      %get3A_37 = arith.constant 0 : index
      %get3A_38 = vector.load %arg2[%get3A_36, %get3A_37] : memref<8x512xf32, #tpu.memory_space<vmem>>, vector<8x512xf32>
      %add3A_39 = arith.constant 4.000000e+00 : f32
      %add3A_40 = vector.broadcast %add3A_39 : f32 to vector<8x512xf32>
      %add3A_41 = arith.addf %get3A_38, %add3A_40 : vector<8x512xf32>
      %max3A_42 = arith.constant 0.000000e+00 : f32
      %max3A_43 = vector.broadcast %max3A_42 : f32 to vector<8x512xf32>
      %max3A_44 = arith.maximumf %add3A_41, %max3A_43 : vector<8x512xf32>
      %sub3A_45 = arith.constant 4.000000e+00 : f32
      %sub3A_46 = vector.broadcast %sub3A_45 : f32 to vector<8x512xf32>
      %sub3A_47 = arith.subf %sub3A_46, %get3A_38 : vector<8x512xf32>
      %max3A_48 = arith.constant 0.000000e+00 : f32
      %max3A_49 = vector.broadcast %max3A_48 : f32 to vector<8x512xf32>
      %max3A_50 = arith.maximumf %sub3A_47, %max3A_49 : vector<8x512xf32>
      %iota3A = tpu.iota {dimensions = array<i32: 1>} : vector<8x512xi32>
      %scan3A_51 = arith.constant 0 : i32
      %scan3A_52 = arith.constant 512 : i32
      %scan3A_53 = arith.addi %scan3A_51, %scan3A_52 : i32
      %scan3A_54 = arith.constant 1 : i32
      scf.for %scan3A_56 = %scan3A_51 to %scan3A_53 step %scan3A_54  : i32 {
        %eq3A_57 = vector.broadcast %scan3A_56 : i32 to vector<8x512xi32>
        %eq3A_58 = arith.cmpi eq, %iota3A, %eq3A_57 : vector<8x512xi32>
        %jit3A = arith.constant 0xFF800000 : f32
        %broadcast_in_dim3A_59 = vector.broadcast %jit3A : f32 to vector<8x512xf32>
        %select_n3A = arith.select %eq3A_58, %max3A_44, %broadcast_in_dim3A_59 : vector<8x512xi1>, vector<8x512xf32>
        %reduce_max3A = arith.constant dense<0xFF800000> : vector<8xf32>
        %reduce_max3A_60 = vector.multi_reduction <maximumf>, %select_n3A, %reduce_max3A [1] : vector<8x512xf32> to vector<8xf32>
        %broadcast_in_dim3A_61 = vector.shape_cast %reduce_max3A_60 : vector<8xf32> to vector<8x1xf32>
        %eq3A_62 = vector.broadcast %scan3A_56 : i32 to vector<8x512xi32>
        %eq3A_63 = arith.cmpi eq, %iota3A, %eq3A_62 : vector<8x512xi32>
        %jit3A_64 = arith.constant 0xFF800000 : f32
        %broadcast_in_dim3A_65 = vector.broadcast %jit3A_64 : f32 to vector<8x512xf32>
        %select_n3A_66 = arith.select %eq3A_63, %max3A_50, %broadcast_in_dim3A_65 : vector<8x512xi1>, vector<8x512xf32>
        %reduce_max3A_67 = arith.constant dense<0xFF800000> : vector<8xf32>
        %reduce_max3A_68 = vector.multi_reduction <maximumf>, %select_n3A_66, %reduce_max3A_67 [1] : vector<8x512xf32> to vector<8xf32>
        %broadcast_in_dim3A_69 = vector.shape_cast %reduce_max3A_68 : vector<8xf32> to vector<8x1xf32>
        %broadcast_in_dim3A_70 = vector.shape_cast %broadcast_in_dim3A_61 : vector<8x1xf32> to vector<8x1xf32>
        %broadcast_in_dim3A_71 = vector.broadcast %broadcast_in_dim3A_70 : vector<8x1xf32> to vector<8x128xf32>
        %swap3A_72 = arith.index_cast %scan3A_56 : i32 to index
        %swap3A_73 = arith.constant 0 : index
        %swap3A_74 = arith.constant 0 : index
        %swap3A_75 = vector.load %arg7[%swap3A_72, %swap3A_73, %swap3A_74] : memref<512x8x128xf32, #tpu.memory_space<vmem>>, vector<1x8x128xf32>
        %swap3A_76 = vector.shape_cast %swap3A_75 : vector<1x8x128xf32> to vector<8x128xf32>
        %swap3A_77 = vector.shape_cast %broadcast_in_dim3A_71 : vector<8x128xf32> to vector<1x8x128xf32>
        tpu.vector_store %arg7[%swap3A_72, %swap3A_73, %swap3A_74], %swap3A_77 {strides = array<i32>} : memref<512x8x128xf32, #tpu.memory_space<vmem>>, vector<1x8x128xf32>,
        %broadcast_in_dim3A_78 = vector.shape_cast %broadcast_in_dim3A_69 : vector<8x1xf32> to vector<8x1xf32>
        %broadcast_in_dim3A_79 = vector.broadcast %broadcast_in_dim3A_78 : vector<8x1xf32> to vector<8x128xf32>
        %swap3A_80 = arith.index_cast %scan3A_56 : i32 to index
        %swap3A_81 = arith.constant 0 : index
        %swap3A_82 = arith.constant 0 : index
        %swap3A_83 = vector.load %arg8[%swap3A_80, %swap3A_81, %swap3A_82] : memref<512x8x128xf32, #tpu.memory_space<vmem>>, vector<1x8x128xf32>
        %swap3A_84 = vector.shape_cast %swap3A_83 : vector<1x8x128xf32> to vector<8x128xf32>
        %swap3A_85 = vector.shape_cast %broadcast_in_dim3A_79 : vector<8x128xf32> to vector<1x8x128xf32>
        tpu.vector_store %arg8[%swap3A_80, %swap3A_81, %swap3A_82], %swap3A_85 {strides = array<i32>} : memref<512x8x128xf32, #tpu.memory_space<vmem>>, vector<1x8x128xf32>,
      }
      %scan3A_55 = arith.constant 512 : i32
    } else {
    }
    %get3A = arith.constant 0 : index
    %get3A_2 = arith.constant 0 : index
    %get3A_3 = vector.load %arg3[%get3A, %get3A_2] : memref<512x128xf32, #tpu.memory_space<vmem>>, vector<512x128xf32>
    %max3A = arith.constant 0.000000e+00 : f32
    %max3A_4 = vector.broadcast %max3A : f32 to vector<512x128xf32>
    %max3A_5 = arith.maximumf %get3A_3, %max3A_4 : vector<512x128xf32>
    %swap3A = arith.constant 0 : index
    %swap3A_6 = arith.constant 0 : index
    %swap3A_7 = vector.load %arg5[%swap3A, %swap3A_6] : memref<512x128xf32, #tpu.memory_space<vmem>>, vector<512x128xf32>
    tpu.vector_store %arg5[%swap3A, %swap3A_6], %max3A_5 {strides = array<i32>} : memref<512x128xf32, #tpu.memory_space<vmem>>, vector<512x128xf32>,
    %sub3A = arith.subf %max3A_5, %get3A_3 : vector<512x128xf32>
    %swap3A_8 = arith.constant 0 : index
    %swap3A_9 = arith.constant 0 : index
    %swap3A_10 = vector.load %arg6[%swap3A_8, %swap3A_9] : memref<512x128xf32, #tpu.memory_space<vmem>>, vector<512x128xf32>
    tpu.vector_store %arg6[%swap3A_8, %swap3A_9], %sub3A {strides = array<i32>} : memref<512x128xf32, #tpu.memory_space<vmem>>, vector<512x128xf32>,
    %broadcast_in_dim3A = arith.constant 0x7F800000 : f32
    %broadcast_in_dim3A_11 = vector.broadcast %broadcast_in_dim3A : f32 to vector<8x128xf32>
    %scan3A = arith.constant 0 : i32
    %scan3A_12 = arith.constant 16 : i32
    %scan3A_13 = arith.addi %scan3A, %scan3A_12 : i32
    %scan3A_14 = arith.constant 1 : i32
    %scan3A_15:16 = scf.for %scan3A_36 = %scan3A to %scan3A_13 step %scan3A_14 iter_args(%scan3A_37 = %broadcast_in_dim3A_11, %scan3A_38 = %broadcast_in_dim3A_11, %scan3A_39 = %broadcast_in_dim3A_11, %scan3A_40 = %broadcast_in_dim3A_11, %scan3A_41 = %broadcast_in_dim3A_11, %scan3A_42 = %broadcast_in_dim3A_11, %scan3A_43 = %broadcast_in_dim3A_11, %scan3A_44 = %broadcast_in_dim3A_11, %scan3A_45 = %broadcast_in_dim3A_11, %scan3A_46 = %broadcast_in_dim3A_11, %scan3A_47 = %broadcast_in_dim3A_11, %scan3A_48 = %broadcast_in_dim3A_11, %scan3A_49 = %broadcast_in_dim3A_11, %scan3A_50 = %broadcast_in_dim3A_11, %scan3A_51 = %broadcast_in_dim3A_11, %scan3A_52 = %broadcast_in_dim3A_11) -> (vector<8x128xf32>, vector<8x128xf32>, vector<8x128xf32>, vector<8x128xf32>, vector<8x128xf32>, vector<8x128xf32>, vector<8x128xf32>, vector<8x128xf32>, vector<8x128xf32>, vector<8x128xf32>, vector<8x128xf32>, vector<8x128xf32>, vector<8x128xf32>, vector<8x128xf32>, vector<8x128xf32>, vector<8x128xf32>)  : i32 {
      %mul3A_53 = arith.constant 2 : i32
      %mul3A_54 = arith.muli %mul3A_53, %scan3A_36 : i32
      %mul3A_55 = arith.constant 16 : i32
      %mul3A_56 = arith.muli %mul3A_54, %mul3A_55 : i32
      %add3A_57 = arith.constant 0 : i32
      %add3A_58 = arith.addi %mul3A_56, %add3A_57 : i32
      %get3A_59 = arith.index_cast %add3A_58 : i32 to index
      %get3A_60 = arith.constant 0 : index
      %get3A_61 = arith.constant 0 : index
      %get3A_62 = vector.load %arg7[%get3A_59, %get3A_60, %get3A_61] : memref<512x8x128xf32, #tpu.memory_space<vmem>>, vector<1x8x128xf32>
      %get3A_63 = vector.shape_cast %get3A_62 : vector<1x8x128xf32> to vector<8x128xf32>
      %get3A_64 = arith.index_cast %add3A_58 : i32 to index
      %get3A_65 = arith.constant 0 : index
      %get3A_66 = arith.constant 0 : index
      %get3A_67 = vector.load %arg8[%get3A_64, %get3A_65, %get3A_66] : memref<512x8x128xf32, #tpu.memory_space<vmem>>, vector<1x8x128xf32>
      %get3A_68 = vector.shape_cast %get3A_67 : vector<1x8x128xf32> to vector<8x128xf32>
      %get3A_69 = arith.index_cast %add3A_58 : i32 to index
      %get3A_70 = arith.constant 0 : index
      %get3A_71 = vector.load %arg5[%get3A_69, %get3A_70] : memref<512x128xf32, #tpu.memory_space<vmem>>, vector<1x128xf32>
      %broadcast_in_dim3A_72 = vector.shape_cast %get3A_71 : vector<1x128xf32> to vector<1x128xf32>
      %broadcast_in_dim3A_73 = vector.broadcast %broadcast_in_dim3A_72 : vector<1x128xf32> to vector<8x128xf32>
      %get3A_74 = arith.index_cast %add3A_58 : i32 to index
      %get3A_75 = arith.constant 0 : index
      %get3A_76 = vector.load %arg6[%get3A_74, %get3A_75] : memref<512x128xf32, #tpu.memory_space<vmem>>, vector<1x128xf32>
      %broadcast_in_dim3A_77 = vector.shape_cast %get3A_76 : vector<1x128xf32> to vector<1x128xf32>
      %broadcast_in_dim3A_78 = vector.broadcast %broadcast_in_dim3A_77 : vector<1x128xf32> to vector<8x128xf32>
      %add3A_79 = arith.addf %get3A_63, %broadcast_in_dim3A_73 : vector<8x128xf32>
      %add3A_80 = arith.addf %get3A_68, %broadcast_in_dim3A_78 : vector<8x128xf32>
      %add3A_81 = arith.addf %get3A_63, %broadcast_in_dim3A_78 : vector<8x128xf32>
      %add3A_82 = arith.addf %get3A_68, %broadcast_in_dim3A_73 : vector<8x128xf32>
      %mul3A_83 = arith.constant 16 : i32
      %mul3A_84 = arith.muli %mul3A_54, %mul3A_83 : i32
      %add3A_85 = arith.constant 1 : i32
      %add3A_86 = arith.addi %mul3A_84, %add3A_85 : i32
      %get3A_87 = arith.index_cast %add3A_86 : i32 to index
      %get3A_88 = arith.constant 0 : index
      %get3A_89 = arith.constant 0 : index
      %get3A_90 = vector.load %arg7[%get3A_87, %get3A_88, %get3A_89] : memref<512x8x128xf32, #tpu.memory_space<vmem>>, vector<1x8x128xf32>
      %get3A_91 = vector.shape_cast %get3A_90 : vector<1x8x128xf32> to vector<8x128xf32>
      %get3A_92 = arith.index_cast %add3A_86 : i32 to index
      %get3A_93 = arith.constant 0 : index
      %get3A_94 = arith.constant 0 : index
      %get3A_95 = vector.load %arg8[%get3A_92, %get3A_93, %get3A_94] : memref<512x8x128xf32, #tpu.memory_space<vmem>>, vector<1x8x128xf32>
      %get3A_96 = vector.shape_cast %get3A_95 : vector<1x8x128xf32> to vector<8x128xf32>
      %get3A_97 = arith.index_cast %add3A_86 : i32 to index
      %get3A_98 = arith.constant 0 : index
      %get3A_99 = vector.load %arg5[%get3A_97, %get3A_98] : memref<512x128xf32, #tpu.memory_space<vmem>>, vector<1x128xf32>
      %broadcast_in_dim3A_100 = vector.shape_cast %get3A_99 : vector<1x128xf32> to vector<1x128xf32>
      %broadcast_in_dim3A_101 = vector.broadcast %broadcast_in_dim3A_100 : vector<1x128xf32> to vector<8x128xf32>
      %get3A_102 = arith.index_cast %add3A_86 : i32 to index
      %get3A_103 = arith.constant 0 : index
      %get3A_104 = vector.load %arg6[%get3A_102, %get3A_103] : memref<512x128xf32, #tpu.memory_space<vmem>>, vector<1x128xf32>
      %broadcast_in_dim3A_105 = vector.shape_cast %get3A_104 : vector<1x128xf32> to vector<1x128xf32>
      %broadcast_in_dim3A_106 = vector.broadcast %broadcast_in_dim3A_105 : vector<1x128xf32> to vector<8x128xf32>
      %add3A_107 = arith.addf %get3A_91, %broadcast_in_dim3A_101 : vector<8x128xf32>
      %add3A_108 = arith.addf %get3A_96, %broadcast_in_dim3A_106 : vector<8x128xf32>
      %add3A_109 = arith.addf %get3A_91, %broadcast_in_dim3A_106 : vector<8x128xf32>
      %add3A_110 = arith.addf %get3A_96, %broadcast_in_dim3A_101 : vector<8x128xf32>
      %mul3A_111 = arith.constant 16 : i32
      %mul3A_112 = arith.muli %mul3A_54, %mul3A_111 : i32
      %add3A_113 = arith.constant 2 : i32
      %add3A_114 = arith.addi %mul3A_112, %add3A_113 : i32
      %get3A_115 = arith.index_cast %add3A_114 : i32 to index
      %get3A_116 = arith.constant 0 : index
      %get3A_117 = arith.constant 0 : index
      %get3A_118 = vector.load %arg7[%get3A_115, %get3A_116, %get3A_117] : memref<512x8x128xf32, #tpu.memory_space<vmem>>, vector<1x8x128xf32>
      %get3A_119 = vector.shape_cast %get3A_118 : vector<1x8x128xf32> to vector<8x128xf32>
      %get3A_120 = arith.index_cast %add3A_114 : i32 to index
      %get3A_121 = arith.constant 0 : index
      %get3A_122 = arith.constant 0 : index
      %get3A_123 = vector.load %arg8[%get3A_120, %get3A_121, %get3A_122] : memref<512x8x128xf32, #tpu.memory_space<vmem>>, vector<1x8x128xf32>
      %get3A_124 = vector.shape_cast %get3A_123 : vector<1x8x128xf32> to vector<8x128xf32>
      %get3A_125 = arith.index_cast %add3A_114 : i32 to index
      %get3A_126 = arith.constant 0 : index
      %get3A_127 = vector.load %arg5[%get3A_125, %get3A_126] : memref<512x128xf32, #tpu.memory_space<vmem>>, vector<1x128xf32>
      %broadcast_in_dim3A_128 = vector.shape_cast %get3A_127 : vector<1x128xf32> to vector<1x128xf32>
      %broadcast_in_dim3A_129 = vector.broadcast %broadcast_in_dim3A_128 : vector<1x128xf32> to vector<8x128xf32>
      %get3A_130 = arith.index_cast %add3A_114 : i32 to index
      %get3A_131 = arith.constant 0 : index
      %get3A_132 = vector.load %arg6[%get3A_130, %get3A_131] : memref<512x128xf32, #tpu.memory_space<vmem>>, vector<1x128xf32>
      %broadcast_in_dim3A_133 = vector.shape_cast %get3A_132 : vector<1x128xf32> to vector<1x128xf32>
      %broadcast_in_dim3A_134 = vector.broadcast %broadcast_in_dim3A_133 : vector<1x128xf32> to vector<8x128xf32>
      %add3A_135 = arith.addf %get3A_119, %broadcast_in_dim3A_129 : vector<8x128xf32>
      %add3A_136 = arith.addf %get3A_124, %broadcast_in_dim3A_134 : vector<8x128xf32>
      %add3A_137 = arith.addf %get3A_119, %broadcast_in_dim3A_134 : vector<8x128xf32>
      %add3A_138 = arith.addf %get3A_124, %broadcast_in_dim3A_129 : vector<8x128xf32>
      %mul3A_139 = arith.constant 16 : i32
      %mul3A_140 = arith.muli %mul3A_54, %mul3A_139 : i32
      %add3A_141 = arith.constant 3 : i32
      %add3A_142 = arith.addi %mul3A_140, %add3A_141 : i32
      %get3A_143 = arith.index_cast %add3A_142 : i32 to index
      %get3A_144 = arith.constant 0 : index
      %get3A_145 = arith.constant 0 : index
      %get3A_146 = vector.load %arg7[%get3A_143, %get3A_144, %get3A_145] : memref<512x8x128xf32, #tpu.memory_space<vmem>>, vector<1x8x128xf32>
      %get3A_147 = vector.shape_cast %get3A_146 : vector<1x8x128xf32> to vector<8x128xf32>
      %get3A_148 = arith.index_cast %add3A_142 : i32 to index
      %get3A_149 = arith.constant 0 : index
      %get3A_150 = arith.constant 0 : index
      %get3A_151 = vector.load %arg8[%get3A_148, %get3A_149, %get3A_150] : memref<512x8x128xf32, #tpu.memory_space<vmem>>, vector<1x8x128xf32>
      %get3A_152 = vector.shape_cast %get3A_151 : vector<1x8x128xf32> to vector<8x128xf32>
      %get3A_153 = arith.index_cast %add3A_142 : i32 to index
      %get3A_154 = arith.constant 0 : index
      %get3A_155 = vector.load %arg5[%get3A_153, %get3A_154] : memref<512x128xf32, #tpu.memory_space<vmem>>, vector<1x128xf32>
      %broadcast_in_dim3A_156 = vector.shape_cast %get3A_155 : vector<1x128xf32> to vector<1x128xf32>
      %broadcast_in_dim3A_157 = vector.broadcast %broadcast_in_dim3A_156 : vector<1x128xf32> to vector<8x128xf32>
      %get3A_158 = arith.index_cast %add3A_142 : i32 to index
      %get3A_159 = arith.constant 0 : index
      %get3A_160 = vector.load %arg6[%get3A_158, %get3A_159] : memref<512x128xf32, #tpu.memory_space<vmem>>, vector<1x128xf32>
      %broadcast_in_dim3A_161 = vector.shape_cast %get3A_160 : vector<1x128xf32> to vector<1x128xf32>
      %broadcast_in_dim3A_162 = vector.broadcast %broadcast_in_dim3A_161 : vector<1x128xf32> to vector<8x128xf32>
      %add3A_163 = arith.addf %get3A_147, %broadcast_in_dim3A_157 : vector<8x128xf32>
      %add3A_164 = arith.addf %get3A_152, %broadcast_in_dim3A_162 : vector<8x128xf32>
      %add3A_165 = arith.addf %get3A_147, %broadcast_in_dim3A_162 : vector<8x128xf32>
      %add3A_166 = arith.addf %get3A_152, %broadcast_in_dim3A_157 : vector<8x128xf32>
      %min3A = arith.minimumf %add3A_79, %add3A_80 : vector<8x128xf32>
      %max3A_167 = arith.maximumf %add3A_79, %add3A_80 : vector<8x128xf32>
      %min3A_168 = arith.minimumf %add3A_107, %add3A_108 : vector<8x128xf32>
      %max3A_169 = arith.maximumf %add3A_107, %add3A_108 : vector<8x128xf32>
      %min3A_170 = arith.minimumf %add3A_135, %add3A_136 : vector<8x128xf32>
      %max3A_171 = arith.maximumf %add3A_135, %add3A_136 : vector<8x128xf32>
      %min3A_172 = arith.minimumf %add3A_163, %add3A_164 : vector<8x128xf32>
      %max3A_173 = arith.maximumf %add3A_163, %add3A_164 : vector<8x128xf32>
      %min3A_174 = arith.minimumf %min3A, %min3A_168 : vector<8x128xf32>
      %max3A_175 = arith.maximumf %min3A, %min3A_168 : vector<8x128xf32>
      %min3A_176 = arith.minimumf %max3A_167, %max3A_169 : vector<8x128xf32>
      %max3A_177 = arith.maximumf %max3A_167, %max3A_169 : vector<8x128xf32>
      %min3A_178 = arith.minimumf %min3A_170, %min3A_172 : vector<8x128xf32>
      %max3A_179 = arith.maximumf %min3A_170, %min3A_172 : vector<8x128xf32>
      %min3A_180 = arith.minimumf %max3A_171, %max3A_173 : vector<8x128xf32>
      %max3A_181 = arith.maximumf %max3A_171, %max3A_173 : vector<8x128xf32>
      %min3A_182 = arith.minimumf %min3A_176, %max3A_175 : vector<8x128xf32>
      %max3A_183 = arith.maximumf %min3A_176, %max3A_175 : vector<8x128xf32>
      %min3A_184 = arith.minimumf %min3A_180, %max3A_179 : vector<8x128xf32>
      %max3A_185 = arith.maximumf %min3A_180, %max3A_179 : vector<8x128xf32>
      %min3A_186 = arith.minimumf %min3A_174, %min3A_178 : vector<8x128xf32>
      %max3A_187 = arith.maximumf %min3A_174, %min3A_178 : vector<8x128xf32>
      %min3A_188 = arith.minimumf %min3A_182, %min3A_184 : vector<8x128xf32>
      %max3A_189 = arith.maximumf %min3A_182, %min3A_184 : vector<8x128xf32>
      %min3A_190 = arith.minimumf %max3A_183, %max3A_185 : vector<8x128xf32>
      %max3A_191 = arith.maximumf %max3A_183, %max3A_185 : vector<8x128xf32>
      %min3A_192 = arith.minimumf %max3A_177, %max3A_181 : vector<8x128xf32>
      %max3A_193 = arith.maximumf %max3A_177, %max3A_181 : vector<8x128xf32>
      %min3A_194 = arith.minimumf %min3A_190, %max3A_187 : vector<8x128xf32>
      %max3A_195 = arith.maximumf %min3A_190, %max3A_187 : vector<8x128xf32>
      %min3A_196 = arith.minimumf %min3A_192, %max3A_189 : vector<8x128xf32>
      %max3A_197 = arith.maximumf %min3A_192, %max3A_189 : vector<8x128xf32>
      %min3A_198 = arith.minimumf %min3A_188, %min3A_194 : vector<8x128xf32>
      %max3A_199 = arith.maximumf %min3A_188, %min3A_194 : vector<8x128xf32>
      %min3A_200 = arith.minimumf %min3A_196, %max3A_195 : vector<8x128xf32>
      %max3A_201 = arith.maximumf %min3A_196, %max3A_195 : vector<8x128xf32>
      %min3A_202 = arith.minimumf %max3A_197, %max3A_191 : vector<8x128xf32>
      %max3A_203 = arith.maximumf %max3A_197, %max3A_191 : vector<8x128xf32>
      %min3A_204 = arith.minimumf %add3A_81, %add3A_82 : vector<8x128xf32>
      %max3A_205 = arith.maximumf %add3A_81, %add3A_82 : vector<8x128xf32>
      %min3A_206 = arith.minimumf %add3A_109, %add3A_110 : vector<8x128xf32>
      %max3A_207 = arith.maximumf %add3A_109, %add3A_110 : vector<8x128xf32>
      %min3A_208 = arith.minimumf %add3A_137, %add3A_138 : vector<8x128xf32>
      %max3A_209 = arith.maximumf %add3A_137, %add3A_138 : vector<8x128xf32>
      %min3A_210 = arith.minimumf %add3A_165, %add3A_166 : vector<8x128xf32>
      %max3A_211 = arith.maximumf %add3A_165, %add3A_166 : vector<8x128xf32>
      %min3A_212 = arith.minimumf %min3A_204, %min3A_206 : vector<8x128xf32>
      %max3A_213 = arith.maximumf %min3A_204, %min3A_206 : vector<8x128xf32>
      %min3A_214 = arith.minimumf %max3A_205, %max3A_207 : vector<8x128xf32>
      %max3A_215 = arith.maximumf %max3A_205, %max3A_207 : vector<8x128xf32>
      %min3A_216 = arith.minimumf %min3A_208, %min3A_210 : vector<8x128xf32>
      %max3A_217 = arith.maximumf %min3A_208, %min3A_210 : vector<8x128xf32>
      %min3A_218 = arith.minimumf %max3A_209, %max3A_211 : vector<8x128xf32>
      %max3A_219 = arith.maximumf %max3A_209, %max3A_211 : vector<8x128xf32>
      %min3A_220 = arith.minimumf %min3A_214, %max3A_213 : vector<8x128xf32>
      %max3A_221 = arith.maximumf %min3A_214, %max3A_213 : vector<8x128xf32>
      %min3A_222 = arith.minimumf %min3A_218, %max3A_217 : vector<8x128xf32>
      %max3A_223 = arith.maximumf %min3A_218, %max3A_217 : vector<8x128xf32>
      %min3A_224 = arith.minimumf %min3A_212, %min3A_216 : vector<8x128xf32>
      %max3A_225 = arith.maximumf %min3A_212, %min3A_216 : vector<8x128xf32>
      %min3A_226 = arith.minimumf %min3A_220, %min3A_222 : vector<8x128xf32>
      %max3A_227 = arith.maximumf %min3A_220, %min3A_222 : vector<8x128xf32>
      %min3A_228 = arith.minimumf %max3A_221, %max3A_223 : vector<8x128xf32>
      %max3A_229 = arith.maximumf %max3A_221, %max3A_223 : vector<8x128xf32>
      %min3A_230 = arith.minimumf %max3A_215, %max3A_219 : vector<8x128xf32>
      %max3A_231 = arith.maximumf %max3A_215, %max3A_219 : vector<8x128xf32>
      %min3A_232 = arith.minimumf %min3A_228, %max3A_225 : vector<8x128xf32>
      %max3A_233 = arith.maximumf %min3A_228, %max3A_225 : vector<8x128xf32>
      %min3A_234 = arith.minimumf %min3A_230, %max3A_227 : vector<8x128xf32>
      %max3A_235 = arith.maximumf %min3A_230, %max3A_227 : vector<8x128xf32>
      %min3A_236 = arith.minimumf %min3A_226, %min3A_232 : vector<8x128xf32>
      %max3A_237 = arith.maximumf %min3A_226, %min3A_232 : vector<8x128xf32>
      %min3A_238 = arith.minimumf %min3A_234, %max3A_233 : vector<8x128xf32>
      %max3A_239 = arith.maximumf %min3A_234, %max3A_233 : vector<8x128xf32>
      %min3A_240 = arith.minimumf %max3A_235, %max3A_229 : vector<8x128xf32>
      %max3A_241 = arith.maximumf %max3A_235, %max3A_229 : vector<8x128xf32>
      %mul3A_242 = arith.constant 16 : i32
      %mul3A_243 = arith.muli %mul3A_54, %mul3A_242 : i32
      %add3A_244 = arith.constant 4 : i32
      %add3A_245 = arith.addi %mul3A_243, %add3A_244 : i32
      %get3A_246 = arith.index_cast %add3A_245 : i32 to index
      %get3A_247 = arith.constant 0 : index
      %get3A_248 = arith.constant 0 : index
      %get3A_249 = vector.load %arg7[%get3A_246, %get3A_247, %get3A_248] : memref<512x8x128xf32, #tpu.memory_space<vmem>>, vector<1x8x128xf32>
      %get3A_250 = vector.shape_cast %get3A_249 : vector<1x8x128xf32> to vector<8x128xf32>
      %get3A_251 = arith.index_cast %add3A_245 : i32 to index
      %get3A_252 = arith.constant 0 : index
      %get3A_253 = arith.constant 0 : index
      %get3A_254 = vector.load %arg8[%get3A_251, %get3A_252, %get3A_253] : memref<512x8x128xf32, #tpu.memory_space<vmem>>, vector<1x8x128xf32>
      %get3A_255 = vector.shape_cast %get3A_254 : vector<1x8x128xf32> to vector<8x128xf32>
      %get3A_256 = arith.index_cast %add3A_245 : i32 to index
      %get3A_257 = arith.constant 0 : index
      %get3A_258 = vector.load %arg5[%get3A_256, %get3A_257] : memref<512x128xf32, #tpu.memory_space<vmem>>, vector<1x128xf32>
      %broadcast_in_dim3A_259 = vector.shape_cast %get3A_258 : vector<1x128xf32> to vector<1x128xf32>
      %broadcast_in_dim3A_260 = vector.broadcast %broadcast_in_dim3A_259 : vector<1x128xf32> to vector<8x128xf32>
      %get3A_261 = arith.index_cast %add3A_245 : i32 to index
      %get3A_262 = arith.constant 0 : index
      %get3A_263 = vector.load %arg6[%get3A_261, %get3A_262] : memref<512x128xf32, #tpu.memory_space<vmem>>, vector<1x128xf32>
      %broadcast_in_dim3A_264 = vector.shape_cast %get3A_263 : vector<1x128xf32> to vector<1x128xf32>
      %broadcast_in_dim3A_265 = vector.broadcast %broadcast_in_dim3A_264 : vector<1x128xf32> to vector<8x128xf32>
      %add3A_266 = arith.addf %get3A_250, %broadcast_in_dim3A_260 : vector<8x128xf32>
      %add3A_267 = arith.addf %get3A_255, %broadcast_in_dim3A_265 : vector<8x128xf32>
      %add3A_268 = arith.addf %get3A_250, %broadcast_in_dim3A_265 : vector<8x128xf32>
      %add3A_269 = arith.addf %get3A_255, %broadcast_in_dim3A_260 : vector<8x128xf32>
      %mul3A_270 = arith.constant 16 : i32
      %mul3A_271 = arith.muli %mul3A_54, %mul3A_270 : i32
      %add3A_272 = arith.constant 5 : i32
      %add3A_273 = arith.addi %mul3A_271, %add3A_272 : i32
      %get3A_274 = arith.index_cast %add3A_273 : i32 to index
      %get3A_275 = arith.constant 0 : index
      %get3A_276 = arith.constant 0 : index
      %get3A_277 = vector.load %arg7[%get3A_274, %get3A_275, %get3A_276] : memref<512x8x128xf32, #tpu.memory_space<vmem>>, vector<1x8x128xf32>
      %get3A_278 = vector.shape_cast %get3A_277 : vector<1x8x128xf32> to vector<8x128xf32>
      %get3A_279 = arith.index_cast %add3A_273 : i32 to index
      %get3A_280 = arith.constant 0 : index
      %get3A_281 = arith.constant 0 : index
      %get3A_282 = vector.load %arg8[%get3A_279, %get3A_280, %get3A_281] : memref<512x8x128xf32, #tpu.memory_space<vmem>>, vector<1x8x128xf32>
      %get3A_283 = vector.shape_cast %get3A_282 : vector<1x8x128xf32> to vector<8x128xf32>
      %get3A_284 = arith.index_cast %add3A_273 : i32 to index
      %get3A_285 = arith.constant 0 : index
      %get3A_286 = vector.load %arg5[%get3A_284, %get3A_285] : memref<512x128xf32, #tpu.memory_space<vmem>>, vector<1x128xf32>
      %broadcast_in_dim3A_287 = vector.shape_cast %get3A_286 : vector<1x128xf32> to vector<1x128xf32>
      %broadcast_in_dim3A_288 = vector.broadcast %broadcast_in_dim3A_287 : vector<1x128xf32> to vector<8x128xf32>
      %get3A_289 = arith.index_cast %add3A_273 : i32 to index
      %get3A_290 = arith.constant 0 : index
      %get3A_291 = vector.load %arg6[%get3A_289, %get3A_290] : memref<512x128xf32, #tpu.memory_space<vmem>>, vector<1x128xf32>
      %broadcast_in_dim3A_292 = vector.shape_cast %get3A_291 : vector<1x128xf32> to vector<1x128xf32>
      %broadcast_in_dim3A_293 = vector.broadcast %broadcast_in_dim3A_292 : vector<1x128xf32> to vector<8x128xf32>
      %add3A_294 = arith.addf %get3A_278, %broadcast_in_dim3A_288 : vector<8x128xf32>
      %add3A_295 = arith.addf %get3A_283, %broadcast_in_dim3A_293 : vector<8x128xf32>
      %add3A_296 = arith.addf %get3A_278, %broadcast_in_dim3A_293 : vector<8x128xf32>
      %add3A_297 = arith.addf %get3A_283, %broadcast_in_dim3A_288 : vector<8x128xf32>
      %mul3A_298 = arith.constant 16 : i32
      %mul3A_299 = arith.muli %mul3A_54, %mul3A_298 : i32
      %add3A_300 = arith.constant 6 : i32
      %add3A_301 = arith.addi %mul3A_299, %add3A_300 : i32
      %get3A_302 = arith.index_cast %add3A_301 : i32 to index
      %get3A_303 = arith.constant 0 : index
      %get3A_304 = arith.constant 0 : index
      %get3A_305 = vector.load %arg7[%get3A_302, %get3A_303, %get3A_304] : memref<512x8x128xf32, #tpu.memory_space<vmem>>, vector<1x8x128xf32>
      %get3A_306 = vector.shape_cast %get3A_305 : vector<1x8x128xf32> to vector<8x128xf32>
      %get3A_307 = arith.index_cast %add3A_301 : i32 to index
      %get3A_308 = arith.constant 0 : index
      %get3A_309 = arith.constant 0 : index
      %get3A_310 = vector.load %arg8[%get3A_307, %get3A_308, %get3A_309] : memref<512x8x128xf32, #tpu.memory_space<vmem>>, vector<1x8x128xf32>
      %get3A_311 = vector.shape_cast %get3A_310 : vector<1x8x128xf32> to vector<8x128xf32>
      %get3A_312 = arith.index_cast %add3A_301 : i32 to index
      %get3A_313 = arith.constant 0 : index
      %get3A_314 = vector.load %arg5[%get3A_312, %get3A_313] : memref<512x128xf32, #tpu.memory_space<vmem>>, vector<1x128xf32>
      %broadcast_in_dim3A_315 = vector.shape_cast %get3A_314 : vector<1x128xf32> to vector<1x128xf32>
      %broadcast_in_dim3A_316 = vector.broadcast %broadcast_in_dim3A_315 : vector<1x128xf32> to vector<8x128xf32>
      %get3A_317 = arith.index_cast %add3A_301 : i32 to index
      %get3A_318 = arith.constant 0 : index
      %get3A_319 = vector.load %arg6[%get3A_317, %get3A_318] : memref<512x128xf32, #tpu.memory_space<vmem>>, vector<1x128xf32>
      %broadcast_in_dim3A_320 = vector.shape_cast %get3A_319 : vector<1x128xf32> to vector<1x128xf32>
      %broadcast_in_dim3A_321 = vector.broadcast %broadcast_in_dim3A_320 : vector<1x128xf32> to vector<8x128xf32>
      %add3A_322 = arith.addf %get3A_306, %broadcast_in_dim3A_316 : vector<8x128xf32>
      %add3A_323 = arith.addf %get3A_311, %broadcast_in_dim3A_321 : vector<8x128xf32>
      %add3A_324 = arith.addf %get3A_306, %broadcast_in_dim3A_321 : vector<8x128xf32>
      %add3A_325 = arith.addf %get3A_311, %broadcast_in_dim3A_316 : vector<8x128xf32>
      %mul3A_326 = arith.constant 16 : i32
      %mul3A_327 = arith.muli %mul3A_54, %mul3A_326 : i32
      %add3A_328 = arith.constant 7 : i32
      %add3A_329 = arith.addi %mul3A_327, %add3A_328 : i32
      %get3A_330 = arith.index_cast %add3A_329 : i32 to index
      %get3A_331 = arith.constant 0 : index
      %get3A_332 = arith.constant 0 : index
      %get3A_333 = vector.load %arg7[%get3A_330, %get3A_331, %get3A_332] : memref<512x8x128xf32, #tpu.memory_space<vmem>>, vector<1x8x128xf32>
      %get3A_334 = vector.shape_cast %get3A_333 : vector<1x8x128xf32> to vector<8x128xf32>
      %get3A_335 = arith.index_cast %add3A_329 : i32 to index
      %get3A_336 = arith.constant 0 : index
      %get3A_337 = arith.constant 0 : index
      %get3A_338 = vector.load %arg8[%get3A_335, %get3A_336, %get3A_337] : memref<512x8x128xf32, #tpu.memory_space<vmem>>, vector<1x8x128xf32>
      %get3A_339 = vector.shape_cast %get3A_338 : vector<1x8x128xf32> to vector<8x128xf32>
      %get3A_340 = arith.index_cast %add3A_329 : i32 to index
      %get3A_341 = arith.constant 0 : index
      %get3A_342 = vector.load %arg5[%get3A_340, %get3A_341] : memref<512x128xf32, #tpu.memory_space<vmem>>, vector<1x128xf32>
      %broadcast_in_dim3A_343 = vector.shape_cast %get3A_342 : vector<1x128xf32> to vector<1x128xf32>
      %broadcast_in_dim3A_344 = vector.broadcast %broadcast_in_dim3A_343 : vector<1x128xf32> to vector<8x128xf32>
      %get3A_345 = arith.index_cast %add3A_329 : i32 to index
      %get3A_346 = arith.constant 0 : index
      %get3A_347 = vector.load %arg6[%get3A_345, %get3A_346] : memref<512x128xf32, #tpu.memory_space<vmem>>, vector<1x128xf32>
      %broadcast_in_dim3A_348 = vector.shape_cast %get3A_347 : vector<1x128xf32> to vector<1x128xf32>
      %broadcast_in_dim3A_349 = vector.broadcast %broadcast_in_dim3A_348 : vector<1x128xf32> to vector<8x128xf32>
      %add3A_350 = arith.addf %get3A_334, %broadcast_in_dim3A_344 : vector<8x128xf32>
      %add3A_351 = arith.addf %get3A_339, %broadcast_in_dim3A_349 : vector<8x128xf32>
      %add3A_352 = arith.addf %get3A_334, %broadcast_in_dim3A_349 : vector<8x128xf32>
      %add3A_353 = arith.addf %get3A_339, %broadcast_in_dim3A_344 : vector<8x128xf32>
      %min3A_354 = arith.minimumf %add3A_266, %add3A_267 : vector<8x128xf32>
      %max3A_355 = arith.maximumf %add3A_266, %add3A_267 : vector<8x128xf32>
      %min3A_356 = arith.minimumf %add3A_294, %add3A_295 : vector<8x128xf32>
      %max3A_357 = arith.maximumf %add3A_294, %add3A_295 : vector<8x128xf32>
      %min3A_358 = arith.minimumf %add3A_322, %add3A_323 : vector<8x128xf32>
      %max3A_359 = arith.maximumf %add3A_322, %add3A_323 : vector<8x128xf32>
      %min3A_360 = arith.minimumf %add3A_350, %add3A_351 : vector<8x128xf32>
      %max3A_361 = arith.maximumf %add3A_350, %add3A_351 : vector<8x128xf32>
      %min3A_362 = arith.minimumf %min3A_354, %min3A_356 : vector<8x128xf32>
      %max3A_363 = arith.maximumf %min3A_354, %min3A_356 : vector<8x128xf32>
      %min3A_364 = arith.minimumf %max3A_355, %max3A_357 : vector<8x128xf32>
      %max3A_365 = arith.maximumf %max3A_355, %max3A_357 : vector<8x128xf32>
      %min3A_366 = arith.minimumf %min3A_358, %min3A_360 : vector<8x128xf32>
      %max3A_367 = arith.maximumf %min3A_358, %min3A_360 : vector<8x128xf32>
      %min3A_368 = arith.minimumf %max3A_359, %max3A_361 : vector<8x128xf32>
      %max3A_369 = arith.maximumf %max3A_359, %max3A_361 : vector<8x128xf32>
      %min3A_370 = arith.minimumf %min3A_364, %max3A_363 : vector<8x128xf32>
      %max3A_371 = arith.maximumf %min3A_364, %max3A_363 : vector<8x128xf32>
      %min3A_372 = arith.minimumf %min3A_368, %max3A_367 : vector<8x128xf32>
      %max3A_373 = arith.maximumf %min3A_368, %max3A_367 : vector<8x128xf32>
      %min3A_374 = arith.minimumf %min3A_362, %min3A_366 : vector<8x128xf32>
      %max3A_375 = arith.maximumf %min3A_362, %min3A_366 : vector<8x128xf32>
      %min3A_376 = arith.minimumf %min3A_370, %min3A_372 : vector<8x128xf32>
      %max3A_377 = arith.maximumf %min3A_370, %min3A_372 : vector<8x128xf32>
      %min3A_378 = arith.minimumf %max3A_371, %max3A_373 : vector<8x128xf32>
      %max3A_379 = arith.maximumf %max3A_371, %max3A_373 : vector<8x128xf32>
      %min3A_380 = arith.minimumf %max3A_365, %max3A_369 : vector<8x128xf32>
      %max3A_381 = arith.maximumf %max3A_365, %max3A_369 : vector<8x128xf32>
      %min3A_382 = arith.minimumf %min3A_378, %max3A_375 : vector<8x128xf32>
      %max3A_383 = arith.maximumf %min3A_378, %max3A_375 : vector<8x128xf32>
      %min3A_384 = arith.minimumf %min3A_380, %max3A_377 : vector<8x128xf32>
      %max3A_385 = arith.maximumf %min3A_380, %max3A_377 : vector<8x128xf32>
      %min3A_386 = arith.minimumf %min3A_376, %min3A_382 : vector<8x128xf32>
      %max3A_387 = arith.maximumf %min3A_376, %min3A_382 : vector<8x128xf32>
      %min3A_388 = arith.minimumf %min3A_384, %max3A_383 : vector<8x128xf32>
      %max3A_389 = arith.maximumf %min3A_384, %max3A_383 : vector<8x128xf32>
      %min3A_390 = arith.minimumf %max3A_385, %max3A_379 : vector<8x128xf32>
      %max3A_391 = arith.maximumf %max3A_385, %max3A_379 : vector<8x128xf32>
      %min3A_392 = arith.minimumf %add3A_268, %add3A_269 : vector<8x128xf32>
      %max3A_393 = arith.maximumf %add3A_268, %add3A_269 : vector<8x128xf32>
      %min3A_394 = arith.minimumf %add3A_296, %add3A_297 : vector<8x128xf32>
      %max3A_395 = arith.maximumf %add3A_296, %add3A_297 : vector<8x128xf32>
      %min3A_396 = arith.minimumf %add3A_324, %add3A_325 : vector<8x128xf32>
      %max3A_397 = arith.maximumf %add3A_324, %add3A_325 : vector<8x128xf32>
      %min3A_398 = arith.minimumf %add3A_352, %add3A_353 : vector<8x128xf32>
      %max3A_399 = arith.maximumf %add3A_352, %add3A_353 : vector<8x128xf32>
      %min3A_400 = arith.minimumf %min3A_392, %min3A_394 : vector<8x128xf32>
      %max3A_401 = arith.maximumf %min3A_392, %min3A_394 : vector<8x128xf32>
      %min3A_402 = arith.minimumf %max3A_393, %max3A_395 : vector<8x128xf32>
      %max3A_403 = arith.maximumf %max3A_393, %max3A_395 : vector<8x128xf32>
      %min3A_404 = arith.minimumf %min3A_396, %min3A_398 : vector<8x128xf32>
      %max3A_405 = arith.maximumf %min3A_396, %min3A_398 : vector<8x128xf32>
      %min3A_406 = arith.minimumf %max3A_397, %max3A_399 : vector<8x128xf32>
      %max3A_407 = arith.maximumf %max3A_397, %max3A_399 : vector<8x128xf32>
      %min3A_408 = arith.minimumf %min3A_402, %max3A_401 : vector<8x128xf32>
      %max3A_409 = arith.maximumf %min3A_402, %max3A_401 : vector<8x128xf32>
      %min3A_410 = arith.minimumf %min3A_406, %max3A_405 : vector<8x128xf32>
      %max3A_411 = arith.maximumf %min3A_406, %max3A_405 : vector<8x128xf32>
      %min3A_412 = arith.minimumf %min3A_400, %min3A_404 : vector<8x128xf32>
      %max3A_413 = arith.maximumf %min3A_400, %min3A_404 : vector<8x128xf32>
      %min3A_414 = arith.minimumf %min3A_408, %min3A_410 : vector<8x128xf32>
      %max3A_415 = arith.maximumf %min3A_408, %min3A_410 : vector<8x128xf32>
      %min3A_416 = arith.minimumf %max3A_409, %max3A_411 : vector<8x128xf32>
      %max3A_417 = arith.maximumf %max3A_409, %max3A_411 : vector<8x128xf32>
      %min3A_418 = arith.minimumf %max3A_403, %max3A_407 : vector<8x128xf32>
      %max3A_419 = arith.maximumf %max3A_403, %max3A_407 : vector<8x128xf32>
      %min3A_420 = arith.minimumf %min3A_416, %max3A_413 : vector<8x128xf32>
      %max3A_421 = arith.maximumf %min3A_416, %max3A_413 : vector<8x128xf32>
      %min3A_422 = arith.minimumf %min3A_418, %max3A_415 : vector<8x128xf32>
      %max3A_423 = arith.maximumf %min3A_418, %max3A_415 : vector<8x128xf32>
      %min3A_424 = arith.minimumf %min3A_414, %min3A_420 : vector<8x128xf32>
      %max3A_425 = arith.maximumf %min3A_414, %min3A_420 : vector<8x128xf32>
      %min3A_426 = arith.minimumf %min3A_422, %max3A_421 : vector<8x128xf32>
      %max3A_427 = arith.maximumf %min3A_422, %max3A_421 : vector<8x128xf32>
      %min3A_428 = arith.minimumf %max3A_423, %max3A_417 : vector<8x128xf32>
      %max3A_429 = arith.maximumf %max3A_423, %max3A_417 : vector<8x128xf32>
      %min3A_430 = arith.minimumf %min3A_186, %max3A_381 : vector<8x128xf32>
      %min3A_431 = arith.minimumf %min3A_198, %max3A_391 : vector<8x128xf32>
      %min3A_432 = arith.minimumf %max3A_199, %min3A_390 : vector<8x128xf32>
      %min3A_433 = arith.minimumf %min3A_200, %max3A_389 : vector<8x128xf32>
      %min3A_434 = arith.minimumf %max3A_201, %min3A_388 : vector<8x128xf32>
      %min3A_435 = arith.minimumf %min3A_202, %max3A_387 : vector<8x128xf32>
      %min3A_436 = arith.minimumf %max3A_203, %min3A_386 : vector<8x128xf32>
      %min3A_437 = arith.minimumf %max3A_193, %min3A_374 : vector<8x128xf32>
      %min3A_438 = arith.minimumf %min3A_430, %min3A_434 : vector<8x128xf32>
      %max3A_439 = arith.maximumf %min3A_430, %min3A_434 : vector<8x128xf32>
      %min3A_440 = arith.minimumf %min3A_431, %min3A_435 : vector<8x128xf32>
      %max3A_441 = arith.maximumf %min3A_431, %min3A_435 : vector<8x128xf32>
      %min3A_442 = arith.minimumf %min3A_432, %min3A_436 : vector<8x128xf32>
      %max3A_443 = arith.maximumf %min3A_432, %min3A_436 : vector<8x128xf32>
      %min3A_444 = arith.minimumf %min3A_433, %min3A_437 : vector<8x128xf32>
      %max3A_445 = arith.maximumf %min3A_433, %min3A_437 : vector<8x128xf32>
      %min3A_446 = arith.minimumf %min3A_438, %min3A_442 : vector<8x128xf32>
      %max3A_447 = arith.maximumf %min3A_438, %min3A_442 : vector<8x128xf32>
      %min3A_448 = arith.minimumf %min3A_440, %min3A_444 : vector<8x128xf32>
      %max3A_449 = arith.maximumf %min3A_440, %min3A_444 : vector<8x128xf32>
      %min3A_450 = arith.minimumf %max3A_439, %max3A_443 : vector<8x128xf32>
      %max3A_451 = arith.maximumf %max3A_439, %max3A_443 : vector<8x128xf32>
      %min3A_452 = arith.minimumf %max3A_441, %max3A_445 : vector<8x128xf32>
      %max3A_453 = arith.maximumf %max3A_441, %max3A_445 : vector<8x128xf32>
      %min3A_454 = arith.minimumf %min3A_446, %min3A_448 : vector<8x128xf32>
      %max3A_455 = arith.maximumf %min3A_446, %min3A_448 : vector<8x128xf32>
      %min3A_456 = arith.minimumf %max3A_447, %max3A_449 : vector<8x128xf32>
      %max3A_457 = arith.maximumf %max3A_447, %max3A_449 : vector<8x128xf32>
      %min3A_458 = arith.minimumf %min3A_450, %min3A_452 : vector<8x128xf32>
      %max3A_459 = arith.maximumf %min3A_450, %min3A_452 : vector<8x128xf32>
      %min3A_460 = arith.minimumf %max3A_451, %max3A_453 : vector<8x128xf32>
      %max3A_461 = arith.maximumf %max3A_451, %max3A_453 : vector<8x128xf32>
      %min3A_462 = arith.minimumf %min3A_224, %max3A_419 : vector<8x128xf32>
      %min3A_463 = arith.minimumf %min3A_236, %max3A_429 : vector<8x128xf32>
      %min3A_464 = arith.minimumf %max3A_237, %min3A_428 : vector<8x128xf32>
      %min3A_465 = arith.minimumf %min3A_238, %max3A_427 : vector<8x128xf32>
      %min3A_466 = arith.minimumf %max3A_239, %min3A_426 : vector<8x128xf32>
      %min3A_467 = arith.minimumf %min3A_240, %max3A_425 : vector<8x128xf32>
      %min3A_468 = arith.minimumf %max3A_241, %min3A_424 : vector<8x128xf32>
      %min3A_469 = arith.minimumf %max3A_231, %min3A_412 : vector<8x128xf32>
      %min3A_470 = arith.minimumf %min3A_462, %min3A_466 : vector<8x128xf32>
      %max3A_471 = arith.maximumf %min3A_462, %min3A_466 : vector<8x128xf32>
      %min3A_472 = arith.minimumf %min3A_463, %min3A_467 : vector<8x128xf32>
      %max3A_473 = arith.maximumf %min3A_463, %min3A_467 : vector<8x128xf32>
      %min3A_474 = arith.minimumf %min3A_464, %min3A_468 : vector<8x128xf32>
      %max3A_475 = arith.maximumf %min3A_464, %min3A_468 : vector<8x128xf32>
      %min3A_476 = arith.minimumf %min3A_465, %min3A_469 : vector<8x128xf32>
      %max3A_477 = arith.maximumf %min3A_465, %min3A_469 : vector<8x128xf32>
      %min3A_478 = arith.minimumf %min3A_470, %min3A_474 : vector<8x128xf32>
      %max3A_479 = arith.maximumf %min3A_470, %min3A_474 : vector<8x128xf32>
      %min3A_480 = arith.minimumf %min3A_472, %min3A_476 : vector<8x128xf32>
      %max3A_481 = arith.maximumf %min3A_472, %min3A_476 : vector<8x128xf32>
      %min3A_482 = arith.minimumf %max3A_471, %max3A_475 : vector<8x128xf32>
      %max3A_483 = arith.maximumf %max3A_471, %max3A_475 : vector<8x128xf32>
      %min3A_484 = arith.minimumf %max3A_473, %max3A_477 : vector<8x128xf32>
      %max3A_485 = arith.maximumf %max3A_473, %max3A_477 : vector<8x128xf32>
      %min3A_486 = arith.minimumf %min3A_478, %min3A_480 : vector<8x128xf32>
      %max3A_487 = arith.maximumf %min3A_478, %min3A_480 : vector<8x128xf32>
      %min3A_488 = arith.minimumf %max3A_479, %max3A_481 : vector<8x128xf32>
      %max3A_489 = arith.maximumf %max3A_479, %max3A_481 : vector<8x128xf32>
      %min3A_490 = arith.minimumf %min3A_482, %min3A_484 : vector<8x128xf32>
      %max3A_491 = arith.maximumf %min3A_482, %min3A_484 : vector<8x128xf32>
      %min3A_492 = arith.minimumf %max3A_483, %max3A_485 : vector<8x128xf32>
      %max3A_493 = arith.maximumf %max3A_483, %max3A_485 : vector<8x128xf32>
      %mul3A_494 = arith.constant 16 : i32
      %mul3A_495 = arith.muli %mul3A_54, %mul3A_494 : i32
      %add3A_496 = arith.constant 8 : i32
      %add3A_497 = arith.addi %mul3A_495, %add3A_496 : i32
      %get3A_498 = arith.index_cast %add3A_497 : i32 to index
      %get3A_499 = arith.constant 0 : index
      %get3A_500 = arith.constant 0 : index
      %get3A_501 = vector.load %arg7[%get3A_498, %get3A_499, %get3A_500] : memref<512x8x128xf32, #tpu.memory_space<vmem>>, vector<1x8x128xf32>
      %get3A_502 = vector.shape_cast %get3A_501 : vector<1x8x128xf32> to vector<8x128xf32>
      %get3A_503 = arith.index_cast %add3A_497 : i32 to index
      %get3A_504 = arith.constant 0 : index
      %get3A_505 = arith.constant 0 : index
      %get3A_506 = vector.load %arg8[%get3A_503, %get3A_504, %get3A_505] : memref<512x8x128xf32, #tpu.memory_space<vmem>>, vector<1x8x128xf32>
      %get3A_507 = vector.shape_cast %get3A_506 : vector<1x8x128xf32> to vector<8x128xf32>
      %get3A_508 = arith.index_cast %add3A_497 : i32 to index
      %get3A_509 = arith.constant 0 : index
      %get3A_510 = vector.load %arg5[%get3A_508, %get3A_509] : memref<512x128xf32, #tpu.memory_space<vmem>>, vector<1x128xf32>
      %broadcast_in_dim3A_511 = vector.shape_cast %get3A_510 : vector<1x128xf32> to vector<1x128xf32>
      %broadcast_in_dim3A_512 = vector.broadcast %broadcast_in_dim3A_511 : vector<1x128xf32> to vector<8x128xf32>
      %get3A_513 = arith.index_cast %add3A_497 : i32 to index
      %get3A_514 = arith.constant 0 : index
      %get3A_515 = vector.load %arg6[%get3A_513, %get3A_514] : memref<512x128xf32, #tpu.memory_space<vmem>>, vector<1x128xf32>
      %broadcast_in_dim3A_516 = vector.shape_cast %get3A_515 : vector<1x128xf32> to vector<1x128xf32>
      %broadcast_in_dim3A_517 = vector.broadcast %broadcast_in_dim3A_516 : vector<1x128xf32> to vector<8x128xf32>
      %add3A_518 = arith.addf %get3A_502, %broadcast_in_dim3A_512 : vector<8x128xf32>
      %add3A_519 = arith.addf %get3A_507, %broadcast_in_dim3A_517 : vector<8x128xf32>
      %add3A_520 = arith.addf %get3A_502, %broadcast_in_dim3A_517 : vector<8x128xf32>
      %add3A_521 = arith.addf %get3A_507, %broadcast_in_dim3A_512 : vector<8x128xf32>
      %mul3A_522 = arith.constant 16 : i32
      %mul3A_523 = arith.muli %mul3A_54, %mul3A_522 : i32
      %add3A_524 = arith.constant 9 : i32
      %add3A_525 = arith.addi %mul3A_523, %add3A_524 : i32
      %get3A_526 = arith.index_cast %add3A_525 : i32 to index
      %get3A_527 = arith.constant 0 : index
      %get3A_528 = arith.constant 0 : index
      %get3A_529 = vector.load %arg7[%get3A_526, %get3A_527, %get3A_528] : memref<512x8x128xf32, #tpu.memory_space<vmem>>, vector<1x8x128xf32>
      %get3A_530 = vector.shape_cast %get3A_529 : vector<1x8x128xf32> to vector<8x128xf32>
      %get3A_531 = arith.index_cast %add3A_525 : i32 to index
      %get3A_532 = arith.constant 0 : index
      %get3A_533 = arith.constant 0 : index
      %get3A_534 = vector.load %arg8[%get3A_531, %get3A_532, %get3A_533] : memref<512x8x128xf32, #tpu.memory_space<vmem>>, vector<1x8x128xf32>
      %get3A_535 = vector.shape_cast %get3A_534 : vector<1x8x128xf32> to vector<8x128xf32>
      %get3A_536 = arith.index_cast %add3A_525 : i32 to index
      %get3A_537 = arith.constant 0 : index
      %get3A_538 = vector.load %arg5[%get3A_536, %get3A_537] : memref<512x128xf32, #tpu.memory_space<vmem>>, vector<1x128xf32>
      %broadcast_in_dim3A_539 = vector.shape_cast %get3A_538 : vector<1x128xf32> to vector<1x128xf32>
      %broadcast_in_dim3A_540 = vector.broadcast %broadcast_in_dim3A_539 : vector<1x128xf32> to vector<8x128xf32>
      %get3A_541 = arith.index_cast %add3A_525 : i32 to index
      %get3A_542 = arith.constant 0 : index
      %get3A_543 = vector.load %arg6[%get3A_541, %get3A_542] : memref<512x128xf32, #tpu.memory_space<vmem>>, vector<1x128xf32>
      %broadcast_in_dim3A_544 = vector.shape_cast %get3A_543 : vector<1x128xf32> to vector<1x128xf32>
      %broadcast_in_dim3A_545 = vector.broadcast %broadcast_in_dim3A_544 : vector<1x128xf32> to vector<8x128xf32>
      %add3A_546 = arith.addf %get3A_530, %broadcast_in_dim3A_540 : vector<8x128xf32>
      %add3A_547 = arith.addf %get3A_535, %broadcast_in_dim3A_545 : vector<8x128xf32>
      %add3A_548 = arith.addf %get3A_530, %broadcast_in_dim3A_545 : vector<8x128xf32>
      %add3A_549 = arith.addf %get3A_535, %broadcast_in_dim3A_540 : vector<8x128xf32>
      %mul3A_550 = arith.constant 16 : i32
      %mul3A_551 = arith.muli %mul3A_54, %mul3A_550 : i32
      %add3A_552 = arith.constant 10 : i32
      %add3A_553 = arith.addi %mul3A_551, %add3A_552 : i32
      %get3A_554 = arith.index_cast %add3A_553 : i32 to index
      %get3A_555 = arith.constant 0 : index
      %get3A_556 = arith.constant 0 : index
      %get3A_557 = vector.load %arg7[%get3A_554, %get3A_555, %get3A_556] : memref<512x8x128xf32, #tpu.memory_space<vmem>>, vector<1x8x128xf32>
      %get3A_558 = vector.shape_cast %get3A_557 : vector<1x8x128xf32> to vector<8x128xf32>
      %get3A_559 = arith.index_cast %add3A_553 : i32 to index
      %get3A_560 = arith.constant 0 : index
      %get3A_561 = arith.constant 0 : index
      %get3A_562 = vector.load %arg8[%get3A_559, %get3A_560, %get3A_561] : memref<512x8x128xf32, #tpu.memory_space<vmem>>, vector<1x8x128xf32>
      %get3A_563 = vector.shape_cast %get3A_562 : vector<1x8x128xf32> to vector<8x128xf32>
      %get3A_564 = arith.index_cast %add3A_553 : i32 to index
      %get3A_565 = arith.constant 0 : index
      %get3A_566 = vector.load %arg5[%get3A_564, %get3A_565] : memref<512x128xf32, #tpu.memory_space<vmem>>, vector<1x128xf32>
      %broadcast_in_dim3A_567 = vector.shape_cast %get3A_566 : vector<1x128xf32> to vector<1x128xf32>
      %broadcast_in_dim3A_568 = vector.broadcast %broadcast_in_dim3A_567 : vector<1x128xf32> to vector<8x128xf32>
      %get3A_569 = arith.index_cast %add3A_553 : i32 to index
      %get3A_570 = arith.constant 0 : index
      %get3A_571 = vector.load %arg6[%get3A_569, %get3A_570] : memref<512x128xf32, #tpu.memory_space<vmem>>, vector<1x128xf32>
      %broadcast_in_dim3A_572 = vector.shape_cast %get3A_571 : vector<1x128xf32> to vector<1x128xf32>
      %broadcast_in_dim3A_573 = vector.broadcast %broadcast_in_dim3A_572 : vector<1x128xf32> to vector<8x128xf32>
      %add3A_574 = arith.addf %get3A_558, %broadcast_in_dim3A_568 : vector<8x128xf32>
      %add3A_575 = arith.addf %get3A_563, %broadcast_in_dim3A_573 : vector<8x128xf32>
      %add3A_576 = arith.addf %get3A_558, %broadcast_in_dim3A_573 : vector<8x128xf32>
      %add3A_577 = arith.addf %get3A_563, %broadcast_in_dim3A_568 : vector<8x128xf32>
      %mul3A_578 = arith.constant 16 : i32
      %mul3A_579 = arith.muli %mul3A_54, %mul3A_578 : i32
      %add3A_580 = arith.constant 11 : i32
      %add3A_581 = arith.addi %mul3A_579, %add3A_580 : i32
      %get3A_582 = arith.index_cast %add3A_581 : i32 to index
      %get3A_583 = arith.constant 0 : index
      %get3A_584 = arith.constant 0 : index
      %get3A_585 = vector.load %arg7[%get3A_582, %get3A_583, %get3A_584] : memref<512x8x128xf32, #tpu.memory_space<vmem>>, vector<1x8x128xf32>
      %get3A_586 = vector.shape_cast %get3A_585 : vector<1x8x128xf32> to vector<8x128xf32>
      %get3A_587 = arith.index_cast %add3A_581 : i32 to index
      %get3A_588 = arith.constant 0 : index
      %get3A_589 = arith.constant 0 : index
      %get3A_590 = vector.load %arg8[%get3A_587, %get3A_588, %get3A_589] : memref<512x8x128xf32, #tpu.memory_space<vmem>>, vector<1x8x128xf32>
      %get3A_591 = vector.shape_cast %get3A_590 : vector<1x8x128xf32> to vector<8x128xf32>
      %get3A_592 = arith.index_cast %add3A_581 : i32 to index
      %get3A_593 = arith.constant 0 : index
      %get3A_594 = vector.load %arg5[%get3A_592, %get3A_593] : memref<512x128xf32, #tpu.memory_space<vmem>>, vector<1x128xf32>
      %broadcast_in_dim3A_595 = vector.shape_cast %get3A_594 : vector<1x128xf32> to vector<1x128xf32>
      %broadcast_in_dim3A_596 = vector.broadcast %broadcast_in_dim3A_595 : vector<1x128xf32> to vector<8x128xf32>
      %get3A_597 = arith.index_cast %add3A_581 : i32 to index
      %get3A_598 = arith.constant 0 : index
      %get3A_599 = vector.load %arg6[%get3A_597, %get3A_598] : memref<512x128xf32, #tpu.memory_space<vmem>>, vector<1x128xf32>
      %broadcast_in_dim3A_600 = vector.shape_cast %get3A_599 : vector<1x128xf32> to vector<1x128xf32>
      %broadcast_in_dim3A_601 = vector.broadcast %broadcast_in_dim3A_600 : vector<1x128xf32> to vector<8x128xf32>
      %add3A_602 = arith.addf %get3A_586, %broadcast_in_dim3A_596 : vector<8x128xf32>
      %add3A_603 = arith.addf %get3A_591, %broadcast_in_dim3A_601 : vector<8x128xf32>
      %add3A_604 = arith.addf %get3A_586, %broadcast_in_dim3A_601 : vector<8x128xf32>
      %add3A_605 = arith.addf %get3A_591, %broadcast_in_dim3A_596 : vector<8x128xf32>
      %min3A_606 = arith.minimumf %add3A_518, %add3A_519 : vector<8x128xf32>
      %max3A_607 = arith.maximumf %add3A_518, %add3A_519 : vector<8x128xf32>
      %min3A_608 = arith.minimumf %add3A_546, %add3A_547 : vector<8x128xf32>
      %max3A_609 = arith.maximumf %add3A_546, %add3A_547 : vector<8x128xf32>
      %min3A_610 = arith.minimumf %add3A_574, %add3A_575 : vector<8x128xf32>
      %max3A_611 = arith.maximumf %add3A_574, %add3A_575 : vector<8x128xf32>
      %min3A_612 = arith.minimumf %add3A_602, %add3A_603 : vector<8x128xf32>
      %max3A_613 = arith.maximumf %add3A_602, %add3A_603 : vector<8x128xf32>
      %min3A_614 = arith.minimumf %min3A_606, %min3A_608 : vector<8x128xf32>
      %max3A_615 = arith.maximumf %min3A_606, %min3A_608 : vector<8x128xf32>
      %min3A_616 = arith.minimumf %max3A_607, %max3A_609 : vector<8x128xf32>
      %max3A_617 = arith.maximumf %max3A_607, %max3A_609 : vector<8x128xf32>
      %min3A_618 = arith.minimumf %min3A_610, %min3A_612 : vector<8x128xf32>
      %max3A_619 = arith.maximumf %min3A_610, %min3A_612 : vector<8x128xf32>
      %min3A_620 = arith.minimumf %max3A_611, %max3A_613 : vector<8x128xf32>
      %max3A_621 = arith.maximumf %max3A_611, %max3A_613 : vector<8x128xf32>
      %min3A_622 = arith.minimumf %min3A_616, %max3A_615 : vector<8x128xf32>
      %max3A_623 = arith.maximumf %min3A_616, %max3A_615 : vector<8x128xf32>
      %min3A_624 = arith.minimumf %min3A_620, %max3A_619 : vector<8x128xf32>
      %max3A_625 = arith.maximumf %min3A_620, %max3A_619 : vector<8x128xf32>
      %min3A_626 = arith.minimumf %min3A_614, %min3A_618 : vector<8x128xf32>
      %max3A_627 = arith.maximumf %min3A_614, %min3A_618 : vector<8x128xf32>
      %min3A_628 = arith.minimumf %min3A_622, %min3A_624 : vector<8x128xf32>
      %max3A_629 = arith.maximumf %min3A_622, %min3A_624 : vector<8x128xf32>
      %min3A_630 = arith.minimumf %max3A_623, %max3A_625 : vector<8x128xf32>
      %max3A_631 = arith.maximumf %max3A_623, %max3A_625 : vector<8x128xf32>
      %min3A_632 = arith.minimumf %max3A_617, %max3A_621 : vector<8x128xf32>
      %max3A_633 = arith.maximumf %max3A_617, %max3A_621 : vector<8x128xf32>
      %min3A_634 = arith.minimumf %min3A_630, %max3A_627 : vector<8x128xf32>
      %max3A_635 = arith.maximumf %min3A_630, %max3A_627 : vector<8x128xf32>
      %min3A_636 = arith.minimumf %min3A_632, %max3A_629 : vector<8x128xf32>
      %max3A_637 = arith.maximumf %min3A_632, %max3A_629 : vector<8x128xf32>
      %min3A_638 = arith.minimumf %min3A_628, %min3A_634 : vector<8x128xf32>
      %max3A_639 = arith.maximumf %min3A_628, %min3A_634 : vector<8x128xf32>
      %min3A_640 = arith.minimumf %min3A_636, %max3A_635 : vector<8x128xf32>
      %max3A_641 = arith.maximumf %min3A_636, %max3A_635 : vector<8x128xf32>
      %min3A_642 = arith.minimumf %max3A_637, %max3A_631 : vector<8x128xf32>
      %max3A_643 = arith.maximumf %max3A_637, %max3A_631 : vector<8x128xf32>
      %min3A_644 = arith.minimumf %add3A_520, %add3A_521 : vector<8x128xf32>
      %max3A_645 = arith.maximumf %add3A_520, %add3A_521 : vector<8x128xf32>
      %min3A_646 = arith.minimumf %add3A_548, %add3A_549 : vector<8x128xf32>
      %max3A_647 = arith.maximumf %add3A_548, %add3A_549 : vector<8x128xf32>
      %min3A_648 = arith.minimumf %add3A_576, %add3A_577 : vector<8x128xf32>
      %max3A_649 = arith.maximumf %add3A_576, %add3A_577 : vector<8x128xf32>
      %min3A_650 = arith.minimumf %add3A_604, %add3A_605 : vector<8x128xf32>
      %max3A_651 = arith.maximumf %add3A_604, %add3A_605 : vector<8x128xf32>
      %min3A_652 = arith.minimumf %min3A_644, %min3A_646 : vector<8x128xf32>
      %max3A_653 = arith.maximumf %min3A_644, %min3A_646 : vector<8x128xf32>
      %min3A_654 = arith.minimumf %max3A_645, %max3A_647 : vector<8x128xf32>
      %max3A_655 = arith.maximumf %max3A_645, %max3A_647 : vector<8x128xf32>
      %min3A_656 = arith.minimumf %min3A_648, %min3A_650 : vector<8x128xf32>
      %max3A_657 = arith.maximumf %min3A_648, %min3A_650 : vector<8x128xf32>
      %min3A_658 = arith.minimumf %max3A_649, %max3A_651 : vector<8x128xf32>
      %max3A_659 = arith.maximumf %max3A_649, %max3A_651 : vector<8x128xf32>
      %min3A_660 = arith.minimumf %min3A_654, %max3A_653 : vector<8x128xf32>
      %max3A_661 = arith.maximumf %min3A_654, %max3A_653 : vector<8x128xf32>
      %min3A_662 = arith.minimumf %min3A_658, %max3A_657 : vector<8x128xf32>
      %max3A_663 = arith.maximumf %min3A_658, %max3A_657 : vector<8x128xf32>
      %min3A_664 = arith.minimumf %min3A_652, %min3A_656 : vector<8x128xf32>
      %max3A_665 = arith.maximumf %min3A_652, %min3A_656 : vector<8x128xf32>
      %min3A_666 = arith.minimumf %min3A_660, %min3A_662 : vector<8x128xf32>
      %max3A_667 = arith.maximumf %min3A_660, %min3A_662 : vector<8x128xf32>
      %min3A_668 = arith.minimumf %max3A_661, %max3A_663 : vector<8x128xf32>
      %max3A_669 = arith.maximumf %max3A_661, %max3A_663 : vector<8x128xf32>
      %min3A_670 = arith.minimumf %max3A_655, %max3A_659 : vector<8x128xf32>
      %max3A_671 = arith.maximumf %max3A_655, %max3A_659 : vector<8x128xf32>
      %min3A_672 = arith.minimumf %min3A_668, %max3A_665 : vector<8x128xf32>
      %max3A_673 = arith.maximumf %min3A_668, %max3A_665 : vector<8x128xf32>
      %min3A_674 = arith.minimumf %min3A_670, %max3A_667 : vector<8x128xf32>
      %max3A_675 = arith.maximumf %min3A_670, %max3A_667 : vector<8x128xf32>
      %min3A_676 = arith.minimumf %min3A_666, %min3A_672 : vector<8x128xf32>
      %max3A_677 = arith.maximumf %min3A_666, %min3A_672 : vector<8x128xf32>
      %min3A_678 = arith.minimumf %min3A_674, %max3A_673 : vector<8x128xf32>
      %max3A_679 = arith.maximumf %min3A_674, %max3A_673 : vector<8x128xf32>
      %min3A_680 = arith.minimumf %max3A_675, %max3A_669 : vector<8x128xf32>
      %max3A_681 = arith.maximumf %max3A_675, %max3A_669 : vector<8x128xf32>
      %mul3A_682 = arith.constant 16 : i32
      %mul3A_683 = arith.muli %mul3A_54, %mul3A_682 : i32
      %add3A_684 = arith.constant 12 : i32
      %add3A_685 = arith.addi %mul3A_683, %add3A_684 : i32
      %get3A_686 = arith.index_cast %add3A_685 : i32 to index
      %get3A_687 = arith.constant 0 : index
      %get3A_688 = arith.constant 0 : index
      %get3A_689 = vector.load %arg7[%get3A_686, %get3A_687, %get3A_688] : memref<512x8x128xf32, #tpu.memory_space<vmem>>, vector<1x8x128xf32>
      %get3A_690 = vector.shape_cast %get3A_689 : vector<1x8x128xf32> to vector<8x128xf32>
      %get3A_691 = arith.index_cast %add3A_685 : i32 to index
      %get3A_692 = arith.constant 0 : index
      %get3A_693 = arith.constant 0 : index
      %get3A_694 = vector.load %arg8[%get3A_691, %get3A_692, %get3A_693] : memref<512x8x128xf32, #tpu.memory_space<vmem>>, vector<1x8x128xf32>
      %get3A_695 = vector.shape_cast %get3A_694 : vector<1x8x128xf32> to vector<8x128xf32>
      %get3A_696 = arith.index_cast %add3A_685 : i32 to index
      %get3A_697 = arith.constant 0 : index
      %get3A_698 = vector.load %arg5[%get3A_696, %get3A_697] : memref<512x128xf32, #tpu.memory_space<vmem>>, vector<1x128xf32>
      %broadcast_in_dim3A_699 = vector.shape_cast %get3A_698 : vector<1x128xf32> to vector<1x128xf32>
      %broadcast_in_dim3A_700 = vector.broadcast %broadcast_in_dim3A_699 : vector<1x128xf32> to vector<8x128xf32>
      %get3A_701 = arith.index_cast %add3A_685 : i32 to index
      %get3A_702 = arith.constant 0 : index
      %get3A_703 = vector.load %arg6[%get3A_701, %get3A_702] : memref<512x128xf32, #tpu.memory_space<vmem>>, vector<1x128xf32>
      %broadcast_in_dim3A_704 = vector.shape_cast %get3A_703 : vector<1x128xf32> to vector<1x128xf32>
      %broadcast_in_dim3A_705 = vector.broadcast %broadcast_in_dim3A_704 : vector<1x128xf32> to vector<8x128xf32>
      %add3A_706 = arith.addf %get3A_690, %broadcast_in_dim3A_700 : vector<8x128xf32>
      %add3A_707 = arith.addf %get3A_695, %broadcast_in_dim3A_705 : vector<8x128xf32>
      %add3A_708 = arith.addf %get3A_690, %broadcast_in_dim3A_705 : vector<8x128xf32>
      %add3A_709 = arith.addf %get3A_695, %broadcast_in_dim3A_700 : vector<8x128xf32>
      %mul3A_710 = arith.constant 16 : i32
      %mul3A_711 = arith.muli %mul3A_54, %mul3A_710 : i32
      %add3A_712 = arith.constant 13 : i32
      %add3A_713 = arith.addi %mul3A_711, %add3A_712 : i32
      %get3A_714 = arith.index_cast %add3A_713 : i32 to index
      %get3A_715 = arith.constant 0 : index
      %get3A_716 = arith.constant 0 : index
      %get3A_717 = vector.load %arg7[%get3A_714, %get3A_715, %get3A_716] : memref<512x8x128xf32, #tpu.memory_space<vmem>>, vector<1x8x128xf32>
      %get3A_718 = vector.shape_cast %get3A_717 : vector<1x8x128xf32> to vector<8x128xf32>
      %get3A_719 = arith.index_cast %add3A_713 : i32 to index
      %get3A_720 = arith.constant 0 : index
      %get3A_721 = arith.constant 0 : index
      %get3A_722 = vector.load %arg8[%get3A_719, %get3A_720, %get3A_721] : memref<512x8x128xf32, #tpu.memory_space<vmem>>, vector<1x8x128xf32>
      %get3A_723 = vector.shape_cast %get3A_722 : vector<1x8x128xf32> to vector<8x128xf32>
      %get3A_724 = arith.index_cast %add3A_713 : i32 to index
      %get3A_725 = arith.constant 0 : index
      %get3A_726 = vector.load %arg5[%get3A_724, %get3A_725] : memref<512x128xf32, #tpu.memory_space<vmem>>, vector<1x128xf32>
      %broadcast_in_dim3A_727 = vector.shape_cast %get3A_726 : vector<1x128xf32> to vector<1x128xf32>
      %broadcast_in_dim3A_728 = vector.broadcast %broadcast_in_dim3A_727 : vector<1x128xf32> to vector<8x128xf32>
      %get3A_729 = arith.index_cast %add3A_713 : i32 to index
      %get3A_730 = arith.constant 0 : index
      %get3A_731 = vector.load %arg6[%get3A_729, %get3A_730] : memref<512x128xf32, #tpu.memory_space<vmem>>, vector<1x128xf32>
      %broadcast_in_dim3A_732 = vector.shape_cast %get3A_731 : vector<1x128xf32> to vector<1x128xf32>
      %broadcast_in_dim3A_733 = vector.broadcast %broadcast_in_dim3A_732 : vector<1x128xf32> to vector<8x128xf32>
      %add3A_734 = arith.addf %get3A_718, %broadcast_in_dim3A_728 : vector<8x128xf32>
      %add3A_735 = arith.addf %get3A_723, %broadcast_in_dim3A_733 : vector<8x128xf32>
      %add3A_736 = arith.addf %get3A_718, %broadcast_in_dim3A_733 : vector<8x128xf32>
      %add3A_737 = arith.addf %get3A_723, %broadcast_in_dim3A_728 : vector<8x128xf32>
      %mul3A_738 = arith.constant 16 : i32
      %mul3A_739 = arith.muli %mul3A_54, %mul3A_738 : i32
      %add3A_740 = arith.constant 14 : i32
      %add3A_741 = arith.addi %mul3A_739, %add3A_740 : i32
      %get3A_742 = arith.index_cast %add3A_741 : i32 to index
      %get3A_743 = arith.constant 0 : index
      %get3A_744 = arith.constant 0 : index
      %get3A_745 = vector.load %arg7[%get3A_742, %get3A_743, %get3A_744] : memref<512x8x128xf32, #tpu.memory_space<vmem>>, vector<1x8x128xf32>
      %get3A_746 = vector.shape_cast %get3A_745 : vector<1x8x128xf32> to vector<8x128xf32>
      %get3A_747 = arith.index_cast %add3A_741 : i32 to index
      %get3A_748 = arith.constant 0 : index
      %get3A_749 = arith.constant 0 : index
      %get3A_750 = vector.load %arg8[%get3A_747, %get3A_748, %get3A_749] : memref<512x8x128xf32, #tpu.memory_space<vmem>>, vector<1x8x128xf32>
      %get3A_751 = vector.shape_cast %get3A_750 : vector<1x8x128xf32> to vector<8x128xf32>
      %get3A_752 = arith.index_cast %add3A_741 : i32 to index
      %get3A_753 = arith.constant 0 : index
      %get3A_754 = vector.load %arg5[%get3A_752, %get3A_753] : memref<512x128xf32, #tpu.memory_space<vmem>>, vector<1x128xf32>
      %broadcast_in_dim3A_755 = vector.shape_cast %get3A_754 : vector<1x128xf32> to vector<1x128xf32>
      %broadcast_in_dim3A_756 = vector.broadcast %broadcast_in_dim3A_755 : vector<1x128xf32> to vector<8x128xf32>
      %get3A_757 = arith.index_cast %add3A_741 : i32 to index
      %get3A_758 = arith.constant 0 : index
      %get3A_759 = vector.load %arg6[%get3A_757, %get3A_758] : memref<512x128xf32, #tpu.memory_space<vmem>>, vector<1x128xf32>
      %broadcast_in_dim3A_760 = vector.shape_cast %get3A_759 : vector<1x128xf32> to vector<1x128xf32>
      %broadcast_in_dim3A_761 = vector.broadcast %broadcast_in_dim3A_760 : vector<1x128xf32> to vector<8x128xf32>
      %add3A_762 = arith.addf %get3A_746, %broadcast_in_dim3A_756 : vector<8x128xf32>
      %add3A_763 = arith.addf %get3A_751, %broadcast_in_dim3A_761 : vector<8x128xf32>
      %add3A_764 = arith.addf %get3A_746, %broadcast_in_dim3A_761 : vector<8x128xf32>
      %add3A_765 = arith.addf %get3A_751, %broadcast_in_dim3A_756 : vector<8x128xf32>
      %mul3A_766 = arith.constant 16 : i32
      %mul3A_767 = arith.muli %mul3A_54, %mul3A_766 : i32
      %add3A_768 = arith.constant 15 : i32
      %add3A_769 = arith.addi %mul3A_767, %add3A_768 : i32
      %get3A_770 = arith.index_cast %add3A_769 : i32 to index
      %get3A_771 = arith.constant 0 : index
      %get3A_772 = arith.constant 0 : index
      %get3A_773 = vector.load %arg7[%get3A_770, %get3A_771, %get3A_772] : memref<512x8x128xf32, #tpu.memory_space<vmem>>, vector<1x8x128xf32>
      %get3A_774 = vector.shape_cast %get3A_773 : vector<1x8x128xf32> to vector<8x128xf32>
      %get3A_775 = arith.index_cast %add3A_769 : i32 to index
      %get3A_776 = arith.constant 0 : index
      %get3A_777 = arith.constant 0 : index
      %get3A_778 = vector.load %arg8[%get3A_775, %get3A_776, %get3A_777] : memref<512x8x128xf32, #tpu.memory_space<vmem>>, vector<1x8x128xf32>
      %get3A_779 = vector.shape_cast %get3A_778 : vector<1x8x128xf32> to vector<8x128xf32>
      %get3A_780 = arith.index_cast %add3A_769 : i32 to index
      %get3A_781 = arith.constant 0 : index
      %get3A_782 = vector.load %arg5[%get3A_780, %get3A_781] : memref<512x128xf32, #tpu.memory_space<vmem>>, vector<1x128xf32>
      %broadcast_in_dim3A_783 = vector.shape_cast %get3A_782 : vector<1x128xf32> to vector<1x128xf32>
      %broadcast_in_dim3A_784 = vector.broadcast %broadcast_in_dim3A_783 : vector<1x128xf32> to vector<8x128xf32>
      %get3A_785 = arith.index_cast %add3A_769 : i32 to index
      %get3A_786 = arith.constant 0 : index
      %get3A_787 = vector.load %arg6[%get3A_785, %get3A_786] : memref<512x128xf32, #tpu.memory_space<vmem>>, vector<1x128xf32>
      %broadcast_in_dim3A_788 = vector.shape_cast %get3A_787 : vector<1x128xf32> to vector<1x128xf32>
      %broadcast_in_dim3A_789 = vector.broadcast %broadcast_in_dim3A_788 : vector<1x128xf32> to vector<8x128xf32>
      %add3A_790 = arith.addf %get3A_774, %broadcast_in_dim3A_784 : vector<8x128xf32>
      %add3A_791 = arith.addf %get3A_779, %broadcast_in_dim3A_789 : vector<8x128xf32>
      %add3A_792 = arith.addf %get3A_774, %broadcast_in_dim3A_789 : vector<8x128xf32>
      %add3A_793 = arith.addf %get3A_779, %broadcast_in_dim3A_784 : vector<8x128xf32>
      %min3A_794 = arith.minimumf %add3A_706, %add3A_707 : vector<8x128xf32>
      %max3A_795 = arith.maximumf %add3A_706, %add3A_707 : vector<8x128xf32>
      %min3A_796 = arith.minimumf %add3A_734, %add3A_735 : vector<8x128xf32>
      %max3A_797 = arith.maximumf %add3A_734, %add3A_735 : vector<8x128xf32>
      %min3A_798 = arith.minimumf %add3A_762, %add3A_763 : vector<8x128xf32>
      %max3A_799 = arith.maximumf %add3A_762, %add3A_763 : vector<8x128xf32>
      %min3A_800 = arith.minimumf %add3A_790, %add3A_791 : vector<8x128xf32>
      %max3A_801 = arith.maximumf %add3A_790, %add3A_791 : vector<8x128xf32>
      %min3A_802 = arith.minimumf %min3A_794, %min3A_796 : vector<8x128xf32>
      %max3A_803 = arith.maximumf %min3A_794, %min3A_796 : vector<8x128xf32>
      %min3A_804 = arith.minimumf %max3A_795, %max3A_797 : vector<8x128xf32>
      %max3A_805 = arith.maximumf %max3A_795, %max3A_797 : vector<8x128xf32>
      %min3A_806 = arith.minimumf %min3A_798, %min3A_800 : vector<8x128xf32>
      %max3A_807 = arith.maximumf %min3A_798, %min3A_800 : vector<8x128xf32>
      %min3A_808 = arith.minimumf %max3A_799, %max3A_801 : vector<8x128xf32>
      %max3A_809 = arith.maximumf %max3A_799, %max3A_801 : vector<8x128xf32>
      %min3A_810 = arith.minimumf %min3A_804, %max3A_803 : vector<8x128xf32>
      %max3A_811 = arith.maximumf %min3A_804, %max3A_803 : vector<8x128xf32>
      %min3A_812 = arith.minimumf %min3A_808, %max3A_807 : vector<8x128xf32>
      %max3A_813 = arith.maximumf %min3A_808, %max3A_807 : vector<8x128xf32>
      %min3A_814 = arith.minimumf %min3A_802, %min3A_806 : vector<8x128xf32>
      %max3A_815 = arith.maximumf %min3A_802, %min3A_806 : vector<8x128xf32>
      %min3A_816 = arith.minimumf %min3A_810, %min3A_812 : vector<8x128xf32>
      %max3A_817 = arith.maximumf %min3A_810, %min3A_812 : vector<8x128xf32>
      %min3A_818 = arith.minimumf %max3A_811, %max3A_813 : vector<8x128xf32>
      %max3A_819 = arith.maximumf %max3A_811, %max3A_813 : vector<8x128xf32>
      %min3A_820 = arith.minimumf %max3A_805, %max3A_809 : vector<8x128xf32>
      %max3A_821 = arith.maximumf %max3A_805, %max3A_809 : vector<8x128xf32>
      %min3A_822 = arith.minimumf %min3A_818, %max3A_815 : vector<8x128xf32>
      %max3A_823 = arith.maximumf %min3A_818, %max3A_815 : vector<8x128xf32>
      %min3A_824 = arith.minimumf %min3A_820, %max3A_817 : vector<8x128xf32>
      %max3A_825 = arith.maximumf %min3A_820, %max3A_817 : vector<8x128xf32>
      %min3A_826 = arith.minimumf %min3A_816, %min3A_822 : vector<8x128xf32>
      %max3A_827 = arith.maximumf %min3A_816, %min3A_822 : vector<8x128xf32>
      %min3A_828 = arith.minimumf %min3A_824, %max3A_823 : vector<8x128xf32>
      %max3A_829 = arith.maximumf %min3A_824, %max3A_823 : vector<8x128xf32>
      %min3A_830 = arith.minimumf %max3A_825, %max3A_819 : vector<8x128xf32>
      %max3A_831 = arith.maximumf %max3A_825, %max3A_819 : vector<8x128xf32>
      %min3A_832 = arith.minimumf %add3A_708, %add3A_709 : vector<8x128xf32>
      %max3A_833 = arith.maximumf %add3A_708, %add3A_709 : vector<8x128xf32>
      %min3A_834 = arith.minimumf %add3A_736, %add3A_737 : vector<8x128xf32>
      %max3A_835 = arith.maximumf %add3A_736, %add3A_737 : vector<8x128xf32>
      %min3A_836 = arith.minimumf %add3A_764, %add3A_765 : vector<8x128xf32>
      %max3A_837 = arith.maximumf %add3A_764, %add3A_765 : vector<8x128xf32>
      %min3A_838 = arith.minimumf %add3A_792, %add3A_793 : vector<8x128xf32>
      %max3A_839 = arith.maximumf %add3A_792, %add3A_793 : vector<8x128xf32>
      %min3A_840 = arith.minimumf %min3A_832, %min3A_834 : vector<8x128xf32>
      %max3A_841 = arith.maximumf %min3A_832, %min3A_834 : vector<8x128xf32>
      %min3A_842 = arith.minimumf %max3A_833, %max3A_835 : vector<8x128xf32>
      %max3A_843 = arith.maximumf %max3A_833, %max3A_835 : vector<8x128xf32>
      %min3A_844 = arith.minimumf %min3A_836, %min3A_838 : vector<8x128xf32>
      %max3A_845 = arith.maximumf %min3A_836, %min3A_838 : vector<8x128xf32>
      %min3A_846 = arith.minimumf %max3A_837, %max3A_839 : vector<8x128xf32>
      %max3A_847 = arith.maximumf %max3A_837, %max3A_839 : vector<8x128xf32>
      %min3A_848 = arith.minimumf %min3A_842, %max3A_841 : vector<8x128xf32>
      %max3A_849 = arith.maximumf %min3A_842, %max3A_841 : vector<8x128xf32>
      %min3A_850 = arith.minimumf %min3A_846, %max3A_845 : vector<8x128xf32>
      %max3A_851 = arith.maximumf %min3A_846, %max3A_845 : vector<8x128xf32>
      %min3A_852 = arith.minimumf %min3A_840, %min3A_844 : vector<8x128xf32>
      %max3A_853 = arith.maximumf %min3A_840, %min3A_844 : vector<8x128xf32>
      %min3A_854 = arith.minimumf %min3A_848, %min3A_850 : vector<8x128xf32>
      %max3A_855 = arith.maximumf %min3A_848, %min3A_850 : vector<8x128xf32>
      %min3A_856 = arith.minimumf %max3A_849, %max3A_851 : vector<8x128xf32>
      %max3A_857 = arith.maximumf %max3A_849, %max3A_851 : vector<8x128xf32>
      %min3A_858 = arith.minimumf %max3A_843, %max3A_847 : vector<8x128xf32>
      %max3A_859 = arith.maximumf %max3A_843, %max3A_847 : vector<8x128xf32>
      %min3A_860 = arith.minimumf %min3A_856, %max3A_853 : vector<8x128xf32>
      %max3A_861 = arith.maximumf %min3A_856, %max3A_853 : vector<8x128xf32>
      %min3A_862 = arith.minimumf %min3A_858, %max3A_855 : vector<8x128xf32>
      %max3A_863 = arith.maximumf %min3A_858, %max3A_855 : vector<8x128xf32>
      %min3A_864 = arith.minimumf %min3A_854, %min3A_860 : vector<8x128xf32>
      %max3A_865 = arith.maximumf %min3A_854, %min3A_860 : vector<8x128xf32>
      %min3A_866 = arith.minimumf %min3A_862, %max3A_861 : vector<8x128xf32>
      %max3A_867 = arith.maximumf %min3A_862, %max3A_861 : vector<8x128xf32>
      %min3A_868 = arith.minimumf %max3A_863, %max3A_857 : vector<8x128xf32>
      %max3A_869 = arith.maximumf %max3A_863, %max3A_857 : vector<8x128xf32>
      %min3A_870 = arith.minimumf %min3A_626, %max3A_821 : vector<8x128xf32>
      %min3A_871 = arith.minimumf %min3A_638, %max3A_831 : vector<8x128xf32>
      %min3A_872 = arith.minimumf %max3A_639, %min3A_830 : vector<8x128xf32>
      %min3A_873 = arith.minimumf %min3A_640, %max3A_829 : vector<8x128xf32>
      %min3A_874 = arith.minimumf %max3A_641, %min3A_828 : vector<8x128xf32>
      %min3A_875 = arith.minimumf %min3A_642, %max3A_827 : vector<8x128xf32>
      %min3A_876 = arith.minimumf %max3A_643, %min3A_826 : vector<8x128xf32>
      %min3A_877 = arith.minimumf %max3A_633, %min3A_814 : vector<8x128xf32>
      %min3A_878 = arith.minimumf %min3A_870, %min3A_874 : vector<8x128xf32>
      %max3A_879 = arith.maximumf %min3A_870, %min3A_874 : vector<8x128xf32>
      %min3A_880 = arith.minimumf %min3A_871, %min3A_875 : vector<8x128xf32>
      %max3A_881 = arith.maximumf %min3A_871, %min3A_875 : vector<8x128xf32>
      %min3A_882 = arith.minimumf %min3A_872, %min3A_876 : vector<8x128xf32>
      %max3A_883 = arith.maximumf %min3A_872, %min3A_876 : vector<8x128xf32>
      %min3A_884 = arith.minimumf %min3A_873, %min3A_877 : vector<8x128xf32>
      %max3A_885 = arith.maximumf %min3A_873, %min3A_877 : vector<8x128xf32>
      %min3A_886 = arith.minimumf %min3A_878, %min3A_882 : vector<8x128xf32>
      %max3A_887 = arith.maximumf %min3A_878, %min3A_882 : vector<8x128xf32>
      %min3A_888 = arith.minimumf %min3A_880, %min3A_884 : vector<8x128xf32>
      %max3A_889 = arith.maximumf %min3A_880, %min3A_884 : vector<8x128xf32>
      %min3A_890 = arith.minimumf %max3A_879, %max3A_883 : vector<8x128xf32>
      %max3A_891 = arith.maximumf %max3A_879, %max3A_883 : vector<8x128xf32>
      %min3A_892 = arith.minimumf %max3A_881, %max3A_885 : vector<8x128xf32>
      %max3A_893 = arith.maximumf %max3A_881, %max3A_885 : vector<8x128xf32>
      %min3A_894 = arith.minimumf %min3A_886, %min3A_888 : vector<8x128xf32>
      %max3A_895 = arith.maximumf %min3A_886, %min3A_888 : vector<8x128xf32>
      %min3A_896 = arith.minimumf %max3A_887, %max3A_889 : vector<8x128xf32>
      %max3A_897 = arith.maximumf %max3A_887, %max3A_889 : vector<8x128xf32>
      %min3A_898 = arith.minimumf %min3A_890, %min3A_892 : vector<8x128xf32>
      %max3A_899 = arith.maximumf %min3A_890, %min3A_892 : vector<8x128xf32>
      %min3A_900 = arith.minimumf %max3A_891, %max3A_893 : vector<8x128xf32>
      %max3A_901 = arith.maximumf %max3A_891, %max3A_893 : vector<8x128xf32>
      %min3A_902 = arith.minimumf %min3A_664, %max3A_859 : vector<8x128xf32>
      %min3A_903 = arith.minimumf %min3A_676, %max3A_869 : vector<8x128xf32>
      %min3A_904 = arith.minimumf %max3A_677, %min3A_868 : vector<8x128xf32>
      %min3A_905 = arith.minimumf %min3A_678, %max3A_867 : vector<8x128xf32>
      %min3A_906 = arith.minimumf %max3A_679, %min3A_866 : vector<8x128xf32>
      %min3A_907 = arith.minimumf %min3A_680, %max3A_865 : vector<8x128xf32>
      %min3A_908 = arith.minimumf %max3A_681, %min3A_864 : vector<8x128xf32>
      %min3A_909 = arith.minimumf %max3A_671, %min3A_852 : vector<8x128xf32>
      %min3A_910 = arith.minimumf %min3A_902, %min3A_906 : vector<8x128xf32>
      %max3A_911 = arith.maximumf %min3A_902, %min3A_906 : vector<8x128xf32>
      %min3A_912 = arith.minimumf %min3A_903, %min3A_907 : vector<8x128xf32>
      %max3A_913 = arith.maximumf %min3A_903, %min3A_907 : vector<8x128xf32>
      %min3A_914 = arith.minimumf %min3A_904, %min3A_908 : vector<8x128xf32>
      %max3A_915 = arith.maximumf %min3A_904, %min3A_908 : vector<8x128xf32>
      %min3A_916 = arith.minimumf %min3A_905, %min3A_909 : vector<8x128xf32>
      %max3A_917 = arith.maximumf %min3A_905, %min3A_909 : vector<8x128xf32>
      %min3A_918 = arith.minimumf %min3A_910, %min3A_914 : vector<8x128xf32>
      %max3A_919 = arith.maximumf %min3A_910, %min3A_914 : vector<8x128xf32>
      %min3A_920 = arith.minimumf %min3A_912, %min3A_916 : vector<8x128xf32>
      %max3A_921 = arith.maximumf %min3A_912, %min3A_916 : vector<8x128xf32>
      %min3A_922 = arith.minimumf %max3A_911, %max3A_915 : vector<8x128xf32>
      %max3A_923 = arith.maximumf %max3A_911, %max3A_915 : vector<8x128xf32>
      %min3A_924 = arith.minimumf %max3A_913, %max3A_917 : vector<8x128xf32>
      %max3A_925 = arith.maximumf %max3A_913, %max3A_917 : vector<8x128xf32>
      %min3A_926 = arith.minimumf %min3A_918, %min3A_920 : vector<8x128xf32>
      %max3A_927 = arith.maximumf %min3A_918, %min3A_920 : vector<8x128xf32>
      %min3A_928 = arith.minimumf %max3A_919, %max3A_921 : vector<8x128xf32>
      %max3A_929 = arith.maximumf %max3A_919, %max3A_921 : vector<8x128xf32>
      %min3A_930 = arith.minimumf %min3A_922, %min3A_924 : vector<8x128xf32>
      %max3A_931 = arith.maximumf %min3A_922, %min3A_924 : vector<8x128xf32>
      %min3A_932 = arith.minimumf %max3A_923, %max3A_925 : vector<8x128xf32>
      %max3A_933 = arith.maximumf %max3A_923, %max3A_925 : vector<8x128xf32>
      %min3A_934 = arith.minimumf %min3A_454, %max3A_901 : vector<8x128xf32>
      %min3A_935 = arith.minimumf %max3A_455, %min3A_900 : vector<8x128xf32>
      %min3A_936 = arith.minimumf %min3A_456, %max3A_899 : vector<8x128xf32>
      %min3A_937 = arith.minimumf %max3A_457, %min3A_898 : vector<8x128xf32>
      %min3A_938 = arith.minimumf %min3A_458, %max3A_897 : vector<8x128xf32>
      %min3A_939 = arith.minimumf %max3A_459, %min3A_896 : vector<8x128xf32>
      %min3A_940 = arith.minimumf %min3A_460, %max3A_895 : vector<8x128xf32>
      %min3A_941 = arith.minimumf %max3A_461, %min3A_894 : vector<8x128xf32>
      %min3A_942 = arith.minimumf %min3A_934, %min3A_938 : vector<8x128xf32>
      %max3A_943 = arith.maximumf %min3A_934, %min3A_938 : vector<8x128xf32>
      %min3A_944 = arith.minimumf %min3A_935, %min3A_939 : vector<8x128xf32>
      %max3A_945 = arith.maximumf %min3A_935, %min3A_939 : vector<8x128xf32>
      %min3A_946 = arith.minimumf %min3A_936, %min3A_940 : vector<8x128xf32>
      %max3A_947 = arith.maximumf %min3A_936, %min3A_940 : vector<8x128xf32>
      %min3A_948 = arith.minimumf %min3A_937, %min3A_941 : vector<8x128xf32>
      %max3A_949 = arith.maximumf %min3A_937, %min3A_941 : vector<8x128xf32>
      %min3A_950 = arith.minimumf %min3A_942, %min3A_946 : vector<8x128xf32>
      %max3A_951 = arith.maximumf %min3A_942, %min3A_946 : vector<8x128xf32>
      %min3A_952 = arith.minimumf %min3A_944, %min3A_948 : vector<8x128xf32>
      %max3A_953 = arith.maximumf %min3A_944, %min3A_948 : vector<8x128xf32>
      %min3A_954 = arith.minimumf %max3A_943, %max3A_947 : vector<8x128xf32>
      %max3A_955 = arith.maximumf %max3A_943, %max3A_947 : vector<8x128xf32>
      %min3A_956 = arith.minimumf %max3A_945, %max3A_949 : vector<8x128xf32>
      %max3A_957 = arith.maximumf %max3A_945, %max3A_949 : vector<8x128xf32>
      %min3A_958 = arith.minimumf %min3A_950, %min3A_952 : vector<8x128xf32>
      %max3A_959 = arith.maximumf %min3A_950, %min3A_952 : vector<8x128xf32>
      %min3A_960 = arith.minimumf %max3A_951, %max3A_953 : vector<8x128xf32>
      %max3A_961 = arith.maximumf %max3A_951, %max3A_953 : vector<8x128xf32>
      %min3A_962 = arith.minimumf %min3A_954, %min3A_956 : vector<8x128xf32>
      %max3A_963 = arith.maximumf %min3A_954, %min3A_956 : vector<8x128xf32>
      %min3A_964 = arith.minimumf %max3A_955, %max3A_957 : vector<8x128xf32>
      %max3A_965 = arith.maximumf %max3A_955, %max3A_957 : vector<8x128xf32>
      %min3A_966 = arith.minimumf %min3A_486, %max3A_933 : vector<8x128xf32>
      %min3A_967 = arith.minimumf %max3A_487, %min3A_932 : vector<8x128xf32>
      %min3A_968 = arith.minimumf %min3A_488, %max3A_931 : vector<8x128xf32>
      %min3A_969 = arith.minimumf %max3A_489, %min3A_930 : vector<8x128xf32>
      %min3A_970 = arith.minimumf %min3A_490, %max3A_929 : vector<8x128xf32>
      %min3A_971 = arith.minimumf %max3A_491, %min3A_928 : vector<8x128xf32>
      %min3A_972 = arith.minimumf %min3A_492, %max3A_927 : vector<8x128xf32>
      %min3A_973 = arith.minimumf %max3A_493, %min3A_926 : vector<8x128xf32>
      %min3A_974 = arith.minimumf %min3A_966, %min3A_970 : vector<8x128xf32>
      %max3A_975 = arith.maximumf %min3A_966, %min3A_970 : vector<8x128xf32>
      %min3A_976 = arith.minimumf %min3A_967, %min3A_971 : vector<8x128xf32>
      %max3A_977 = arith.maximumf %min3A_967, %min3A_971 : vector<8x128xf32>
      %min3A_978 = arith.minimumf %min3A_968, %min3A_972 : vector<8x128xf32>
      %max3A_979 = arith.maximumf %min3A_968, %min3A_972 : vector<8x128xf32>
      %min3A_980 = arith.minimumf %min3A_969, %min3A_973 : vector<8x128xf32>
      %max3A_981 = arith.maximumf %min3A_969, %min3A_973 : vector<8x128xf32>
      %min3A_982 = arith.minimumf %min3A_974, %min3A_978 : vector<8x128xf32>
      %max3A_983 = arith.maximumf %min3A_974, %min3A_978 : vector<8x128xf32>
      %min3A_984 = arith.minimumf %min3A_976, %min3A_980 : vector<8x128xf32>
      %max3A_985 = arith.maximumf %min3A_976, %min3A_980 : vector<8x128xf32>
      %min3A_986 = arith.minimumf %max3A_975, %max3A_979 : vector<8x128xf32>
      %max3A_987 = arith.maximumf %max3A_975, %max3A_979 : vector<8x128xf32>
      %min3A_988 = arith.minimumf %max3A_977, %max3A_981 : vector<8x128xf32>
      %max3A_989 = arith.maximumf %max3A_977, %max3A_981 : vector<8x128xf32>
      %min3A_990 = arith.minimumf %min3A_982, %min3A_984 : vector<8x128xf32>
      %max3A_991 = arith.maximumf %min3A_982, %min3A_984 : vector<8x128xf32>
      %min3A_992 = arith.minimumf %max3A_983, %max3A_985 : vector<8x128xf32>
      %max3A_993 = arith.maximumf %max3A_983, %max3A_985 : vector<8x128xf32>
      %min3A_994 = arith.minimumf %min3A_986, %min3A_988 : vector<8x128xf32>
      %max3A_995 = arith.maximumf %min3A_986, %min3A_988 : vector<8x128xf32>
      %min3A_996 = arith.minimumf %max3A_987, %max3A_989 : vector<8x128xf32>
      %max3A_997 = arith.maximumf %max3A_987, %max3A_989 : vector<8x128xf32>
      %mul3A_998 = arith.constant 2 : i32
      %mul3A_999 = arith.muli %mul3A_998, %scan3A_36 : i32
      %add3A_1000 = arith.constant 1 : i32
      %add3A_1001 = arith.addi %mul3A_999, %add3A_1000 : i32
      %mul3A_1002 = arith.constant 16 : i32
      %mul3A_1003 = arith.muli %add3A_1001, %mul3A_1002 : i32
      %add3A_1004 = arith.constant 0 : i32
      %add3A_1005 = arith.addi %mul3A_1003, %add3A_1004 : i32
      %get3A_1006 = arith.index_cast %add3A_1005 : i32 to index
      %get3A_1007 = arith.constant 0 : index
      %get3A_1008 = arith.constant 0 : index
      %get3A_1009 = vector.load %arg7[%get3A_1006, %get3A_1007, %get3A_1008] : memref<512x8x128xf32, #tpu.memory_space<vmem>>, vector<1x8x128xf32>
      %get3A_1010 = vector.shape_cast %get3A_1009 : vector<1x8x128xf32> to vector<8x128xf32>
      %get3A_1011 = arith.index_cast %add3A_1005 : i32 to index
      %get3A_1012 = arith.constant 0 : index
      %get3A_1013 = arith.constant 0 : index
      %get3A_1014 = vector.load %arg8[%get3A_1011, %get3A_1012, %get3A_1013] : memref<512x8x128xf32, #tpu.memory_space<vmem>>, vector<1x8x128xf32>
      %get3A_1015 = vector.shape_cast %get3A_1014 : vector<1x8x128xf32> to vector<8x128xf32>
      %get3A_1016 = arith.index_cast %add3A_1005 : i32 to index
      %get3A_1017 = arith.constant 0 : index
      %get3A_1018 = vector.load %arg5[%get3A_1016, %get3A_1017] : memref<512x128xf32, #tpu.memory_space<vmem>>, vector<1x128xf32>
      %broadcast_in_dim3A_1019 = vector.shape_cast %get3A_1018 : vector<1x128xf32> to vector<1x128xf32>
      %broadcast_in_dim3A_1020 = vector.broadcast %broadcast_in_dim3A_1019 : vector<1x128xf32> to vector<8x128xf32>
      %get3A_1021 = arith.index_cast %add3A_1005 : i32 to index
      %get3A_1022 = arith.constant 0 : index
      %get3A_1023 = vector.load %arg6[%get3A_1021, %get3A_1022] : memref<512x128xf32, #tpu.memory_space<vmem>>, vector<1x128xf32>
      %broadcast_in_dim3A_1024 = vector.shape_cast %get3A_1023 : vector<1x128xf32> to vector<1x128xf32>
      %broadcast_in_dim3A_1025 = vector.broadcast %broadcast_in_dim3A_1024 : vector<1x128xf32> to vector<8x128xf32>
      %add3A_1026 = arith.addf %get3A_1010, %broadcast_in_dim3A_1020 : vector<8x128xf32>
      %add3A_1027 = arith.addf %get3A_1015, %broadcast_in_dim3A_1025 : vector<8x128xf32>
      %add3A_1028 = arith.addf %get3A_1010, %broadcast_in_dim3A_1025 : vector<8x128xf32>
      %add3A_1029 = arith.addf %get3A_1015, %broadcast_in_dim3A_1020 : vector<8x128xf32>
      %mul3A_1030 = arith.constant 16 : i32
      %mul3A_1031 = arith.muli %add3A_1001, %mul3A_1030 : i32
      %add3A_1032 = arith.constant 1 : i32
      %add3A_1033 = arith.addi %mul3A_1031, %add3A_1032 : i32
      %get3A_1034 = arith.index_cast %add3A_1033 : i32 to index
      %get3A_1035 = arith.constant 0 : index
      %get3A_1036 = arith.constant 0 : index
      %get3A_1037 = vector.load %arg7[%get3A_1034, %get3A_1035, %get3A_1036] : memref<512x8x128xf32, #tpu.memory_space<vmem>>, vector<1x8x128xf32>
      %get3A_1038 = vector.shape_cast %get3A_1037 : vector<1x8x128xf32> to vector<8x128xf32>
      %get3A_1039 = arith.index_cast %add3A_1033 : i32 to index
      %get3A_1040 = arith.constant 0 : index
      %get3A_1041 = arith.constant 0 : index
      %get3A_1042 = vector.load %arg8[%get3A_1039, %get3A_1040, %get3A_1041] : memref<512x8x128xf32, #tpu.memory_space<vmem>>, vector<1x8x128xf32>
      %get3A_1043 = vector.shape_cast %get3A_1042 : vector<1x8x128xf32> to vector<8x128xf32>
      %get3A_1044 = arith.index_cast %add3A_1033 : i32 to index
      %get3A_1045 = arith.constant 0 : index
      %get3A_1046 = vector.load %arg5[%get3A_1044, %get3A_1045] : memref<512x128xf32, #tpu.memory_space<vmem>>, vector<1x128xf32>
      %broadcast_in_dim3A_1047 = vector.shape_cast %get3A_1046 : vector<1x128xf32> to vector<1x128xf32>
      %broadcast_in_dim3A_1048 = vector.broadcast %broadcast_in_dim3A_1047 : vector<1x128xf32> to vector<8x128xf32>
      %get3A_1049 = arith.index_cast %add3A_1033 : i32 to index
      %get3A_1050 = arith.constant 0 : index
      %get3A_1051 = vector.load %arg6[%get3A_1049, %get3A_1050] : memref<512x128xf32, #tpu.memory_space<vmem>>, vector<1x128xf32>
      %broadcast_in_dim3A_1052 = vector.shape_cast %get3A_1051 : vector<1x128xf32> to vector<1x128xf32>
      %broadcast_in_dim3A_1053 = vector.broadcast %broadcast_in_dim3A_1052 : vector<1x128xf32> to vector<8x128xf32>
      %add3A_1054 = arith.addf %get3A_1038, %broadcast_in_dim3A_1048 : vector<8x128xf32>
      %add3A_1055 = arith.addf %get3A_1043, %broadcast_in_dim3A_1053 : vector<8x128xf32>
      %add3A_1056 = arith.addf %get3A_1038, %broadcast_in_dim3A_1053 : vector<8x128xf32>
      %add3A_1057 = arith.addf %get3A_1043, %broadcast_in_dim3A_1048 : vector<8x128xf32>
      %mul3A_1058 = arith.constant 16 : i32
      %mul3A_1059 = arith.muli %add3A_1001, %mul3A_1058 : i32
      %add3A_1060 = arith.constant 2 : i32
      %add3A_1061 = arith.addi %mul3A_1059, %add3A_1060 : i32
      %get3A_1062 = arith.index_cast %add3A_1061 : i32 to index
      %get3A_1063 = arith.constant 0 : index
      %get3A_1064 = arith.constant 0 : index
      %get3A_1065 = vector.load %arg7[%get3A_1062, %get3A_1063, %get3A_1064] : memref<512x8x128xf32, #tpu.memory_space<vmem>>, vector<1x8x128xf32>
      %get3A_1066 = vector.shape_cast %get3A_1065 : vector<1x8x128xf32> to vector<8x128xf32>
      %get3A_1067 = arith.index_cast %add3A_1061 : i32 to index
      %get3A_1068 = arith.constant 0 : index
      %get3A_1069 = arith.constant 0 : index
      %get3A_1070 = vector.load %arg8[%get3A_1067, %get3A_1068, %get3A_1069] : memref<512x8x128xf32, #tpu.memory_space<vmem>>, vector<1x8x128xf32>
      %get3A_1071 = vector.shape_cast %get3A_1070 : vector<1x8x128xf32> to vector<8x128xf32>
      %get3A_1072 = arith.index_cast %add3A_1061 : i32 to index
      %get3A_1073 = arith.constant 0 : index
      %get3A_1074 = vector.load %arg5[%get3A_1072, %get3A_1073] : memref<512x128xf32, #tpu.memory_space<vmem>>, vector<1x128xf32>
      %broadcast_in_dim3A_1075 = vector.shape_cast %get3A_1074 : vector<1x128xf32> to vector<1x128xf32>
      %broadcast_in_dim3A_1076 = vector.broadcast %broadcast_in_dim3A_1075 : vector<1x128xf32> to vector<8x128xf32>
      %get3A_1077 = arith.index_cast %add3A_1061 : i32 to index
      %get3A_1078 = arith.constant 0 : index
      %get3A_1079 = vector.load %arg6[%get3A_1077, %get3A_1078] : memref<512x128xf32, #tpu.memory_space<vmem>>, vector<1x128xf32>
      %broadcast_in_dim3A_1080 = vector.shape_cast %get3A_1079 : vector<1x128xf32> to vector<1x128xf32>
      %broadcast_in_dim3A_1081 = vector.broadcast %broadcast_in_dim3A_1080 : vector<1x128xf32> to vector<8x128xf32>
      %add3A_1082 = arith.addf %get3A_1066, %broadcast_in_dim3A_1076 : vector<8x128xf32>
      %add3A_1083 = arith.addf %get3A_1071, %broadcast_in_dim3A_1081 : vector<8x128xf32>
      %add3A_1084 = arith.addf %get3A_1066, %broadcast_in_dim3A_1081 : vector<8x128xf32>
      %add3A_1085 = arith.addf %get3A_1071, %broadcast_in_dim3A_1076 : vector<8x128xf32>
      %mul3A_1086 = arith.constant 16 : i32
      %mul3A_1087 = arith.muli %add3A_1001, %mul3A_1086 : i32
      %add3A_1088 = arith.constant 3 : i32
      %add3A_1089 = arith.addi %mul3A_1087, %add3A_1088 : i32
      %get3A_1090 = arith.index_cast %add3A_1089 : i32 to index
      %get3A_1091 = arith.constant 0 : index
      %get3A_1092 = arith.constant 0 : index
      %get3A_1093 = vector.load %arg7[%get3A_1090, %get3A_1091, %get3A_1092] : memref<512x8x128xf32, #tpu.memory_space<vmem>>, vector<1x8x128xf32>
      %get3A_1094 = vector.shape_cast %get3A_1093 : vector<1x8x128xf32> to vector<8x128xf32>
      %get3A_1095 = arith.index_cast %add3A_1089 : i32 to index
      %get3A_1096 = arith.constant 0 : index
      %get3A_1097 = arith.constant 0 : index
      %get3A_1098 = vector.load %arg8[%get3A_1095, %get3A_1096, %get3A_1097] : memref<512x8x128xf32, #tpu.memory_space<vmem>>, vector<1x8x128xf32>
      %get3A_1099 = vector.shape_cast %get3A_1098 : vector<1x8x128xf32> to vector<8x128xf32>
      %get3A_1100 = arith.index_cast %add3A_1089 : i32 to index
      %get3A_1101 = arith.constant 0 : index
      %get3A_1102 = vector.load %arg5[%get3A_1100, %get3A_1101] : memref<512x128xf32, #tpu.memory_space<vmem>>, vector<1x128xf32>
      %broadcast_in_dim3A_1103 = vector.shape_cast %get3A_1102 : vector<1x128xf32> to vector<1x128xf32>
      %broadcast_in_dim3A_1104 = vector.broadcast %broadcast_in_dim3A_1103 : vector<1x128xf32> to vector<8x128xf32>
      %get3A_1105 = arith.index_cast %add3A_1089 : i32 to index
      %get3A_1106 = arith.constant 0 : index
      %get3A_1107 = vector.load %arg6[%get3A_1105, %get3A_1106] : memref<512x128xf32, #tpu.memory_space<vmem>>, vector<1x128xf32>
      %broadcast_in_dim3A_1108 = vector.shape_cast %get3A_1107 : vector<1x128xf32> to vector<1x128xf32>
      %broadcast_in_dim3A_1109 = vector.broadcast %broadcast_in_dim3A_1108 : vector<1x128xf32> to vector<8x128xf32>
      %add3A_1110 = arith.addf %get3A_1094, %broadcast_in_dim3A_1104 : vector<8x128xf32>
      %add3A_1111 = arith.addf %get3A_1099, %broadcast_in_dim3A_1109 : vector<8x128xf32>
      %add3A_1112 = arith.addf %get3A_1094, %broadcast_in_dim3A_1109 : vector<8x128xf32>
      %add3A_1113 = arith.addf %get3A_1099, %broadcast_in_dim3A_1104 : vector<8x128xf32>
      %min3A_1114 = arith.minimumf %add3A_1026, %add3A_1027 : vector<8x128xf32>
      %max3A_1115 = arith.maximumf %add3A_1026, %add3A_1027 : vector<8x128xf32>
      %min3A_1116 = arith.minimumf %add3A_1054, %add3A_1055 : vector<8x128xf32>
      %max3A_1117 = arith.maximumf %add3A_1054, %add3A_1055 : vector<8x128xf32>
      %min3A_1118 = arith.minimumf %add3A_1082, %add3A_1083 : vector<8x128xf32>
      %max3A_1119 = arith.maximumf %add3A_1082, %add3A_1083 : vector<8x128xf32>
      %min3A_1120 = arith.minimumf %add3A_1110, %add3A_1111 : vector<8x128xf32>
      %max3A_1121 = arith.maximumf %add3A_1110, %add3A_1111 : vector<8x128xf32>
      %min3A_1122 = arith.minimumf %min3A_1114, %min3A_1116 : vector<8x128xf32>
      %max3A_1123 = arith.maximumf %min3A_1114, %min3A_1116 : vector<8x128xf32>
      %min3A_1124 = arith.minimumf %max3A_1115, %max3A_1117 : vector<8x128xf32>
      %max3A_1125 = arith.maximumf %max3A_1115, %max3A_1117 : vector<8x128xf32>
      %min3A_1126 = arith.minimumf %min3A_1118, %min3A_1120 : vector<8x128xf32>
      %max3A_1127 = arith.maximumf %min3A_1118, %min3A_1120 : vector<8x128xf32>
      %min3A_1128 = arith.minimumf %max3A_1119, %max3A_1121 : vector<8x128xf32>
      %max3A_1129 = arith.maximumf %max3A_1119, %max3A_1121 : vector<8x128xf32>
      %min3A_1130 = arith.minimumf %min3A_1124, %max3A_1123 : vector<8x128xf32>
      %max3A_1131 = arith.maximumf %min3A_1124, %max3A_1123 : vector<8x128xf32>
      %min3A_1132 = arith.minimumf %min3A_1128, %max3A_1127 : vector<8x128xf32>
      %max3A_1133 = arith.maximumf %min3A_1128, %max3A_1127 : vector<8x128xf32>
      %min3A_1134 = arith.minimumf %min3A_1122, %min3A_1126 : vector<8x128xf32>
      %max3A_1135 = arith.maximumf %min3A_1122, %min3A_1126 : vector<8x128xf32>
      %min3A_1136 = arith.minimumf %min3A_1130, %min3A_1132 : vector<8x128xf32>
      %max3A_1137 = arith.maximumf %min3A_1130, %min3A_1132 : vector<8x128xf32>
      %min3A_1138 = arith.minimumf %max3A_1131, %max3A_1133 : vector<8x128xf32>
      %max3A_1139 = arith.maximumf %max3A_1131, %max3A_1133 : vector<8x128xf32>
      %min3A_1140 = arith.minimumf %max3A_1125, %max3A_1129 : vector<8x128xf32>
      %max3A_1141 = arith.maximumf %max3A_1125, %max3A_1129 : vector<8x128xf32>
      %min3A_1142 = arith.minimumf %min3A_1138, %max3A_1135 : vector<8x128xf32>
      %max3A_1143 = arith.maximumf %min3A_1138, %max3A_1135 : vector<8x128xf32>
      %min3A_1144 = arith.minimumf %min3A_1140, %max3A_1137 : vector<8x128xf32>
      %max3A_1145 = arith.maximumf %min3A_1140, %max3A_1137 : vector<8x128xf32>
      %min3A_1146 = arith.minimumf %min3A_1136, %min3A_1142 : vector<8x128xf32>
      %max3A_1147 = arith.maximumf %min3A_1136, %min3A_1142 : vector<8x128xf32>
      %min3A_1148 = arith.minimumf %min3A_1144, %max3A_1143 : vector<8x128xf32>
      %max3A_1149 = arith.maximumf %min3A_1144, %max3A_1143 : vector<8x128xf32>
      %min3A_1150 = arith.minimumf %max3A_1145, %max3A_1139 : vector<8x128xf32>
      %max3A_1151 = arith.maximumf %max3A_1145, %max3A_1139 : vector<8x128xf32>
      %min3A_1152 = arith.minimumf %add3A_1028, %add3A_1029 : vector<8x128xf32>
      %max3A_1153 = arith.maximumf %add3A_1028, %add3A_1029 : vector<8x128xf32>
      %min3A_1154 = arith.minimumf %add3A_1056, %add3A_1057 : vector<8x128xf32>
      %max3A_1155 = arith.maximumf %add3A_1056, %add3A_1057 : vector<8x128xf32>
      %min3A_1156 = arith.minimumf %add3A_1084, %add3A_1085 : vector<8x128xf32>
      %max3A_1157 = arith.maximumf %add3A_1084, %add3A_1085 : vector<8x128xf32>
      %min3A_1158 = arith.minimumf %add3A_1112, %add3A_1113 : vector<8x128xf32>
      %max3A_1159 = arith.maximumf %add3A_1112, %add3A_1113 : vector<8x128xf32>
      %min3A_1160 = arith.minimumf %min3A_1152, %min3A_1154 : vector<8x128xf32>
      %max3A_1161 = arith.maximumf %min3A_1152, %min3A_1154 : vector<8x128xf32>
      %min3A_1162 = arith.minimumf %max3A_1153, %max3A_1155 : vector<8x128xf32>
      %max3A_1163 = arith.maximumf %max3A_1153, %max3A_1155 : vector<8x128xf32>
      %min3A_1164 = arith.minimumf %min3A_1156, %min3A_1158 : vector<8x128xf32>
      %max3A_1165 = arith.maximumf %min3A_1156, %min3A_1158 : vector<8x128xf32>
      %min3A_1166 = arith.minimumf %max3A_1157, %max3A_1159 : vector<8x128xf32>
      %max3A_1167 = arith.maximumf %max3A_1157, %max3A_1159 : vector<8x128xf32>
      %min3A_1168 = arith.minimumf %min3A_1162, %max3A_1161 : vector<8x128xf32>
      %max3A_1169 = arith.maximumf %min3A_1162, %max3A_1161 : vector<8x128xf32>
      %min3A_1170 = arith.minimumf %min3A_1166, %max3A_1165 : vector<8x128xf32>
      %max3A_1171 = arith.maximumf %min3A_1166, %max3A_1165 : vector<8x128xf32>
      %min3A_1172 = arith.minimumf %min3A_1160, %min3A_1164 : vector<8x128xf32>
      %max3A_1173 = arith.maximumf %min3A_1160, %min3A_1164 : vector<8x128xf32>
      %min3A_1174 = arith.minimumf %min3A_1168, %min3A_1170 : vector<8x128xf32>
      %max3A_1175 = arith.maximumf %min3A_1168, %min3A_1170 : vector<8x128xf32>
      %min3A_1176 = arith.minimumf %max3A_1169, %max3A_1171 : vector<8x128xf32>
      %max3A_1177 = arith.maximumf %max3A_1169, %max3A_1171 : vector<8x128xf32>
      %min3A_1178 = arith.minimumf %max3A_1163, %max3A_1167 : vector<8x128xf32>
      %max3A_1179 = arith.maximumf %max3A_1163, %max3A_1167 : vector<8x128xf32>
      %min3A_1180 = arith.minimumf %min3A_1176, %max3A_1173 : vector<8x128xf32>
      %max3A_1181 = arith.maximumf %min3A_1176, %max3A_1173 : vector<8x128xf32>
      %min3A_1182 = arith.minimumf %min3A_1178, %max3A_1175 : vector<8x128xf32>
      %max3A_1183 = arith.maximumf %min3A_1178, %max3A_1175 : vector<8x128xf32>
      %min3A_1184 = arith.minimumf %min3A_1174, %min3A_1180 : vector<8x128xf32>
      %max3A_1185 = arith.maximumf %min3A_1174, %min3A_1180 : vector<8x128xf32>
      %min3A_1186 = arith.minimumf %min3A_1182, %max3A_1181 : vector<8x128xf32>
      %max3A_1187 = arith.maximumf %min3A_1182, %max3A_1181 : vector<8x128xf32>
      %min3A_1188 = arith.minimumf %max3A_1183, %max3A_1177 : vector<8x128xf32>
      %max3A_1189 = arith.maximumf %max3A_1183, %max3A_1177 : vector<8x128xf32>
      %mul3A_1190 = arith.constant 16 : i32
      %mul3A_1191 = arith.muli %add3A_1001, %mul3A_1190 : i32
      %add3A_1192 = arith.constant 4 : i32
      %add3A_1193 = arith.addi %mul3A_1191, %add3A_1192 : i32
      %get3A_1194 = arith.index_cast %add3A_1193 : i32 to index
      %get3A_1195 = arith.constant 0 : index
      %get3A_1196 = arith.constant 0 : index
      %get3A_1197 = vector.load %arg7[%get3A_1194, %get3A_1195, %get3A_1196] : memref<512x8x128xf32, #tpu.memory_space<vmem>>, vector<1x8x128xf32>
      %get3A_1198 = vector.shape_cast %get3A_1197 : vector<1x8x128xf32> to vector<8x128xf32>
      %get3A_1199 = arith.index_cast %add3A_1193 : i32 to index
      %get3A_1200 = arith.constant 0 : index
      %get3A_1201 = arith.constant 0 : index
      %get3A_1202 = vector.load %arg8[%get3A_1199, %get3A_1200, %get3A_1201] : memref<512x8x128xf32, #tpu.memory_space<vmem>>, vector<1x8x128xf32>
      %get3A_1203 = vector.shape_cast %get3A_1202 : vector<1x8x128xf32> to vector<8x128xf32>
      %get3A_1204 = arith.index_cast %add3A_1193 : i32 to index
      %get3A_1205 = arith.constant 0 : index
      %get3A_1206 = vector.load %arg5[%get3A_1204, %get3A_1205] : memref<512x128xf32, #tpu.memory_space<vmem>>, vector<1x128xf32>
      %broadcast_in_dim3A_1207 = vector.shape_cast %get3A_1206 : vector<1x128xf32> to vector<1x128xf32>
      %broadcast_in_dim3A_1208 = vector.broadcast %broadcast_in_dim3A_1207 : vector<1x128xf32> to vector<8x128xf32>
      %get3A_1209 = arith.index_cast %add3A_1193 : i32 to index
      %get3A_1210 = arith.constant 0 : index
      %get3A_1211 = vector.load %arg6[%get3A_1209, %get3A_1210] : memref<512x128xf32, #tpu.memory_space<vmem>>, vector<1x128xf32>
      %broadcast_in_dim3A_1212 = vector.shape_cast %get3A_1211 : vector<1x128xf32> to vector<1x128xf32>
      %broadcast_in_dim3A_1213 = vector.broadcast %broadcast_in_dim3A_1212 : vector<1x128xf32> to vector<8x128xf32>
      %add3A_1214 = arith.addf %get3A_1198, %broadcast_in_dim3A_1208 : vector<8x128xf32>
      %add3A_1215 = arith.addf %get3A_1203, %broadcast_in_dim3A_1213 : vector<8x128xf32>
      %add3A_1216 = arith.addf %get3A_1198, %broadcast_in_dim3A_1213 : vector<8x128xf32>
      %add3A_1217 = arith.addf %get3A_1203, %broadcast_in_dim3A_1208 : vector<8x128xf32>
      %mul3A_1218 = arith.constant 16 : i32
      %mul3A_1219 = arith.muli %add3A_1001, %mul3A_1218 : i32
      %add3A_1220 = arith.constant 5 : i32
      %add3A_1221 = arith.addi %mul3A_1219, %add3A_1220 : i32
      %get3A_1222 = arith.index_cast %add3A_1221 : i32 to index
      %get3A_1223 = arith.constant 0 : index
      %get3A_1224 = arith.constant 0 : index
      %get3A_1225 = vector.load %arg7[%get3A_1222, %get3A_1223, %get3A_1224] : memref<512x8x128xf32, #tpu.memory_space<vmem>>, vector<1x8x128xf32>
      %get3A_1226 = vector.shape_cast %get3A_1225 : vector<1x8x128xf32> to vector<8x128xf32>
      %get3A_1227 = arith.index_cast %add3A_1221 : i32 to index
      %get3A_1228 = arith.constant 0 : index
      %get3A_1229 = arith.constant 0 : index
      %get3A_1230 = vector.load %arg8[%get3A_1227, %get3A_1228, %get3A_1229] : memref<512x8x128xf32, #tpu.memory_space<vmem>>, vector<1x8x128xf32>
      %get3A_1231 = vector.shape_cast %get3A_1230 : vector<1x8x128xf32> to vector<8x128xf32>
      %get3A_1232 = arith.index_cast %add3A_1221 : i32 to index
      %get3A_1233 = arith.constant 0 : index
      %get3A_1234 = vector.load %arg5[%get3A_1232, %get3A_1233] : memref<512x128xf32, #tpu.memory_space<vmem>>, vector<1x128xf32>
      %broadcast_in_dim3A_1235 = vector.shape_cast %get3A_1234 : vector<1x128xf32> to vector<1x128xf32>
      %broadcast_in_dim3A_1236 = vector.broadcast %broadcast_in_dim3A_1235 : vector<1x128xf32> to vector<8x128xf32>
      %get3A_1237 = arith.index_cast %add3A_1221 : i32 to index
      %get3A_1238 = arith.constant 0 : index
      %get3A_1239 = vector.load %arg6[%get3A_1237, %get3A_1238] : memref<512x128xf32, #tpu.memory_space<vmem>>, vector<1x128xf32>
      %broadcast_in_dim3A_1240 = vector.shape_cast %get3A_1239 : vector<1x128xf32> to vector<1x128xf32>
      %broadcast_in_dim3A_1241 = vector.broadcast %broadcast_in_dim3A_1240 : vector<1x128xf32> to vector<8x128xf32>
      %add3A_1242 = arith.addf %get3A_1226, %broadcast_in_dim3A_1236 : vector<8x128xf32>
      %add3A_1243 = arith.addf %get3A_1231, %broadcast_in_dim3A_1241 : vector<8x128xf32>
      %add3A_1244 = arith.addf %get3A_1226, %broadcast_in_dim3A_1241 : vector<8x128xf32>
      %add3A_1245 = arith.addf %get3A_1231, %broadcast_in_dim3A_1236 : vector<8x128xf32>
      %mul3A_1246 = arith.constant 16 : i32
      %mul3A_1247 = arith.muli %add3A_1001, %mul3A_1246 : i32
      %add3A_1248 = arith.constant 6 : i32
      %add3A_1249 = arith.addi %mul3A_1247, %add3A_1248 : i32
      %get3A_1250 = arith.index_cast %add3A_1249 : i32 to index
      %get3A_1251 = arith.constant 0 : index
      %get3A_1252 = arith.constant 0 : index
      %get3A_1253 = vector.load %arg7[%get3A_1250, %get3A_1251, %get3A_1252] : memref<512x8x128xf32, #tpu.memory_space<vmem>>, vector<1x8x128xf32>
      %get3A_1254 = vector.shape_cast %get3A_1253 : vector<1x8x128xf32> to vector<8x128xf32>
      %get3A_1255 = arith.index_cast %add3A_1249 : i32 to index
      %get3A_1256 = arith.constant 0 : index
      %get3A_1257 = arith.constant 0 : index
      %get3A_1258 = vector.load %arg8[%get3A_1255, %get3A_1256, %get3A_1257] : memref<512x8x128xf32, #tpu.memory_space<vmem>>, vector<1x8x128xf32>
      %get3A_1259 = vector.shape_cast %get3A_1258 : vector<1x8x128xf32> to vector<8x128xf32>
      %get3A_1260 = arith.index_cast %add3A_1249 : i32 to index
      %get3A_1261 = arith.constant 0 : index
      %get3A_1262 = vector.load %arg5[%get3A_1260, %get3A_1261] : memref<512x128xf32, #tpu.memory_space<vmem>>, vector<1x128xf32>
      %broadcast_in_dim3A_1263 = vector.shape_cast %get3A_1262 : vector<1x128xf32> to vector<1x128xf32>
      %broadcast_in_dim3A_1264 = vector.broadcast %broadcast_in_dim3A_1263 : vector<1x128xf32> to vector<8x128xf32>
      %get3A_1265 = arith.index_cast %add3A_1249 : i32 to index
      %get3A_1266 = arith.constant 0 : index
      %get3A_1267 = vector.load %arg6[%get3A_1265, %get3A_1266] : memref<512x128xf32, #tpu.memory_space<vmem>>, vector<1x128xf32>
      %broadcast_in_dim3A_1268 = vector.shape_cast %get3A_1267 : vector<1x128xf32> to vector<1x128xf32>
      %broadcast_in_dim3A_1269 = vector.broadcast %broadcast_in_dim3A_1268 : vector<1x128xf32> to vector<8x128xf32>
      %add3A_1270 = arith.addf %get3A_1254, %broadcast_in_dim3A_1264 : vector<8x128xf32>
      %add3A_1271 = arith.addf %get3A_1259, %broadcast_in_dim3A_1269 : vector<8x128xf32>
      %add3A_1272 = arith.addf %get3A_1254, %broadcast_in_dim3A_1269 : vector<8x128xf32>
      %add3A_1273 = arith.addf %get3A_1259, %broadcast_in_dim3A_1264 : vector<8x128xf32>
      %mul3A_1274 = arith.constant 16 : i32
      %mul3A_1275 = arith.muli %add3A_1001, %mul3A_1274 : i32
      %add3A_1276 = arith.constant 7 : i32
      %add3A_1277 = arith.addi %mul3A_1275, %add3A_1276 : i32
      %get3A_1278 = arith.index_cast %add3A_1277 : i32 to index
      %get3A_1279 = arith.constant 0 : index
      %get3A_1280 = arith.constant 0 : index
      %get3A_1281 = vector.load %arg7[%get3A_1278, %get3A_1279, %get3A_1280] : memref<512x8x128xf32, #tpu.memory_space<vmem>>, vector<1x8x128xf32>
      %get3A_1282 = vector.shape_cast %get3A_1281 : vector<1x8x128xf32> to vector<8x128xf32>
      %get3A_1283 = arith.index_cast %add3A_1277 : i32 to index
      %get3A_1284 = arith.constant 0 : index
      %get3A_1285 = arith.constant 0 : index
      %get3A_1286 = vector.load %arg8[%get3A_1283, %get3A_1284, %get3A_1285] : memref<512x8x128xf32, #tpu.memory_space<vmem>>, vector<1x8x128xf32>
      %get3A_1287 = vector.shape_cast %get3A_1286 : vector<1x8x128xf32> to vector<8x128xf32>
      %get3A_1288 = arith.index_cast %add3A_1277 : i32 to index
      %get3A_1289 = arith.constant 0 : index
      %get3A_1290 = vector.load %arg5[%get3A_1288, %get3A_1289] : memref<512x128xf32, #tpu.memory_space<vmem>>, vector<1x128xf32>
      %broadcast_in_dim3A_1291 = vector.shape_cast %get3A_1290 : vector<1x128xf32> to vector<1x128xf32>
      %broadcast_in_dim3A_1292 = vector.broadcast %broadcast_in_dim3A_1291 : vector<1x128xf32> to vector<8x128xf32>
      %get3A_1293 = arith.index_cast %add3A_1277 : i32 to index
      %get3A_1294 = arith.constant 0 : index
      %get3A_1295 = vector.load %arg6[%get3A_1293, %get3A_1294] : memref<512x128xf32, #tpu.memory_space<vmem>>, vector<1x128xf32>
      %broadcast_in_dim3A_1296 = vector.shape_cast %get3A_1295 : vector<1x128xf32> to vector<1x128xf32>
      %broadcast_in_dim3A_1297 = vector.broadcast %broadcast_in_dim3A_1296 : vector<1x128xf32> to vector<8x128xf32>
      %add3A_1298 = arith.addf %get3A_1282, %broadcast_in_dim3A_1292 : vector<8x128xf32>
      %add3A_1299 = arith.addf %get3A_1287, %broadcast_in_dim3A_1297 : vector<8x128xf32>
      %add3A_1300 = arith.addf %get3A_1282, %broadcast_in_dim3A_1297 : vector<8x128xf32>
      %add3A_1301 = arith.addf %get3A_1287, %broadcast_in_dim3A_1292 : vector<8x128xf32>
      %min3A_1302 = arith.minimumf %add3A_1214, %add3A_1215 : vector<8x128xf32>
      %max3A_1303 = arith.maximumf %add3A_1214, %add3A_1215 : vector<8x128xf32>
      %min3A_1304 = arith.minimumf %add3A_1242, %add3A_1243 : vector<8x128xf32>
      %max3A_1305 = arith.maximumf %add3A_1242, %add3A_1243 : vector<8x128xf32>
      %min3A_1306 = arith.minimumf %add3A_1270, %add3A_1271 : vector<8x128xf32>
      %max3A_1307 = arith.maximumf %add3A_1270, %add3A_1271 : vector<8x128xf32>
      %min3A_1308 = arith.minimumf %add3A_1298, %add3A_1299 : vector<8x128xf32>
      %max3A_1309 = arith.maximumf %add3A_1298, %add3A_1299 : vector<8x128xf32>
      %min3A_1310 = arith.minimumf %min3A_1302, %min3A_1304 : vector<8x128xf32>
      %max3A_1311 = arith.maximumf %min3A_1302, %min3A_1304 : vector<8x128xf32>
      %min3A_1312 = arith.minimumf %max3A_1303, %max3A_1305 : vector<8x128xf32>
      %max3A_1313 = arith.maximumf %max3A_1303, %max3A_1305 : vector<8x128xf32>
      %min3A_1314 = arith.minimumf %min3A_1306, %min3A_1308 : vector<8x128xf32>
      %max3A_1315 = arith.maximumf %min3A_1306, %min3A_1308 : vector<8x128xf32>
      %min3A_1316 = arith.minimumf %max3A_1307, %max3A_1309 : vector<8x128xf32>
      %max3A_1317 = arith.maximumf %max3A_1307, %max3A_1309 : vector<8x128xf32>
      %min3A_1318 = arith.minimumf %min3A_1312, %max3A_1311 : vector<8x128xf32>
      %max3A_1319 = arith.maximumf %min3A_1312, %max3A_1311 : vector<8x128xf32>
      %min3A_1320 = arith.minimumf %min3A_1316, %max3A_1315 : vector<8x128xf32>
      %max3A_1321 = arith.maximumf %min3A_1316, %max3A_1315 : vector<8x128xf32>
      %min3A_1322 = arith.minimumf %min3A_1310, %min3A_1314 : vector<8x128xf32>
      %max3A_1323 = arith.maximumf %min3A_1310, %min3A_1314 : vector<8x128xf32>
      %min3A_1324 = arith.minimumf %min3A_1318, %min3A_1320 : vector<8x128xf32>
      %max3A_1325 = arith.maximumf %min3A_1318, %min3A_1320 : vector<8x128xf32>
      %min3A_1326 = arith.minimumf %max3A_1319, %max3A_1321 : vector<8x128xf32>
      %max3A_1327 = arith.maximumf %max3A_1319, %max3A_1321 : vector<8x128xf32>
      %min3A_1328 = arith.minimumf %max3A_1313, %max3A_1317 : vector<8x128xf32>
      %max3A_1329 = arith.maximumf %max3A_1313, %max3A_1317 : vector<8x128xf32>
      %min3A_1330 = arith.minimumf %min3A_1326, %max3A_1323 : vector<8x128xf32>
      %max3A_1331 = arith.maximumf %min3A_1326, %max3A_1323 : vector<8x128xf32>
      %min3A_1332 = arith.minimumf %min3A_1328, %max3A_1325 : vector<8x128xf32>
      %max3A_1333 = arith.maximumf %min3A_1328, %max3A_1325 : vector<8x128xf32>
      %min3A_1334 = arith.minimumf %min3A_1324, %min3A_1330 : vector<8x128xf32>
      %max3A_1335 = arith.maximumf %min3A_1324, %min3A_1330 : vector<8x128xf32>
      %min3A_1336 = arith.minimumf %min3A_1332, %max3A_1331 : vector<8x128xf32>
      %max3A_1337 = arith.maximumf %min3A_1332, %max3A_1331 : vector<8x128xf32>
      %min3A_1338 = arith.minimumf %max3A_1333, %max3A_1327 : vector<8x128xf32>
      %max3A_1339 = arith.maximumf %max3A_1333, %max3A_1327 : vector<8x128xf32>
      %min3A_1340 = arith.minimumf %add3A_1216, %add3A_1217 : vector<8x128xf32>
      %max3A_1341 = arith.maximumf %add3A_1216, %add3A_1217 : vector<8x128xf32>
      %min3A_1342 = arith.minimumf %add3A_1244, %add3A_1245 : vector<8x128xf32>
      %max3A_1343 = arith.maximumf %add3A_1244, %add3A_1245 : vector<8x128xf32>
      %min3A_1344 = arith.minimumf %add3A_1272, %add3A_1273 : vector<8x128xf32>
      %max3A_1345 = arith.maximumf %add3A_1272, %add3A_1273 : vector<8x128xf32>
      %min3A_1346 = arith.minimumf %add3A_1300, %add3A_1301 : vector<8x128xf32>
      %max3A_1347 = arith.maximumf %add3A_1300, %add3A_1301 : vector<8x128xf32>
      %min3A_1348 = arith.minimumf %min3A_1340, %min3A_1342 : vector<8x128xf32>
      %max3A_1349 = arith.maximumf %min3A_1340, %min3A_1342 : vector<8x128xf32>
      %min3A_1350 = arith.minimumf %max3A_1341, %max3A_1343 : vector<8x128xf32>
      %max3A_1351 = arith.maximumf %max3A_1341, %max3A_1343 : vector<8x128xf32>
      %min3A_1352 = arith.minimumf %min3A_1344, %min3A_1346 : vector<8x128xf32>
      %max3A_1353 = arith.maximumf %min3A_1344, %min3A_1346 : vector<8x128xf32>
      %min3A_1354 = arith.minimumf %max3A_1345, %max3A_1347 : vector<8x128xf32>
      %max3A_1355 = arith.maximumf %max3A_1345, %max3A_1347 : vector<8x128xf32>
      %min3A_1356 = arith.minimumf %min3A_1350, %max3A_1349 : vector<8x128xf32>
      %max3A_1357 = arith.maximumf %min3A_1350, %max3A_1349 : vector<8x128xf32>
      %min3A_1358 = arith.minimumf %min3A_1354, %max3A_1353 : vector<8x128xf32>
      %max3A_1359 = arith.maximumf %min3A_1354, %max3A_1353 : vector<8x128xf32>
      %min3A_1360 = arith.minimumf %min3A_1348, %min3A_1352 : vector<8x128xf32>
      %max3A_1361 = arith.maximumf %min3A_1348, %min3A_1352 : vector<8x128xf32>
      %min3A_1362 = arith.minimumf %min3A_1356, %min3A_1358 : vector<8x128xf32>
      %max3A_1363 = arith.maximumf %min3A_1356, %min3A_1358 : vector<8x128xf32>
      %min3A_1364 = arith.minimumf %max3A_1357, %max3A_1359 : vector<8x128xf32>
      %max3A_1365 = arith.maximumf %max3A_1357, %max3A_1359 : vector<8x128xf32>
      %min3A_1366 = arith.minimumf %max3A_1351, %max3A_1355 : vector<8x128xf32>
      %max3A_1367 = arith.maximumf %max3A_1351, %max3A_1355 : vector<8x128xf32>
      %min3A_1368 = arith.minimumf %min3A_1364, %max3A_1361 : vector<8x128xf32>
      %max3A_1369 = arith.maximumf %min3A_1364, %max3A_1361 : vector<8x128xf32>
      %min3A_1370 = arith.minimumf %min3A_1366, %max3A_1363 : vector<8x128xf32>
      %max3A_1371 = arith.maximumf %min3A_1366, %max3A_1363 : vector<8x128xf32>
      %min3A_1372 = arith.minimumf %min3A_1362, %min3A_1368 : vector<8x128xf32>
      %max3A_1373 = arith.maximumf %min3A_1362, %min3A_1368 : vector<8x128xf32>
      %min3A_1374 = arith.minimumf %min3A_1370, %max3A_1369 : vector<8x128xf32>
      %max3A_1375 = arith.maximumf %min3A_1370, %max3A_1369 : vector<8x128xf32>
      %min3A_1376 = arith.minimumf %max3A_1371, %max3A_1365 : vector<8x128xf32>
      %max3A_1377 = arith.maximumf %max3A_1371, %max3A_1365 : vector<8x128xf32>
      %min3A_1378 = arith.minimumf %min3A_1134, %max3A_1329 : vector<8x128xf32>
      %min3A_1379 = arith.minimumf %min3A_1146, %max3A_1339 : vector<8x128xf32>
      %min3A_1380 = arith.minimumf %max3A_1147, %min3A_1338 : vector<8x128xf32>
      %min3A_1381 = arith.minimumf %min3A_1148, %max3A_1337 : vector<8x128xf32>
      %min3A_1382 = arith.minimumf %max3A_1149, %min3A_1336 : vector<8x128xf32>
      %min3A_1383 = arith.minimumf %min3A_1150, %max3A_1335 : vector<8x128xf32>
      %min3A_1384 = arith.minimumf %max3A_1151, %min3A_1334 : vector<8x128xf32>
      %min3A_1385 = arith.minimumf %max3A_1141, %min3A_1322 : vector<8x128xf32>
      %min3A_1386 = arith.minimumf %min3A_1378, %min3A_1382 : vector<8x128xf32>
      %max3A_1387 = arith.maximumf %min3A_1378, %min3A_1382 : vector<8x128xf32>
      %min3A_1388 = arith.minimumf %min3A_1379, %min3A_1383 : vector<8x128xf32>
      %max3A_1389 = arith.maximumf %min3A_1379, %min3A_1383 : vector<8x128xf32>
      %min3A_1390 = arith.minimumf %min3A_1380, %min3A_1384 : vector<8x128xf32>
      %max3A_1391 = arith.maximumf %min3A_1380, %min3A_1384 : vector<8x128xf32>
      %min3A_1392 = arith.minimumf %min3A_1381, %min3A_1385 : vector<8x128xf32>
      %max3A_1393 = arith.maximumf %min3A_1381, %min3A_1385 : vector<8x128xf32>
      %min3A_1394 = arith.minimumf %min3A_1386, %min3A_1390 : vector<8x128xf32>
      %max3A_1395 = arith.maximumf %min3A_1386, %min3A_1390 : vector<8x128xf32>
      %min3A_1396 = arith.minimumf %min3A_1388, %min3A_1392 : vector<8x128xf32>
      %max3A_1397 = arith.maximumf %min3A_1388, %min3A_1392 : vector<8x128xf32>
      %min3A_1398 = arith.minimumf %max3A_1387, %max3A_1391 : vector<8x128xf32>
      %max3A_1399 = arith.maximumf %max3A_1387, %max3A_1391 : vector<8x128xf32>
      %min3A_1400 = arith.minimumf %max3A_1389, %max3A_1393 : vector<8x128xf32>
      %max3A_1401 = arith.maximumf %max3A_1389, %max3A_1393 : vector<8x128xf32>
      %min3A_1402 = arith.minimumf %min3A_1394, %min3A_1396 : vector<8x128xf32>
      %max3A_1403 = arith.maximumf %min3A_1394, %min3A_1396 : vector<8x128xf32>
      %min3A_1404 = arith.minimumf %max3A_1395, %max3A_1397 : vector<8x128xf32>
      %max3A_1405 = arith.maximumf %max3A_1395, %max3A_1397 : vector<8x128xf32>
      %min3A_1406 = arith.minimumf %min3A_1398, %min3A_1400 : vector<8x128xf32>
      %max3A_1407 = arith.maximumf %min3A_1398, %min3A_1400 : vector<8x128xf32>
      %min3A_1408 = arith.minimumf %max3A_1399, %max3A_1401 : vector<8x128xf32>
      %max3A_1409 = arith.maximumf %max3A_1399, %max3A_1401 : vector<8x128xf32>
      %min3A_1410 = arith.minimumf %min3A_1172, %max3A_1367 : vector<8x128xf32>
      %min3A_1411 = arith.minimumf %min3A_1184, %max3A_1377 : vector<8x128xf32>
      %min3A_1412 = arith.minimumf %max3A_1185, %min3A_1376 : vector<8x128xf32>
      %min3A_1413 = arith.minimumf %min3A_1186, %max3A_1375 : vector<8x128xf32>
      %min3A_1414 = arith.minimumf %max3A_1187, %min3A_1374 : vector<8x128xf32>
      %min3A_1415 = arith.minimumf %min3A_1188, %max3A_1373 : vector<8x128xf32>
      %min3A_1416 = arith.minimumf %max3A_1189, %min3A_1372 : vector<8x128xf32>
      %min3A_1417 = arith.minimumf %max3A_1179, %min3A_1360 : vector<8x128xf32>
      %min3A_1418 = arith.minimumf %min3A_1410, %min3A_1414 : vector<8x128xf32>
      %max3A_1419 = arith.maximumf %min3A_1410, %min3A_1414 : vector<8x128xf32>
      %min3A_1420 = arith.minimumf %min3A_1411, %min3A_1415 : vector<8x128xf32>
      %max3A_1421 = arith.maximumf %min3A_1411, %min3A_1415 : vector<8x128xf32>
      %min3A_1422 = arith.minimumf %min3A_1412, %min3A_1416 : vector<8x128xf32>
      %max3A_1423 = arith.maximumf %min3A_1412, %min3A_1416 : vector<8x128xf32>
      %min3A_1424 = arith.minimumf %min3A_1413, %min3A_1417 : vector<8x128xf32>
      %max3A_1425 = arith.maximumf %min3A_1413, %min3A_1417 : vector<8x128xf32>
      %min3A_1426 = arith.minimumf %min3A_1418, %min3A_1422 : vector<8x128xf32>
      %max3A_1427 = arith.maximumf %min3A_1418, %min3A_1422 : vector<8x128xf32>
      %min3A_1428 = arith.minimumf %min3A_1420, %min3A_1424 : vector<8x128xf32>
      %max3A_1429 = arith.maximumf %min3A_1420, %min3A_1424 : vector<8x128xf32>
      %min3A_1430 = arith.minimumf %max3A_1419, %max3A_1423 : vector<8x128xf32>
      %max3A_1431 = arith.maximumf %max3A_1419, %max3A_1423 : vector<8x128xf32>
      %min3A_1432 = arith.minimumf %max3A_1421, %max3A_1425 : vector<8x128xf32>
      %max3A_1433 = arith.maximumf %max3A_1421, %max3A_1425 : vector<8x128xf32>
      %min3A_1434 = arith.minimumf %min3A_1426, %min3A_1428 : vector<8x128xf32>
      %max3A_1435 = arith.maximumf %min3A_1426, %min3A_1428 : vector<8x128xf32>
      %min3A_1436 = arith.minimumf %max3A_1427, %max3A_1429 : vector<8x128xf32>
      %max3A_1437 = arith.maximumf %max3A_1427, %max3A_1429 : vector<8x128xf32>
      %min3A_1438 = arith.minimumf %min3A_1430, %min3A_1432 : vector<8x128xf32>
      %max3A_1439 = arith.maximumf %min3A_1430, %min3A_1432 : vector<8x128xf32>
      %min3A_1440 = arith.minimumf %max3A_1431, %max3A_1433 : vector<8x128xf32>
      %max3A_1441 = arith.maximumf %max3A_1431, %max3A_1433 : vector<8x128xf32>
      %mul3A_1442 = arith.constant 16 : i32
      %mul3A_1443 = arith.muli %add3A_1001, %mul3A_1442 : i32
      %add3A_1444 = arith.constant 8 : i32
      %add3A_1445 = arith.addi %mul3A_1443, %add3A_1444 : i32
      %get3A_1446 = arith.index_cast %add3A_1445 : i32 to index
      %get3A_1447 = arith.constant 0 : index
      %get3A_1448 = arith.constant 0 : index
      %get3A_1449 = vector.load %arg7[%get3A_1446, %get3A_1447, %get3A_1448] : memref<512x8x128xf32, #tpu.memory_space<vmem>>, vector<1x8x128xf32>
      %get3A_1450 = vector.shape_cast %get3A_1449 : vector<1x8x128xf32> to vector<8x128xf32>
      %get3A_1451 = arith.index_cast %add3A_1445 : i32 to index
      %get3A_1452 = arith.constant 0 : index
      %get3A_1453 = arith.constant 0 : index
      %get3A_1454 = vector.load %arg8[%get3A_1451, %get3A_1452, %get3A_1453] : memref<512x8x128xf32, #tpu.memory_space<vmem>>, vector<1x8x128xf32>
      %get3A_1455 = vector.shape_cast %get3A_1454 : vector<1x8x128xf32> to vector<8x128xf32>
      %get3A_1456 = arith.index_cast %add3A_1445 : i32 to index
      %get3A_1457 = arith.constant 0 : index
      %get3A_1458 = vector.load %arg5[%get3A_1456, %get3A_1457] : memref<512x128xf32, #tpu.memory_space<vmem>>, vector<1x128xf32>
      %broadcast_in_dim3A_1459 = vector.shape_cast %get3A_1458 : vector<1x128xf32> to vector<1x128xf32>
      %broadcast_in_dim3A_1460 = vector.broadcast %broadcast_in_dim3A_1459 : vector<1x128xf32> to vector<8x128xf32>
      %get3A_1461 = arith.index_cast %add3A_1445 : i32 to index
      %get3A_1462 = arith.constant 0 : index
      %get3A_1463 = vector.load %arg6[%get3A_1461, %get3A_1462] : memref<512x128xf32, #tpu.memory_space<vmem>>, vector<1x128xf32>
      %broadcast_in_dim3A_1464 = vector.shape_cast %get3A_1463 : vector<1x128xf32> to vector<1x128xf32>
      %broadcast_in_dim3A_1465 = vector.broadcast %broadcast_in_dim3A_1464 : vector<1x128xf32> to vector<8x128xf32>
      %add3A_1466 = arith.addf %get3A_1450, %broadcast_in_dim3A_1460 : vector<8x128xf32>
      %add3A_1467 = arith.addf %get3A_1455, %broadcast_in_dim3A_1465 : vector<8x128xf32>
      %add3A_1468 = arith.addf %get3A_1450, %broadcast_in_dim3A_1465 : vector<8x128xf32>
      %add3A_1469 = arith.addf %get3A_1455, %broadcast_in_dim3A_1460 : vector<8x128xf32>
      %mul3A_1470 = arith.constant 16 : i32
      %mul3A_1471 = arith.muli %add3A_1001, %mul3A_1470 : i32
      %add3A_1472 = arith.constant 9 : i32
      %add3A_1473 = arith.addi %mul3A_1471, %add3A_1472 : i32
      %get3A_1474 = arith.index_cast %add3A_1473 : i32 to index
      %get3A_1475 = arith.constant 0 : index
      %get3A_1476 = arith.constant 0 : index
      %get3A_1477 = vector.load %arg7[%get3A_1474, %get3A_1475, %get3A_1476] : memref<512x8x128xf32, #tpu.memory_space<vmem>>, vector<1x8x128xf32>
      %get3A_1478 = vector.shape_cast %get3A_1477 : vector<1x8x128xf32> to vector<8x128xf32>
      %get3A_1479 = arith.index_cast %add3A_1473 : i32 to index
      %get3A_1480 = arith.constant 0 : index
      %get3A_1481 = arith.constant 0 : index
      %get3A_1482 = vector.load %arg8[%get3A_1479, %get3A_1480, %get3A_1481] : memref<512x8x128xf32, #tpu.memory_space<vmem>>, vector<1x8x128xf32>
      %get3A_1483 = vector.shape_cast %get3A_1482 : vector<1x8x128xf32> to vector<8x128xf32>
      %get3A_1484 = arith.index_cast %add3A_1473 : i32 to index
      %get3A_1485 = arith.constant 0 : index
      %get3A_1486 = vector.load %arg5[%get3A_1484, %get3A_1485] : memref<512x128xf32, #tpu.memory_space<vmem>>, vector<1x128xf32>
      %broadcast_in_dim3A_1487 = vector.shape_cast %get3A_1486 : vector<1x128xf32> to vector<1x128xf32>
      %broadcast_in_dim3A_1488 = vector.broadcast %broadcast_in_dim3A_1487 : vector<1x128xf32> to vector<8x128xf32>
      %get3A_1489 = arith.index_cast %add3A_1473 : i32 to index
      %get3A_1490 = arith.constant 0 : index
      %get3A_1491 = vector.load %arg6[%get3A_1489, %get3A_1490] : memref<512x128xf32, #tpu.memory_space<vmem>>, vector<1x128xf32>
      %broadcast_in_dim3A_1492 = vector.shape_cast %get3A_1491 : vector<1x128xf32> to vector<1x128xf32>
      %broadcast_in_dim3A_1493 = vector.broadcast %broadcast_in_dim3A_1492 : vector<1x128xf32> to vector<8x128xf32>
      %add3A_1494 = arith.addf %get3A_1478, %broadcast_in_dim3A_1488 : vector<8x128xf32>
      %add3A_1495 = arith.addf %get3A_1483, %broadcast_in_dim3A_1493 : vector<8x128xf32>
      %add3A_1496 = arith.addf %get3A_1478, %broadcast_in_dim3A_1493 : vector<8x128xf32>
      %add3A_1497 = arith.addf %get3A_1483, %broadcast_in_dim3A_1488 : vector<8x128xf32>
      %mul3A_1498 = arith.constant 16 : i32
      %mul3A_1499 = arith.muli %add3A_1001, %mul3A_1498 : i32
      %add3A_1500 = arith.constant 10 : i32
      %add3A_1501 = arith.addi %mul3A_1499, %add3A_1500 : i32
      %get3A_1502 = arith.index_cast %add3A_1501 : i32 to index
      %get3A_1503 = arith.constant 0 : index
      %get3A_1504 = arith.constant 0 : index
      %get3A_1505 = vector.load %arg7[%get3A_1502, %get3A_1503, %get3A_1504] : memref<512x8x128xf32, #tpu.memory_space<vmem>>, vector<1x8x128xf32>
      %get3A_1506 = vector.shape_cast %get3A_1505 : vector<1x8x128xf32> to vector<8x128xf32>
      %get3A_1507 = arith.index_cast %add3A_1501 : i32 to index
      %get3A_1508 = arith.constant 0 : index
      %get3A_1509 = arith.constant 0 : index
      %get3A_1510 = vector.load %arg8[%get3A_1507, %get3A_1508, %get3A_1509] : memref<512x8x128xf32, #tpu.memory_space<vmem>>, vector<1x8x128xf32>
      %get3A_1511 = vector.shape_cast %get3A_1510 : vector<1x8x128xf32> to vector<8x128xf32>
      %get3A_1512 = arith.index_cast %add3A_1501 : i32 to index
      %get3A_1513 = arith.constant 0 : index
      %get3A_1514 = vector.load %arg5[%get3A_1512, %get3A_1513] : memref<512x128xf32, #tpu.memory_space<vmem>>, vector<1x128xf32>
      %broadcast_in_dim3A_1515 = vector.shape_cast %get3A_1514 : vector<1x128xf32> to vector<1x128xf32>
      %broadcast_in_dim3A_1516 = vector.broadcast %broadcast_in_dim3A_1515 : vector<1x128xf32> to vector<8x128xf32>
      %get3A_1517 = arith.index_cast %add3A_1501 : i32 to index
      %get3A_1518 = arith.constant 0 : index
      %get3A_1519 = vector.load %arg6[%get3A_1517, %get3A_1518] : memref<512x128xf32, #tpu.memory_space<vmem>>, vector<1x128xf32>
      %broadcast_in_dim3A_1520 = vector.shape_cast %get3A_1519 : vector<1x128xf32> to vector<1x128xf32>
      %broadcast_in_dim3A_1521 = vector.broadcast %broadcast_in_dim3A_1520 : vector<1x128xf32> to vector<8x128xf32>
      %add3A_1522 = arith.addf %get3A_1506, %broadcast_in_dim3A_1516 : vector<8x128xf32>
      %add3A_1523 = arith.addf %get3A_1511, %broadcast_in_dim3A_1521 : vector<8x128xf32>
      %add3A_1524 = arith.addf %get3A_1506, %broadcast_in_dim3A_1521 : vector<8x128xf32>
      %add3A_1525 = arith.addf %get3A_1511, %broadcast_in_dim3A_1516 : vector<8x128xf32>
      %mul3A_1526 = arith.constant 16 : i32
      %mul3A_1527 = arith.muli %add3A_1001, %mul3A_1526 : i32
      %add3A_1528 = arith.constant 11 : i32
      %add3A_1529 = arith.addi %mul3A_1527, %add3A_1528 : i32
      %get3A_1530 = arith.index_cast %add3A_1529 : i32 to index
      %get3A_1531 = arith.constant 0 : index
      %get3A_1532 = arith.constant 0 : index
      %get3A_1533 = vector.load %arg7[%get3A_1530, %get3A_1531, %get3A_1532] : memref<512x8x128xf32, #tpu.memory_space<vmem>>, vector<1x8x128xf32>
      %get3A_1534 = vector.shape_cast %get3A_1533 : vector<1x8x128xf32> to vector<8x128xf32>
      %get3A_1535 = arith.index_cast %add3A_1529 : i32 to index
      %get3A_1536 = arith.constant 0 : index
      %get3A_1537 = arith.constant 0 : index
      %get3A_1538 = vector.load %arg8[%get3A_1535, %get3A_1536, %get3A_1537] : memref<512x8x128xf32, #tpu.memory_space<vmem>>, vector<1x8x128xf32>
      %get3A_1539 = vector.shape_cast %get3A_1538 : vector<1x8x128xf32> to vector<8x128xf32>
      %get3A_1540 = arith.index_cast %add3A_1529 : i32 to index
      %get3A_1541 = arith.constant 0 : index
      %get3A_1542 = vector.load %arg5[%get3A_1540, %get3A_1541] : memref<512x128xf32, #tpu.memory_space<vmem>>, vector<1x128xf32>
      %broadcast_in_dim3A_1543 = vector.shape_cast %get3A_1542 : vector<1x128xf32> to vector<1x128xf32>
      %broadcast_in_dim3A_1544 = vector.broadcast %broadcast_in_dim3A_1543 : vector<1x128xf32> to vector<8x128xf32>
      %get3A_1545 = arith.index_cast %add3A_1529 : i32 to index
      %get3A_1546 = arith.constant 0 : index
      %get3A_1547 = vector.load %arg6[%get3A_1545, %get3A_1546] : memref<512x128xf32, #tpu.memory_space<vmem>>, vector<1x128xf32>
      %broadcast_in_dim3A_1548 = vector.shape_cast %get3A_1547 : vector<1x128xf32> to vector<1x128xf32>
      %broadcast_in_dim3A_1549 = vector.broadcast %broadcast_in_dim3A_1548 : vector<1x128xf32> to vector<8x128xf32>
      %add3A_1550 = arith.addf %get3A_1534, %broadcast_in_dim3A_1544 : vector<8x128xf32>
      %add3A_1551 = arith.addf %get3A_1539, %broadcast_in_dim3A_1549 : vector<8x128xf32>
      %add3A_1552 = arith.addf %get3A_1534, %broadcast_in_dim3A_1549 : vector<8x128xf32>
      %add3A_1553 = arith.addf %get3A_1539, %broadcast_in_dim3A_1544 : vector<8x128xf32>
      %min3A_1554 = arith.minimumf %add3A_1466, %add3A_1467 : vector<8x128xf32>
      %max3A_1555 = arith.maximumf %add3A_1466, %add3A_1467 : vector<8x128xf32>
      %min3A_1556 = arith.minimumf %add3A_1494, %add3A_1495 : vector<8x128xf32>
      %max3A_1557 = arith.maximumf %add3A_1494, %add3A_1495 : vector<8x128xf32>
      %min3A_1558 = arith.minimumf %add3A_1522, %add3A_1523 : vector<8x128xf32>
      %max3A_1559 = arith.maximumf %add3A_1522, %add3A_1523 : vector<8x128xf32>
      %min3A_1560 = arith.minimumf %add3A_1550, %add3A_1551 : vector<8x128xf32>
      %max3A_1561 = arith.maximumf %add3A_1550, %add3A_1551 : vector<8x128xf32>
      %min3A_1562 = arith.minimumf %min3A_1554, %min3A_1556 : vector<8x128xf32>
      %max3A_1563 = arith.maximumf %min3A_1554, %min3A_1556 : vector<8x128xf32>
      %min3A_1564 = arith.minimumf %max3A_1555, %max3A_1557 : vector<8x128xf32>
      %max3A_1565 = arith.maximumf %max3A_1555, %max3A_1557 : vector<8x128xf32>
      %min3A_1566 = arith.minimumf %min3A_1558, %min3A_1560 : vector<8x128xf32>
      %max3A_1567 = arith.maximumf %min3A_1558, %min3A_1560 : vector<8x128xf32>
      %min3A_1568 = arith.minimumf %max3A_1559, %max3A_1561 : vector<8x128xf32>
      %max3A_1569 = arith.maximumf %max3A_1559, %max3A_1561 : vector<8x128xf32>
      %min3A_1570 = arith.minimumf %min3A_1564, %max3A_1563 : vector<8x128xf32>
      %max3A_1571 = arith.maximumf %min3A_1564, %max3A_1563 : vector<8x128xf32>
      %min3A_1572 = arith.minimumf %min3A_1568, %max3A_1567 : vector<8x128xf32>
      %max3A_1573 = arith.maximumf %min3A_1568, %max3A_1567 : vector<8x128xf32>
      %min3A_1574 = arith.minimumf %min3A_1562, %min3A_1566 : vector<8x128xf32>
      %max3A_1575 = arith.maximumf %min3A_1562, %min3A_1566 : vector<8x128xf32>
      %min3A_1576 = arith.minimumf %min3A_1570, %min3A_1572 : vector<8x128xf32>
      %max3A_1577 = arith.maximumf %min3A_1570, %min3A_1572 : vector<8x128xf32>
      %min3A_1578 = arith.minimumf %max3A_1571, %max3A_1573 : vector<8x128xf32>
      %max3A_1579 = arith.maximumf %max3A_1571, %max3A_1573 : vector<8x128xf32>
      %min3A_1580 = arith.minimumf %max3A_1565, %max3A_1569 : vector<8x128xf32>
      %max3A_1581 = arith.maximumf %max3A_1565, %max3A_1569 : vector<8x128xf32>
      %min3A_1582 = arith.minimumf %min3A_1578, %max3A_1575 : vector<8x128xf32>
      %max3A_1583 = arith.maximumf %min3A_1578, %max3A_1575 : vector<8x128xf32>
      %min3A_1584 = arith.minimumf %min3A_1580, %max3A_1577 : vector<8x128xf32>
      %max3A_1585 = arith.maximumf %min3A_1580, %max3A_1577 : vector<8x128xf32>
      %min3A_1586 = arith.minimumf %min3A_1576, %min3A_1582 : vector<8x128xf32>
      %max3A_1587 = arith.maximumf %min3A_1576, %min3A_1582 : vector<8x128xf32>
      %min3A_1588 = arith.minimumf %min3A_1584, %max3A_1583 : vector<8x128xf32>
      %max3A_1589 = arith.maximumf %min3A_1584, %max3A_1583 : vector<8x128xf32>
      %min3A_1590 = arith.minimumf %max3A_1585, %max3A_1579 : vector<8x128xf32>
      %max3A_1591 = arith.maximumf %max3A_1585, %max3A_1579 : vector<8x128xf32>
      %min3A_1592 = arith.minimumf %add3A_1468, %add3A_1469 : vector<8x128xf32>
      %max3A_1593 = arith.maximumf %add3A_1468, %add3A_1469 : vector<8x128xf32>
      %min3A_1594 = arith.minimumf %add3A_1496, %add3A_1497 : vector<8x128xf32>
      %max3A_1595 = arith.maximumf %add3A_1496, %add3A_1497 : vector<8x128xf32>
      %min3A_1596 = arith.minimumf %add3A_1524, %add3A_1525 : vector<8x128xf32>
      %max3A_1597 = arith.maximumf %add3A_1524, %add3A_1525 : vector<8x128xf32>
      %min3A_1598 = arith.minimumf %add3A_1552, %add3A_1553 : vector<8x128xf32>
      %max3A_1599 = arith.maximumf %add3A_1552, %add3A_1553 : vector<8x128xf32>
      %min3A_1600 = arith.minimumf %min3A_1592, %min3A_1594 : vector<8x128xf32>
      %max3A_1601 = arith.maximumf %min3A_1592, %min3A_1594 : vector<8x128xf32>
      %min3A_1602 = arith.minimumf %max3A_1593, %max3A_1595 : vector<8x128xf32>
      %max3A_1603 = arith.maximumf %max3A_1593, %max3A_1595 : vector<8x128xf32>
      %min3A_1604 = arith.minimumf %min3A_1596, %min3A_1598 : vector<8x128xf32>
      %max3A_1605 = arith.maximumf %min3A_1596, %min3A_1598 : vector<8x128xf32>
      %min3A_1606 = arith.minimumf %max3A_1597, %max3A_1599 : vector<8x128xf32>
      %max3A_1607 = arith.maximumf %max3A_1597, %max3A_1599 : vector<8x128xf32>
      %min3A_1608 = arith.minimumf %min3A_1602, %max3A_1601 : vector<8x128xf32>
      %max3A_1609 = arith.maximumf %min3A_1602, %max3A_1601 : vector<8x128xf32>
      %min3A_1610 = arith.minimumf %min3A_1606, %max3A_1605 : vector<8x128xf32>
      %max3A_1611 = arith.maximumf %min3A_1606, %max3A_1605 : vector<8x128xf32>
      %min3A_1612 = arith.minimumf %min3A_1600, %min3A_1604 : vector<8x128xf32>
      %max3A_1613 = arith.maximumf %min3A_1600, %min3A_1604 : vector<8x128xf32>
      %min3A_1614 = arith.minimumf %min3A_1608, %min3A_1610 : vector<8x128xf32>
      %max3A_1615 = arith.maximumf %min3A_1608, %min3A_1610 : vector<8x128xf32>
      %min3A_1616 = arith.minimumf %max3A_1609, %max3A_1611 : vector<8x128xf32>
      %max3A_1617 = arith.maximumf %max3A_1609, %max3A_1611 : vector<8x128xf32>
      %min3A_1618 = arith.minimumf %max3A_1603, %max3A_1607 : vector<8x128xf32>
      %max3A_1619 = arith.maximumf %max3A_1603, %max3A_1607 : vector<8x128xf32>
      %min3A_1620 = arith.minimumf %min3A_1616, %max3A_1613 : vector<8x128xf32>
      %max3A_1621 = arith.maximumf %min3A_1616, %max3A_1613 : vector<8x128xf32>
      %min3A_1622 = arith.minimumf %min3A_1618, %max3A_1615 : vector<8x128xf32>
      %max3A_1623 = arith.maximumf %min3A_1618, %max3A_1615 : vector<8x128xf32>
      %min3A_1624 = arith.minimumf %min3A_1614, %min3A_1620 : vector<8x128xf32>
      %max3A_1625 = arith.maximumf %min3A_1614, %min3A_1620 : vector<8x128xf32>
      %min3A_1626 = arith.minimumf %min3A_1622, %max3A_1621 : vector<8x128xf32>
      %max3A_1627 = arith.maximumf %min3A_1622, %max3A_1621 : vector<8x128xf32>
      %min3A_1628 = arith.minimumf %max3A_1623, %max3A_1617 : vector<8x128xf32>
      %max3A_1629 = arith.maximumf %max3A_1623, %max3A_1617 : vector<8x128xf32>
      %mul3A_1630 = arith.constant 16 : i32
      %mul3A_1631 = arith.muli %add3A_1001, %mul3A_1630 : i32
      %add3A_1632 = arith.constant 12 : i32
      %add3A_1633 = arith.addi %mul3A_1631, %add3A_1632 : i32
      %get3A_1634 = arith.index_cast %add3A_1633 : i32 to index
      %get3A_1635 = arith.constant 0 : index
      %get3A_1636 = arith.constant 0 : index
      %get3A_1637 = vector.load %arg7[%get3A_1634, %get3A_1635, %get3A_1636] : memref<512x8x128xf32, #tpu.memory_space<vmem>>, vector<1x8x128xf32>
      %get3A_1638 = vector.shape_cast %get3A_1637 : vector<1x8x128xf32> to vector<8x128xf32>
      %get3A_1639 = arith.index_cast %add3A_1633 : i32 to index
      %get3A_1640 = arith.constant 0 : index
      %get3A_1641 = arith.constant 0 : index
      %get3A_1642 = vector.load %arg8[%get3A_1639, %get3A_1640, %get3A_1641] : memref<512x8x128xf32, #tpu.memory_space<vmem>>, vector<1x8x128xf32>
      %get3A_1643 = vector.shape_cast %get3A_1642 : vector<1x8x128xf32> to vector<8x128xf32>
      %get3A_1644 = arith.index_cast %add3A_1633 : i32 to index
      %get3A_1645 = arith.constant 0 : index
      %get3A_1646 = vector.load %arg5[%get3A_1644, %get3A_1645] : memref<512x128xf32, #tpu.memory_space<vmem>>, vector<1x128xf32>
      %broadcast_in_dim3A_1647 = vector.shape_cast %get3A_1646 : vector<1x128xf32> to vector<1x128xf32>
      %broadcast_in_dim3A_1648 = vector.broadcast %broadcast_in_dim3A_1647 : vector<1x128xf32> to vector<8x128xf32>
      %get3A_1649 = arith.index_cast %add3A_1633 : i32 to index
      %get3A_1650 = arith.constant 0 : index
      %get3A_1651 = vector.load %arg6[%get3A_1649, %get3A_1650] : memref<512x128xf32, #tpu.memory_space<vmem>>, vector<1x128xf32>
      %broadcast_in_dim3A_1652 = vector.shape_cast %get3A_1651 : vector<1x128xf32> to vector<1x128xf32>
      %broadcast_in_dim3A_1653 = vector.broadcast %broadcast_in_dim3A_1652 : vector<1x128xf32> to vector<8x128xf32>
      %add3A_1654 = arith.addf %get3A_1638, %broadcast_in_dim3A_1648 : vector<8x128xf32>
      %add3A_1655 = arith.addf %get3A_1643, %broadcast_in_dim3A_1653 : vector<8x128xf32>
      %add3A_1656 = arith.addf %get3A_1638, %broadcast_in_dim3A_1653 : vector<8x128xf32>
      %add3A_1657 = arith.addf %get3A_1643, %broadcast_in_dim3A_1648 : vector<8x128xf32>
      %mul3A_1658 = arith.constant 16 : i32
      %mul3A_1659 = arith.muli %add3A_1001, %mul3A_1658 : i32
      %add3A_1660 = arith.constant 13 : i32
      %add3A_1661 = arith.addi %mul3A_1659, %add3A_1660 : i32
      %get3A_1662 = arith.index_cast %add3A_1661 : i32 to index
      %get3A_1663 = arith.constant 0 : index
      %get3A_1664 = arith.constant 0 : index
      %get3A_1665 = vector.load %arg7[%get3A_1662, %get3A_1663, %get3A_1664] : memref<512x8x128xf32, #tpu.memory_space<vmem>>, vector<1x8x128xf32>
      %get3A_1666 = vector.shape_cast %get3A_1665 : vector<1x8x128xf32> to vector<8x128xf32>
      %get3A_1667 = arith.index_cast %add3A_1661 : i32 to index
      %get3A_1668 = arith.constant 0 : index
      %get3A_1669 = arith.constant 0 : index
      %get3A_1670 = vector.load %arg8[%get3A_1667, %get3A_1668, %get3A_1669] : memref<512x8x128xf32, #tpu.memory_space<vmem>>, vector<1x8x128xf32>
      %get3A_1671 = vector.shape_cast %get3A_1670 : vector<1x8x128xf32> to vector<8x128xf32>
      %get3A_1672 = arith.index_cast %add3A_1661 : i32 to index
      %get3A_1673 = arith.constant 0 : index
      %get3A_1674 = vector.load %arg5[%get3A_1672, %get3A_1673] : memref<512x128xf32, #tpu.memory_space<vmem>>, vector<1x128xf32>
      %broadcast_in_dim3A_1675 = vector.shape_cast %get3A_1674 : vector<1x128xf32> to vector<1x128xf32>
      %broadcast_in_dim3A_1676 = vector.broadcast %broadcast_in_dim3A_1675 : vector<1x128xf32> to vector<8x128xf32>
      %get3A_1677 = arith.index_cast %add3A_1661 : i32 to index
      %get3A_1678 = arith.constant 0 : index
      %get3A_1679 = vector.load %arg6[%get3A_1677, %get3A_1678] : memref<512x128xf32, #tpu.memory_space<vmem>>, vector<1x128xf32>
      %broadcast_in_dim3A_1680 = vector.shape_cast %get3A_1679 : vector<1x128xf32> to vector<1x128xf32>
      %broadcast_in_dim3A_1681 = vector.broadcast %broadcast_in_dim3A_1680 : vector<1x128xf32> to vector<8x128xf32>
      %add3A_1682 = arith.addf %get3A_1666, %broadcast_in_dim3A_1676 : vector<8x128xf32>
      %add3A_1683 = arith.addf %get3A_1671, %broadcast_in_dim3A_1681 : vector<8x128xf32>
      %add3A_1684 = arith.addf %get3A_1666, %broadcast_in_dim3A_1681 : vector<8x128xf32>
      %add3A_1685 = arith.addf %get3A_1671, %broadcast_in_dim3A_1676 : vector<8x128xf32>
      %mul3A_1686 = arith.constant 16 : i32
      %mul3A_1687 = arith.muli %add3A_1001, %mul3A_1686 : i32
      %add3A_1688 = arith.constant 14 : i32
      %add3A_1689 = arith.addi %mul3A_1687, %add3A_1688 : i32
      %get3A_1690 = arith.index_cast %add3A_1689 : i32 to index
      %get3A_1691 = arith.constant 0 : index
      %get3A_1692 = arith.constant 0 : index
      %get3A_1693 = vector.load %arg7[%get3A_1690, %get3A_1691, %get3A_1692] : memref<512x8x128xf32, #tpu.memory_space<vmem>>, vector<1x8x128xf32>
      %get3A_1694 = vector.shape_cast %get3A_1693 : vector<1x8x128xf32> to vector<8x128xf32>
      %get3A_1695 = arith.index_cast %add3A_1689 : i32 to index
      %get3A_1696 = arith.constant 0 : index
      %get3A_1697 = arith.constant 0 : index
      %get3A_1698 = vector.load %arg8[%get3A_1695, %get3A_1696, %get3A_1697] : memref<512x8x128xf32, #tpu.memory_space<vmem>>, vector<1x8x128xf32>
      %get3A_1699 = vector.shape_cast %get3A_1698 : vector<1x8x128xf32> to vector<8x128xf32>
      %get3A_1700 = arith.index_cast %add3A_1689 : i32 to index
      %get3A_1701 = arith.constant 0 : index
      %get3A_1702 = vector.load %arg5[%get3A_1700, %get3A_1701] : memref<512x128xf32, #tpu.memory_space<vmem>>, vector<1x128xf32>
      %broadcast_in_dim3A_1703 = vector.shape_cast %get3A_1702 : vector<1x128xf32> to vector<1x128xf32>
      %broadcast_in_dim3A_1704 = vector.broadcast %broadcast_in_dim3A_1703 : vector<1x128xf32> to vector<8x128xf32>
      %get3A_1705 = arith.index_cast %add3A_1689 : i32 to index
      %get3A_1706 = arith.constant 0 : index
      %get3A_1707 = vector.load %arg6[%get3A_1705, %get3A_1706] : memref<512x128xf32, #tpu.memory_space<vmem>>, vector<1x128xf32>
      %broadcast_in_dim3A_1708 = vector.shape_cast %get3A_1707 : vector<1x128xf32> to vector<1x128xf32>
      %broadcast_in_dim3A_1709 = vector.broadcast %broadcast_in_dim3A_1708 : vector<1x128xf32> to vector<8x128xf32>
      %add3A_1710 = arith.addf %get3A_1694, %broadcast_in_dim3A_1704 : vector<8x128xf32>
      %add3A_1711 = arith.addf %get3A_1699, %broadcast_in_dim3A_1709 : vector<8x128xf32>
      %add3A_1712 = arith.addf %get3A_1694, %broadcast_in_dim3A_1709 : vector<8x128xf32>
      %add3A_1713 = arith.addf %get3A_1699, %broadcast_in_dim3A_1704 : vector<8x128xf32>
      %mul3A_1714 = arith.constant 16 : i32
      %mul3A_1715 = arith.muli %add3A_1001, %mul3A_1714 : i32
      %add3A_1716 = arith.constant 15 : i32
      %add3A_1717 = arith.addi %mul3A_1715, %add3A_1716 : i32
      %get3A_1718 = arith.index_cast %add3A_1717 : i32 to index
      %get3A_1719 = arith.constant 0 : index
      %get3A_1720 = arith.constant 0 : index
      %get3A_1721 = vector.load %arg7[%get3A_1718, %get3A_1719, %get3A_1720] : memref<512x8x128xf32, #tpu.memory_space<vmem>>, vector<1x8x128xf32>
      %get3A_1722 = vector.shape_cast %get3A_1721 : vector<1x8x128xf32> to vector<8x128xf32>
      %get3A_1723 = arith.index_cast %add3A_1717 : i32 to index
      %get3A_1724 = arith.constant 0 : index
      %get3A_1725 = arith.constant 0 : index
      %get3A_1726 = vector.load %arg8[%get3A_1723, %get3A_1724, %get3A_1725] : memref<512x8x128xf32, #tpu.memory_space<vmem>>, vector<1x8x128xf32>
      %get3A_1727 = vector.shape_cast %get3A_1726 : vector<1x8x128xf32> to vector<8x128xf32>
      %get3A_1728 = arith.index_cast %add3A_1717 : i32 to index
      %get3A_1729 = arith.constant 0 : index
      %get3A_1730 = vector.load %arg5[%get3A_1728, %get3A_1729] : memref<512x128xf32, #tpu.memory_space<vmem>>, vector<1x128xf32>
      %broadcast_in_dim3A_1731 = vector.shape_cast %get3A_1730 : vector<1x128xf32> to vector<1x128xf32>
      %broadcast_in_dim3A_1732 = vector.broadcast %broadcast_in_dim3A_1731 : vector<1x128xf32> to vector<8x128xf32>
      %get3A_1733 = arith.index_cast %add3A_1717 : i32 to index
      %get3A_1734 = arith.constant 0 : index
      %get3A_1735 = vector.load %arg6[%get3A_1733, %get3A_1734] : memref<512x128xf32, #tpu.memory_space<vmem>>, vector<1x128xf32>
      %broadcast_in_dim3A_1736 = vector.shape_cast %get3A_1735 : vector<1x128xf32> to vector<1x128xf32>
      %broadcast_in_dim3A_1737 = vector.broadcast %broadcast_in_dim3A_1736 : vector<1x128xf32> to vector<8x128xf32>
      %add3A_1738 = arith.addf %get3A_1722, %broadcast_in_dim3A_1732 : vector<8x128xf32>
      %add3A_1739 = arith.addf %get3A_1727, %broadcast_in_dim3A_1737 : vector<8x128xf32>
      %add3A_1740 = arith.addf %get3A_1722, %broadcast_in_dim3A_1737 : vector<8x128xf32>
      %add3A_1741 = arith.addf %get3A_1727, %broadcast_in_dim3A_1732 : vector<8x128xf32>
      %min3A_1742 = arith.minimumf %add3A_1654, %add3A_1655 : vector<8x128xf32>
      %max3A_1743 = arith.maximumf %add3A_1654, %add3A_1655 : vector<8x128xf32>
      %min3A_1744 = arith.minimumf %add3A_1682, %add3A_1683 : vector<8x128xf32>
      %max3A_1745 = arith.maximumf %add3A_1682, %add3A_1683 : vector<8x128xf32>
      %min3A_1746 = arith.minimumf %add3A_1710, %add3A_1711 : vector<8x128xf32>
      %max3A_1747 = arith.maximumf %add3A_1710, %add3A_1711 : vector<8x128xf32>
      %min3A_1748 = arith.minimumf %add3A_1738, %add3A_1739 : vector<8x128xf32>
      %max3A_1749 = arith.maximumf %add3A_1738, %add3A_1739 : vector<8x128xf32>
      %min3A_1750 = arith.minimumf %min3A_1742, %min3A_1744 : vector<8x128xf32>
      %max3A_1751 = arith.maximumf %min3A_1742, %min3A_1744 : vector<8x128xf32>
      %min3A_1752 = arith.minimumf %max3A_1743, %max3A_1745 : vector<8x128xf32>
      %max3A_1753 = arith.maximumf %max3A_1743, %max3A_1745 : vector<8x128xf32>
      %min3A_1754 = arith.minimumf %min3A_1746, %min3A_1748 : vector<8x128xf32>
      %max3A_1755 = arith.maximumf %min3A_1746, %min3A_1748 : vector<8x128xf32>
      %min3A_1756 = arith.minimumf %max3A_1747, %max3A_1749 : vector<8x128xf32>
      %max3A_1757 = arith.maximumf %max3A_1747, %max3A_1749 : vector<8x128xf32>
      %min3A_1758 = arith.minimumf %min3A_1752, %max3A_1751 : vector<8x128xf32>
      %max3A_1759 = arith.maximumf %min3A_1752, %max3A_1751 : vector<8x128xf32>
      %min3A_1760 = arith.minimumf %min3A_1756, %max3A_1755 : vector<8x128xf32>
      %max3A_1761 = arith.maximumf %min3A_1756, %max3A_1755 : vector<8x128xf32>
      %min3A_1762 = arith.minimumf %min3A_1750, %min3A_1754 : vector<8x128xf32>
      %max3A_1763 = arith.maximumf %min3A_1750, %min3A_1754 : vector<8x128xf32>
      %min3A_1764 = arith.minimumf %min3A_1758, %min3A_1760 : vector<8x128xf32>
      %max3A_1765 = arith.maximumf %min3A_1758, %min3A_1760 : vector<8x128xf32>
      %min3A_1766 = arith.minimumf %max3A_1759, %max3A_1761 : vector<8x128xf32>
      %max3A_1767 = arith.maximumf %max3A_1759, %max3A_1761 : vector<8x128xf32>
      %min3A_1768 = arith.minimumf %max3A_1753, %max3A_1757 : vector<8x128xf32>
      %max3A_1769 = arith.maximumf %max3A_1753, %max3A_1757 : vector<8x128xf32>
      %min3A_1770 = arith.minimumf %min3A_1766, %max3A_1763 : vector<8x128xf32>
      %max3A_1771 = arith.maximumf %min3A_1766, %max3A_1763 : vector<8x128xf32>
      %min3A_1772 = arith.minimumf %min3A_1768, %max3A_1765 : vector<8x128xf32>
      %max3A_1773 = arith.maximumf %min3A_1768, %max3A_1765 : vector<8x128xf32>
      %min3A_1774 = arith.minimumf %min3A_1764, %min3A_1770 : vector<8x128xf32>
      %max3A_1775 = arith.maximumf %min3A_1764, %min3A_1770 : vector<8x128xf32>
      %min3A_1776 = arith.minimumf %min3A_1772, %max3A_1771 : vector<8x128xf32>
      %max3A_1777 = arith.maximumf %min3A_1772, %max3A_1771 : vector<8x128xf32>
      %min3A_1778 = arith.minimumf %max3A_1773, %max3A_1767 : vector<8x128xf32>
      %max3A_1779 = arith.maximumf %max3A_1773, %max3A_1767 : vector<8x128xf32>
      %min3A_1780 = arith.minimumf %add3A_1656, %add3A_1657 : vector<8x128xf32>
      %max3A_1781 = arith.maximumf %add3A_1656, %add3A_1657 : vector<8x128xf32>
      %min3A_1782 = arith.minimumf %add3A_1684, %add3A_1685 : vector<8x128xf32>
      %max3A_1783 = arith.maximumf %add3A_1684, %add3A_1685 : vector<8x128xf32>
      %min3A_1784 = arith.minimumf %add3A_1712, %add3A_1713 : vector<8x128xf32>
      %max3A_1785 = arith.maximumf %add3A_1712, %add3A_1713 : vector<8x128xf32>
      %min3A_1786 = arith.minimumf %add3A_1740, %add3A_1741 : vector<8x128xf32>
      %max3A_1787 = arith.maximumf %add3A_1740, %add3A_1741 : vector<8x128xf32>
      %min3A_1788 = arith.minimumf %min3A_1780, %min3A_1782 : vector<8x128xf32>
      %max3A_1789 = arith.maximumf %min3A_1780, %min3A_1782 : vector<8x128xf32>
      %min3A_1790 = arith.minimumf %max3A_1781, %max3A_1783 : vector<8x128xf32>
      %max3A_1791 = arith.maximumf %max3A_1781, %max3A_1783 : vector<8x128xf32>
      %min3A_1792 = arith.minimumf %min3A_1784, %min3A_1786 : vector<8x128xf32>
      %max3A_1793 = arith.maximumf %min3A_1784, %min3A_1786 : vector<8x128xf32>
      %min3A_1794 = arith.minimumf %max3A_1785, %max3A_1787 : vector<8x128xf32>
      %max3A_1795 = arith.maximumf %max3A_1785, %max3A_1787 : vector<8x128xf32>
      %min3A_1796 = arith.minimumf %min3A_1790, %max3A_1789 : vector<8x128xf32>
      %max3A_1797 = arith.maximumf %min3A_1790, %max3A_1789 : vector<8x128xf32>
      %min3A_1798 = arith.minimumf %min3A_1794, %max3A_1793 : vector<8x128xf32>
      %max3A_1799 = arith.maximumf %min3A_1794, %max3A_1793 : vector<8x128xf32>
      %min3A_1800 = arith.minimumf %min3A_1788, %min3A_1792 : vector<8x128xf32>
      %max3A_1801 = arith.maximumf %min3A_1788, %min3A_1792 : vector<8x128xf32>
      %min3A_1802 = arith.minimumf %min3A_1796, %min3A_1798 : vector<8x128xf32>
      %max3A_1803 = arith.maximumf %min3A_1796, %min3A_1798 : vector<8x128xf32>
      %min3A_1804 = arith.minimumf %max3A_1797, %max3A_1799 : vector<8x128xf32>
      %max3A_1805 = arith.maximumf %max3A_1797, %max3A_1799 : vector<8x128xf32>
      %min3A_1806 = arith.minimumf %max3A_1791, %max3A_1795 : vector<8x128xf32>
      %max3A_1807 = arith.maximumf %max3A_1791, %max3A_1795 : vector<8x128xf32>
      %min3A_1808 = arith.minimumf %min3A_1804, %max3A_1801 : vector<8x128xf32>
      %max3A_1809 = arith.maximumf %min3A_1804, %max3A_1801 : vector<8x128xf32>
      %min3A_1810 = arith.minimumf %min3A_1806, %max3A_1803 : vector<8x128xf32>
      %max3A_1811 = arith.maximumf %min3A_1806, %max3A_1803 : vector<8x128xf32>
      %min3A_1812 = arith.minimumf %min3A_1802, %min3A_1808 : vector<8x128xf32>
      %max3A_1813 = arith.maximumf %min3A_1802, %min3A_1808 : vector<8x128xf32>
      %min3A_1814 = arith.minimumf %min3A_1810, %max3A_1809 : vector<8x128xf32>
      %max3A_1815 = arith.maximumf %min3A_1810, %max3A_1809 : vector<8x128xf32>
      %min3A_1816 = arith.minimumf %max3A_1811, %max3A_1805 : vector<8x128xf32>
      %max3A_1817 = arith.maximumf %max3A_1811, %max3A_1805 : vector<8x128xf32>
      %min3A_1818 = arith.minimumf %min3A_1574, %max3A_1769 : vector<8x128xf32>
      %min3A_1819 = arith.minimumf %min3A_1586, %max3A_1779 : vector<8x128xf32>
      %min3A_1820 = arith.minimumf %max3A_1587, %min3A_1778 : vector<8x128xf32>
      %min3A_1821 = arith.minimumf %min3A_1588, %max3A_1777 : vector<8x128xf32>
      %min3A_1822 = arith.minimumf %max3A_1589, %min3A_1776 : vector<8x128xf32>
      %min3A_1823 = arith.minimumf %min3A_1590, %max3A_1775 : vector<8x128xf32>
      %min3A_1824 = arith.minimumf %max3A_1591, %min3A_1774 : vector<8x128xf32>
      %min3A_1825 = arith.minimumf %max3A_1581, %min3A_1762 : vector<8x128xf32>
      %min3A_1826 = arith.minimumf %min3A_1818, %min3A_1822 : vector<8x128xf32>
      %max3A_1827 = arith.maximumf %min3A_1818, %min3A_1822 : vector<8x128xf32>
      %min3A_1828 = arith.minimumf %min3A_1819, %min3A_1823 : vector<8x128xf32>
      %max3A_1829 = arith.maximumf %min3A_1819, %min3A_1823 : vector<8x128xf32>
      %min3A_1830 = arith.minimumf %min3A_1820, %min3A_1824 : vector<8x128xf32>
      %max3A_1831 = arith.maximumf %min3A_1820, %min3A_1824 : vector<8x128xf32>
      %min3A_1832 = arith.minimumf %min3A_1821, %min3A_1825 : vector<8x128xf32>
      %max3A_1833 = arith.maximumf %min3A_1821, %min3A_1825 : vector<8x128xf32>
      %min3A_1834 = arith.minimumf %min3A_1826, %min3A_1830 : vector<8x128xf32>
      %max3A_1835 = arith.maximumf %min3A_1826, %min3A_1830 : vector<8x128xf32>
      %min3A_1836 = arith.minimumf %min3A_1828, %min3A_1832 : vector<8x128xf32>
      %max3A_1837 = arith.maximumf %min3A_1828, %min3A_1832 : vector<8x128xf32>
      %min3A_1838 = arith.minimumf %max3A_1827, %max3A_1831 : vector<8x128xf32>
      %max3A_1839 = arith.maximumf %max3A_1827, %max3A_1831 : vector<8x128xf32>
      %min3A_1840 = arith.minimumf %max3A_1829, %max3A_1833 : vector<8x128xf32>
      %max3A_1841 = arith.maximumf %max3A_1829, %max3A_1833 : vector<8x128xf32>
      %min3A_1842 = arith.minimumf %min3A_1834, %min3A_1836 : vector<8x128xf32>
      %max3A_1843 = arith.maximumf %min3A_1834, %min3A_1836 : vector<8x128xf32>
      %min3A_1844 = arith.minimumf %max3A_1835, %max3A_1837 : vector<8x128xf32>
      %max3A_1845 = arith.maximumf %max3A_1835, %max3A_1837 : vector<8x128xf32>
      %min3A_1846 = arith.minimumf %min3A_1838, %min3A_1840 : vector<8x128xf32>
      %max3A_1847 = arith.maximumf %min3A_1838, %min3A_1840 : vector<8x128xf32>
      %min3A_1848 = arith.minimumf %max3A_1839, %max3A_1841 : vector<8x128xf32>
      %max3A_1849 = arith.maximumf %max3A_1839, %max3A_1841 : vector<8x128xf32>
      %min3A_1850 = arith.minimumf %min3A_1612, %max3A_1807 : vector<8x128xf32>
      %min3A_1851 = arith.minimumf %min3A_1624, %max3A_1817 : vector<8x128xf32>
      %min3A_1852 = arith.minimumf %max3A_1625, %min3A_1816 : vector<8x128xf32>
      %min3A_1853 = arith.minimumf %min3A_1626, %max3A_1815 : vector<8x128xf32>
      %min3A_1854 = arith.minimumf %max3A_1627, %min3A_1814 : vector<8x128xf32>
      %min3A_1855 = arith.minimumf %min3A_1628, %max3A_1813 : vector<8x128xf32>
      %min3A_1856 = arith.minimumf %max3A_1629, %min3A_1812 : vector<8x128xf32>
      %min3A_1857 = arith.minimumf %max3A_1619, %min3A_1800 : vector<8x128xf32>
      %min3A_1858 = arith.minimumf %min3A_1850, %min3A_1854 : vector<8x128xf32>
      %max3A_1859 = arith.maximumf %min3A_1850, %min3A_1854 : vector<8x128xf32>
      %min3A_1860 = arith.minimumf %min3A_1851, %min3A_1855 : vector<8x128xf32>
      %max3A_1861 = arith.maximumf %min3A_1851, %min3A_1855 : vector<8x128xf32>
      %min3A_1862 = arith.minimumf %min3A_1852, %min3A_1856 : vector<8x128xf32>
      %max3A_1863 = arith.maximumf %min3A_1852, %min3A_1856 : vector<8x128xf32>
      %min3A_1864 = arith.minimumf %min3A_1853, %min3A_1857 : vector<8x128xf32>
      %max3A_1865 = arith.maximumf %min3A_1853, %min3A_1857 : vector<8x128xf32>
      %min3A_1866 = arith.minimumf %min3A_1858, %min3A_1862 : vector<8x128xf32>
      %max3A_1867 = arith.maximumf %min3A_1858, %min3A_1862 : vector<8x128xf32>
      %min3A_1868 = arith.minimumf %min3A_1860, %min3A_1864 : vector<8x128xf32>
      %max3A_1869 = arith.maximumf %min3A_1860, %min3A_1864 : vector<8x128xf32>
      %min3A_1870 = arith.minimumf %max3A_1859, %max3A_1863 : vector<8x128xf32>
      %max3A_1871 = arith.maximumf %max3A_1859, %max3A_1863 : vector<8x128xf32>
      %min3A_1872 = arith.minimumf %max3A_1861, %max3A_1865 : vector<8x128xf32>
      %max3A_1873 = arith.maximumf %max3A_1861, %max3A_1865 : vector<8x128xf32>
      %min3A_1874 = arith.minimumf %min3A_1866, %min3A_1868 : vector<8x128xf32>
      %max3A_1875 = arith.maximumf %min3A_1866, %min3A_1868 : vector<8x128xf32>
      %min3A_1876 = arith.minimumf %max3A_1867, %max3A_1869 : vector<8x128xf32>
      %max3A_1877 = arith.maximumf %max3A_1867, %max3A_1869 : vector<8x128xf32>
      %min3A_1878 = arith.minimumf %min3A_1870, %min3A_1872 : vector<8x128xf32>
      %max3A_1879 = arith.maximumf %min3A_1870, %min3A_1872 : vector<8x128xf32>
      %min3A_1880 = arith.minimumf %max3A_1871, %max3A_1873 : vector<8x128xf32>
      %max3A_1881 = arith.maximumf %max3A_1871, %max3A_1873 : vector<8x128xf32>
      %min3A_1882 = arith.minimumf %min3A_1402, %max3A_1849 : vector<8x128xf32>
      %min3A_1883 = arith.minimumf %max3A_1403, %min3A_1848 : vector<8x128xf32>
      %min3A_1884 = arith.minimumf %min3A_1404, %max3A_1847 : vector<8x128xf32>
      %min3A_1885 = arith.minimumf %max3A_1405, %min3A_1846 : vector<8x128xf32>
      %min3A_1886 = arith.minimumf %min3A_1406, %max3A_1845 : vector<8x128xf32>
      %min3A_1887 = arith.minimumf %max3A_1407, %min3A_1844 : vector<8x128xf32>
      %min3A_1888 = arith.minimumf %min3A_1408, %max3A_1843 : vector<8x128xf32>
      %min3A_1889 = arith.minimumf %max3A_1409, %min3A_1842 : vector<8x128xf32>
      %min3A_1890 = arith.minimumf %min3A_1882, %min3A_1886 : vector<8x128xf32>
      %max3A_1891 = arith.maximumf %min3A_1882, %min3A_1886 : vector<8x128xf32>
      %min3A_1892 = arith.minimumf %min3A_1883, %min3A_1887 : vector<8x128xf32>
      %max3A_1893 = arith.maximumf %min3A_1883, %min3A_1887 : vector<8x128xf32>
      %min3A_1894 = arith.minimumf %min3A_1884, %min3A_1888 : vector<8x128xf32>
      %max3A_1895 = arith.maximumf %min3A_1884, %min3A_1888 : vector<8x128xf32>
      %min3A_1896 = arith.minimumf %min3A_1885, %min3A_1889 : vector<8x128xf32>
      %max3A_1897 = arith.maximumf %min3A_1885, %min3A_1889 : vector<8x128xf32>
      %min3A_1898 = arith.minimumf %min3A_1890, %min3A_1894 : vector<8x128xf32>
      %max3A_1899 = arith.maximumf %min3A_1890, %min3A_1894 : vector<8x128xf32>
      %min3A_1900 = arith.minimumf %min3A_1892, %min3A_1896 : vector<8x128xf32>
      %max3A_1901 = arith.maximumf %min3A_1892, %min3A_1896 : vector<8x128xf32>
      %min3A_1902 = arith.minimumf %max3A_1891, %max3A_1895 : vector<8x128xf32>
      %max3A_1903 = arith.maximumf %max3A_1891, %max3A_1895 : vector<8x128xf32>
      %min3A_1904 = arith.minimumf %max3A_1893, %max3A_1897 : vector<8x128xf32>
      %max3A_1905 = arith.maximumf %max3A_1893, %max3A_1897 : vector<8x128xf32>
      %min3A_1906 = arith.minimumf %min3A_1898, %min3A_1900 : vector<8x128xf32>
      %max3A_1907 = arith.maximumf %min3A_1898, %min3A_1900 : vector<8x128xf32>
      %min3A_1908 = arith.minimumf %max3A_1899, %max3A_1901 : vector<8x128xf32>
      %max3A_1909 = arith.maximumf %max3A_1899, %max3A_1901 : vector<8x128xf32>
      %min3A_1910 = arith.minimumf %min3A_1902, %min3A_1904 : vector<8x128xf32>
      %max3A_1911 = arith.maximumf %min3A_1902, %min3A_1904 : vector<8x128xf32>
      %min3A_1912 = arith.minimumf %max3A_1903, %max3A_1905 : vector<8x128xf32>
      %max3A_1913 = arith.maximumf %max3A_1903, %max3A_1905 : vector<8x128xf32>
      %min3A_1914 = arith.minimumf %min3A_1434, %max3A_1881 : vector<8x128xf32>
      %min3A_1915 = arith.minimumf %max3A_1435, %min3A_1880 : vector<8x128xf32>
      %min3A_1916 = arith.minimumf %min3A_1436, %max3A_1879 : vector<8x128xf32>
      %min3A_1917 = arith.minimumf %max3A_1437, %min3A_1878 : vector<8x128xf32>
      %min3A_1918 = arith.minimumf %min3A_1438, %max3A_1877 : vector<8x128xf32>
      %min3A_1919 = arith.minimumf %max3A_1439, %min3A_1876 : vector<8x128xf32>
      %min3A_1920 = arith.minimumf %min3A_1440, %max3A_1875 : vector<8x128xf32>
      %min3A_1921 = arith.minimumf %max3A_1441, %min3A_1874 : vector<8x128xf32>
      %min3A_1922 = arith.minimumf %min3A_1914, %min3A_1918 : vector<8x128xf32>
      %max3A_1923 = arith.maximumf %min3A_1914, %min3A_1918 : vector<8x128xf32>
      %min3A_1924 = arith.minimumf %min3A_1915, %min3A_1919 : vector<8x128xf32>
      %max3A_1925 = arith.maximumf %min3A_1915, %min3A_1919 : vector<8x128xf32>
      %min3A_1926 = arith.minimumf %min3A_1916, %min3A_1920 : vector<8x128xf32>
      %max3A_1927 = arith.maximumf %min3A_1916, %min3A_1920 : vector<8x128xf32>
      %min3A_1928 = arith.minimumf %min3A_1917, %min3A_1921 : vector<8x128xf32>
      %max3A_1929 = arith.maximumf %min3A_1917, %min3A_1921 : vector<8x128xf32>
      %min3A_1930 = arith.minimumf %min3A_1922, %min3A_1926 : vector<8x128xf32>
      %max3A_1931 = arith.maximumf %min3A_1922, %min3A_1926 : vector<8x128xf32>
      %min3A_1932 = arith.minimumf %min3A_1924, %min3A_1928 : vector<8x128xf32>
      %max3A_1933 = arith.maximumf %min3A_1924, %min3A_1928 : vector<8x128xf32>
      %min3A_1934 = arith.minimumf %max3A_1923, %max3A_1927 : vector<8x128xf32>
      %max3A_1935 = arith.maximumf %max3A_1923, %max3A_1927 : vector<8x128xf32>
      %min3A_1936 = arith.minimumf %max3A_1925, %max3A_1929 : vector<8x128xf32>
      %max3A_1937 = arith.maximumf %max3A_1925, %max3A_1929 : vector<8x128xf32>
      %min3A_1938 = arith.minimumf %min3A_1930, %min3A_1932 : vector<8x128xf32>
      %max3A_1939 = arith.maximumf %min3A_1930, %min3A_1932 : vector<8x128xf32>
      %min3A_1940 = arith.minimumf %max3A_1931, %max3A_1933 : vector<8x128xf32>
      %max3A_1941 = arith.maximumf %max3A_1931, %max3A_1933 : vector<8x128xf32>
      %min3A_1942 = arith.minimumf %min3A_1934, %min3A_1936 : vector<8x128xf32>
      %max3A_1943 = arith.maximumf %min3A_1934, %min3A_1936 : vector<8x128xf32>
      %min3A_1944 = arith.minimumf %max3A_1935, %max3A_1937 : vector<8x128xf32>
      %max3A_1945 = arith.maximumf %max3A_1935, %max3A_1937 : vector<8x128xf32>
      %min3A_1946 = arith.minimumf %min3A_958, %max3A_1913 : vector<8x128xf32>
      %min3A_1947 = arith.minimumf %max3A_959, %min3A_1912 : vector<8x128xf32>
      %min3A_1948 = arith.minimumf %min3A_960, %max3A_1911 : vector<8x128xf32>
      %min3A_1949 = arith.minimumf %max3A_961, %min3A_1910 : vector<8x128xf32>
      %min3A_1950 = arith.minimumf %min3A_962, %max3A_1909 : vector<8x128xf32>
      %min3A_1951 = arith.minimumf %max3A_963, %min3A_1908 : vector<8x128xf32>
      %min3A_1952 = arith.minimumf %min3A_964, %max3A_1907 : vector<8x128xf32>
      %min3A_1953 = arith.minimumf %max3A_965, %min3A_1906 : vector<8x128xf32>
      %min3A_1954 = arith.minimumf %min3A_1946, %min3A_1950 : vector<8x128xf32>
      %max3A_1955 = arith.maximumf %min3A_1946, %min3A_1950 : vector<8x128xf32>
      %min3A_1956 = arith.minimumf %min3A_1947, %min3A_1951 : vector<8x128xf32>
      %max3A_1957 = arith.maximumf %min3A_1947, %min3A_1951 : vector<8x128xf32>
      %min3A_1958 = arith.minimumf %min3A_1948, %min3A_1952 : vector<8x128xf32>
      %max3A_1959 = arith.maximumf %min3A_1948, %min3A_1952 : vector<8x128xf32>
      %min3A_1960 = arith.minimumf %min3A_1949, %min3A_1953 : vector<8x128xf32>
      %max3A_1961 = arith.maximumf %min3A_1949, %min3A_1953 : vector<8x128xf32>
      %min3A_1962 = arith.minimumf %min3A_1954, %min3A_1958 : vector<8x128xf32>
      %max3A_1963 = arith.maximumf %min3A_1954, %min3A_1958 : vector<8x128xf32>
      %min3A_1964 = arith.minimumf %min3A_1956, %min3A_1960 : vector<8x128xf32>
      %max3A_1965 = arith.maximumf %min3A_1956, %min3A_1960 : vector<8x128xf32>
      %min3A_1966 = arith.minimumf %max3A_1955, %max3A_1959 : vector<8x128xf32>
      %max3A_1967 = arith.maximumf %max3A_1955, %max3A_1959 : vector<8x128xf32>
      %min3A_1968 = arith.minimumf %max3A_1957, %max3A_1961 : vector<8x128xf32>
      %max3A_1969 = arith.maximumf %max3A_1957, %max3A_1961 : vector<8x128xf32>
      %min3A_1970 = arith.minimumf %min3A_1962, %min3A_1964 : vector<8x128xf32>
      %max3A_1971 = arith.maximumf %min3A_1962, %min3A_1964 : vector<8x128xf32>
      %min3A_1972 = arith.minimumf %max3A_1963, %max3A_1965 : vector<8x128xf32>
      %max3A_1973 = arith.maximumf %max3A_1963, %max3A_1965 : vector<8x128xf32>
      %min3A_1974 = arith.minimumf %min3A_1966, %min3A_1968 : vector<8x128xf32>
      %max3A_1975 = arith.maximumf %min3A_1966, %min3A_1968 : vector<8x128xf32>
      %min3A_1976 = arith.minimumf %max3A_1967, %max3A_1969 : vector<8x128xf32>
      %max3A_1977 = arith.maximumf %max3A_1967, %max3A_1969 : vector<8x128xf32>
      %min3A_1978 = arith.minimumf %scan3A_37, %max3A_1977 : vector<8x128xf32>
      %min3A_1979 = arith.minimumf %scan3A_38, %min3A_1976 : vector<8x128xf32>
      %min3A_1980 = arith.minimumf %scan3A_39, %max3A_1975 : vector<8x128xf32>
      %min3A_1981 = arith.minimumf %scan3A_40, %min3A_1974 : vector<8x128xf32>
      %min3A_1982 = arith.minimumf %scan3A_41, %max3A_1973 : vector<8x128xf32>
      %min3A_1983 = arith.minimumf %scan3A_42, %min3A_1972 : vector<8x128xf32>
      %min3A_1984 = arith.minimumf %scan3A_43, %max3A_1971 : vector<8x128xf32>
      %min3A_1985 = arith.minimumf %scan3A_44, %min3A_1970 : vector<8x128xf32>
      %min3A_1986 = arith.minimumf %min3A_1978, %min3A_1982 : vector<8x128xf32>
      %max3A_1987 = arith.maximumf %min3A_1978, %min3A_1982 : vector<8x128xf32>
      %min3A_1988 = arith.minimumf %min3A_1979, %min3A_1983 : vector<8x128xf32>
      %max3A_1989 = arith.maximumf %min3A_1979, %min3A_1983 : vector<8x128xf32>
      %min3A_1990 = arith.minimumf %min3A_1980, %min3A_1984 : vector<8x128xf32>
      %max3A_1991 = arith.maximumf %min3A_1980, %min3A_1984 : vector<8x128xf32>
      %min3A_1992 = arith.minimumf %min3A_1981, %min3A_1985 : vector<8x128xf32>
      %max3A_1993 = arith.maximumf %min3A_1981, %min3A_1985 : vector<8x128xf32>
      %min3A_1994 = arith.minimumf %min3A_1986, %min3A_1990 : vector<8x128xf32>
      %max3A_1995 = arith.maximumf %min3A_1986, %min3A_1990 : vector<8x128xf32>
      %min3A_1996 = arith.minimumf %min3A_1988, %min3A_1992 : vector<8x128xf32>
      %max3A_1997 = arith.maximumf %min3A_1988, %min3A_1992 : vector<8x128xf32>
      %min3A_1998 = arith.minimumf %max3A_1987, %max3A_1991 : vector<8x128xf32>
      %max3A_1999 = arith.maximumf %max3A_1987, %max3A_1991 : vector<8x128xf32>
      %min3A_2000 = arith.minimumf %max3A_1989, %max3A_1993 : vector<8x128xf32>
      %max3A_2001 = arith.maximumf %max3A_1989, %max3A_1993 : vector<8x128xf32>
      %min3A_2002 = arith.minimumf %min3A_1994, %min3A_1996 : vector<8x128xf32>
      %max3A_2003 = arith.maximumf %min3A_1994, %min3A_1996 : vector<8x128xf32>
      %min3A_2004 = arith.minimumf %max3A_1995, %max3A_1997 : vector<8x128xf32>
      %max3A_2005 = arith.maximumf %max3A_1995, %max3A_1997 : vector<8x128xf32>
      %min3A_2006 = arith.minimumf %min3A_1998, %min3A_2000 : vector<8x128xf32>
      %max3A_2007 = arith.maximumf %min3A_1998, %min3A_2000 : vector<8x128xf32>
      %min3A_2008 = arith.minimumf %max3A_1999, %max3A_2001 : vector<8x128xf32>
      %max3A_2009 = arith.maximumf %max3A_1999, %max3A_2001 : vector<8x128xf32>
      %min3A_2010 = arith.minimumf %min3A_990, %max3A_1945 : vector<8x128xf32>
      %min3A_2011 = arith.minimumf %max3A_991, %min3A_1944 : vector<8x128xf32>
      %min3A_2012 = arith.minimumf %min3A_992, %max3A_1943 : vector<8x128xf32>
      %min3A_2013 = arith.minimumf %max3A_993, %min3A_1942 : vector<8x128xf32>
      %min3A_2014 = arith.minimumf %min3A_994, %max3A_1941 : vector<8x128xf32>
      %min3A_2015 = arith.minimumf %max3A_995, %min3A_1940 : vector<8x128xf32>
      %min3A_2016 = arith.minimumf %min3A_996, %max3A_1939 : vector<8x128xf32>
      %min3A_2017 = arith.minimumf %max3A_997, %min3A_1938 : vector<8x128xf32>
      %min3A_2018 = arith.minimumf %min3A_2010, %min3A_2014 : vector<8x128xf32>
      %max3A_2019 = arith.maximumf %min3A_2010, %min3A_2014 : vector<8x128xf32>
      %min3A_2020 = arith.minimumf %min3A_2011, %min3A_2015 : vector<8x128xf32>
      %max3A_2021 = arith.maximumf %min3A_2011, %min3A_2015 : vector<8x128xf32>
      %min3A_2022 = arith.minimumf %min3A_2012, %min3A_2016 : vector<8x128xf32>
      %max3A_2023 = arith.maximumf %min3A_2012, %min3A_2016 : vector<8x128xf32>
      %min3A_2024 = arith.minimumf %min3A_2013, %min3A_2017 : vector<8x128xf32>
      %max3A_2025 = arith.maximumf %min3A_2013, %min3A_2017 : vector<8x128xf32>
      %min3A_2026 = arith.minimumf %min3A_2018, %min3A_2022 : vector<8x128xf32>
      %max3A_2027 = arith.maximumf %min3A_2018, %min3A_2022 : vector<8x128xf32>
      %min3A_2028 = arith.minimumf %min3A_2020, %min3A_2024 : vector<8x128xf32>
      %max3A_2029 = arith.maximumf %min3A_2020, %min3A_2024 : vector<8x128xf32>
      %min3A_2030 = arith.minimumf %max3A_2019, %max3A_2023 : vector<8x128xf32>
      %max3A_2031 = arith.maximumf %max3A_2019, %max3A_2023 : vector<8x128xf32>
      %min3A_2032 = arith.minimumf %max3A_2021, %max3A_2025 : vector<8x128xf32>
      %max3A_2033 = arith.maximumf %max3A_2021, %max3A_2025 : vector<8x128xf32>
      %min3A_2034 = arith.minimumf %min3A_2026, %min3A_2028 : vector<8x128xf32>
      %max3A_2035 = arith.maximumf %min3A_2026, %min3A_2028 : vector<8x128xf32>
      %min3A_2036 = arith.minimumf %max3A_2027, %max3A_2029 : vector<8x128xf32>
      %max3A_2037 = arith.maximumf %max3A_2027, %max3A_2029 : vector<8x128xf32>
      %min3A_2038 = arith.minimumf %min3A_2030, %min3A_2032 : vector<8x128xf32>
      %max3A_2039 = arith.maximumf %min3A_2030, %min3A_2032 : vector<8x128xf32>
      %min3A_2040 = arith.minimumf %max3A_2031, %max3A_2033 : vector<8x128xf32>
      %max3A_2041 = arith.maximumf %max3A_2031, %max3A_2033 : vector<8x128xf32>
      %min3A_2042 = arith.minimumf %scan3A_45, %max3A_2041 : vector<8x128xf32>
      %min3A_2043 = arith.minimumf %scan3A_46, %min3A_2040 : vector<8x128xf32>
      %min3A_2044 = arith.minimumf %scan3A_47, %max3A_2039 : vector<8x128xf32>
      %min3A_2045 = arith.minimumf %scan3A_48, %min3A_2038 : vector<8x128xf32>
      %min3A_2046 = arith.minimumf %scan3A_49, %max3A_2037 : vector<8x128xf32>
      %min3A_2047 = arith.minimumf %scan3A_50, %min3A_2036 : vector<8x128xf32>
      %min3A_2048 = arith.minimumf %scan3A_51, %max3A_2035 : vector<8x128xf32>
      %min3A_2049 = arith.minimumf %scan3A_52, %min3A_2034 : vector<8x128xf32>
      %min3A_2050 = arith.minimumf %min3A_2042, %min3A_2046 : vector<8x128xf32>
      %max3A_2051 = arith.maximumf %min3A_2042, %min3A_2046 : vector<8x128xf32>
      %min3A_2052 = arith.minimumf %min3A_2043, %min3A_2047 : vector<8x128xf32>
      %max3A_2053 = arith.maximumf %min3A_2043, %min3A_2047 : vector<8x128xf32>
      %min3A_2054 = arith.minimumf %min3A_2044, %min3A_2048 : vector<8x128xf32>
      %max3A_2055 = arith.maximumf %min3A_2044, %min3A_2048 : vector<8x128xf32>
      %min3A_2056 = arith.minimumf %min3A_2045, %min3A_2049 : vector<8x128xf32>
      %max3A_2057 = arith.maximumf %min3A_2045, %min3A_2049 : vector<8x128xf32>
      %min3A_2058 = arith.minimumf %min3A_2050, %min3A_2054 : vector<8x128xf32>
      %max3A_2059 = arith.maximumf %min3A_2050, %min3A_2054 : vector<8x128xf32>
      %min3A_2060 = arith.minimumf %min3A_2052, %min3A_2056 : vector<8x128xf32>
      %max3A_2061 = arith.maximumf %min3A_2052, %min3A_2056 : vector<8x128xf32>
      %min3A_2062 = arith.minimumf %max3A_2051, %max3A_2055 : vector<8x128xf32>
      %max3A_2063 = arith.maximumf %max3A_2051, %max3A_2055 : vector<8x128xf32>
      %min3A_2064 = arith.minimumf %max3A_2053, %max3A_2057 : vector<8x128xf32>
      %max3A_2065 = arith.maximumf %max3A_2053, %max3A_2057 : vector<8x128xf32>
      %min3A_2066 = arith.minimumf %min3A_2058, %min3A_2060 : vector<8x128xf32>
      %max3A_2067 = arith.maximumf %min3A_2058, %min3A_2060 : vector<8x128xf32>
      %min3A_2068 = arith.minimumf %max3A_2059, %max3A_2061 : vector<8x128xf32>
      %max3A_2069 = arith.maximumf %max3A_2059, %max3A_2061 : vector<8x128xf32>
      %min3A_2070 = arith.minimumf %min3A_2062, %min3A_2064 : vector<8x128xf32>
      %max3A_2071 = arith.maximumf %min3A_2062, %min3A_2064 : vector<8x128xf32>
      %min3A_2072 = arith.minimumf %max3A_2063, %max3A_2065 : vector<8x128xf32>
      %max3A_2073 = arith.maximumf %max3A_2063, %max3A_2065 : vector<8x128xf32>
      scf.yield %min3A_2002, %max3A_2003, %min3A_2004, %max3A_2005, %min3A_2006, %max3A_2007, %min3A_2008, %max3A_2009, %min3A_2066, %max3A_2067, %min3A_2068, %max3A_2069, %min3A_2070, %max3A_2071, %min3A_2072, %max3A_2073 : vector<8x128xf32>, vector<8x128xf32>, vector<8x128xf32>, vector<8x128xf32>, vector<8x128xf32>, vector<8x128xf32>, vector<8x128xf32>, vector<8x128xf32>, vector<8x128xf32>, vector<8x128xf32>, vector<8x128xf32>, vector<8x128xf32>, vector<8x128xf32>, vector<8x128xf32>, vector<8x128xf32>, vector<8x128xf32>
    }
    %scan3A_16 = arith.constant 16 : i32
    %add3A = arith.addf %scan3A_15#0, %scan3A_15#1 : vector<8x128xf32>
    %add3A_17 = arith.addf %add3A, %scan3A_15#2 : vector<8x128xf32>
    %add3A_18 = arith.addf %add3A_17, %scan3A_15#3 : vector<8x128xf32>
    %add3A_19 = arith.addf %add3A_18, %scan3A_15#4 : vector<8x128xf32>
    %add3A_20 = arith.addf %add3A_19, %scan3A_15#5 : vector<8x128xf32>
    %add3A_21 = arith.addf %add3A_20, %scan3A_15#6 : vector<8x128xf32>
    %add3A_22 = arith.addf %add3A_21, %scan3A_15#7 : vector<8x128xf32>
    %add3A_23 = arith.addf %scan3A_15#8, %scan3A_15#9 : vector<8x128xf32>
    %add3A_24 = arith.addf %add3A_23, %scan3A_15#10 : vector<8x128xf32>
    %add3A_25 = arith.addf %add3A_24, %scan3A_15#11 : vector<8x128xf32>
    %add3A_26 = arith.addf %add3A_25, %scan3A_15#12 : vector<8x128xf32>
    %add3A_27 = arith.addf %add3A_26, %scan3A_15#13 : vector<8x128xf32>
    %add3A_28 = arith.addf %add3A_27, %scan3A_15#14 : vector<8x128xf32>
    %add3A_29 = arith.addf %add3A_28, %scan3A_15#15 : vector<8x128xf32>
    %sub3A_30 = arith.subf %add3A_22, %add3A_29 : vector<8x128xf32>
    %mul3A = arith.constant 1.250000e-01 : f32
    %mul3A_31 = vector.broadcast %mul3A : f32 to vector<8x128xf32>
    %mul3A_32 = arith.mulf %sub3A_30, %mul3A_31 : vector<8x128xf32>
    %swap3A_33 = arith.constant 0 : index
    %swap3A_34 = arith.constant 0 : index
    %swap3A_35 = vector.load %arg4[%swap3A_33, %swap3A_34] : memref<8x128xf32, #tpu.memory_space<vmem>>, vector<8x128xf32>
    tpu.vector_store %arg4[%swap3A_33, %swap3A_34], %mul3A_32 {strides = array<i32>} : memref<8x128xf32, #tpu.memory_space<vmem>>, vector<8x128xf32>,
    return
  }
  func.func @transform_0(%arg0: i32, %arg1: i32) -> (i32, i32) {
    %c0_i32 = arith.constant 0 : i32
    %c0_i32_0 = arith.constant 0 : i32
    return %arg0, %c0_i32 : i32, i32
  }
  func.func @transform_1(%arg0: i32, %arg1: i32) -> (i32, i32) {
    %c0_i32 = arith.constant 0 : i32
    %c0_i32_0 = arith.constant 0 : i32
    return %c0_i32, %arg1 : i32, i32
  }
  func.func @transform_2(%arg0: i32, %arg1: i32) -> (i32, i32) {
    %c0_i32 = arith.constant 0 : i32
    return %arg0, %arg1 : i32, i32
  }
}

</mosaic_0001>

<sc_bundles>
// kernel: kernel.4.cloned.1.call-start
scs
__scs_entry_jumppad:
0x0: {  	(pc) =	sbr.rel $0x88, $3  }
0x1: {  	(tag) =	ssettag $0x0;
	lr =	simm.s32 $0x1  }
0x2: {  	[smem:$0x3F9F] =	sst lr;
	_ =	strace $0xD0000000  }
0x3: {  	_ = 	snop  }
0x4: {  	_ = 	snop  }
0x5: {  	_ = 	snop  }
0x6: {  	_ = 	snop  }
0x7: {  	_ = 	snop  }
__scs_overlays_trampoline_lowered:
0x8: {  	[smem:$0x3FAE] =	sst s0  }
0x9: {  	[smem:$0x3FAF] =	sst s1  }
0xa: {  	[smem:$0x3FB0] =	sst s2  }
0xb: {  	[smem:$0x3FB1] =	sst s3  }
0xc: {  	[smem:$0x3FB2] =	sst s4  }
0xd: {  	[smem:$0x3FB3] =	sst s5  }
0xe: {  	[smem:$0x3FB4] =	sst s6  }
0xf: {  	[smem:$0x3FB5] =	sst s7  }
0x10: {  	[smem:$0x3FB6] =	sst s8  }
0x11: {  	[smem:$0x3FB7] =	sst s9;
	s0 =	simm.s32 @!p0 $0x0  }
0x12: {  	s1 =	sld [smem:$0x3F9D];
	s0 =	simm.s32 @p0 $0x1  }
0x13: {  	[smem:$0x3FB8] =	sst s0;
	s0 =	simm.s32 @!p1 $0x0  }
0x14: {  	s2 =	sld [smem:$0x3F9C];
	s0 =	simm.s32 @p1 $0x1  }
0x15: {  	[smem:$0x3FB9] =	sst s0;
	s0 =	simm.s32 @!p2 $0x0  }
0x16: {  	s3 =	sld [smem:$0x3FDB];
	s0 =	simm.s32 @p2 $0x1  }
0x17: {  	s4 =	simm.s32 $0x1BF5;
	[smem:$0x3FBB] =	sst s0  }
0x18: {  	s0 =	sld [smem:$0x3F9E];
	_ =	swait.ge [sflag:s4], $0x0  }
0x19: {  	s7 =	sld [smem:$0x3F9F]  }
0x1a: {  	s8 =	sadd.s32 $0xFFFFE003, lr  }
0x1b: {  	s9 =	sadd.s32 $0xFFFFFEF7, lr;
	s5 =	simm.s32 $0xFFFFFFFF;
	p2 =	slt.u32 s8, $0xFFFFF086  }
0x1c: {  	p1 =	slt.u32 s9, $0xF7A;
	s5 =	simm.s32 @!p2 $0x0  }
0x1d: {  	s5 =	simm.s32 @p1 $0x1;
	p0 =	seq.s32 s7, s2  }
0x1e: {  	s7 =	smul.u32 @!p0 $0xF7A, s2;
	p2 =	seq.s32 @!p0 s5, $0x0  }
0x1f: {  	s9 =	smul.u32 $0xF7A, s1;
	s8 =	simm.s32 @!p0 $0x1BF5;
	p2 =	por !p2, p0  }
0x20: {  	[sflag:s8] =	ssyncset.s32 @!p0 $0xFFFFF086;
	s6 =	sadd.s32 @!p0 s3, s7;
	s7 =	simm.s32 @!p0 $0x108  }
0x21: {  	s3 =	sadd.s32 s3, s9;
	s6 =	sadd.s32 @!p0 $0x88, s6;
	s7 =	simm.s32 @p2 $0x1082  }
0x22: {  	[simem:s7], [sflag:s8] =	dma.local @!p0 [hbm:s6], $0xF7A  }
0x23: {  	s9 =	sor.u32 $0xD0000000, s2;
	s6 =	simm.s32 $0x108;
	_ =	swait.ge @!p0 [sflag:s8], $0x0  }
0x24: {  	s3 =	sadd.s32 $0x88, s3;
	s6 =	simm.s32 @!p1 $0x1082;
	[sflag:s4] =	ssyncset.s32 $0xFFFFF086  }
0x25: {  	[simem:s6], [sflag:s4] =	dma.local [hbm:s3], $0xF7A  }
0x26: {  	[smem:$0x3F9F] =	sst s1;
	(tag) =	ssettag s2;
	_ =	strace s9  }
0x27: {  	s1 =	sld [smem:$0x3FAF]  }
0x28: {  	s2 =	sld [smem:$0x3FB0]  }
0x29: {  	s4 =	sld [smem:$0x3FB2]  }
0x2a: {  	p0 =	seq.s32 s5, $0x0;
	s5 =	sld [smem:$0x3FB3]  }
0x2b: {  	s6 =	sld [smem:$0x3FB4]  }
0x2c: {  	s7 =	sld [smem:$0x3FB5]  }
0x2d: {  	s3 =	simm.s32 $0x108;
	s8 =	sld [smem:$0x3FB6]  }
0x2e: {  	s3 =	simm.s32 @!p0 $0x1082;
	s9 =	sld [smem:$0x3FB7]  }
0x2f: {  	lr =	sadd.s32 s0, s3;
	s0 =	sld [smem:$0x3FAE]  }
0x30: {  	s3 =	sld [smem:$0x3FB1]  }
0x31: {  	[smem:$0x3FBA] =	sst s10  }
0x32: {  	s10 =	sld [smem:$0x3FB8];
	_ =	sdelay $0x3  }
0x33: {  	p0 =	seq.s32 s10, $0x1;
	s10 =	sld [smem:$0x3FBA];
	_ =	sdelay $0x3  }
0x34: {  	[smem:$0x3FBA] =	sst s10  }
0x35: {  	s10 =	sld [smem:$0x3FB9];
	_ =	sdelay $0x3  }
0x36: {  	p1 =	seq.s32 s10, $0x1;
	s10 =	sld [smem:$0x3FBA];
	_ =	sdelay $0x3  }
0x37: {  	[smem:$0x3FBA] =	sst s10  }
0x38: {  	s10 =	sld [smem:$0x3FBB]  }
0x39: {  	_ = 	snop;
	(pc) =	sbr.ind lr, $3  }
0x3a: {  	_ = 	snop  }
0x3b: {  	_ = 	snop  }
0x3c: {  	p2 =	seq.s32 s10, $0x1;
	s10 =	sld [smem:$0x3FBA]  }
0x3d: {  	_ =	shalt  }
0x3e: {  	_ =	shalt  }
0x3f: {  	_ =	shalt  }
0x40: {  	_ =	shalt  }
0x41: {  	_ =	shalt  }
0x42: {  	_ =	shalt  }
0x43: {  	_ =	shalt  }
0x44: {  	_ =	shalt  }
0x45: {  	_ =	shalt  }
0x46: {  	_ =	shalt  }
0x47: {  	_ =	shalt  }
0x48: {  	_ =	shalt  }
0x49: {  	_ =	shalt  }
0x4a: {  	_ =	shalt  }
0x4b: {  	_ =	shalt  }
0x4c: {  	_ =	shalt  }
0x4d: {  	_ =	shalt  }
0x4e: {  	_ =	shalt  }
0x4f: {  	_ =	shalt  }
0x50: {  	_ =	shalt  }
0x51: {  	_ =	shalt  }
0x52: {  	_ =	shalt  }
0x53: {  	_ =	shalt  }
0x54: {  	_ =	shalt  }
0x55: {  	_ =	shalt  }
0x56: {  	_ =	shalt  }
0x57: {  	_ =	shalt  }
0x58: {  	_ =	shalt  }
0x59: {  	_ =	shalt  }
0x5a: {  	_ =	shalt  }
0x5b: {  	_ =	shalt  }
0x5c: {  	_ =	shalt  }
0x5d: {  	_ =	shalt  }
0x5e: {  	_ =	shalt  }
0x5f: {  	_ =	shalt  }
0x60: {  	_ =	shalt  }
0x61: {  	_ =	shalt  }
0x62: {  	_ =	shalt  }
0x63: {  	_ =	shalt  }
0x64: {  	_ =	shalt  }
0x65: {  	_ =	shalt  }
0x66: {  	_ =	shalt  }
0x67: {  	_ =	shalt  }
0x68: {  	_ =	shalt  }
0x69: {  	_ =	shalt  }
0x6a: {  	_ =	shalt  }
0x6b: {  	_ =	shalt  }
0x6c: {  	_ =	shalt  }
0x6d: {  	_ =	shalt  }
0x6e: {  	_ =	shalt  }
0x6f: {  	_ =	shalt  }
0x70: {  	_ =	shalt  }
0x71: {  	_ =	shalt  }
0x72: {  	_ =	shalt  }
0x73: {  	_ =	shalt  }
0x74: {  	_ =	shalt  }
0x75: {  	_ =	shalt  }
0x76: {  	_ =	shalt  }
0x77: {  	_ =	shalt  }
0x78: {  	_ =	shalt  }
0x79: {  	_ =	shalt  }
0x7a: {  	_ =	shalt  }
0x7b: {  	_ =	shalt  }
0x7c: {  	_ =	shalt  }
0x7d: {  	_ =	shalt  }
0x7e: {  	_ =	shalt  }
0x7f: {  	_ =	shalt  }
0x80: {  	_ =	shalt  }
0x81: {  	_ =	shalt  }
0x82: {  	_ =	shalt  }
0x83: {  	_ =	shalt  }
0x84: {  	_ =	shalt  }
0x85: {  	_ =	shalt  }
0x86: {  	_ =	shalt  }
0x87: {  	_ =	shalt  }
.Lfunc_end0:
.L_simem_size_0:
called_computation_lowered:
.L_overlay_start_0:
0x88: {  	s2 =	sld [smem:$0x3FD9]  }
0x89: {  	s3 =	sld [smem:$0x3FFE];
	_ =	sdelay $0x1  }
0x8a: {  	s1 =	srdreg.scid  }
0x8b: {  	s0 =	sand.u32 $0x1, s1  }
0x8c: {  	s17 =	sshll.u32 s0, $0xA;
	s2 =	sadd.s32 s3, s2  }
0x8d: {  	s2 =	sadd.s32 s2, s17  }
0x8e: {  	[smem:$0x3FC6] =	sst s2  }
0x8f: {  	_ = 	snop  }
0x90: {  	s2 =	sld [smem:$0x3FD0];
	(tm) =	ssettm $0x1  }
0x91: {  	s18 =	sld [smem:$0x3FFB];
	_ =	sdelay $0x3  }
0x92: {  	_ =	strace s18  }
0x93: {  	s3 =	sld [smem:$0x3FFC];
	_ =	sdelay $0x3  }
0x94: {  	_ =	strace s3  }
0x95: {  	s3 =	sld [smem:$0x3FFD];
	_ =	sdelay $0x3  }
0x96: {  	_ =	strace s3  }
0x97: {  	_ =	strace $0x8FFFFFFF  }
0x98: {  	s19 =	sld [smem:$0x3FDB];
	_ =	sdelay $0x1  }
0x99: {  	s4 =	simm.s32 $_scs_section_size  }
0x9a: {  	s5 =	simm.s32 $_size__tile_overlayer_lowered;
	s6 =	simm.s32 $_tile_overlayer_lowered  }
0x9b: {  	s22 =	simm.s32 $0x1BFF;
	s21 =	sshll.u32 s6, $0x1;
	s3 =	sadd.s32 s4, s19  }
0x9c: {  	s7 =	simm.s32 $0x0;
	s20 =	sshll.u32 s5, $0x1;
	s5 =	sadd.s32 s21, s3  }
0x9d: {  	[timem:s7], [sflag:s22] =	dma.local [hbm:s5], s20  }
0x9e: {  	_ =	swait.ge [sflag:s22], s20  }
0x9f: {  	s4 =	ssub.s32 $0x0, s20;
	[sflag:s22] =	ssyncset.done $0x0  }
0xa0: {  	[sflag:s22] =	ssyncadd.s32 s4;
	_ =	sdelay $0x1  }
0xa1: {  	s23 =	simm.s32 $0x1B8B  }
0xa2: {  	_ =	swait.ge [sflag:s23], $0x1  }
0xa3: {  	[sflag:s23] =	ssyncset.done $0x0  }
0xa4: {  	s25 =	simm.s32 $0x1B8E;
	s24 =	sld [smem:$0x3FFE];
	[sflag:s23] =	ssyncadd.s32 $0xFFFFFFFF  }
0xa5: {  	s26 =	simm.s32 $execute0_lowered;
	[smem:$0x3FD2] =	sst s25  }
0xa6: {  	s5 =	sshll.u32 s26, $0x1;
	_ =	strace $0x80000046;
	[dreg:$0x1] =	wrdreg $0xFFFFFFFF  }
0xa7: {  	s28 =	simm.s32 $_size_execute0_lowered;
	s3 =	sadd.s32 s3, s5;
	[dreg:$0x0] =	wrdreg $0x0  }
0xa8: {  	s5 =	sshll.u32 s28, $0x1;
	[dreg:$0x2] =	wrdreg s3  }
0xa9: {  	[dreg:$0x3] =	wrdreg s5  }
0xaa: {  	[dreg:$0x4] =	wrdreg $0xC0  }
0xab: {  	_ =	task [dreg:s7], $0x5FFFF  }
0xac: {  	[dreg:$0x1] =	wrdreg $0xFFFFFFFF  }
0xad: {  	[dreg:$0x0] =	wrdreg $0x60  }
0xae: {  	[dreg:$0x2] =	wrdreg s2  }
0xaf: {  	[dreg:$0x3] =	wrdreg s24  }
0xb0: {  	[dreg:$0x4] =	wrdreg $0x9  }
0xb1: {  	_ =	task.clear_ibuf [dreg:s7], $0x5FFFF;
	_ =	strace $0x90000046  }
0xb2: {  	s29 =	simm.s32 $0x9;
	_ =	strace $0x80000048  }
0xb3: {  	_ =	swait.ge [sflag:s29], $0x1  }
0xb4: {  	[sflag:s29] =	ssyncadd.s32 $0xFFFFFFFF  }
0xb5: {  	_ =	strace $0x90000048  }
0xb6: {  	_ =	sfence  }
0xb7: {  	s30 =	sld [smem:$0x0];
	_ =	sdelay $0x2  }
0xb8: {  	s31 =	sshll.u32 s1, $0xD;
	s1 =	sshrl.u32 s1, $0x2  }
0xb9: {  	s3 =	sand.u32 $0x4000, s31;
	s1 =	sadd.s32 s1, s30  }
0xba: {  	s0 =	sor.u32 s3, s0;
	s1 =	sshll.u32 s1, $0x11  }
0xbb: {  	s0 =	sor.u32 s1, s0  }
0xbc: {  	s0 =	sadd.s32 $0x8F2B, s0  }
0xbd: {  	[sflag:s0] =	ssyncadd.remote.s32 $0x1  }
0xbe: {  	_ =	sfence.sel $0xFFFF  }
0xbf: {  	[dreg:$0x0] =	wrdreg $0xFFFFFFFF;
	(pc) =	sbr.abs _section_cstart, $3  }
0xc0: {  	[dreg:$0x1] =	wrdreg $0xFFFFFFFF  }
0xc1: {  	_ =	task.clear_ibuf [dreg:s7], $0x2FFFF;
	_ =	strace $0x9FFFFFFF  }
0xc2: {  	(tm) =	ssettm $0x7FFFFFFF  }
0xc3: {  	_ =	shalt  }
tec
execute0_lowered:
.L_overlay_start_1:
0x0: {  	(tag) =	ssettag $0x1  }
0x1: {  	s2 =	rddreg [dreg:$0x0]  }
0x2: {  	s4 =	rddreg [dreg:$0x1]  }
0x3: {  	s0 =	rddreg [dreg:$0x2];
	s5 =	srdreg.scid  }
0x4: {  	s1 =	stileid.u32;
	s3 =	simm.s32 $0x0;
	s9 =	simm.s32 $0xB000  }
0x5: {  	v0 =	vimm.s32 $0x0;
	s10 =	simm.s32 $0x0;
	s5 =	sand.u32 $0x1, s5;
	s6 =	sshll.u32 s1, $0x1  }
0x6: {  	v1 =	vimm.s32 $0x1;
	v2 =	vimm.s32 $0x2;
	v3 =	vimm.s32 $0x3;
	[smem:$0x7FF] =	sst s3;
	s6 =	sor.u32 s5, s6;
	s5 =	ssub.s32 $0x2, s5  }
0x7: {  	v4 =	vimm.s32 $0x4;
	v5 =	vimm.s32 $0x5;
	v6 =	vimm.s32 $0x6;
	s7 =	sshll.u32 s6, $0xA;
	s6 =	smul.u32 $0x90, s6;
	s8 =	sshrl.u32 s5, $0x1  }
0x8: {  	v7 =	vimm.s32 $0x7;
	v8 =	vimm.s32 $0x8;
	v9 =	vimm.s32 $0x9;
	_ =	strace $0x80000047;
	s7 =	sadd.s32 s7, s4;
	s8 =	ssub.s32 s5, s8  }
0x9: {  	v10 =	vimm.s32 $0xA;
	v11 =	vimm.s32 $0xB;
	v12 =	vimm.s32 $0xC;
	s6 =	sadd.s32 s6, s4;
	s4 =	sadd.s32 $0x800, s7;
	s7 =	simm.s32 $0x1  }
0xa: {  	v13 =	vimm.s32 $0xD;
	v63 =	vimm.s32 $0xE;
	v59 =	vimm.s32 $0xF;
	s5 =	sadd.s32 $0x8800, s6;
	s6 =	smax.u32 s8, $0x1;
	s8 =	simm.s32 $0x9000  }
.LBB2_1:
0xb: {  	[tilespmem:s3], [sflag:$0x1] =	stream.linear.gather [hbm4b:s2+s3], $0x9000, $0x38;
	[tilespmem:$0xF880] =	vst v63  }
0xc: {  	_ =	swait.ge [sflag:s7], $0x9000  }
0xd: {  	[sflag:s7] =	ssyncset.done $0x0  }
0xe: {  	[sflag:s7] =	ssyncadd.s32 $0xFFFF7000  }
0xf: {  	[tilespmem:s8], [sflag:$0x1] =	stream.linear.gather [hbm4b:s4+s3], $0x2000, $0x38;
	[tilespmem:$0xF880] =	vst v63  }
0x10: {  	_ =	swait.ge [sflag:s7], $0x2000  }
0x11: {  	[sflag:s7] =	ssyncset.done $0x0  }
0x12: {  	s11 =	simm.s32 $0x0;
	[sflag:s7] =	ssyncadd.s32 $0xFFFFE000  }
0x13: {  	s12 =	simm.s32 $0x40;
	v16 =	vld [tilespmem:s11+$0x9000]  }
.LBB2_2:
0x14: {  	_ =	sdelay $0x1  }
0x15: {  	p0 =	sne.s32 s12, $0x7FC0  }
.Ltmp0:
0x16: {  	_ = 	snop;
	(pc) =	sbr.rel @p0 .LBB2_2-.Ltmp0, $4  }
0x17: {  	v17 =	vmax.f32 v16, $0.0e+00  }
0x18: {  	[tilespmem:s11+$0xB480] =	vst v17;
	v17 =	vsub.f32 v17, v16  }
0x19: {  	s13 =	sshra.s32 s12, $0x2  }
0x1a: {  	s12 =	sadd.s32 $0x40, s12;
	v16 =	vld [tilespmem:s13+$0x9000];
	[tilespmem:s11+$0xD480] =	vst v17;
	s11 =	smov.u32 s13  }
0x1b: {  	_ =	sdelay $0x3  }
0x1c: {  	v17 =	vmax.f32 v16, $0.0e+00  }
0x1d: {  	v16 =	vsub.f32 v17, v16  }
0x1e: {  	[tilespmem:s11+$0xB480] =	vst v17  }
0x1f: {  	s12 =	simm.s32 $0x0;
	[tilespmem:s11+$0xD480] =	vst v16;
	s11 =	simm.s32 $0x0  }
.LBB2_4:
0x20: {  	s13 =	sshll.u32 s12, $0x9  }
0x21: {  	s14 =	sand.u32 $0x180, s11;
	s13 =	sand.u32 $0x3FFFFE00, s13  }
0x22: {  	s15 =	sand.u32 $0x70, s11;
	s14 =	sadd.s32 s14, s13  }
0x23: {  	s14 =	sadd.s32 s15, s14  }
0x24: {  	v16 =	vld [tilespmem:s14+$0x0];
	_ =	sdelay $0x4  }
0x25: {  	v17 =	vadd.f32 $4.000000000e+00, v16  }
0x26: {  	s16 =	simm.s32 $0x10;
	v16 =	vsub.f32 $4.000000000e+00, v16  }
0x27: {  	s18 =	sand.u32 $0x180, s16;
	s17 =	sand.u32 $0x70, s16;
	s15 =	simm.s32 $0xF480;
	v17 =	vmax.f32 v17, $0.0e+00  }
0x28: {  	s16 =	simm.s32 $0x20;
	s18 =	sadd.s32 s18, s13;
	s14 =	simm.s32 $0xF680;
	v16 =	vmax.f32 v16, $0.0e+00;
	[tilespmem:s15+$0x0] =	vst v17  }
.LBB2_5:
0x29: {  	p0 =	sne.s32 s16, $0x1F0;
	s17 =	sadd.s32 s17, s18;
	[tilespmem:s14+$0x0] =	vst v16  }
0x2a: {  	v16 =	vld [tilespmem:s17+$0x0];
	_ =	sdelay $0x3  }
.Ltmp1:
0x2b: {  	(pc) =	sbr.rel @p0 .LBB2_5-.Ltmp1, $3  }
0x2c: {  	v17 =	vadd.f32 $4.000000000e+00, v16;
	v16 =	vsub.f32 $4.000000000e+00, v16;
	_ =	sdelay $0x1  }
0x2d: {  	s18 =	sand.u32 $0x180, s16;
	s15 =	sadd.s32 $0x10, s15;
	s14 =	sadd.s32 $0x10, s14;
	v17 =	vmax.f32 v17, $0.0e+00  }
0x2e: {  	s17 =	sand.u32 $0x70, s16;
	s18 =	sadd.s32 s18, s13;
	s16 =	sadd.s32 $0x10, s16;
	v16 =	vmax.f32 v16, $0.0e+00;
	[tilespmem:s15+$0x0] =	vst v17  }
0x2f: {  	s13 =	sadd.s32 s17, s18;
	[tilespmem:s14+$0x0] =	vst v16  }
0x30: {  	v16 =	vld [tilespmem:s13+$0x0];
	_ =	sdelay $0x4  }
0x31: {  	v17 =	vadd.f32 $4.000000000e+00, v16  }
0x32: {  	v16 =	vsub.f32 $4.000000000e+00, v16  }
0x33: {  	s29 =	sadd.s32 $0x10, s15;
	v17 =	vmax.f32 v17, $0.0e+00  }
0x34: {  	s30 =	sadd.s32 $0x10, s14;
	v16 =	vmax.f32 v16, $0.0e+00;
	[tilespmem:s29+$0x0] =	vst v17  }
0x35: {  	s31 =	simm.s32 $0x0;
	[tilespmem:s30+$0x0] =	vst v16  }
0x36: {  	v16 =	vld [tilespmem:s31+$0xF480]  }
0x37: {  	s13 =	simm.s32 $0xB500;
	v17 =	vld [tilespmem:s31+$0xF680]  }
0x38: {  	s14 =	simm.s32 $0xD500;
	v18 =	vld [tilespmem:s13+$0xFFFFFF80]  }
0x39: {  	v19 =	vld [tilespmem:s14+$0xFFFFFF80]  }
0x3a: {  	v20 =	vld [tilespmem:s13+$0xFFFFFF90]  }
0x3b: {  	v21 =	vld [tilespmem:s14+$0xFFFFFF90]  }
0x3c: {  	v24 =	vld [tilespmem:s13+$0xFFFFFFA0]  }
0x3d: {  	v26 =	vld [tilespmem:s14+$0xFFFFFFA0];
	v22 =	vperm.xlane v16, v0  }
0x3e: {  	v30 =	vld [tilespmem:s13+$0xFFFFFFB0];
	v23 =	vperm.xlane v17, v0;
	v25 =	vperm.xlane v16, v1  }
0x3f: {  	v38 =	vld [tilespmem:s13+$0xFFFFFFD0];
	v29 =	vperm.xlane v17, v1;
	v33 =	vperm.xlane v17, v2  }
0x40: {  	v37 =	vperm.xlane v17, v3;
	v28 =	vadd.f32 v19, v23;
	v1 =	vadd.f32 v18, v23;
	v23 =	vld [tilespmem:s14+$0xFFFFFFB0]  }
0x41: {  	v62 =	vld [tilespmem:s14+$0xFFFFFFD0];
	v45 =	vperm.xlane v17, v5;
	v27 =	vadd.f32 v18, v22;
	v0 =	vadd.f32 v19, v22  }
0x42: {  	v34 =	vld [tilespmem:s13+$0xFFFFFFC0];
	v49 =	vperm.xlane v17, v6;
	v32 =	vadd.f32 v20, v25;
	v14 =	vadd.f32 v21, v29  }
0x43: {  	v46 =	vld [tilespmem:s13+$0xFFFFFFF0];
	v53 =	vperm.xlane v17, v7;
	v58 =	vadd.f32 v21, v25;
	v31 =	vadd.f32 v20, v29  }
0x44: {  	v42 =	vld [tilespmem:s13+$0xFFFFFFE0];
	v22 =	vperm.xlane v16, v2;
	v40 =	vadd.f32 v26, v33;
	v61 =	vadd.f32 v24, v33  }
0x45: {  	v25 =	vperm.xlane v16, v3;
	v44 =	vadd.f32 v30, v37;
	v52 =	vadd.f32 v23, v37;
	v37 =	vld [tilespmem:s14+$0xFFFFFFE0]  }
0x46: {  	v15 =	vld [tilespmem:s14+$0xFFFFFFF0];
	v56 =	vadd.f32 v62, v45;
	v33 =	vadd.f32 v38, v45;
	v2 =	vperm.xlane v16, v7  }
0x47: {  	v39 =	vadd.f32 v24, v22;
	v48 =	vadd.f32 v30, v25;
	v30 =	vperm.xlane v16, v5  }
0x48: {  	v29 =	vld [tilespmem:s14+$0xFFFFFFC0];
	[tilespmem:$0x1FCA0] =	vst v14;
	v60 =	vadd.f32 v26, v22;
	v14 =	vperm.xlane v16, v6;
	v18 =	vadd.f32 v46, v2  }
0x49: {  	v3 =	vld [tilespmem:s14+$0x0];
	v26 =	vperm.xlane v16, v4;
	v55 =	vadd.f32 v38, v30;
	v6 =	vadd.f32 v62, v30  }
0x4a: {  	[tilespmem:$0x1FCB0] =	vst v58;
	v30 =	vadd.f32 v42, v14;
	v7 =	vadd.f32 v37, v14;
	v14 =	vld [tilespmem:s14+$0x10]  }
0x4b: {  	v50 =	vld [tilespmem:s13+$0x0];
	v41 =	vperm.xlane v17, v4;
	v47 =	vadd.f32 v34, v26;
	[tilespmem:$0x1FCE0] =	vst v18;
	v18 =	vadd.f32 v15, v53  }
0x4c: {  	v54 =	vld [tilespmem:s13+$0x10];
	v57 =	vperm.xlane v17, v8;
	[tilespmem:$0x1FCD0] =	vst v61;
	v38 =	vadd.f32 v46, v53;
	v43 =	vadd.f32 v23, v25  }
0x4d: {  	v58 =	vld [tilespmem:s13+$0x20];
	v61 =	vperm.xlane v17, v9;
	[tilespmem:$0x1FCC0] =	vst v60;
	v51 =	vadd.f32 v29, v41;
	v5 =	vadd.f32 v29, v26  }
0x4e: {  	v36 =	vld [tilespmem:s14+$0x30];
	v4 =	vperm.xlane v16, v8;
	v8 =	vadd.f32 v3, v57;
	[tilespmem:$0x1FCF0] =	vst v18;
	v60 =	vadd.f32 v37, v49  }
0x4f: {  	v35 =	vperm.xlane v16, v10;
	[tilespmem:$0x1FD00] =	vst v5;
	v37 =	vadd.f32 v15, v2;
	v2 =	vld [tilespmem:s14+$0x20];
	v18 =	vadd.f32 v14, v61  }
0x50: {  	v19 =	vperm.xlane v17, v11;
	v24 =	vld [tilespmem:s13+$0x50];
	v5 =	vadd.f32 v34, v41;
	v34 =	vadd.f32 v42, v49;
	[tilespmem:$0x1FD10] =	vst v8  }
0x51: {  	v62 =	vld [tilespmem:s13+$0x30];
	v41 =	vadd.f32 v50, v4;
	v8 =	vadd.f32 v3, v4;
	[tilespmem:$0x1FD20] =	vst v18;
	v18 =	vperm.xlane v17, v10  }
0x52: {  	v46 =	vperm.xlane v16, v11;
	v23 =	vld [tilespmem:s13+$0x40];
	v42 =	vadd.f32 v54, v61;
	v3 =	vadd.f32 v58, v35  }
0x53: {  	v15 =	vperm.xlane v16, v9;
	v9 =	vadd.f32 v50, v57;
	v49 =	vadd.f32 v58, v18;
	v58 =	vld [tilespmem:s14+$0x50]  }
0x54: {  	v61 =	vld [tilespmem:s14+$0x40];
	v11 =	vadd.f32 v2, v35;
	v35 =	vadd.f32 v36, v19  }
0x55: {  	v20 =	vperm.xlane v17, v12;
	[tilespmem:$0x1FD30] =	vst v3;
	v45 =	vadd.f32 v54, v15;
	v36 =	vadd.f32 v36, v46  }
0x56: {  	v21 =	vld [tilespmem:s13+$0x70];
	v50 =	vperm.xlane v16, v13;
	v10 =	vadd.f32 v14, v15;
	v15 =	vadd.f32 v62, v46;
	[tilespmem:$0x1FD60] =	vst v35  }
0x57: {  	[tilespmem:$0x1FD70] =	vst v36;
	v46 =	vadd.f32 v62, v19;
	v19 =	vperm.xlane v17, v13;
	v14 =	vld [tilespmem:s14+$0x70];
	v4 =	vadd.f32 v2, v18  }
0x58: {  	v22 =	vld [tilespmem:s13+$0x60];
	v53 =	vperm.xlane v16, v12;
	v13 =	vadd.f32 v23, v20;
	[tilespmem:$0x1FD50] =	vst v15;
	v18 =	vadd.f32 v58, v50  }
0x59: {  	v29 =	vmin.f32 v55, v56;
	v54 =	vld [tilespmem:s14+$0x60];
	v35 =	vadd.f32 v24, v19;
	v12 =	vadd.f32 v61, v20;
	[tilespmem:$0x1FD40] =	vst v4  }
0x5a: {  	v15 =	vmax.f32 v30, v60;
	[tilespmem:$0x1FDB0] =	vst v18;
	v18 =	vperm.xlane v17, v63;
	v17 =	vperm.xlane v17, v59  }
0x5b: {  	v4 =	vadd.f32 v23, v53;
	v23 =	vperm.xlane v16, v63;
	[tilespmem:$0x1FDA0] =	vst v12;
	v12 =	vadd.f32 v61, v53  }
0x5c: {  	[tilespmem:$0x1FD80] =	vst v46;
	v16 =	vperm.xlane v16, v59;
	v61 =	vadd.f32 v14, v17;
	v25 =	vadd.f32 v21, v17;
	v17 =	vld [tilespmem:$0x1FCA0]  }
0x5d: {  	v57 =	vld [tilespmem:$0x1FCD0];
	v3 =	vadd.f32 v24, v50;
	[tilespmem:$0x1FE10] =	vst v15;
	v20 =	vmin.f32 v37, v38;
	v24 =	vadd.f32 v22, v23  }
0x5e: {  	v46 =	vld [tilespmem:$0x1FCB0];
	[tilespmem:$0x1FDC0] =	vst v35;
	v35 =	vmax.f32 v39, v40;
	v36 =	vadd.f32 v54, v23;
	v2 =	vadd.f32 v14, v16  }
0x5f: {  	v15 =	vld [tilespmem:$0x1FD60];
	[tilespmem:$0x1FD90] =	vst v4;
	v4 =	vmax.f32 v27, v28;
	v23 =	vmax.f32 v55, v56;
	v50 =	vmin.f32 v39, v40  }
0x60: {  	v39 =	vld [tilespmem:$0x1FCF0];
	[tilespmem:$0x1FDD0] =	vst v36;
	v36 =	vadd.f32 v22, v18;
	v22 =	vadd.f32 v21, v16;
	v21 =	vmax.f32 v48, v52  }
0x61: {  	v16 =	vmin.f32 v32, v17;
	v26 =	vmax.f32 v32, v17;
	v17 =	vmin.f32 v48, v52;
	v48 =	vld [tilespmem:$0x1FCC0]  }
0x62: {  	v58 =	vadd.f32 v58, v19;
	v40 =	vld [tilespmem:$0x1FD00];
	v19 =	vmin.f32 v10, v42;
	v63 =	vmin.f32 v27, v28  }
0x63: {  	v59 =	vmin.f32 v0, v1;
	v0 =	vmax.f32 v0, v1;
	v27 =	vmin.f32 v46, v31;
	v32 =	vld [tilespmem:$0x1FCE0]  }
0x64: {  	v46 =	vmax.f32 v46, v31;
	v28 =	vmin.f32 v43, v44;
	v31 =	vmax.f32 v43, v44;
	v52 =	vld [tilespmem:$0x1FD10]  }
0x65: {  	v44 =	vmin.f32 v7, v34;
	v62 =	vadd.f32 v54, v18;
	v54 =	vmin.f32 v30, v60;
	v60 =	vld [tilespmem:$0x1FD20]  }
0x66: {  	[tilespmem:$0x1FE40] =	vst v44;
	v44 =	vld [tilespmem:$0x1FD90];
	v14 =	vmax.f32 v47, v51;
	v30 =	vmin.f32 v6, v33;
	v53 =	vmin.f32 v48, v57  }
0x67: {  	[tilespmem:$0x1FDE0] =	vst v0;
	v0 =	vmax.f32 v48, v57;
	v48 =	vmin.f32 v47, v51;
	v51 =	vmax.f32 v7, v34;
	v7 =	vld [tilespmem:$0x1FD50]  }
0x68: {  	v43 =	vmin.f32 v40, v5;
	v18 =	vmin.f32 v32, v39;
	v47 =	vmax.f32 v6, v33;
	v6 =	vld [tilespmem:$0x1FD40];
	[tilespmem:$0x1FDF0] =	vst v0  }
0x69: {  	v56 =	vmin.f32 v41, v52;
	v0 =	vmax.f32 v40, v5;
	[tilespmem:$0x1FE50] =	vst v51;
	v51 =	vmax.f32 v37, v38;
	v5 =	vld [tilespmem:$0x1FD30]  }
0x6a: {  	v38 =	vmin.f32 v45, v60;
	[tilespmem:$0x1FE30] =	vst v0;
	v0 =	vmax.f32 v41, v52;
	v52 =	vmax.f32 v45, v60;
	v45 =	vld [tilespmem:$0x1FDA0]  }
0x6b: {  	v32 =	vmax.f32 v32, v39;
	v57 =	vmax.f32 v10, v42;
	v33 =	vmin.f32 v11, v49  }
0x6c: {  	v39 =	vmin.f32 v7, v15;
	v55 =	vmax.f32 v7, v15;
	v15 =	vmin.f32 v8, v9  }
0x6d: {  	[tilespmem:$0x1FE00] =	vst v14;
	v34 =	vld [tilespmem:$0x1FD70];
	v8 =	vmax.f32 v8, v9;
	v9 =	vmax.f32 v11, v49;
	v11 =	vmax.f32 v24, v62  }
0x6e: {  	v37 =	vld [tilespmem:$0x1FD80];
	[tilespmem:$0x1FE60] =	vst v0;
	v14 =	vmin.f32 v5, v6;
	v0 =	vmax.f32 v5, v6;
	v5 =	vmin.f32 v24, v62  }
0x6f: {  	v62 =	vmin.f32 v22, v61;
	v49 =	vmin.f32 v44, v45;
	v10 =	vmax.f32 v44, v45  }
0x70: {  	v45 =	vmax.f32 v22, v61;
	v61 =	vmin.f32 v12, v13;
	v12 =	vmax.f32 v12, v13;
	v13 =	vld [tilespmem:$0x1FDD0]  }
0x71: {  	[tilespmem:$0x1FE20] =	vst v43;
	v43 =	vmin.f32 v2, v25  }
0x72: {  	[tilespmem:$0x1FE80] =	vst v33;
	v41 =	vmin.f32 v3, v58;
	v58 =	vmax.f32 v3, v58;
	v3 =	vmin.f32 v4, v26  }
0x73: {  	v7 =	vld [tilespmem:$0x1FDC0];
	v40 =	vmin.f32 v34, v37;
	v60 =	vmax.f32 v34, v37;
	v34 =	vmin.f32 v63, v16;
	[tilespmem:$0x1FEA0] =	vst v5  }
0x74: {  	v6 =	vld [tilespmem:$0x1FDB0];
	v5 =	vmin.f32 v35, v21;
	[tilespmem:$0x1FE90] =	vst v49;
	v49 =	vmax.f32 v2, v25;
	v2 =	vmax.f32 v63, v16  }
0x75: {  	[tilespmem:$0x1FEC0] =	vst v34;
	v34 =	vld [tilespmem:$0x1FE00];
	v63 =	vmax.f32 v4, v26;
	v4 =	vmax.f32 v50, v17;
	v33 =	vmin.f32 v13, v36  }
0x76: {  	v13 =	vmax.f32 v13, v36;
	v36 =	vmin.f32 v50, v17;
	v50 =	vmax.f32 v35, v21;
	v35 =	vld [tilespmem:$0x1FDE0]  }
0x77: {  	[tilespmem:$0x1FEB0] =	vst v33;
	v33 =	vmax.f32 v48, v29  }
0x78: {  	[tilespmem:$0x1FEE0] =	vst v33;
	v33 =	vld [tilespmem:$0x1FE10];
	_ =	sdelay $0x1  }
0x79: {  	v37 =	vmin.f32 v59, v27;
	v42 =	vmin.f32 v6, v7;
	v44 =	vmax.f32 v6, v7  }
0x7a: {  	v6 =	vmax.f32 v59, v27;
	v1 =	vmin.f32 v34, v23;
	v59 =	vmax.f32 v35, v46  }
0x7b: {  	v7 =	vmin.f32 v35, v46;
	v35 =	vmin.f32 v53, v28;
	v46 =	vmax.f32 v53, v28;
	v53 =	vld [tilespmem:$0x1FDF0]  }
0x7c: {  	[tilespmem:$0x1FEF0] =	vst v1;
	v1 =	vmin.f32 v33, v32  }
0x7d: {  	[tilespmem:$0x1FF10] =	vst v1;
	v1 =	vld [tilespmem:$0x1FE20];
	_ =	sdelay $0x1  }
0x7e: {  	[tilespmem:$0x1FE70] =	vst v0  }
0x7f: {  	[tilespmem:$0x1FED0] =	vst v46;
	v46 =	vmax.f32 v53, v31;
	v0 =	vmin.f32 v53, v31;
	v53 =	vmin.f32 v48, v29  }
0x80: {  	v48 =	vmax.f32 v34, v23;
	v34 =	vmin.f32 v54, v18;
	v54 =	vmax.f32 v54, v18  }
0x81: {  	[tilespmem:$0x1FF00] =	vst v54;
	v54 =	vmax.f32 v33, v32;
	v32 =	vmin.f32 v1, v30;
	v1 =	vmax.f32 v1, v30  }
0x82: {  	[tilespmem:$0x1FF20] =	vst v1;
	v1 =	vld [tilespmem:$0x1FE30];
	_ =	sdelay $0x4  }
0x83: {  	v33 =	vmax.f32 v1, v47;
	v1 =	vmin.f32 v1, v47;
	v47 =	vld [tilespmem:$0x1FE40];
	_ =	sdelay $0x4  }
0x84: {  	[tilespmem:$0x1FF30] =	vst v1;
	v31 =	vmin.f32 v47, v20;
	v1 =	vmax.f32 v47, v20;
	v47 =	vld [tilespmem:$0x1FE50];
	_ =	sdelay $0x3  }
0x85: {  	v27 =	vmax.f32 v8, v57;
	v57 =	vmin.f32 v8, v57;
	v8 =	vld [tilespmem:$0x1FE80];
	v30 =	vmin.f32 v56, v38  }
0x86: {  	v29 =	vmax.f32 v47, v51;
	v51 =	vmin.f32 v47, v51;
	v47 =	vmax.f32 v56, v38;
	v38 =	vld [tilespmem:$0x1FE60]  }
0x87: {  	v21 =	vmax.f32 v9, v60;
	v60 =	vmin.f32 v9, v60;
	v9 =	vld [tilespmem:$0x1FE90]  }
0x88: {  	v26 =	vmin.f32 v15, v19;
	v17 =	vmax.f32 v13, v49  }
0x89: {  	v49 =	vmin.f32 v13, v49;
	v13 =	vmax.f32 v63, v50;
	v50 =	vmin.f32 v63, v50  }
0x8a: {  	v24 =	vmin.f32 v8, v40;
	v28 =	vmin.f32 v14, v39;
	v39 =	vmax.f32 v14, v39;
	v14 =	vld [tilespmem:$0x1FEB0]  }
0x8b: {  	v40 =	vmax.f32 v8, v40;
	v56 =	vmax.f32 v38, v52;
	v52 =	vmin.f32 v38, v52;
	v38 =	vld [tilespmem:$0x1FE70]  }
0x8c: {  	v22 =	vmin.f32 v9, v41;
	v41 =	vmax.f32 v9, v41;
	v9 =	vmax.f32 v37, v35  }
0x8d: {  	v23 =	vmax.f32 v10, v58;
	v58 =	vmin.f32 v10, v58;
	v18 =	vmin.f32 v61, v42  }
0x8e: {  	v10 =	vld [tilespmem:$0x1FEA0];
	v42 =	vmax.f32 v61, v42;
	v61 =	vmax.f32 v12, v44;
	v44 =	vmin.f32 v12, v44  }
0x8f: {  	v16 =	vmin.f32 v14, v43;
	v43 =	vmax.f32 v14, v43;
	v14 =	vmin.f32 v37, v35  }
0x90: {  	v25 =	vmax.f32 v38, v55;
	v55 =	vmin.f32 v38, v55;
	v38 =	vmax.f32 v15, v19;
	v15 =	vld [tilespmem:$0x1FEC0]  }
0x91: {  	[tilespmem:$0x1FF60] =	vst v13;
	v37 =	vmax.f32 v27, v21;
	v20 =	vmax.f32 v11, v45;
	v45 =	vmin.f32 v11, v45  }
0x92: {  	[tilespmem:$0x1FF70] =	vst v14;
	v11 =	vmax.f32 v53, v34;
	v13 =	vmax.f32 v32, v31;
	v35 =	vmin.f32 v23, v20  }
0x93: {  	[tilespmem:$0x1FFC0] =	vst v35;
	v35 =	vmin.f32 v18, v16;
	v14 =	vmin.f32 v33, v29;
	v19 =	vmin.f32 v10, v62  }
0x94: {  	v62 =	vmax.f32 v10, v62;
	v10 =	vmin.f32 v59, v46;
	v63 =	vmax.f32 v22, v19  }
0x95: {  	v12 =	vmin.f32 v15, v36;
	v8 =	vmax.f32 v15, v36;
	v15 =	vmax.f32 v59, v46  }
0x96: {  	v59 =	vmin.f32 v53, v34;
	v53 =	vmax.f32 v48, v54;
	v46 =	vmin.f32 v30, v28  }
0x97: {  	v36 =	vmax.f32 v56, v25;
	v34 =	vmin.f32 v27, v21;
	v27 =	vmin.f32 v52, v47  }
0x98: {  	v47 =	vmax.f32 v52, v47;
	v52 =	vmin.f32 v55, v39;
	v55 =	vmax.f32 v55, v39  }
0x99: {  	v39 =	vmin.f32 v57, v38;
	v57 =	vmax.f32 v57, v38;
	v38 =	vmin.f32 v60, v40  }
0x9a: {  	v60 =	vmax.f32 v60, v40;
	v40 =	vmin.f32 v58, v41;
	v58 =	vmax.f32 v58, v41  }
0x9b: {  	[tilespmem:$0x1FF50] =	vst v12;
	v12 =	vmin.f32 v48, v54;
	v54 =	vmin.f32 v32, v31;
	v48 =	vmax.f32 v33, v29  }
0x9c: {  	[tilespmem:$0x1FF80] =	vst v15;
	v15 =	vmax.f32 v30, v28;
	v32 =	vmin.f32 v56, v25;
	v56 =	vmin.f32 v26, v24  }
0x9d: {  	[tilespmem:$0x1FF40] =	vst v1;
	v33 =	vmax.f32 v26, v24;
	v24 =	vmin.f32 v7, v6;
	v30 =	vmax.f32 v7, v6;
	v6 =	vld [tilespmem:$0x1FEE0]  }
0x9e: {  	v41 =	vmin.f32 v45, v62;
	v62 =	vmax.f32 v45, v62;
	v7 =	vld [tilespmem:$0x1FEF0];
	[tilespmem:$0x1FF90] =	vst v32;
	v32 =	vmax.f32 v23, v20  }
0x9f: {  	[tilespmem:$0x1FFA0] =	vst v33;
	v33 =	vmax.f32 v18, v16;
	v16 =	vmin.f32 v5, v4;
	v20 =	vmax.f32 v5, v4;
	v5 =	vld [tilespmem:$0x1FED0]  }
0xa0: {  	v45 =	vmin.f32 v44, v42;
	v4 =	vld [tilespmem:$0x1FF10];
	[tilespmem:$0x1FFD0] =	vst v33;
	v33 =	vmax.f32 v61, v17;
	v61 =	vmin.f32 v61, v17  }
0xa1: {  	v44 =	vmax.f32 v44, v42;
	v42 =	vmin.f32 v49, v43;
	v43 =	vmax.f32 v49, v43;
	[tilespmem:$0x1FFE0] =	vst v61;
	v61 =	vld [tilespmem:$0x1FF00]  }
0xa2: {  	[tilespmem:$0x1FFB0] =	vst v34;
	v34 =	vmin.f32 v22, v19;
	v31 =	vmax.f32 v3, v2;
	v49 =	vld [tilespmem:$0x1FF50];
	v1 =	vmin.f32 v56, v33  }
0xa3: {  	v33 =	vmin.f32 v58, v62;
	v26 =	vmin.f32 v7, v6;
	v28 =	vmax.f32 v7, v6;
	v6 =	vld [tilespmem:$0x1FF30]  }
0xa4: {  	v23 =	vmin.f32 v3, v2;
	v56 =	vmax.f32 v33, v63;
	v7 =	vld [tilespmem:$0x1FF40];
	v17 =	vmin.f32 v0, v5  }
0xa5: {  	v22 =	vmax.f32 v0, v5;
	v5 =	vld [tilespmem:$0x1FF20];
	v0 =	vmin.f32 v37, v35;
	v35 =	vmin.f32 v23, v16  }
0xa6: {  	v16 =	vmax.f32 v23, v16;
	v18 =	vmin.f32 v4, v61;
	v21 =	vmax.f32 v4, v61  }
0xa7: {  	v4 =	vmin.f32 v36, v34;
	v34 =	vmax.f32 v31, v20;
	v20 =	vmin.f32 v31, v20  }
0xa8: {  	v61 =	vld [tilespmem:$0x1FF80];
	v36 =	vmin.f32 v24, v17;
	v17 =	vmax.f32 v24, v17;
	v31 =	vmin.f32 v33, v63  }
0xa9: {  	v37 =	vmin.f32 v26, v18;
	v18 =	vmax.f32 v26, v18;
	v19 =	vmin.f32 v51, v7  }
0xaa: {  	v51 =	vmax.f32 v51, v7;
	v7 =	vmin.f32 v49, v53;
	v25 =	vmin.f32 v6, v5  }
0xab: {  	v29 =	vmax.f32 v6, v5;
	v5 =	vmin.f32 v46, v32;
	v46 =	vmax.f32 v30, v22  }
0xac: {  	v22 =	vmin.f32 v30, v22;
	v32 =	vmin.f32 v57, v60;
	v49 =	vmin.f32 v25, v19  }
0xad: {  	v53 =	vld [tilespmem:$0x1FF60];
	v19 =	vmax.f32 v25, v19;
	v2 =	vmin.f32 v61, v54;
	v61 =	vmax.f32 v47, v55  }
0xae: {  	v47 =	vmin.f32 v47, v55;
	v55 =	vmin.f32 v40, v41;
	v40 =	vmax.f32 v40, v41  }
0xaf: {  	v41 =	vmax.f32 v58, v62;
	v58 =	vmin.f32 v50, v16;
	v16 =	vmax.f32 v50, v16  }
0xb0: {  	v50 =	vmin.f32 v22, v9;
	v22 =	vmax.f32 v22, v9;
	v62 =	vmin.f32 v12, v18  }
0xb1: {  	v18 =	vmax.f32 v12, v18;
	v24 =	vmin.f32 v14, v19;
	v19 =	vmax.f32 v14, v19  }
0xb2: {  	v25 =	vmin.f32 v47, v15;
	v47 =	vmax.f32 v47, v15;
	v6 =	vmin.f32 v53, v59  }
0xb3: {  	[tilespmem:$0x1FFF0] =	vst v0;
	v0 =	vld [tilespmem:$0x1FF90];
	v53 =	vmax.f32 v29, v51;
	v29 =	vmin.f32 v29, v51;
	v51 =	vmin.f32 v27, v52  }
0xb4: {  	v27 =	vmax.f32 v27, v52;
	v52 =	vmin.f32 v39, v38;
	v38 =	vmax.f32 v39, v38  }
0xb5: {  	v39 =	vmax.f32 v57, v60;
	v57 =	vmin.f32 v45, v42;
	v42 =	vmax.f32 v45, v42  }
0xb6: {  	v9 =	vld [tilespmem:$0x1FFB0];
	v45 =	vmax.f32 v44, v43;
	v43 =	vmin.f32 v44, v43;
	v44 =	vmin.f32 v20, v8  }
0xb7: {  	v59 =	vld [tilespmem:$0x1FF70];
	v20 =	vmax.f32 v20, v8;
	v23 =	vmin.f32 v29, v13;
	v29 =	vmax.f32 v29, v13  }
0xb8: {  	v26 =	vmin.f32 v0, v27;
	v27 =	vmax.f32 v0, v27;
	v0 =	vmin.f32 v35, v44  }
0xb9: {  	v8 =	vld [tilespmem:$0x1FFA0];
	v35 =	vmax.f32 v35, v44;
	v44 =	vmin.f32 v58, v20;
	v20 =	vmax.f32 v58, v20  }
0xba: {  	v12 =	vld [tilespmem:$0x1FFD0];
	v58 =	vmin.f32 v16, v34;
	v16 =	vmax.f32 v16, v34;
	v34 =	vmin.f32 v36, v50  }
0xbb: {  	v13 =	vld [tilespmem:$0x1FFE0];
	v36 =	vmax.f32 v36, v50;
	v30 =	vmin.f32 v9, v38;
	v38 =	vmax.f32 v9, v38  }
0xbc: {  	v9 =	vmin.f32 v55, v31;
	v31 =	vmax.f32 v55, v31;
	v3 =	vmin.f32 v59, v48  }
0xbd: {  	v48 =	vmax.f32 v28, v21;
	v21 =	vmin.f32 v28, v21;
	v59 =	vmin.f32 v10, v17  }
0xbe: {  	v17 =	vmax.f32 v10, v17;
	v28 =	vmin.f32 v32, v8;
	v54 =	vmax.f32 v32, v8  }
0xbf: {  	v32 =	vmin.f32 v43, v12;
	v43 =	vmax.f32 v43, v12;
	v60 =	vmin.f32 v21, v11  }
0xc0: {  	v21 =	vmax.f32 v21, v11;
	v14 =	vmin.f32 v13, v42;
	v42 =	vmax.f32 v13, v42  }
0xc1: {  	v50 =	vmin.f32 v59, v22;
	v22 =	vmax.f32 v59, v22;
	v59 =	vmin.f32 v17, v46  }
0xc2: {  	v17 =	vmax.f32 v17, v46;
	v15 =	vmin.f32 v18, v48;
	v18 =	vmax.f32 v18, v48  }
0xc3: {  	v48 =	vmin.f32 v49, v23;
	v23 =	vmax.f32 v49, v23;
	v49 =	vmin.f32 v24, v29  }
0xc4: {  	v24 =	vmax.f32 v24, v29;
	v29 =	vmin.f32 v19, v53;
	v19 =	vmax.f32 v19, v53  }
0xc5: {  	v53 =	vmin.f32 v51, v25;
	v25 =	vmax.f32 v51, v25;
	v51 =	vmin.f32 v26, v47  }
0xc6: {  	v26 =	vmax.f32 v26, v47;
	v47 =	vmin.f32 v27, v61;
	v27 =	vmax.f32 v27, v61  }
0xc7: {  	v8 =	vmin.f32 v52, v28;
	v28 =	vmax.f32 v52, v28;
	v52 =	vmin.f32 v30, v54  }
0xc8: {  	v30 =	vmax.f32 v30, v54;
	v54 =	vmin.f32 v38, v39;
	v38 =	vmax.f32 v38, v39  }
0xc9: {  	v12 =	vmin.f32 v57, v32;
	v32 =	vmax.f32 v57, v32;
	v46 =	vmin.f32 v37, v60  }
0xca: {  	v37 =	vmax.f32 v37, v60;
	v60 =	vmin.f32 v62, v21;
	v21 =	vmax.f32 v62, v21  }
0xcb: {  	v13 =	vmin.f32 v14, v43;
	v33 =	vmax.f32 v14, v43;
	v14 =	vmin.f32 v42, v45  }
0xcc: {  	v42 =	vmax.f32 v42, v45;
	v18 =	vmin.f32 v0, v18;
	v35 =	vmin.f32 v35, v15  }
0xcd: {  	v31 =	vmin.f32 v47, v31;
	v27 =	vmin.f32 v27, v9;
	v19 =	vmin.f32 v34, v19  }
0xce: {  	v29 =	vmin.f32 v36, v29;
	v24 =	vmin.f32 v50, v24;
	v22 =	vmin.f32 v22, v49  }
0xcf: {  	v23 =	vmin.f32 v59, v23;
	v17 =	vmin.f32 v17, v48;
	v32 =	vmin.f32 v54, v32  }
0xd0: {  	v9 =	vmin.f32 v38, v12;
	v50 =	vimm.f32 $+Inf;
	v21 =	vmin.f32 v44, v21  }
0xd1: {  	v20 =	vmin.f32 v20, v60;
	v37 =	vmin.f32 v58, v37;
	v16 =	vmin.f32 v16, v46  }
0xd2: {  	v10 =	vld [tilespmem:$0x1FFC0];
	v8 =	vmin.f32 v8, v42;
	v28 =	vmin.f32 v28, v14;
	v33 =	vmin.f32 v52, v33  }
0xd3: {  	v30 =	vmin.f32 v30, v13;
	v55 =	vmin.f32 v3, v22;
	v22 =	vmax.f32 v3, v22  }
0xd4: {  	v61 =	vld [tilespmem:$0x1FFF0];
	v12 =	vmin.f32 v35, v16;
	v16 =	vmax.f32 v35, v16;
	v13 =	vmin.f32 v21, v6  }
0xd5: {  	v21 =	vmax.f32 v21, v6;
	v57 =	vmin.f32 v1, v30;
	v30 =	vmax.f32 v1, v30  }
0xd6: {  	v58 =	vmin.f32 v8, v32;
	v32 =	vmax.f32 v8, v32;
	v59 =	vmin.f32 v28, v9  }
0xd7: {  	v28 =	vmax.f32 v28, v9;
	v11 =	vmin.f32 v10, v40;
	v40 =	vmax.f32 v10, v40  }
0xd8: {  	v34 =	vmax.f32 v57, v59;
	v10 =	vmin.f32 v11, v56;
	v56 =	vmax.f32 v11, v56  }
0xd9: {  	v11 =	vmin.f32 v40, v41;
	v40 =	vmax.f32 v40, v41;
	v62 =	vmin.f32 v33, v61  }
0xda: {  	v33 =	vmax.f32 v33, v61;
	v40 =	vmin.f32 v53, v40;
	v25 =	vmin.f32 v25, v11  }
0xdb: {  	v0 =	vmin.f32 v51, v56;
	v26 =	vmin.f32 v26, v10;
	v10 =	vmin.f32 v7, v20  }
0xdc: {  	v20 =	vmax.f32 v7, v20;
	v11 =	vmin.f32 v18, v37;
	v18 =	vmax.f32 v18, v37  }
0xdd: {  	v56 =	vmin.f32 v19, v23;
	v19 =	vmax.f32 v19, v23;
	v23 =	vmin.f32 v29, v17  }
0xde: {  	v17 =	vmax.f32 v29, v17;
	v29 =	vmin.f32 v24, v2;
	v24 =	vmax.f32 v24, v2  }
0xdf: {  	v6 =	vmin.f32 v58, v62;
	v38 =	vmax.f32 v58, v62;
	v7 =	vmin.f32 v30, v28  }
0xe0: {  	v28 =	vmax.f32 v30, v28;
	v30 =	vmin.f32 v32, v33;
	v32 =	vmax.f32 v32, v33  }
0xe1: {  	v51 =	vimm.f32 $+Inf;
	v14 =	vmin.f32 v5, v26;
	v26 =	vmax.f32 v5, v26  }
0xe2: {  	v52 =	vmin.f32 v40, v31;
	v31 =	vmax.f32 v40, v31;
	v53 =	vmin.f32 v25, v27  }
0xe3: {  	v25 =	vmax.f32 v25, v27;
	v27 =	vmin.f32 v0, v4;
	v54 =	vmax.f32 v0, v4  }
0xe4: {  	v60 =	vmin.f32 v10, v12;
	v37 =	vmax.f32 v10, v12;
	v63 =	vmin.f32 v11, v13  }
0xe5: {  	v35 =	vmax.f32 v11, v13;
	v0 =	vmin.f32 v20, v16;
	v16 =	vmax.f32 v20, v16  }
0xe6: {  	v20 =	vmin.f32 v18, v21;
	v18 =	vmax.f32 v18, v21;
	v3 =	vmin.f32 v55, v23  }
0xe7: {  	v23 =	vmax.f32 v55, v23;
	v4 =	vmin.f32 v56, v29;
	v29 =	vmax.f32 v56, v29  }
0xe8: {  	v5 =	vmin.f32 v22, v17;
	v17 =	vmax.f32 v22, v17;
	v22 =	vmin.f32 v19, v24  }
0xe9: {  	v19 =	vmax.f32 v19, v24;
	v24 =	vmin.f32 v57, v59;
	v61 =	vmin.f32 v34, v38  }
0xea: {  	v34 =	vmax.f32 v34, v38;
	v62 =	vmin.f32 v7, v30;
	v30 =	vmax.f32 v7, v30  }
0xeb: {  	v21 =	vmin.f32 v14, v53;
	v40 =	vmax.f32 v14, v53;
	v1 =	vmin.f32 v52, v27  }
0xec: {  	v27 =	vmax.f32 v52, v27;
	v2 =	vmin.f32 v26, v25;
	v25 =	vmax.f32 v26, v25  }
0xed: {  	v26 =	vmin.f32 v31, v54;
	v31 =	vmax.f32 v31, v54;
	v8 =	vmin.f32 v60, v63  }
0xee: {  	v36 =	vmax.f32 v60, v63;
	v9 =	vmin.f32 v37, v35;
	v10 =	vmax.f32 v37, v35  }
0xef: {  	v11 =	vmin.f32 v0, v20;
	v20 =	vmax.f32 v0, v20;
	v12 =	vmin.f32 v16, v18  }
0xf0: {  	v16 =	vmax.f32 v16, v18;
	v58 =	vmin.f32 v3, v4;
	v43 =	vmax.f32 v3, v4  }
0xf1: {  	v59 =	vmin.f32 v23, v29;
	v23 =	vmax.f32 v23, v29;
	v29 =	vmin.f32 v5, v22  }
0xf2: {  	v22 =	vmax.f32 v5, v22;
	v60 =	vmin.f32 v17, v19;
	v17 =	vmax.f32 v17, v19  }
0xf3: {  	v19 =	vmin.f32 v24, v6;
	v24 =	vmax.f32 v24, v6;
	v63 =	vmin.f32 v28, v32  }
0xf4: {  	v28 =	vmax.f32 v28, v32;
	v54 =	vimm.f32 $+Inf;
	v18 =	vmin.f32 v21, v1  }
0xf5: {  	v21 =	vmax.f32 v21, v1;
	v13 =	vmin.f32 v40, v27;
	v27 =	vmax.f32 v40, v27  }
0xf6: {  	v14 =	vmin.f32 v2, v26;
	v26 =	vmax.f32 v2, v26;
	v57 =	vmin.f32 v25, v31  }
0xf7: {  	v31 =	vmax.f32 v25, v31;
	v25 =	vimm.f32 $+Inf;
	v40 =	vmin.f32 v58, v28  }
0xf8: {  	v38 =	vmin.f32 v43, v63;
	v32 =	vmin.f32 v23, v62;
	v48 =	vmin.f32 v29, v34  }
0xf9: {  	v47 =	vmin.f32 v22, v61;
	v45 =	vmin.f32 v60, v24;
	v39 =	vmin.f32 v17, v19  }
0xfa: {  	v19 =	vimm.f32 $+Inf;
	v28 =	vimm.f32 $+Inf;
	v29 =	vimm.f32 $+Inf  }
0xfb: {  	v22 =	vimm.f32 $+Inf;
	v23 =	vimm.f32 $+Inf;
	v24 =	vimm.f32 $+Inf  }
0xfc: {  	v31 =	vmin.f32 v8, v31;
	v37 =	vmin.f32 v36, v57;
	v35 =	vmin.f32 v9, v26  }
0xfd: {  	v33 =	vmin.f32 v10, v14;
	v26 =	vmin.f32 v11, v27;
	v46 =	vmin.f32 v20, v13  }
0xfe: {  	v44 =	vmin.f32 v12, v21;
	v42 =	vmin.f32 v16, v18;
	v36 =	vmin.f32 v59, v30  }
0xff: {  	v27 =	vimm.f32 $+Inf;
	v30 =	vimm.f32 $+Inf;
	v18 =	vimm.f32 $+Inf  }
0x100: {  	v20 =	vimm.f32 $+Inf;
	v21 =	vimm.f32 $+Inf;
	v43 =	vmin.f32 v31, v26  }
0x101: {  	s15 =	simm.s32 $0x40;
	v34 =	vmax.f32 v31, v26;
	v41 =	vmin.f32 v37, v46;
	v31 =	vimm.f32 $+Inf  }
.LBB2_7:
0x102: {  	v37 =	vmax.f32 v37, v46;
	v7 =	vmin.f32 v35, v44  }
0x103: {  	v8 =	vmax.f32 v35, v44;
	v9 =	vmin.f32 v33, v42;
	v10 =	vmax.f32 v33, v42  }
0x104: {  	v11 =	vmin.f32 v40, v48;
	v12 =	vmax.f32 v40, v48;
	v13 =	vmin.f32 v38, v47  }
0x105: {  	v14 =	vmax.f32 v38, v47;
	v15 =	vmin.f32 v36, v45;
	v52 =	vmax.f32 v36, v45  }
0x106: {  	v53 =	vmin.f32 v32, v39;
	v56 =	vmax.f32 v32, v39;
	v49 =	vmin.f32 v43, v7  }
0x107: {  	v55 =	vmax.f32 v43, v7;
	v57 =	vmin.f32 v41, v9;
	v58 =	vmax.f32 v41, v9  }
0x108: {  	v59 =	vmin.f32 v34, v8;
	v60 =	vmax.f32 v34, v8;
	v61 =	vmin.f32 v37, v10  }
0x109: {  	v33 =	vmax.f32 v37, v10;
	v62 =	vmin.f32 v11, v15;
	v42 =	vmax.f32 v11, v15  }
0x10a: {  	v63 =	vmin.f32 v13, v53;
	v45 =	vmax.f32 v13, v53;
	v0 =	vmin.f32 v12, v52  }
0x10b: {  	v36 =	vmax.f32 v12, v52;
	v2 =	vmin.f32 v14, v56;
	v32 =	vmax.f32 v14, v56  }
0x10c: {  	v1 =	vmin.f32 v49, v57;
	v3 =	vmax.f32 v49, v57;
	v4 =	vmin.f32 v55, v58  }
0x10d: {  	v41 =	vmax.f32 v55, v58;
	v5 =	vmin.f32 v59, v61;
	v35 =	vmax.f32 v59, v61  }
0x10e: {  	v6 =	vmin.f32 v60, v33;
	v33 =	vmax.f32 v60, v33;
	v7 =	vmin.f32 v62, v63  }
0x10f: {  	v37 =	vmax.f32 v62, v63;
	v8 =	vmin.f32 v42, v45;
	v42 =	vmax.f32 v42, v45  }
0x110: {  	v9 =	vmin.f32 v0, v2;
	v47 =	vmax.f32 v0, v2;
	v10 =	vmin.f32 v36, v32  }
0x111: {  	v32 =	vmax.f32 v36, v32;
	v25 =	vmin.f32 v25, v33;
	v26 =	vmin.f32 v19, v6  }
0x112: {  	v27 =	vmin.f32 v27, v35;
	v28 =	vmin.f32 v28, v5;
	v29 =	vmin.f32 v29, v41  }
0x113: {  	v30 =	vmin.f32 v30, v4;
	v31 =	vmin.f32 v31, v3;
	v11 =	vmin.f32 v18, v1  }
0x114: {  	v18 =	vmin.f32 v20, v32;
	v19 =	vmin.f32 v21, v10;
	v22 =	vmin.f32 v22, v47  }
0x115: {  	v20 =	vmin.f32 v23, v9;
	v21 =	vmin.f32 v24, v42;
	v24 =	vmin.f32 v54, v8  }
0x116: {  	v23 =	vmin.f32 v51, v37;
	v12 =	vmax.f32 v25, v29;
	v13 =	vmax.f32 v26, v30  }
0x117: {  	v14 =	vmax.f32 v27, v31;
	v40 =	vmax.f32 v28, v11;
	v25 =	vmin.f32 v25, v29  }
0x118: {  	v26 =	vmin.f32 v26, v30;
	v27 =	vmin.f32 v27, v31;
	v29 =	vmin.f32 v50, v7  }
0x119: {  	v30 =	vmax.f32 v18, v21;
	v31 =	vmax.f32 v19, v24;
	v52 =	vmax.f32 v22, v23  }
0x11a: {  	v18 =	vmin.f32 v18, v21;
	v19 =	vmin.f32 v19, v24;
	v21 =	vmin.f32 v22, v23  }
0x11b: {  	v28 =	vmin.f32 v28, v11;
	v15 =	vmax.f32 v12, v14;
	v49 =	vmax.f32 v13, v40  }
0x11c: {  	v53 =	vmax.f32 v20, v29;
	v54 =	vmax.f32 v30, v52;
	v20 =	vmin.f32 v20, v29  }
0x11d: {  	v22 =	vmin.f32 v18, v21;
	v21 =	vmax.f32 v18, v21;
	v24 =	vmin.f32 v30, v52  }
0x11e: {  	v30 =	vmax.f32 v25, v27;
	v6 =	vmin.f32 v13, v40;
	v40 =	vimm.s32 $0xB  }
0x11f: {  	v0 =	vmax.f32 v15, v49;
	v55 =	vmax.f32 v31, v53;
	v23 =	vmin.f32 v19, v20  }
0x120: {  	v20 =	vmax.f32 v19, v20;
	v29 =	vmin.f32 v31, v53;
	v56 =	vmax.f32 v54, v55  }
0x121: {  	s16 =	sshra.s32 s15, $0x2;
	v31 =	vmin.f32 v12, v14;
	v57 =	vmin.f32 v22, v23;
	v58 =	vmax.f32 v22, v23;
	[tilespmem:$0x1FA80] =	vst v56  }
0x122: {  	v33 =	vld [tilespmem:s16+$0xF680];
	v59 =	vmin.f32 v21, v20;
	v60 =	vmax.f32 v21, v20;
	v61 =	vmin.f32 v24, v29;
	[tilespmem:$0x1FC00] =	vst v57  }
0x123: {  	v32 =	vld [tilespmem:s16+$0xF480];
	v62 =	vmax.f32 v24, v29;
	v63 =	vmin.f32 v54, v55;
	v29 =	vmin.f32 v25, v27;
	[tilespmem:$0x1FC60] =	vst v58  }
0x124: {  	s13 =	sadd.s32 $0x100, s13;
	v27 =	vmin.f32 v26, v28;
	v28 =	vmax.f32 v26, v28;
	v55 =	vmin.f32 v31, v6;
	[tilespmem:$0x1FC70] =	vst v59  }
0x125: {  	s14 =	sadd.s32 $0x100, s14;
	v4 =	vld [tilespmem:s13+$0xFFFFFF80];
	[tilespmem:$0x1FC50] =	vst v60;
	v11 =	vmin.f32 v29, v27;
	v12 =	vmax.f32 v29, v27;
	v13 =	vmin.f32 v30, v28  }
0x126: {  	v5 =	vld [tilespmem:s14+$0xFFFFFF80];
	[tilespmem:$0x1FBF0] =	vst v61;
	v54 =	vmax.f32 v30, v28;
	v56 =	vmax.f32 v31, v6;
	v57 =	vimm.s32 $0x0  }
0x127: {  	v7 =	vld [tilespmem:s13+$0xFFFFFF90];
	[tilespmem:$0x1FAF0] =	vst v62;
	v60 =	vmin.f32 v15, v49;
	v61 =	vimm.s32 $0x1;
	v21 =	vperm.xlane v33, v40  }
0x128: {  	v14 =	vld [tilespmem:s14+$0xFFFFFF90];
	[tilespmem:$0x1FA90] =	vst v63;
	v6 =	vimm.s32 $0x5;
	v58 =	vperm.xlane v32, v57;
	v59 =	vperm.xlane v33, v57  }
0x129: {  	v49 =	vimm.s32 $0x9;
	[tilespmem:$0x1FC20] =	vst v11;
	v62 =	vperm.xlane v32, v61;
	v36 =	vperm.xlane v33, v61  }
0x12a: {  	v37 =	vld [tilespmem:s13+$0xFFFFFFB0];
	[tilespmem:$0x1FBD0] =	vst v13;
	v13 =	vimm.s32 $0x3;
	v50 =	vperm.xlane v32, v49;
	v1 =	vadd.f32 v4, v58  }
0x12b: {  	v44 =	vld [tilespmem:s13+$0xFFFFFFA0];
	[tilespmem:$0x1FC80] =	vst v56;
	v56 =	vperm.xlane v33, v13;
	v15 =	vadd.f32 v5, v59;
	v57 =	vadd.f32 v5, v58  }
0x12c: {  	v63 =	vld [tilespmem:s14+$0xFFFFFFA0];
	[tilespmem:$0x1FBE0] =	vst v12;
	v58 =	vadd.f32 v4, v59;
	v59 =	vimm.s32 $0x2;
	v8 =	vadd.f32 v7, v62  }
0x12d: {  	v52 =	vld [tilespmem:s13+$0xFFFFFFC0];
	[tilespmem:$0x1FC30] =	vst v60;
	v11 =	vadd.f32 v14, v36;
	v10 =	vadd.f32 v14, v62;
	v14 =	vperm.xlane v32, v13  }
0x12e: {  	v61 =	vld [tilespmem:s14+$0xFFFFFFB0];
	v12 =	vadd.f32 v7, v36;
	v36 =	vimm.s32 $0x8;
	v60 =	vperm.xlane v32, v59;
	[tilespmem:$0x1F5C0] =	vst v15  }
0x12f: {  	v9 =	vperm.xlane v33, v59;
	v59 =	vld [tilespmem:s13+$0xFFFFFFE0];
	v39 =	vadd.f32 v37, v56;
	[tilespmem:$0x1F5D0] =	vst v8;
	v53 =	vadd.f32 v37, v14  }
0x130: {  	[tilespmem:$0x1F600] =	vst v10;
	v15 =	vld [tilespmem:s14+$0xFFFFFFC0];
	v8 =	vperm.xlane v32, v6;
	v10 =	vimm.s32 $0x6;
	v2 =	vadd.f32 v44, v60  }
0x131: {  	[tilespmem:$0x1F5E0] =	vst v57;
	v57 =	vld [tilespmem:s13+$0xFFFFFFD0];
	v7 =	vadd.f32 v63, v9;
	v62 =	vadd.f32 v63, v60;
	v63 =	vimm.s32 $0x4  }
0x132: {  	[tilespmem:$0x1F5F0] =	vst v58;
	v58 =	vld [tilespmem:s14+$0xFFFFFFD0];
	v34 =	vadd.f32 v44, v9;
	v4 =	vperm.xlane v32, v63;
	v5 =	vperm.xlane v33, v63  }
0x133: {  	[tilespmem:$0x1FC90] =	vst v55;
	v55 =	vadd.f32 v61, v56;
	v35 =	vadd.f32 v61, v14;
	v60 =	vld [tilespmem:s14+$0xFFFFFFE0];
	v63 =	vperm.xlane v32, v10  }
0x134: {  	v61 =	vperm.xlane v33, v6;
	v37 =	vadd.f32 v52, v4;
	v27 =	vadd.f32 v52, v5  }
0x135: {  	[tilespmem:$0x1F610] =	vst v12;
	v12 =	vld [tilespmem:s14+$0xFFFFFFF0];
	v3 =	vperm.xlane v33, v10;
	v42 =	vadd.f32 v59, v63;
	v51 =	vadd.f32 v15, v5  }
0x136: {  	v14 =	vimm.s32 $0x7;
	[tilespmem:$0x1F620] =	vst v62;
	v62 =	vld [tilespmem:s13+$0xFFFFFFF0];
	v9 =	vadd.f32 v15, v4;
	v38 =	vadd.f32 v57, v8  }
0x137: {  	v6 =	vld [tilespmem:s13+$0x10];
	v44 =	vperm.xlane v32, v40;
	v46 =	vadd.f32 v58, v61;
	v13 =	vadd.f32 v58, v8  }
0x138: {  	[tilespmem:$0x1FC40] =	vst v54;
	v4 =	vld [tilespmem:s13+$0x0];
	v54 =	vadd.f32 v57, v61;
	v5 =	vperm.xlane v33, v14;
	v48 =	vadd.f32 v60, v3  }
0x139: {  	v15 =	vperm.xlane v32, v14;
	v57 =	vld [tilespmem:s14+$0x0];
	v60 =	vadd.f32 v60, v63;
	v3 =	vadd.f32 v59, v3  }
0x13a: {  	v14 =	vld [tilespmem:s13+$0x30];
	v59 =	vperm.xlane v32, v36;
	[tilespmem:$0x1F630] =	vst v9;
	v43 =	vadd.f32 v12, v5;
	v9 =	vperm.xlane v33, v36  }
0x13b: {  	v63 =	vld [tilespmem:s14+$0x10];
	[tilespmem:$0x1F640] =	vst v13;
	v36 =	vadd.f32 v12, v15;
	v13 =	vperm.xlane v33, v49;
	v47 =	vadd.f32 v62, v15  }
0x13c: {  	v40 =	vimm.s32 $0xD;
	v10 =	vld [tilespmem:s13+$0x20];
	v45 =	vadd.f32 v62, v5;
	v15 =	vadd.f32 v6, v50  }
0x13d: {  	v29 =	vperm.xlane v33, v40;
	v62 =	vld [tilespmem:s14+$0x20];
	v6 =	vadd.f32 v6, v13;
	v52 =	vadd.f32 v4, v59  }
0x13e: {  	v5 =	vimm.s32 $0xA;
	v41 =	vadd.f32 v57, v9;
	v57 =	vadd.f32 v57, v59;
	v59 =	vld [tilespmem:s14+$0x30]  }
0x13f: {  	v18 =	vld [tilespmem:s13+$0x40];
	v58 =	vadd.f32 v4, v9;
	v9 =	vperm.xlane v32, v5;
	v23 =	vadd.f32 v14, v44  }
0x140: {  	v17 =	vperm.xlane v33, v5;
	v5 =	vld [tilespmem:s14+$0x40];
	v14 =	vadd.f32 v14, v21;
	v16 =	vadd.f32 v63, v13  }
0x141: {  	v49 =	vimm.s32 $0xC;
	v56 =	vadd.f32 v63, v50;
	v50 =	vadd.f32 v10, v9  }
0x142: {  	v4 =	vld [tilespmem:s14+$0x50];
	v10 =	vadd.f32 v10, v17;
	v20 =	vadd.f32 v62, v17;
	v17 =	vperm.xlane v32, v49  }
0x143: {  	v25 =	vperm.xlane v33, v49;
	v9 =	vadd.f32 v62, v9;
	v13 =	vadd.f32 v59, v44;
	v44 =	vld [tilespmem:s14+$0x60]  }
0x144: {  	v24 =	vadd.f32 v59, v21;
	v21 =	vperm.xlane v32, v40;
	v31 =	vadd.f32 v18, v17  }
0x145: {  	[tilespmem:$0x1FC10] =	vst v0;
	v28 =	vadd.f32 v5, v25;
	v17 =	vadd.f32 v5, v17;
	v5 =	vimm.s32 $0xE  }
0x146: {  	v22 =	vld [tilespmem:s13+$0x50];
	[tilespmem:$0x1F5B0] =	vst v1;
	v18 =	vadd.f32 v18, v25;
	v25 =	vperm.xlane v32, v5;
	v0 =	vperm.xlane v33, v5  }
0x147: {  	v1 =	vadd.f32 v4, v29;
	v49 =	vadd.f32 v4, v21;
	v4 =	vld [tilespmem:$0x1F5B0]  }
0x148: {  	v62 =	vadd.f32 v44, v0;
	v5 =	vadd.f32 v44, v25;
	v44 =	vld [tilespmem:$0x1F5C0]  }
0x149: {  	v26 =	vld [tilespmem:s13+$0x60]  }
0x14a: {  	v30 =	vld [tilespmem:s13+$0x70]  }
0x14b: {  	v8 =	vld [tilespmem:s14+$0x70]  }
0x14c: {  	v12 =	vimm.s32 $0xF;
	v19 =	vadd.f32 v22, v21;
	v22 =	vadd.f32 v22, v29  }
0x14d: {  	v29 =	vperm.xlane v32, v12;
	v32 =	vmin.f32 v4, v44;
	v4 =	vmax.f32 v4, v44;
	v44 =	vld [tilespmem:$0x1F5D0]  }
0x14e: {  	v63 =	vmin.f32 v2, v7;
	v33 =	vperm.xlane v33, v12  }
0x14f: {  	[tilespmem:$0x1F690] =	vst v63;
	v63 =	vld [tilespmem:$0x1F610];
	v61 =	vadd.f32 v26, v0  }
0x150: {  	v59 =	vadd.f32 v8, v33;
	v0 =	vadd.f32 v30, v33;
	v33 =	vld [tilespmem:$0x1F5E0];
	[tilespmem:$0x1F650] =	vst v32;
	v32 =	vmax.f32 v53, v55  }
0x151: {  	[tilespmem:$0x1F6C0] =	vst v32;
	v32 =	vld [tilespmem:$0x1F620]  }
0x152: {  	[tilespmem:$0x1F670] =	vst v4;
	v21 =	vmin.f32 v44, v11;
	v4 =	vmax.f32 v44, v11;
	v44 =	vld [tilespmem:$0x1F5F0]  }
0x153: {  	v2 =	vmax.f32 v2, v7;
	v11 =	vmin.f32 v53, v55;
	v55 =	vld [tilespmem:$0x1F600]  }
0x154: {  	v7 =	vmin.f32 v38, v46;
	[tilespmem:$0x1F6B0] =	vst v2;
	v40 =	vadd.f32 v26, v25;
	v12 =	vadd.f32 v30, v29  }
0x155: {  	v8 =	vadd.f32 v8, v29;
	v29 =	vmax.f32 v9, v10;
	v26 =	vmax.f32 v19, v1;
	[tilespmem:$0x1F660] =	vst v21  }
0x156: {  	v30 =	vmin.f32 v13, v14;
	v25 =	vmax.f32 v40, v62;
	[tilespmem:$0x1F680] =	vst v4;
	v4 =	vmin.f32 v60, v3  }
0x157: {  	[tilespmem:$0x1F6A0] =	vst v11;
	v21 =	vmin.f32 v49, v22;
	v53 =	vmin.f32 v33, v44;
	v2 =	vmax.f32 v33, v44  }
0x158: {  	v11 =	vmin.f32 v55, v63;
	v33 =	vmin.f32 v32, v34;
	[tilespmem:$0x1F6D0] =	vst v2;
	v2 =	vmax.f32 v55, v63  }
0x159: {  	[tilespmem:$0x1F6E0] =	vst v2;
	v2 =	vmax.f32 v32, v34;
	v34 =	vmin.f32 v35, v39;
	v35 =	vmax.f32 v35, v39  }
0x15a: {  	v44 =	vmax.f32 v37, v51;
	v55 =	vmin.f32 v50, v20;
	v39 =	vmin.f32 v37, v51;
	v51 =	vld [tilespmem:$0x1F640];
	[tilespmem:$0x1F720] =	vst v35  }
0x15b: {  	[tilespmem:$0x1F730] =	vst v39;
	v39 =	vmax.f32 v38, v46;
	v35 =	vmin.f32 v42, v48;
	v38 =	vmax.f32 v42, v48;
	v48 =	vld [tilespmem:$0x1F630]  }
0x15c: {  	v50 =	vmax.f32 v50, v20;
	v63 =	vmin.f32 v23, v24;
	v20 =	vmax.f32 v49, v22  }
0x15d: {  	v22 =	vld [tilespmem:$0x1F680];
	[tilespmem:$0x1F780] =	vst v63;
	v32 =	vmin.f32 v9, v10;
	v37 =	vmin.f32 v40, v62;
	v9 =	vmin.f32 v5, v61  }
0x15e: {  	v63 =	vmax.f32 v5, v61;
	v62 =	vmin.f32 v8, v0;
	v5 =	vld [tilespmem:$0x1F6B0];
	[tilespmem:$0x1F710] =	vst v2;
	v42 =	vmin.f32 v47, v43  }
0x15f: {  	[tilespmem:$0x1F700] =	vst v34;
	v46 =	vmax.f32 v47, v43;
	v43 =	vmax.f32 v23, v24;
	v23 =	vld [tilespmem:$0x1F670];
	v34 =	vmin.f32 v51, v54  }
0x160: {  	[tilespmem:$0x1F790] =	vst v9;
	v9 =	vld [tilespmem:$0x1F6C0];
	v47 =	vmin.f32 v48, v27;
	v2 =	vmax.f32 v48, v27;
	v27 =	vmin.f32 v31, v28  }
0x161: {  	v31 =	vmax.f32 v31, v28;
	v28 =	vld [tilespmem:$0x1F690];
	[tilespmem:$0x1F750] =	vst v2;
	v2 =	vmax.f32 v51, v54;
	v54 =	vmin.f32 v56, v6  }
0x162: {  	[tilespmem:$0x1F6F0] =	vst v33;
	v51 =	vmax.f32 v56, v6;
	v56 =	vmin.f32 v19, v1;
	v19 =	vmax.f32 v8, v0;
	v0 =	vld [tilespmem:$0x1F650]  }
0x163: {  	v60 =	vmax.f32 v60, v3;
	v3 =	vmax.f32 v15, v16;
	[tilespmem:$0x1F740] =	vst v44;
	v33 =	vmax.f32 v57, v58;
	v1 =	vld [tilespmem:$0x1F660]  }
0x164: {  	v44 =	vmin.f32 v12, v59;
	[tilespmem:$0x1F770] =	vst v55;
	v55 =	vmax.f32 v13, v14;
	v40 =	vmin.f32 v17, v18;
	v6 =	vld [tilespmem:$0x1F6A0]  }
0x165: {  	v24 =	vmax.f32 v17, v18;
	v17 =	vld [tilespmem:$0x1F730];
	v48 =	vmax.f32 v36, v45;
	v14 =	vmax.f32 v5, v9  }
0x166: {  	v8 =	vld [tilespmem:$0x1F6D0];
	[tilespmem:$0x1F760] =	vst v2;
	v2 =	vmin.f32 v36, v45;
	v36 =	vmin.f32 v52, v41;
	v52 =	vmax.f32 v52, v41  }
0x167: {  	[tilespmem:$0x1F7D0] =	vst v14;
	v14 =	vld [tilespmem:$0x1F720];
	v45 =	vmin.f32 v57, v58;
	v57 =	vmax.f32 v12, v59;
	v12 =	vmax.f32 v23, v22  }
0x168: {  	v41 =	vmin.f32 v15, v16;
	v15 =	vmin.f32 v53, v11;
	[tilespmem:$0x1F7C0] =	vst v12;
	v12 =	vld [tilespmem:$0x1F6F0];
	v10 =	vmin.f32 v0, v1  }
0x169: {  	[tilespmem:$0x1F7E0] =	vst v15;
	v15 =	vld [tilespmem:$0x1F700];
	v13 =	vmin.f32 v28, v6  }
0x16a: {  	[tilespmem:$0x1F7B0] =	vst v13;
	v13 =	vld [tilespmem:$0x1F710]  }
0x16b: {  	[tilespmem:$0x1F7A0] =	vst v10;
	v10 =	vmov v11;
	v11 =	vld [tilespmem:$0x1F6E0]  }
0x16c: {  	v18 =	vld [tilespmem:$0x1F740]  }
0x16d: {  	v61 =	vmin.f32 v17, v7  }
0x16e: {  	[tilespmem:$0x1F820] =	vst v61;
	v58 =	vmin.f32 v12, v15  }
0x16f: {  	[tilespmem:$0x1F7F0] =	vst v58;
	v59 =	vmax.f32 v13, v14  }
0x170: {  	[tilespmem:$0x1F810] =	vst v59;
	v49 =	vmax.f32 v8, v11  }
0x171: {  	v61 =	vmax.f32 v38, v46;
	v58 =	vmov v7;
	v7 =	vld [tilespmem:$0x1F750];
	[tilespmem:$0x1F800] =	vst v49;
	v49 =	vmax.f32 v18, v39  }
0x172: {  	v16 =	vmov v34;
	v59 =	vmin.f32 v35, v42;
	[tilespmem:$0x1F840] =	vst v49;
	v49 =	vmin.f32 v47, v34;
	v34 =	vld [tilespmem:$0x1F760]  }
0x173: {  	[tilespmem:$0x1F850] =	vst v61  }
0x174: {  	[tilespmem:$0x1F830] =	vst v59  }
0x175: {  	v59 =	vmov v46;
	v46 =	vmin.f32 v36, v41;
	[tilespmem:$0x1F860] =	vst v49;
	v49 =	vmin.f32 v4, v2  }
0x176: {  	[tilespmem:$0x1F8A0] =	vst v46  }
0x177: {  	[tilespmem:$0x1F870] =	vst v49;
	v61 =	vmax.f32 v7, v34  }
0x178: {  	v49 =	vmov v2;
	v2 =	vld [tilespmem:$0x1F780];
	[tilespmem:$0x1F880] =	vst v61;
	v61 =	vmax.f32 v60, v48  }
0x179: {  	v46 =	vmov v36;
	v36 =	vmov v3;
	[tilespmem:$0x1F890] =	vst v61;
	v61 =	vmax.f32 v52, v3;
	v3 =	vld [tilespmem:$0x1F770];
	_ =	sdelay $0x2  }
0x17a: {  	v15 =	vmax.f32 v12, v15  }
0x17b: {  	[tilespmem:$0x1F9C0] =	vst v15  }
0x17c: {  	[tilespmem:$0x1F8C0] =	vst v61;
	v61 =	vmin.f32 v3, v2  }
0x17d: {  	[tilespmem:$0x1F8B0] =	vst v61;
	v61 =	vmax.f32 v50, v43  }
0x17e: {  	v22 =	vmin.f32 v23, v22;
	[tilespmem:$0x1F8D0] =	vst v61;
	v61 =	vmin.f32 v45, v54  }
0x17f: {  	v0 =	vmax.f32 v0, v1;
	v1 =	vld [tilespmem:$0x1F790];
	v53 =	vmax.f32 v53, v10;
	[tilespmem:$0x1F8E0] =	vst v61;
	v61 =	vmax.f32 v33, v51  }
0x180: {  	v15 =	vmin.f32 v13, v14;
	v14 =	vmax.f32 v35, v42;
	v35 =	vld [tilespmem:$0x1F810];
	[tilespmem:$0x1F900] =	vst v61;
	v61 =	vmin.f32 v32, v30  }
0x181: {  	v13 =	vmin.f32 v18, v39;
	v18 =	vmax.f32 v47, v16;
	v16 =	vld [tilespmem:$0x1F7D0];
	[tilespmem:$0x1F8F0] =	vst v61;
	v61 =	vmax.f32 v29, v55  }
0x182: {  	v10 =	vmin.f32 v8, v11;
	v23 =	vmin.f32 v52, v36;
	v36 =	vld [tilespmem:$0x1F840];
	[tilespmem:$0x1F910] =	vst v61;
	v61 =	vmin.f32 v27, v56  }
0x183: {  	v11 =	vmin.f32 v38, v59;
	v59 =	vmax.f32 v4, v49;
	v4 =	vld [tilespmem:$0x1F7A0];
	[tilespmem:$0x1F920] =	vst v61;
	v61 =	vmax.f32 v31, v26  }
0x184: {  	v12 =	vmin.f32 v7, v34;
	v34 =	vld [tilespmem:$0x1F820]  }
0x185: {  	v6 =	vmax.f32 v28, v6;
	v39 =	vmin.f32 v60, v48;
	v48 =	vmax.f32 v3, v2;
	v3 =	vld [tilespmem:$0x1F7C0]  }
0x186: {  	v28 =	vmin.f32 v50, v43;
	v50 =	vld [tilespmem:$0x1F880];
	[tilespmem:$0x1F940] =	vst v61;
	v61 =	vmov v26;
	v26 =	vmin.f32 v37, v44  }
0x187: {  	v42 =	vmax.f32 v45, v54;
	v45 =	vld [tilespmem:$0x1F850];
	[tilespmem:$0x1F930] =	vst v26;
	v26 =	vmax.f32 v25, v57  }
0x188: {  	v33 =	vmin.f32 v33, v51;
	v51 =	vmin.f32 v29, v55;
	v55 =	vmin.f32 v31, v61;
	v31 =	vld [tilespmem:$0x1F890]  }
0x189: {  	[tilespmem:$0x1F9A0] =	vst v0;
	v47 =	vmax.f32 v32, v30;
	v30 =	vld [tilespmem:$0x1F870]  }
0x18a: {  	v0 =	vmov v63;
	v32 =	vld [tilespmem:$0x1F8E0];
	[tilespmem:$0x1F950] =	vst v26;
	v26 =	vmov v25;
	v25 =	vmin.f32 v40, v21  }
0x18b: {  	v29 =	vmin.f32 v0, v19;
	v0 =	vld [tilespmem:$0x1F8B0]  }
0x18c: {  	[tilespmem:$0x1F9B0] =	vst v6;
	v49 =	vmax.f32 v27, v56;
	v60 =	vmin.f32 v26, v57;
	v26 =	vld [tilespmem:$0x1F830]  }
0x18d: {  	v27 =	vld [tilespmem:$0x1F860];
	[tilespmem:$0x1F960] =	vst v25;
	v6 =	vmax.f32 v50, v31;
	v25 =	vmov v40;
	v40 =	vmax.f32 v24, v20  }
0x18e: {  	v54 =	vld [tilespmem:$0x1F920];
	[tilespmem:$0x1FA20] =	vst v6  }
0x18f: {  	v6 =	vld [tilespmem:$0x1F8C0];
	[tilespmem:$0x1F980] =	vst v40  }
0x190: {  	v52 =	vmax.f32 v25, v21;
	v25 =	vld [tilespmem:$0x1F7B0];
	v40 =	vmovc v20;
	v20 =	vmovc v24;
	v24 =	vmov v62;
	v62 =	vmin.f32 v1, v62  }
0x191: {  	v17 =	vmax.f32 v17, v58;
	v58 =	vmin.f32 v34, v26;
	[tilespmem:$0x1F970] =	vst v62;
	v62 =	vmax.f32 v63, v19;
	v19 =	vld [tilespmem:$0x1F7E0]  }
0x192: {  	v38 =	vmax.f32 v46, v41;
	v41 =	vmax.f32 v37, v44;
	v37 =	vmax.f32 v1, v24;
	v24 =	vld [tilespmem:$0x1F7F0];
	[tilespmem:$0x1F9E0] =	vst v58  }
0x193: {  	v58 =	vld [tilespmem:$0x1F8A0];
	[tilespmem:$0x1F990] =	vst v62;
	v62 =	vmax.f32 v36, v45  }
0x194: {  	v46 =	vmax.f32 v3, v16;
	v3 =	vmin.f32 v3, v16;
	[tilespmem:$0x1F9D0] =	vst v62;
	v62 =	vld [tilespmem:$0x1F8D0]  }
0x195: {  	[tilespmem:$0x1FAB0] =	vst v3;
	v63 =	vmin.f32 v5, v9;
	v40 =	vmin.f32 v20, v40;
	v20 =	vld [tilespmem:$0x1F800];
	v5 =	vmin.f32 v27, v30  }
0x196: {  	v50 =	vmin.f32 v50, v31;
	[tilespmem:$0x1FA40] =	vst v5;
	v5 =	vld [tilespmem:$0x1F910]  }
0x197: {  	[tilespmem:$0x1FAE0] =	vst v50;
	v2 =	vld [tilespmem:$0x1F970];
	v61 =	vmin.f32 v4, v25;
	v4 =	vmax.f32 v4, v25  }
0x198: {  	v31 =	vmax.f32 v60, v41;
	[tilespmem:$0x1FAA0] =	vst v4;
	v4 =	vld [tilespmem:$0x1F960];
	v7 =	vmin.f32 v58, v0  }
0x199: {  	v50 =	vmin.f32 v51, v47;
	v51 =	vmax.f32 v51, v47;
	[tilespmem:$0x1F9F0] =	vst v7;
	v7 =	vld [tilespmem:$0x1F900];
	v8 =	vmax.f32 v6, v62  }
0x19a: {  	v34 =	vmax.f32 v34, v26;
	v26 =	vmin.f32 v29, v37;
	v56 =	vmax.f32 v20, v35;
	[tilespmem:$0x1FA00] =	vst v8;
	v8 =	vld [tilespmem:$0x1F8F0]  }
0x19b: {  	v57 =	vmin.f32 v19, v24;
	v3 =	vmax.f32 v19, v24;
	v16 =	vmin.f32 v20, v35;
	[tilespmem:$0x1FA30] =	vst v56;
	v56 =	vld [tilespmem:$0x1F930]  }
0x19c: {  	v35 =	vmin.f32 v36, v45;
	v36 =	vmax.f32 v27, v30;
	v45 =	vmax.f32 v58, v0;
	[tilespmem:$0x1FAC0] =	vst v3  }
0x19d: {  	v21 =	vld [tilespmem:$0x1F980];
	v19 =	vmin.f32 v13, v17;
	v13 =	vmax.f32 v13, v17;
	[tilespmem:$0x1FAD0] =	vst v16;
	v1 =	vmin.f32 v4, v2  }
0x19e: {  	v17 =	vmin.f32 v11, v14;
	v30 =	vmax.f32 v33, v42;
	[tilespmem:$0x1FA70] =	vst v1;
	v1 =	vld [tilespmem:$0x1F990];
	v43 =	vmax.f32 v7, v5  }
0x19f: {  	v16 =	vmin.f32 v10, v53;
	v3 =	vmax.f32 v10, v53;
	[tilespmem:$0x1FA60] =	vst v43;
	v43 =	vld [tilespmem:$0x1F940];
	v9 =	vmin.f32 v32, v8  }
0x1a0: {  	v47 =	vmin.f32 v30, v51;
	v58 =	vmin.f32 v6, v62;
	v44 =	vmin.f32 v54, v56;
	[tilespmem:$0x1FA50] =	vst v9;
	v9 =	vld [tilespmem:$0x1F950]  }
0x1a1: {  	v62 =	vmin.f32 v7, v5;
	v5 =	vmax.f32 v54, v56;
	v7 =	vmax.f32 v4, v2  }
0x1a2: {  	[tilespmem:$0x1FB00] =	vst v58;
	v54 =	vmin.f32 v55, v49;
	v49 =	vmax.f32 v55, v49;
	v55 =	vmin.f32 v60, v41  }
0x1a3: {  	v56 =	vmin.f32 v40, v52;
	[tilespmem:$0x1FB20] =	vst v5;
	v5 =	vmax.f32 v11, v14;
	v58 =	vmax.f32 v32, v8;
	v32 =	vld [tilespmem:$0x1F9B0]  }
0x1a4: {  	[tilespmem:$0x1FA10] =	vst v44;
	v25 =	vmax.f32 v21, v1;
	v8 =	vmin.f32 v21, v1;
	v21 =	vmax.f32 v40, v52;
	v52 =	vld [tilespmem:$0x1F9E0]  }
0x1a5: {  	[tilespmem:$0x1FB40] =	vst v7;
	v14 =	vmin.f32 v12, v18;
	v44 =	vmax.f32 v43, v9;
	v6 =	vmin.f32 v43, v9;
	v9 =	vld [tilespmem:$0x1F9A0]  }
0x1a6: {  	v11 =	vmax.f32 v39, v59;
	v7 =	vmax.f32 v23, v38;
	[tilespmem:$0x1FB50] =	vst v8;
	v8 =	vmax.f32 v28, v48;
	v43 =	vld [tilespmem:$0x1F9C0]  }
0x1a7: {  	v1 =	vmax.f32 v7, v8;
	[tilespmem:$0x1FB30] =	vst v6;
	v6 =	vmax.f32 v12, v18;
	v12 =	vmin.f32 v28, v48;
	v48 =	vld [tilespmem:$0x1F9D0]  }
0x1a8: {  	v7 =	vmin.f32 v7, v8;
	v27 =	vmin.f32 v63, v32;
	v18 =	vmin.f32 v39, v59;
	v59 =	vld [tilespmem:$0x1F9F0]  }
0x1a9: {  	v0 =	vmin.f32 v46, v52;
	v28 =	vmin.f32 v33, v42;
	v39 =	vmax.f32 v19, v17  }
0x1aa: {  	v2 =	vmin.f32 v28, v50;
	v40 =	vmax.f32 v14, v18;
	v20 =	vmin.f32 v22, v9  }
0x1ab: {  	v60 =	vld [tilespmem:$0x1FA00];
	v24 =	vmax.f32 v22, v9;
	v9 =	vmax.f32 v63, v32;
	v10 =	vmin.f32 v15, v43  }
0x1ac: {  	[tilespmem:$0x1FB10] =	vst v62;
	v62 =	vld [tilespmem:$0x1FA20];
	v4 =	vmax.f32 v15, v43;
	v15 =	vmin.f32 v23, v38;
	v22 =	vmax.f32 v29, v37  }
0x1ad: {  	[tilespmem:$0x1FB60] =	vst v0;
	v33 =	vld [tilespmem:$0x1FA50];
	v23 =	vmax.f32 v30, v51;
	v53 =	vmin.f32 v61, v48;
	v0 =	vmin.f32 v59, v44  }
0x1ae: {  	v63 =	vld [tilespmem:$0x1FA30];
	v29 =	vmin.f32 v20, v27;
	v41 =	vmax.f32 v24, v9;
	v43 =	vmin.f32 v16, v10  }
0x1af: {  	v61 =	vld [tilespmem:$0x1FA10];
	v46 =	vmax.f32 v3, v4;
	v59 =	vmax.f32 v13, v5;
	v20 =	vmax.f32 v20, v27  }
0x1b0: {  	v32 =	vld [tilespmem:$0x1FA40];
	v27 =	vmin.f32 v56, v26;
	v52 =	vmax.f32 v21, v22;
	v9 =	vmin.f32 v24, v9  }
0x1b1: {  	v37 =	vld [tilespmem:$0x1FA60];
	v10 =	vmax.f32 v16, v10;
	v3 =	vmin.f32 v3, v4;
	v5 =	vmin.f32 v13, v5  }
0x1b2: {  	v38 =	vld [tilespmem:$0x1FA70];
	v42 =	vmax.f32 v15, v12;
	v44 =	vmax.f32 v28, v50;
	v48 =	vmin.f32 v49, v31  }
0x1b3: {  	v16 =	vmax.f32 v56, v26;
	v26 =	vmin.f32 v35, v39;
	v4 =	vmax.f32 v35, v39;
	v56 =	vld [tilespmem:$0x1FB20]  }
0x1b4: {  	[tilespmem:$0x1FB70] =	vst v0;
	v0 =	vmin.f32 v60, v61;
	v61 =	vmin.f32 v14, v18;
	v60 =	vmax.f32 v49, v31;
	v31 =	vld [tilespmem:$0x1FAE0]  }
0x1b5: {  	v14 =	vmax.f32 v54, v55;
	v49 =	vld [tilespmem:$0x1FB00];
	[tilespmem:$0x1FB80] =	vst v0;
	v0 =	vmin.f32 v57, v62;
	v57 =	vmin.f32 v19, v17  }
0x1b6: {  	v62 =	vmax.f32 v6, v11;
	v6 =	vmin.f32 v6, v11;
	v19 =	vld [tilespmem:$0x1FAA0];
	[tilespmem:$0x1FB90] =	vst v0;
	v0 =	vmin.f32 v63, v32  }
0x1b7: {  	v17 =	vmin.f32 v21, v22;
	v21 =	vld [tilespmem:$0x1FAB0];
	v28 =	vmin.f32 v6, v36;
	[tilespmem:$0x1FBA0] =	vst v0;
	v0 =	vmin.f32 v33, v25  }
0x1b8: {  	v22 =	vld [tilespmem:$0x1FAC0];
	v6 =	vmax.f32 v6, v36;
	v25 =	vmin.f32 v54, v55;
	[tilespmem:$0x1FBB0] =	vst v0;
	v0 =	vmin.f32 v37, v38  }
0x1b9: {  	v24 =	vld [tilespmem:$0x1FAD0];
	[tilespmem:$0x1FBC0] =	vst v0;
	v0 =	vmin.f32 v15, v12;
	v30 =	vmin.f32 v31, v40;
	v13 =	vmax.f32 v31, v40  }
0x1ba: {  	v31 =	vmin.f32 v7, v45;
	v7 =	vmax.f32 v7, v45;
	v32 =	vmin.f32 v49, v42  }
0x1bb: {  	v11 =	vmax.f32 v49, v42;
	v12 =	vmax.f32 v47, v58;
	v15 =	vmax.f32 v48, v56  }
0x1bc: {  	v18 =	vmin.f32 v9, v19;
	v9 =	vmax.f32 v9, v19;
	v19 =	vmin.f32 v21, v20  }
0x1bd: {  	v20 =	vmax.f32 v21, v20;
	v21 =	vmin.f32 v3, v22;
	v3 =	vmax.f32 v3, v22  }
0x1be: {  	v22 =	vmin.f32 v24, v10;
	v10 =	vmax.f32 v24, v10;
	v24 =	vmin.f32 v5, v34  }
0x1bf: {  	v5 =	vmax.f32 v5, v34;
	v34 =	vmin.f32 v47, v58;
	v47 =	vmin.f32 v61, v28  }
0x1c0: {  	v28 =	vmax.f32 v61, v28;
	v36 =	vmin.f32 v29, v18;
	v18 =	vmax.f32 v29, v18  }
0x1c1: {  	v29 =	vmin.f32 v19, v9;
	v9 =	vmax.f32 v19, v9;
	v19 =	vmin.f32 v20, v41  }
0x1c2: {  	v55 =	vld [tilespmem:$0x1FB10];
	v20 =	vmax.f32 v20, v41;
	v40 =	vmin.f32 v43, v21;
	v21 =	vmax.f32 v43, v21  }
0x1c3: {  	v41 =	vmin.f32 v22, v3;
	v3 =	vmax.f32 v22, v3;
	v22 =	vmin.f32 v10, v46  }
0x1c4: {  	v10 =	vmax.f32 v10, v46;
	v43 =	vmin.f32 v57, v24;
	v24 =	vmax.f32 v57, v24  }
0x1c5: {  	v46 =	vmin.f32 v26, v5;
	v5 =	vmax.f32 v26, v5;
	v26 =	vmin.f32 v4, v59  }
0x1c6: {  	v4 =	vmax.f32 v4, v59;
	v57 =	vmin.f32 v2, v34;
	v2 =	vmax.f32 v2, v34  }
0x1c7: {  	v38 =	vmin.f32 v55, v44;
	v8 =	vmax.f32 v55, v44;
	v44 =	vmin.f32 v48, v56  }
0x1c8: {  	v55 =	vmin.f32 v0, v31;
	v0 =	vmax.f32 v0, v31;
	v31 =	vmin.f32 v32, v7  }
0x1c9: {  	v49 =	vld [tilespmem:$0x1FB50];
	v7 =	vmax.f32 v32, v7;
	v56 =	vmin.f32 v11, v1;
	v1 =	vmax.f32 v11, v1  }
0x1ca: {  	v4 =	vmin.f32 v36, v4;
	v18 =	vmin.f32 v18, v26;
	v5 =	vmin.f32 v29, v5  }
0x1cb: {  	v58 =	vld [tilespmem:$0x1FB30];
	v9 =	vmin.f32 v9, v46;
	v19 =	vmin.f32 v19, v24;
	v20 =	vmin.f32 v20, v43  }
0x1cc: {  	v22 =	vmin.f32 v22, v28;
	v10 =	vmin.f32 v10, v47;
	v59 =	vmin.f32 v8, v23  }
0x1cd: {  	v8 =	vmax.f32 v8, v23;
	v23 =	vmin.f32 v25, v44;
	v25 =	vmax.f32 v25, v44  }
0x1ce: {  	v45 =	vmin.f32 v49, v16;
	v16 =	vmax.f32 v49, v16;
	v24 =	vmin.f32 v56, v25  }
0x1cf: {  	v48 =	vld [tilespmem:$0x1FB40];
	v1 =	vmin.f32 v1, v23;
	v25 =	vmin.f32 v4, v19;
	v4 =	vmax.f32 v4, v19  }
0x1d0: {  	v19 =	vmin.f32 v18, v20;
	v18 =	vmax.f32 v18, v20;
	v63 =	vmin.f32 v58, v14  }
0x1d1: {  	v14 =	vmax.f32 v58, v14;
	v58 =	vmin.f32 v38, v12;
	v12 =	vmax.f32 v38, v12  }
0x1d2: {  	v26 =	vld [tilespmem:$0x1FB60];
	v37 =	vmin.f32 v16, v52;
	v16 =	vmax.f32 v16, v52;
	v61 =	vmin.f32 v63, v15  }
0x1d3: {  	v15 =	vmax.f32 v63, v15;
	v11 =	vmin.f32 v57, v16;
	v2 =	vmin.f32 v2, v37  }
0x1d4: {  	v42 =	vmin.f32 v17, v48;
	v17 =	vmax.f32 v17, v48;
	v48 =	vmin.f32 v30, v6  }
0x1d5: {  	v6 =	vmax.f32 v30, v6;
	v30 =	vmin.f32 v13, v62;
	v13 =	vmax.f32 v13, v62  }
0x1d6: {  	v28 =	vld [tilespmem:$0x1FB80];
	v62 =	vmin.f32 v14, v60;
	v14 =	vmax.f32 v14, v60;
	v15 =	vmin.f32 v31, v15  }
0x1d7: {  	v7 =	vmin.f32 v7, v61;
	v20 =	vmin.f32 v5, v26;
	v5 =	vmax.f32 v5, v26  }
0x1d8: {  	v63 =	vmin.f32 v27, v42;
	v27 =	vmax.f32 v27, v42;
	v35 =	vmin.f32 v45, v17  }
0x1d9: {  	v29 =	vld [tilespmem:$0x1FB90];
	v17 =	vmax.f32 v45, v17;
	v14 =	vmin.f32 v55, v14;
	v0 =	vmin.f32 v0, v62  }
0x1da: {  	v13 =	vmin.f32 v40, v13;
	v21 =	vmin.f32 v21, v30;
	v6 =	vmin.f32 v41, v6  }
0x1db: {  	v3 =	vmin.f32 v3, v48;
	v47 =	vmin.f32 v15, v28;
	v15 =	vmax.f32 v15, v28  }
0x1dc: {  	v16 =	vmin.f32 v58, v17;
	v12 =	vmin.f32 v12, v35;
	v17 =	vmin.f32 v53, v9  }
0x1dd: {  	v23 =	vmin.f32 v59, v27;
	v8 =	vmin.f32 v8, v63;
	v9 =	vmax.f32 v53, v9  }
0x1de: {  	v28 =	vmin.f32 v29, v3;
	v3 =	vmax.f32 v29, v3;
	v29 =	vmin.f32 v13, v22  }
0x1df: {  	v30 =	vld [tilespmem:$0x1FBA0];
	v13 =	vmax.f32 v13, v22;
	v22 =	vmin.f32 v21, v10;
	v10 =	vmax.f32 v21, v10  }
0x1e0: {  	v31 =	vld [tilespmem:$0x1FBB0];
	v52 =	vmin.f32 v17, v19;
	v17 =	vmax.f32 v17, v19;
	v19 =	vmin.f32 v25, v20  }
0x1e1: {  	v20 =	vmax.f32 v25, v20;
	v25 =	vmin.f32 v9, v18;
	v9 =	vmax.f32 v9, v18  }
0x1e2: {  	v48 =	vld [tilespmem:$0x1FBC0];
	v18 =	vmin.f32 v4, v5;
	v4 =	vmax.f32 v4, v5;
	v56 =	vmin.f32 v28, v22  }
0x1e3: {  	v27 =	vld [tilespmem:$0x1FB70];
	v22 =	vmax.f32 v28, v22;
	v60 =	vmin.f32 v17, v20;
	v17 =	vmax.f32 v17, v20  }
0x1e4: {  	v20 =	vmin.f32 v25, v18;
	v18 =	vmax.f32 v25, v18;
	v21 =	vmin.f32 v6, v30  }
0x1e5: {  	v6 =	vmax.f32 v6, v30;
	v30 =	vmin.f32 v31, v12;
	v12 =	vmax.f32 v31, v12  }
0x1e6: {  	v31 =	vmin.f32 v11, v23;
	v11 =	vmax.f32 v11, v23;
	v23 =	vmin.f32 v2, v8  }
0x1e7: {  	v2 =	vmax.f32 v2, v8;
	v49 =	vmin.f32 v16, v48;
	v16 =	vmax.f32 v16, v48  }
0x1e8: {  	v26 =	vmin.f32 v27, v7;
	v7 =	vmax.f32 v27, v7;
	v27 =	vmin.f32 v14, v24  }
0x1e9: {  	v14 =	vmax.f32 v14, v24;
	v24 =	vmin.f32 v0, v1;
	v0 =	vmax.f32 v0, v1  }
0x1ea: {  	v28 =	vmin.f32 v29, v21;
	v21 =	vmax.f32 v29, v21;
	v29 =	vmin.f32 v3, v10  }
0x1eb: {  	v3 =	vmax.f32 v3, v10;
	v57 =	vmin.f32 v13, v6;
	v6 =	vmax.f32 v13, v6  }
0x1ec: {  	v58 =	vmin.f32 v30, v23;
	v23 =	vmax.f32 v30, v23;
	v30 =	vmin.f32 v31, v49  }
0x1ed: {  	v8 =	vmax.f32 v31, v49;
	v31 =	vmin.f32 v12, v2;
	v2 =	vmax.f32 v12, v2  }
0x1ee: {  	v59 =	vmin.f32 v11, v16;
	v11 =	vmax.f32 v11, v16;
	v16 =	vmin.f32 v52, v19  }
0x1ef: {  	v19 =	vmax.f32 v52, v19;
	v53 =	vmin.f32 v26, v24;
	v24 =	vmax.f32 v26, v24  }
0x1f0: {  	v26 =	vmin.f32 v27, v47;
	v1 =	vmax.f32 v27, v47;
	v55 =	vmin.f32 v14, v15  }
0x1f1: {  	v51 =	vld [tilespmem:$0x1FA90];
	v14 =	vmax.f32 v14, v15;
	v15 =	vmax.f32 v56, v28;
	v63 =	vmin.f32 v58, v30  }
0x1f2: {  	v50 =	vld [tilespmem:$0x1FA80];
	v13 =	vmax.f32 v58, v30;
	v30 =	vmin.f32 v23, v8;
	v8 =	vmax.f32 v23, v8  }
0x1f3: {  	v54 =	vld [tilespmem:$0x1FAF0];
	v23 =	vmin.f32 v31, v59;
	v12 =	vmax.f32 v31, v59;
	v31 =	vmin.f32 v2, v11  }
0x1f4: {  	v62 =	vmin.f32 v56, v28;
	v28 =	vmin.f32 v22, v21;
	v38 =	vmin.f32 v15, v31;
	v31 =	vld [tilespmem:$0x1FC30]  }
0x1f5: {  	v27 =	vmin.f32 v7, v0;
	v21 =	vmax.f32 v22, v21;
	v36 =	vmin.f32 v28, v12;
	v28 =	vld [tilespmem:$0x1FC40]  }
0x1f6: {  	v0 =	vmax.f32 v7, v0;
	v22 =	vmin.f32 v29, v57;
	v32 =	vmin.f32 v21, v23;
	v23 =	vld [tilespmem:$0x1FC50]  }
0x1f7: {  	v10 =	vmax.f32 v29, v57;
	v29 =	vmin.f32 v3, v6;
	v61 =	vmin.f32 v53, v26;
	v21 =	vld [tilespmem:$0x1FC60]  }
0x1f8: {  	v5 =	vmax.f32 v53, v26;
	v26 =	vmin.f32 v24, v1;
	v48 =	vmin.f32 v22, v8;
	v22 =	vld [tilespmem:$0x1FC70]  }
0x1f9: {  	v1 =	vmax.f32 v24, v1;
	v24 =	vmin.f32 v27, v55;
	v47 =	vmin.f32 v10, v30;
	v30 =	vld [tilespmem:$0x1FC80]  }
0x1fa: {  	v7 =	vmax.f32 v27, v55;
	v27 =	vmin.f32 v0, v14;
	v45 =	vmin.f32 v29, v13;
	v29 =	vld [tilespmem:$0x1FC90]  }
0x1fb: {  	p0 =	sne.s32 s15, $0x7C0;
	v25 =	vmin.f32 v9, v4;
	v4 =	vmax.f32 v9, v4;
	v37 =	vmin.f32 v19, v27;
	v27 =	vld [tilespmem:$0x1FBD0]  }
.Ltmp2:
0x1fc: {  	v3 =	vmax.f32 v3, v6;
	v2 =	vmax.f32 v2, v11;
	v0 =	vmax.f32 v0, v14;
	v19 =	vld [tilespmem:$0x1FBE0];
	(pc) =	sbr.rel @p0 .LBB2_7-.Ltmp2, $4  }
0x1fd: {  	v40 =	vmin.f32 v62, v2;
	v39 =	vmin.f32 v3, v63;
	v33 =	vmin.f32 v17, v24;
	v24 =	vld [tilespmem:$0x1FBF0]  }
0x1fe: {  	v0 =	vmin.f32 v16, v0;
	v35 =	vmin.f32 v60, v7;
	v1 =	vmin.f32 v20, v1;
	v20 =	vld [tilespmem:$0x1FC00]  }
0x1ff: {  	v46 =	vmin.f32 v18, v26;
	v18 =	vld [tilespmem:$0x1FC10];
	v44 =	vmin.f32 v25, v5;
	v42 =	vmin.f32 v4, v61  }
0x200: {  	s15 =	sadd.s32 $0x40, s15;
	v25 =	vld [tilespmem:$0x1FC20];
	v43 =	vmin.f32 v0, v1;
	v34 =	vmax.f32 v0, v1;
	v41 =	vmin.f32 v37, v46  }
0x201: {  	v0 =	vmax.f32 v37, v46;
	v1 =	vmin.f32 v35, v44;
	v2 =	vmax.f32 v35, v44  }
0x202: {  	v3 =	vmin.f32 v33, v42;
	v4 =	vmax.f32 v33, v42;
	v5 =	vmin.f32 v40, v48  }
0x203: {  	v6 =	vmax.f32 v40, v48;
	v7 =	vmin.f32 v38, v47;
	v8 =	vmax.f32 v38, v47  }
0x204: {  	v9 =	vmin.f32 v36, v45;
	v10 =	vmax.f32 v36, v45;
	v11 =	vmin.f32 v32, v39  }
0x205: {  	v13 =	vmax.f32 v32, v39;
	v12 =	vmin.f32 v43, v1;
	v1 =	vmax.f32 v43, v1  }
0x206: {  	v14 =	vmin.f32 v41, v3;
	v3 =	vmax.f32 v41, v3;
	v15 =	vmin.f32 v34, v2  }
0x207: {  	v2 =	vmax.f32 v34, v2;
	v16 =	vmin.f32 v0, v4;
	v0 =	vmax.f32 v0, v4  }
0x208: {  	v4 =	vmin.f32 v5, v9;
	v5 =	vmax.f32 v5, v9;
	v9 =	vmin.f32 v7, v11  }
0x209: {  	v7 =	vmax.f32 v7, v11;
	v11 =	vmin.f32 v6, v10;
	v6 =	vmax.f32 v6, v10  }
0x20a: {  	v17 =	vmin.f32 v8, v13;
	v8 =	vmax.f32 v8, v13;
	v10 =	vmin.f32 v12, v14  }
0x20b: {  	v12 =	vmax.f32 v12, v14;
	v13 =	vmin.f32 v1, v3;
	v1 =	vmax.f32 v1, v3  }
0x20c: {  	v3 =	vmin.f32 v15, v16;
	v14 =	vmax.f32 v15, v16;
	v15 =	vmin.f32 v2, v0  }
0x20d: {  	v0 =	vmax.f32 v2, v0;
	v2 =	vmin.f32 v4, v9;
	v4 =	vmax.f32 v4, v9  }
0x20e: {  	v9 =	vmin.f32 v5, v7;
	v5 =	vmax.f32 v5, v7;
	v7 =	vmin.f32 v11, v17  }
0x20f: {  	v11 =	vmax.f32 v11, v17;
	v58 =	vmin.f32 v6, v8;
	v6 =	vmax.f32 v6, v8  }
0x210: {  	v8 =	vmin.f32 v19, v15;
	v14 =	vmin.f32 v27, v14;
	v3 =	vmin.f32 v28, v3  }
0x211: {  	v1 =	vmin.f32 v29, v1;
	v13 =	vmin.f32 v30, v13;
	v12 =	vmin.f32 v31, v12  }
0x212: {  	v10 =	vmin.f32 v18, v10;
	v6 =	vmin.f32 v20, v6;
	v11 =	vmin.f32 v22, v11  }
0x213: {  	v7 =	vmin.f32 v23, v7;
	v5 =	vmin.f32 v24, v5;
	v9 =	vmin.f32 v54, v9  }
0x214: {  	v4 =	vmin.f32 v51, v4;
	v2 =	vmin.f32 v50, v2;
	v0 =	vmin.f32 v25, v0  }
0x215: {  	v59 =	vmax.f32 v8, v13;
	v60 =	vmax.f32 v14, v12;
	v61 =	vmax.f32 v3, v10  }
0x216: {  	v62 =	vmax.f32 v11, v4;
	v63 =	vmax.f32 v7, v2;
	v4 =	vmin.f32 v11, v4  }
0x217: {  	v2 =	vmin.f32 v7, v2;
	v3 =	vmin.f32 v3, v10;
	v15 =	vmax.f32 v0, v1  }
0x218: {  	v0 =	vmin.f32 v0, v1;
	v1 =	vmin.f32 v8, v13;
	v8 =	vmin.f32 v14, v12  }
0x219: {  	v12 =	vmin.f32 v21, v58;
	v13 =	vmax.f32 v6, v5;
	v5 =	vmin.f32 v6, v5  }
0x21a: {  	v14 =	vmax.f32 v12, v9;
	v6 =	vmin.f32 v12, v9;
	v7 =	vmin.f32 v5, v4  }
0x21b: {  	v4 =	vmax.f32 v5, v4;
	v5 =	vmin.f32 v6, v2;
	v2 =	vmax.f32 v6, v2  }
0x21c: {  	v6 =	vmin.f32 v0, v8;
	v0 =	vmax.f32 v0, v8;
	v8 =	vmin.f32 v1, v3  }
0x21d: {  	v1 =	vmax.f32 v1, v3;
	v3 =	vadd.f32 v8, v6;
	v5 =	vadd.f32 v5, v7  }
0x21e: {  	v9 =	vmin.f32 v14, v63;
	v7 =	vmin.f32 v4, v2;
	v8 =	vmin.f32 v0, v1  }
0x21f: {  	v6 =	vmin.f32 v13, v62;
	v3 =	vadd.f32 v8, v3;
	v5 =	vadd.f32 v7, v5  }
0x220: {  	v2 =	vmax.f32 v4, v2;
	v4 =	vmin.f32 v15, v60;
	v0 =	vmax.f32 v0, v1  }
0x221: {  	v1 =	vmin.f32 v59, v61;
	v0 =	vadd.f32 v0, v3;
	v2 =	vadd.f32 v2, v5  }
0x222: {  	v7 =	vmin.f32 v4, v1;
	v8 =	vmax.f32 v59, v61;
	v5 =	vmin.f32 v6, v9  }
0x223: {  	v1 =	vmax.f32 v4, v1;
	v0 =	vadd.f32 v7, v0;
	v2 =	vadd.f32 v5, v2  }
0x224: {  	v4 =	vmax.f32 v14, v63;
	v3 =	vmax.f32 v15, v60;
	v6 =	vmax.f32 v6, v9  }
0x225: {  	v5 =	vmax.f32 v13, v62;
	v0 =	vadd.f32 v1, v0;
	v1 =	vadd.f32 v6, v2  }
0x226: {  	v2 =	vmin.f32 v5, v4;
	v6 =	vmin.f32 v3, v8  }
0x227: {  	v0 =	vadd.f32 v6, v0;
	v1 =	vadd.f32 v2, v1  }
0x228: {  	v2 =	vmax.f32 v3, v8;
	v3 =	vmax.f32 v5, v4  }
0x229: {  	s13 =	sshll.u32 s12, $0x4;
	s12 =	sadd.s32 $0x1, s12;
	v0 =	vadd.f32 v2, v0;
	v1 =	vadd.f32 v3, v1  }
0x22a: {  	p0 =	sne.s32 s12, $0x48;
	v10 =	vimm.s32 $0xA;
	v11 =	vimm.s32 $0xB;
	v12 =	vimm.s32 $0xC  }
.Ltmp3:
0x22b: {  	v63 =	vimm.s32 $0xE;
	v59 =	vimm.s32 $0xF;
	v0 =	vsub.f32 v0, v1;
	(pc) =	sbr.rel @p0 .LBB2_4-.Ltmp3, $4  }
0x22c: {  	v9 =	vimm.s32 $0x9;
	v7 =	vimm.s32 $0x7;
	v13 =	vimm.s32 $0xD  }
0x22d: {  	v4 =	vimm.s32 $0x4;
	v5 =	vimm.s32 $0x5;
	v0 =	vmul.f32 $1.250000000e-01, v0  }
0x22e: {  	s13 =	sand.u32 $0x3FFFFFF0, s13;
	v6 =	vimm.s32 $0x6;
	v8 =	vimm.s32 $0x8;
	v2 =	vimm.s32 $0x2  }
0x22f: {  	v3 =	vimm.s32 $0x3;
	v1 =	vimm.s32 $0x1;
	[tilespmem:s13+$0xB000] =	vst v0;
	v0 =	vimm.s32 $0x0  }
0x230: {  	s10 =	sadd.s32 $0x1, s10  }
0x231: {  	p0 =	sne.s32 s10, s6  }
.Ltmp4:
0x232: {  	_ = 	snop;
	(pc) =	sbr.rel @p0 .LBB2_1-.Ltmp4, $4  }
0x233: {  	[hbm4b:s5+s3] =	stream.linear.scatter [tilespmem:s9], [sflag:$0x1], $0x480, $0x38;
	[tilespmem:$0xF880] =	vst v63  }
0x234: {  	_ =	swait.ge [sflag:s7], $0x480  }
0x235: {  	[sflag:s7] =	ssyncset.done $0x0  }
0x236: {  	[sflag:s7] =	ssyncadd.s32 $0xFFFFFB80  }
0x237: {  	_ =	sfence.sel $0x180000  }
0x238: {  	[bflag:$0x0] =	sbarrier.arrive $0xFFFF  }
0x239: {  	p0 =	sne.s32 s1, $0x0;
	_ =	strace $0x90000047  }
0x23a: {  	s0 =	sadd.s32 @!p0 $0x100000, s0;
	[bflag:$0x2] =	sbarrier.arrive $0xFFFF  }
0x23b: {  	[sflag:s0] =	ssyncadd.tile.s32 @!p0 $0x1;
	_ =	shalt  }
.Lfunc_end2:
_tile_overlayer_lowered:
.L_overlay_start_2:
0x23c: {  	(tag) =	ssettag $0x2  }
0x23d: {  	s0 =	rddreg [dreg:$0x0];
	s2 =	stileid.u32  }
0x23e: {  	s1 =	rddreg [dreg:$0x1];
	p0 =	sne.s32 s2, $0x0  }
0x23f: {  	s3 =	rddreg [dreg:$0x2];
	[bflag:$0x3] =	sbarrier.arrive $0xFFFF;
	s2 =	simm.s32 @!p0 $0x1C01  }
0x240: {  	[timem:s3], [sflag:s2] =	dma.local @!p0 [hbm:s0], s1  }
0x241: {  	s0 =	simm.s32 @!p0 $0x1  }
0x242: {  	_ =	swait.ge @!p0 [sflag:s0], s1  }
0x243: {  	s1 =	ssub.s32 @!p0 $0x0, s1;
	[sflag:s0] =	ssyncset.done @!p0 $0x0  }
0x244: {  	[sflag:s0] =	ssyncadd.s32 @!p0 s1  }
0x245: {  	[bflag:$0x3] =	sbarrier.arrive $0xFFFF  }
0x246: {  	_ =	shalt  }

</sc_bundles>
